<compile_context>
chip_gen: v7x
topology: tpu7x:2x2x1
jax: 0.10.2.dev20260603
libtpu: 0.0.44.dev20260713+nightly
codegen_flags: <defaults>
</compile_context>

<pallas_src>
import functools

import jax
import jax.numpy as jnp
import numpy as np
from jax import lax
from jax.experimental import pallas as pl
from jax.experimental.pallas import tpu as pltpu
from jax.experimental.pallas import tpu_sc as plsc

B = 16384
D = 576
H = 16
P = 16
HP = H * P
NUM_BINS = 2 ** 16
FEAT = 32
BH = B * H

BLK_B = 1024

NC = 2
NS = 16
NW = NC * NS
SAMP_PER_W = B // NW
CHUNK_S = 128
N_CHUNKS = SAMP_PER_W // CHUNK_S



def _hash_body(obs_ref, w_ref, s_ref, idx_ref):
    ys = lax.dot_general(
        obs_ref[...], w_ref[...],
        dimension_numbers=(((1,), (0,)), ((), ())),
        precision=lax.Precision.DEFAULT,
        preferred_element_type=jnp.float32,
    )
    maskf = jnp.where(ys > 0, 1.0, 0.0).astype(jnp.float32)
    hashf = lax.dot_general(
        maskf, s_ref[...],
        dimension_numbers=(((1,), (0,)), ((), ())),
        precision=lax.Precision.HIGHEST,
        preferred_element_type=jnp.float32,
    )
    hashi = hashf.astype(jnp.int32)
    idx_ref[...] = jnp.concatenate(
        [hashi, jnp.zeros((BLK_B, 128 - H), jnp.int32)], axis=1)


def _hash_indices(obs, w, s):
    return pl.pallas_call(
        _hash_body,
        grid=(B // BLK_B,),
        in_specs=[
            pl.BlockSpec((BLK_B, D), lambda i: (i, 0)),
            pl.BlockSpec((D, HP), lambda i: (0, 0)),
            pl.BlockSpec((HP, H), lambda i: (0, 0)),
        ],
        out_specs=pl.BlockSpec((BLK_B, 128), lambda i: (i, 0)),
        out_shape=jax.ShapeDtypeStruct((B, 128), jnp.int32),
    )(obs, w, s)



def _gather_body(tbl_hbm, idx_hbm, out_hbm, idxblk_v, lists_v, rows_v, gsem):
    wid = lax.axis_index("s") * NC + lax.axis_index("c")
    sbase = wid * SAMP_PER_W
    lane = jnp.arange(16, dtype=jnp.int32)

    def chunk_body(c):
        b0 = sbase + c * CHUNK_S
        pltpu.sync_copy(idx_hbm.at[pl.ds(b0, CHUNK_S)], idxblk_v)
        for h in range(H):
            hcol = jnp.full((16,), h, jnp.int32)
            for v in range(CHUNK_S // 16):
                rows = lane + (16 * v)
                vals = plsc.load_gather(idxblk_v, [rows, hcol])
                lists_v[h, pl.ds(16 * v, 16)] = vals
            pltpu.async_copy(
                tbl_hbm.at[h].at[lists_v.at[h]], rows_v.at[h], gsem)
        for h in range(H):
            pltpu.make_async_copy(
                tbl_hbm.at[h].at[lists_v.at[h]], rows_v.at[h], gsem).wait()
        for h in range(H):
            pltpu.sync_copy(
                rows_v.at[h],
                out_hbm.at[pl.ds((h // 4) * B + b0, CHUNK_S),
                           pl.ds((h % 4) * FEAT, FEAT)])

    pl.loop(0, N_CHUNKS)(chunk_body)


_gather = functools.partial(
    pl.kernel,
    out_type=jax.ShapeDtypeStruct((4 * B, 128), jnp.float32),
    mesh=plsc.VectorSubcoreMesh(core_axis_name="c", subcore_axis_name="s"),
    scratch_types=[
        pltpu.VMEM((CHUNK_S, 128), jnp.int32),
        pltpu.VMEM((H, CHUNK_S), jnp.int32),
        pltpu.VMEM((H, CHUNK_S, FEAT), jnp.float32),
        pltpu.SemaphoreType.DMA,
    ],
    compiler_params=pltpu.CompilerParams(
        use_tc_tiling_on_sc=False, needs_layout_passes=False),
)(_gather_body)



def _ln_body(x0_ref, x1_ref, x2_ref, x3_ref, sc_ref, bi_ref, o_ref):
    xs = [x0_ref[...], x1_ref[...], x2_ref[...], x3_ref[...]]
    tot = xs[0] + xs[1] + xs[2] + xs[3]
    mean = jnp.sum(tot, axis=1, keepdims=True) * (1.0 / (HP * 2))
    sq = [(x - mean) * (x - mean) for x in xs]
    var = jnp.sum(sq[0] + sq[1] + sq[2] + sq[3], axis=1, keepdims=True) * (
        1.0 / (HP * 2))
    rstd = lax.rsqrt(var + 1e-6)
    for j in range(4):
        o_ref[:, pl.ds(j * 128, 128)] = (
            (xs[j] - mean) * rstd * sc_ref[:, pl.ds(j * 128, 128)]
            + bi_ref[:, pl.ds(j * 128, 128)])


def _layernorm(feats4, scale, bias):
    def mk_spec(j):
        return pl.BlockSpec((BLK_B, 128), lambda i, j=j: (16 * j + i, 0))
    return pl.pallas_call(
        _ln_body,
        grid=(B // BLK_B,),
        in_specs=[mk_spec(0), mk_spec(1), mk_spec(2), mk_spec(3),
                  pl.BlockSpec((1, HP * 2), lambda i: (0, 0)),
                  pl.BlockSpec((1, HP * 2), lambda i: (0, 0))],
        out_specs=pl.BlockSpec((BLK_B, HP * 2), lambda i: (i, 0)),
        out_shape=jax.ShapeDtypeStruct((B, HP * 2), jnp.float32),
    )(feats4, feats4, feats4, feats4, scale, bias)



def kernel(self_ob, entities_ob, proj_mat, lookup_tbl, ln_scale, ln_bias, train):
    obs = jnp.concatenate(
        [self_ob, entities_ob.reshape(entities_ob.shape[0], -1)], axis=-1
    )
    w = proj_mat.reshape(HP, D).T
    pow2 = (2.0 ** np.arange(P)).astype(np.float32)
    s_np = np.zeros((HP, H), np.float32)
    for h in range(H):
        s_np[h * P:(h + 1) * P, h] = pow2
    s = jnp.asarray(s_np)

    idx128 = _hash_indices(obs, w, s)
    feats4 = _gather(lookup_tbl, idx128)
    return _layernorm(feats4, ln_scale.reshape(1, -1), ln_bias.reshape(1, -1))

# --- scband reference (transcript-rebuilt; emitter-appended) ---
"""Pipeline reference for scband-hash-net-80676665688869 (READ-ONLY COPY).

The authoritative reference and input builder live on the scoring server;
editing this copy changes nothing except your own understanding.
"""

import jax, jax.numpy as jnp
import numpy as np

B = 16384
D_SELF = 64
N_ENT = 16
D_ENT = 32
NUM_HASHES = 16
HASH_POWER = 16
NUM_BINS = 2 ** HASH_POWER
FEAT = 32


def setup_inputs(seed: int = 0) -> dict:
    key = jax.random.key(seed)
    k1, k2, k3, k4 = jax.random.split(key, 4)
    self_ob = jax.random.normal(k1, (B, D_SELF), jnp.float32)
    entities_ob = jax.random.normal(k2, (B, N_ENT, D_ENT), jnp.float32)
    D = D_SELF + N_ENT * D_ENT
    proj_mat = jax.random.normal(k3, (NUM_HASHES, HASH_POWER, D), jnp.float32)
    # he_normal init (fan_in = NUM_BINS for a (H, NUM_BINS, FEAT) param with default in_axis=-2)
    std = float(np.sqrt(2.0 / NUM_BINS))
    lookup_tbl = jax.random.normal(k4, (NUM_HASHES, NUM_BINS, FEAT), jnp.float32) * std
    ln_scale = jnp.ones((NUM_HASHES * FEAT,), jnp.float32)
    ln_bias = jnp.zeros((NUM_HASHES * FEAT,), jnp.float32)
    return {
        "self_ob": self_ob,
        "entities_ob": entities_ob,
        "proj_mat": proj_mat,
        "lookup_tbl": lookup_tbl,
        "ln_scale": ln_scale,
        "ln_bias": ln_bias,
        "train": True,
    }


def reference(self_ob, entities_ob, proj_mat, lookup_tbl, ln_scale, ln_bias, train=True):
    # concat self obs with flattened entity obs
    obs_concat = jnp.concatenate(
        [self_ob, entities_ob.reshape(entities_ob.shape[0], -1)], axis=-1
    )  # (B, D)
    # simhash: ys[b,h,p] = proj_mat[h,p,:] . obs_concat[b,:]
    ys = jnp.einsum("hpd,bd->bhp", proj_mat, obs_concat)
    pow2 = (2 ** jnp.arange(ys.shape[-1])).astype(jnp.int32)  # (P,)
    bits = jnp.where(ys > 0, pow2[None, None, :], jnp.int32(0)).astype(jnp.int32)
    hash_val = bits.sum(axis=-1)  # (B, H) int32 in [0, 2^16)
    hash_val = jax.lax.stop_gradient(hash_val)
    # per-hash table lookup: features[b,h,:] = lookup_tbl[h, hash_val[b,h], :]
    features = jax.vmap(lambda tbl, k: jnp.take(tbl, k, axis=0), in_axes=(0, 1), out_axes=1)(
        lookup_tbl, hash_val
    )  # (B, H, FEAT)
    features = features.reshape(features.shape[0], -1)  # (B, H*FEAT)
    # LayerNorm over last dim (flax default eps=1e-6, with scale and bias)
    mean = features.mean(axis=-1, keepdims=True)
    var = features.var(axis=-1, keepdims=True)
    normed = (features - mean) * jax.lax.rsqrt(var + 1e-6)
    out = normed * ln_scale + ln_bias
    return out

if __name__ == "__main__":
    import jax
    _d = setup_inputs()
    print(jax.jit(kernel)(*tuple(_d.values())))

</pallas_src>

<mosaic_0001>
#map = affine_map<(d0, d1) -> (0, 0, 0)>
#map1 = affine_map<(d0, d1) -> (0, 0)>
module attributes {stable_mosaic.version = 14 : i64} {
  func.func @_gather_body(%arg0: i32, %arg1: i32, %arg2: memref<16x65536x32xf32, #tpu.memory_space<hbm>>, %arg3: memref<16384x128xi32, #tpu.memory_space<hbm>>, %arg4: memref<65536x128xf32, #tpu.memory_space<hbm>>, %arg5: memref<128x128xi32, #tpu.memory_space<vmem>>, %arg6: memref<16x128xi32, #tpu.memory_space<vmem>>, %arg7: memref<16x128x32xf32, #tpu.memory_space<vmem>>, %arg8: memref<!tpu.dma_semaphore, #tpu.memory_space<semaphore_mem>>) attributes {dimension_semantics = [#tpu.dimension_semantics<core_parallel>, #tpu.dimension_semantics<subcore_parallel>], iteration_bounds = array<i64: 2, 16>, scalar_prefetch = 0 : i64, scratch_operands = 4 : i64, tpu.core_type = #tpu.core_type<sc_vector_subcore>, window_params = [{transform_indices = #map}, {transform_indices = #map1}, {transform_indices = #map1}]} {
    %mul3A = arith.constant 2 : i32
    %mul3A_0 = arith.muli %arg1, %mul3A : i32
    %add3A = arith.addi %mul3A_0, %arg0 : i32
    %mul3A_1 = arith.constant 512 : i32
    %mul3A_2 = arith.muli %add3A, %mul3A_1 : i32
    %iota3A = tpu.iota {dimensions = array<i32: 0>} : vector<16xi32>
    %scan3A = arith.constant 0 : i32
    %scan3A_3 = arith.constant 4 : i32
    %scan3A_4 = arith.addi %scan3A, %scan3A_3 : i32
    %scan3A_5 = arith.constant 1 : i32
    scf.for %scan3A_7 = %scan3A to %scan3A_4 step %scan3A_5  : i32 {
      %mul3A_8 = arith.constant 1 : i32
      %mul3A_9 = arith.muli %scan3A_7, %mul3A_8 : i32
      %add3A_10 = arith.constant 0 : i32
      %add3A_11 = arith.addi %add3A_10, %mul3A_9 : i32
      %mul3A_12 = arith.constant 128 : i32
      %mul3A_13 = arith.muli %add3A_11, %mul3A_12 : i32
      %add3A_14 = arith.addi %mul3A_2, %mul3A_13 : i32
      "tpu.region"() ({
        %run_scoped3A_1657 = tpu.sem_alloc : memref<!tpu.dma_semaphore, #tpu.memory_space<semaphore_mem>>
        %dma_start3A_1658 = arith.constant 0 : i32
        %dma_start3A_1659 = tpu.memref_slice %arg3[%add3A_14, %dma_start3A_1658] : memref<16384x128xi32, #tpu.memory_space<hbm>> -> memref<128x128xi32, #tpu.memory_space<hbm>>
        %dma_start3A_1660 = arith.constant 0 : i32
        %dma_start3A_1661 = tpu.memref_slice %arg3[%add3A_14, %dma_start3A_1660] : memref<16384x128xi32, #tpu.memory_space<hbm>> -> memref<128x128xi32, #tpu.memory_space<hbm>>
        tpu.enqueue_dma source(%dma_start3A_1661 : memref<128x128xi32, #tpu.memory_space<hbm>>) target(%arg5 : memref<128x128xi32, #tpu.memory_space<vmem>>) target_semaphore(%run_scoped3A_1657 : memref<!tpu.dma_semaphore, #tpu.memory_space<semaphore_mem>>)
        %dma_wait3A_1662 = arith.constant 0 : i32
        %dma_wait3A_1663 = tpu.memref_slice %arg3[%add3A_14, %dma_wait3A_1662] : memref<16384x128xi32, #tpu.memory_space<hbm>> -> memref<128x128xi32, #tpu.memory_space<hbm>>
        %dma_wait3A_1664 = arith.constant 0 : i32
        %dma_wait3A_1665 = tpu.memref_slice %arg3[%add3A_14, %dma_wait3A_1664] : memref<16384x128xi32, #tpu.memory_space<hbm>> -> memref<128x128xi32, #tpu.memory_space<hbm>>
        tpu.wait_dma2 semaphore(%run_scoped3A_1657 : memref<!tpu.dma_semaphore, #tpu.memory_space<semaphore_mem>>) src(%dma_wait3A_1665 : memref<128x128xi32, #tpu.memory_space<hbm>>) dst(%arg5 : memref<128x128xi32, #tpu.memory_space<vmem>>)
        tpu.yield
      }) : () -> ()
      %broadcast_in_dim3A = arith.constant 0 : i32
      %broadcast_in_dim3A_15 = vector.broadcast %broadcast_in_dim3A : i32 to vector<16xi32>
      %add3A_16 = arith.constant 0 : i32
      %add3A_17 = vector.broadcast %add3A_16 : i32 to vector<16xi32>
      %add3A_18 = arith.addi %iota3A, %add3A_17 : vector<16xi32>
      %gather3A = tpu.vector_load_idx %arg5[%add3A_18, %broadcast_in_dim3A_15] : memref<128x128xi32, #tpu.memory_space<vmem>>[vector<16xi32>, vector<16xi32>], vector<16xi32>,
      %swap3A = arith.constant 0 : i32
      %swap3A_19 = arith.index_cast %swap3A : i32 to index
      %swap3A_20 = arith.constant 0 : index
      %swap3A_21 = tpu.vector_load %arg6[%swap3A_19, %swap3A_20] {strides = array<i32>} : memref<16x128xi32, #tpu.memory_space<vmem>>, vector<16xi32>,
      tpu.vector_store %arg6[%swap3A_19, %swap3A_20], %gather3A {strides = array<i32>} : memref<16x128xi32, #tpu.memory_space<vmem>>, vector<16xi32>,
      %add3A_22 = arith.constant 16 : i32
      %add3A_23 = vector.broadcast %add3A_22 : i32 to vector<16xi32>
      %add3A_24 = arith.addi %iota3A, %add3A_23 : vector<16xi32>
      %gather3A_25 = tpu.vector_load_idx %arg5[%add3A_24, %broadcast_in_dim3A_15] : memref<128x128xi32, #tpu.memory_space<vmem>>[vector<16xi32>, vector<16xi32>], vector<16xi32>,
      %swap3A_26 = arith.constant 0 : i32
      %swap3A_27 = arith.index_cast %swap3A_26 : i32 to index
      %swap3A_28 = arith.constant 16 : index
      %swap3A_29 = tpu.vector_load %arg6[%swap3A_27, %swap3A_28] {strides = array<i32>} : memref<16x128xi32, #tpu.memory_space<vmem>>, vector<16xi32>,
      tpu.vector_store %arg6[%swap3A_27, %swap3A_28], %gather3A_25 {strides = array<i32>} : memref<16x128xi32, #tpu.memory_space<vmem>>, vector<16xi32>,
      %add3A_30 = arith.constant 32 : i32
      %add3A_31 = vector.broadcast %add3A_30 : i32 to vector<16xi32>
      %add3A_32 = arith.addi %iota3A, %add3A_31 : vector<16xi32>
      %gather3A_33 = tpu.vector_load_idx %arg5[%add3A_32, %broadcast_in_dim3A_15] : memref<128x128xi32, #tpu.memory_space<vmem>>[vector<16xi32>, vector<16xi32>], vector<16xi32>,
      %swap3A_34 = arith.constant 0 : i32
      %swap3A_35 = arith.index_cast %swap3A_34 : i32 to index
      %swap3A_36 = arith.constant 32 : index
      %swap3A_37 = tpu.vector_load %arg6[%swap3A_35, %swap3A_36] {strides = array<i32>} : memref<16x128xi32, #tpu.memory_space<vmem>>, vector<16xi32>,
      tpu.vector_store %arg6[%swap3A_35, %swap3A_36], %gather3A_33 {strides = array<i32>} : memref<16x128xi32, #tpu.memory_space<vmem>>, vector<16xi32>,
      %add3A_38 = arith.constant 48 : i32
      %add3A_39 = vector.broadcast %add3A_38 : i32 to vector<16xi32>
      %add3A_40 = arith.addi %iota3A, %add3A_39 : vector<16xi32>
      %gather3A_41 = tpu.vector_load_idx %arg5[%add3A_40, %broadcast_in_dim3A_15] : memref<128x128xi32, #tpu.memory_space<vmem>>[vector<16xi32>, vector<16xi32>], vector<16xi32>,
      %swap3A_42 = arith.constant 0 : i32
      %swap3A_43 = arith.index_cast %swap3A_42 : i32 to index
      %swap3A_44 = arith.constant 48 : index
      %swap3A_45 = tpu.vector_load %arg6[%swap3A_43, %swap3A_44] {strides = array<i32>} : memref<16x128xi32, #tpu.memory_space<vmem>>, vector<16xi32>,
      tpu.vector_store %arg6[%swap3A_43, %swap3A_44], %gather3A_41 {strides = array<i32>} : memref<16x128xi32, #tpu.memory_space<vmem>>, vector<16xi32>,
      %add3A_46 = arith.constant 64 : i32
      %add3A_47 = vector.broadcast %add3A_46 : i32 to vector<16xi32>
      %add3A_48 = arith.addi %iota3A, %add3A_47 : vector<16xi32>
      %gather3A_49 = tpu.vector_load_idx %arg5[%add3A_48, %broadcast_in_dim3A_15] : memref<128x128xi32, #tpu.memory_space<vmem>>[vector<16xi32>, vector<16xi32>], vector<16xi32>,
      %swap3A_50 = arith.constant 0 : i32
      %swap3A_51 = arith.index_cast %swap3A_50 : i32 to index
      %swap3A_52 = arith.constant 64 : index
      %swap3A_53 = tpu.vector_load %arg6[%swap3A_51, %swap3A_52] {strides = array<i32>} : memref<16x128xi32, #tpu.memory_space<vmem>>, vector<16xi32>,
      tpu.vector_store %arg6[%swap3A_51, %swap3A_52], %gather3A_49 {strides = array<i32>} : memref<16x128xi32, #tpu.memory_space<vmem>>, vector<16xi32>,
      %add3A_54 = arith.constant 80 : i32
      %add3A_55 = vector.broadcast %add3A_54 : i32 to vector<16xi32>
      %add3A_56 = arith.addi %iota3A, %add3A_55 : vector<16xi32>
      %gather3A_57 = tpu.vector_load_idx %arg5[%add3A_56, %broadcast_in_dim3A_15] : memref<128x128xi32, #tpu.memory_space<vmem>>[vector<16xi32>, vector<16xi32>], vector<16xi32>,
      %swap3A_58 = arith.constant 0 : i32
      %swap3A_59 = arith.index_cast %swap3A_58 : i32 to index
      %swap3A_60 = arith.constant 80 : index
      %swap3A_61 = tpu.vector_load %arg6[%swap3A_59, %swap3A_60] {strides = array<i32>} : memref<16x128xi32, #tpu.memory_space<vmem>>, vector<16xi32>,
      tpu.vector_store %arg6[%swap3A_59, %swap3A_60], %gather3A_57 {strides = array<i32>} : memref<16x128xi32, #tpu.memory_space<vmem>>, vector<16xi32>,
      %add3A_62 = arith.constant 96 : i32
      %add3A_63 = vector.broadcast %add3A_62 : i32 to vector<16xi32>
      %add3A_64 = arith.addi %iota3A, %add3A_63 : vector<16xi32>
      %gather3A_65 = tpu.vector_load_idx %arg5[%add3A_64, %broadcast_in_dim3A_15] : memref<128x128xi32, #tpu.memory_space<vmem>>[vector<16xi32>, vector<16xi32>], vector<16xi32>,
      %swap3A_66 = arith.constant 0 : i32
      %swap3A_67 = arith.index_cast %swap3A_66 : i32 to index
      %swap3A_68 = arith.constant 96 : index
      %swap3A_69 = tpu.vector_load %arg6[%swap3A_67, %swap3A_68] {strides = array<i32>} : memref<16x128xi32, #tpu.memory_space<vmem>>, vector<16xi32>,
      tpu.vector_store %arg6[%swap3A_67, %swap3A_68], %gather3A_65 {strides = array<i32>} : memref<16x128xi32, #tpu.memory_space<vmem>>, vector<16xi32>,
      %add3A_70 = arith.constant 112 : i32
      %add3A_71 = vector.broadcast %add3A_70 : i32 to vector<16xi32>
      %add3A_72 = arith.addi %iota3A, %add3A_71 : vector<16xi32>
      %gather3A_73 = tpu.vector_load_idx %arg5[%add3A_72, %broadcast_in_dim3A_15] : memref<128x128xi32, #tpu.memory_space<vmem>>[vector<16xi32>, vector<16xi32>], vector<16xi32>,
      %swap3A_74 = arith.constant 0 : i32
      %swap3A_75 = arith.index_cast %swap3A_74 : i32 to index
      %swap3A_76 = arith.constant 112 : index
      %swap3A_77 = tpu.vector_load %arg6[%swap3A_75, %swap3A_76] {strides = array<i32>} : memref<16x128xi32, #tpu.memory_space<vmem>>, vector<16xi32>,
      tpu.vector_store %arg6[%swap3A_75, %swap3A_76], %gather3A_73 {strides = array<i32>} : memref<16x128xi32, #tpu.memory_space<vmem>>, vector<16xi32>,
      %dma_start3A = arith.constant 0 : i32
      %dma_start3A_78 = arith.constant 0 : i32
      %dma_start3A_79 = arith.constant 0 : i32
      %dma_start3A_80 = arith.constant 0 : i32
      %dma_start3A_81 = arith.constant 0 : i32
      %dma_start3A_82 = tpu.memref_slice %arg7[%dma_start3A_79, %dma_start3A_80, %dma_start3A_81] : memref<16x128x32xf32, #tpu.memory_space<vmem>> -> memref<1x128x32xf32, #tpu.memory_space<vmem>>
      %dma_start3A_83 = tpu.memref_squeeze %dma_start3A_82 : memref<1x128x32xf32, #tpu.memory_space<vmem>> -> memref<128x32xf32, #tpu.memory_space<vmem>>
      %dma_start3A_84 = arith.constant 0 : i32
      %dma_start3A_85 = tpu.memref_slice %arg6[%dma_start3A_78, %dma_start3A_84] : memref<16x128xi32, #tpu.memory_space<vmem>> -> memref<1x128xi32, #tpu.memory_space<vmem>>
      %dma_start3A_86 = tpu.memref_squeeze %dma_start3A_85 : memref<1x128xi32, #tpu.memory_space<vmem>> -> memref<128xi32, #tpu.memory_space<vmem>>
      %dma_start3A_87 = arith.constant 0 : i32
      %dma_start3A_88 = arith.constant 0 : i32
      %dma_start3A_89 = tpu.memref_slice %arg2[%dma_start3A, %dma_start3A_87, %dma_start3A_88] : memref<16x65536x32xf32, #tpu.memory_space<hbm>> -> memref<1x65536x32xf32, #tpu.memory_space<hbm>>
      %dma_start3A_90 = tpu.memref_squeeze %dma_start3A_89 : memref<1x65536x32xf32, #tpu.memory_space<hbm>> -> memref<65536x32xf32, #tpu.memory_space<hbm>>
      %dma_start3A_91 = arith.constant 0 : i32
      %dma_start3A_92 = arith.constant 0 : i32
      %dma_start3A_93 = tpu.memref_slice %dma_start3A_90[%dma_start3A_91, %dma_start3A_92] : memref<65536x32xf32, #tpu.memory_space<hbm>> -> memref<65536x32xf32, #tpu.memory_space<hbm>>
      tpu.enqueue_indirect_dma source(%dma_start3A_93 : memref<65536x32xf32, #tpu.memory_space<hbm>>) target(%dma_start3A_83 : memref<128x32xf32, #tpu.memory_space<vmem>>) offsets(%dma_start3A_86 : memref<128xi32, #tpu.memory_space<vmem>>) semaphore(%arg8 : memref<!tpu.dma_semaphore, #tpu.memory_space<semaphore_mem>>)
      %broadcast_in_dim3A_94 = arith.constant 1 : i32
      %broadcast_in_dim3A_95 = vector.broadcast %broadcast_in_dim3A_94 : i32 to vector<16xi32>
      %add3A_96 = arith.constant 0 : i32
      %add3A_97 = vector.broadcast %add3A_96 : i32 to vector<16xi32>
      %add3A_98 = arith.addi %iota3A, %add3A_97 : vector<16xi32>
      %gather3A_99 = tpu.vector_load_idx %arg5[%add3A_98, %broadcast_in_dim3A_95] : memref<128x128xi32, #tpu.memory_space<vmem>>[vector<16xi32>, vector<16xi32>], vector<16xi32>,
      %swap3A_100 = arith.constant 1 : i32
      %swap3A_101 = arith.index_cast %swap3A_100 : i32 to index
      %swap3A_102 = arith.constant 0 : index
      %swap3A_103 = tpu.vector_load %arg6[%swap3A_101, %swap3A_102] {strides = array<i32>} : memref<16x128xi32, #tpu.memory_space<vmem>>, vector<16xi32>,
      tpu.vector_store %arg6[%swap3A_101, %swap3A_102], %gather3A_99 {strides = array<i32>} : memref<16x128xi32, #tpu.memory_space<vmem>>, vector<16xi32>,
      %add3A_104 = arith.constant 16 : i32
      %add3A_105 = vector.broadcast %add3A_104 : i32 to vector<16xi32>
      %add3A_106 = arith.addi %iota3A, %add3A_105 : vector<16xi32>
      %gather3A_107 = tpu.vector_load_idx %arg5[%add3A_106, %broadcast_in_dim3A_95] : memref<128x128xi32, #tpu.memory_space<vmem>>[vector<16xi32>, vector<16xi32>], vector<16xi32>,
      %swap3A_108 = arith.constant 1 : i32
      %swap3A_109 = arith.index_cast %swap3A_108 : i32 to index
      %swap3A_110 = arith.constant 16 : index
      %swap3A_111 = tpu.vector_load %arg6[%swap3A_109, %swap3A_110] {strides = array<i32>} : memref<16x128xi32, #tpu.memory_space<vmem>>, vector<16xi32>,
      tpu.vector_store %arg6[%swap3A_109, %swap3A_110], %gather3A_107 {strides = array<i32>} : memref<16x128xi32, #tpu.memory_space<vmem>>, vector<16xi32>,
      %add3A_112 = arith.constant 32 : i32
      %add3A_113 = vector.broadcast %add3A_112 : i32 to vector<16xi32>
      %add3A_114 = arith.addi %iota3A, %add3A_113 : vector<16xi32>
      %gather3A_115 = tpu.vector_load_idx %arg5[%add3A_114, %broadcast_in_dim3A_95] : memref<128x128xi32, #tpu.memory_space<vmem>>[vector<16xi32>, vector<16xi32>], vector<16xi32>,
      %swap3A_116 = arith.constant 1 : i32
      %swap3A_117 = arith.index_cast %swap3A_116 : i32 to index
      %swap3A_118 = arith.constant 32 : index
      %swap3A_119 = tpu.vector_load %arg6[%swap3A_117, %swap3A_118] {strides = array<i32>} : memref<16x128xi32, #tpu.memory_space<vmem>>, vector<16xi32>,
      tpu.vector_store %arg6[%swap3A_117, %swap3A_118], %gather3A_115 {strides = array<i32>} : memref<16x128xi32, #tpu.memory_space<vmem>>, vector<16xi32>,
      %add3A_120 = arith.constant 48 : i32
      %add3A_121 = vector.broadcast %add3A_120 : i32 to vector<16xi32>
      %add3A_122 = arith.addi %iota3A, %add3A_121 : vector<16xi32>
      %gather3A_123 = tpu.vector_load_idx %arg5[%add3A_122, %broadcast_in_dim3A_95] : memref<128x128xi32, #tpu.memory_space<vmem>>[vector<16xi32>, vector<16xi32>], vector<16xi32>,
      %swap3A_124 = arith.constant 1 : i32
      %swap3A_125 = arith.index_cast %swap3A_124 : i32 to index
      %swap3A_126 = arith.constant 48 : index
      %swap3A_127 = tpu.vector_load %arg6[%swap3A_125, %swap3A_126] {strides = array<i32>} : memref<16x128xi32, #tpu.memory_space<vmem>>, vector<16xi32>,
      tpu.vector_store %arg6[%swap3A_125, %swap3A_126], %gather3A_123 {strides = array<i32>} : memref<16x128xi32, #tpu.memory_space<vmem>>, vector<16xi32>,
      %add3A_128 = arith.constant 64 : i32
      %add3A_129 = vector.broadcast %add3A_128 : i32 to vector<16xi32>
      %add3A_130 = arith.addi %iota3A, %add3A_129 : vector<16xi32>
      %gather3A_131 = tpu.vector_load_idx %arg5[%add3A_130, %broadcast_in_dim3A_95] : memref<128x128xi32, #tpu.memory_space<vmem>>[vector<16xi32>, vector<16xi32>], vector<16xi32>,
      %swap3A_132 = arith.constant 1 : i32
      %swap3A_133 = arith.index_cast %swap3A_132 : i32 to index
      %swap3A_134 = arith.constant 64 : index
      %swap3A_135 = tpu.vector_load %arg6[%swap3A_133, %swap3A_134] {strides = array<i32>} : memref<16x128xi32, #tpu.memory_space<vmem>>, vector<16xi32>,
      tpu.vector_store %arg6[%swap3A_133, %swap3A_134], %gather3A_131 {strides = array<i32>} : memref<16x128xi32, #tpu.memory_space<vmem>>, vector<16xi32>,
      %add3A_136 = arith.constant 80 : i32
      %add3A_137 = vector.broadcast %add3A_136 : i32 to vector<16xi32>
      %add3A_138 = arith.addi %iota3A, %add3A_137 : vector<16xi32>
      %gather3A_139 = tpu.vector_load_idx %arg5[%add3A_138, %broadcast_in_dim3A_95] : memref<128x128xi32, #tpu.memory_space<vmem>>[vector<16xi32>, vector<16xi32>], vector<16xi32>,
      %swap3A_140 = arith.constant 1 : i32
      %swap3A_141 = arith.index_cast %swap3A_140 : i32 to index
      %swap3A_142 = arith.constant 80 : index
      %swap3A_143 = tpu.vector_load %arg6[%swap3A_141, %swap3A_142] {strides = array<i32>} : memref<16x128xi32, #tpu.memory_space<vmem>>, vector<16xi32>,
      tpu.vector_store %arg6[%swap3A_141, %swap3A_142], %gather3A_139 {strides = array<i32>} : memref<16x128xi32, #tpu.memory_space<vmem>>, vector<16xi32>,
      %add3A_144 = arith.constant 96 : i32
      %add3A_145 = vector.broadcast %add3A_144 : i32 to vector<16xi32>
      %add3A_146 = arith.addi %iota3A, %add3A_145 : vector<16xi32>
      %gather3A_147 = tpu.vector_load_idx %arg5[%add3A_146, %broadcast_in_dim3A_95] : memref<128x128xi32, #tpu.memory_space<vmem>>[vector<16xi32>, vector<16xi32>], vector<16xi32>,
      %swap3A_148 = arith.constant 1 : i32
      %swap3A_149 = arith.index_cast %swap3A_148 : i32 to index
      %swap3A_150 = arith.constant 96 : index
      %swap3A_151 = tpu.vector_load %arg6[%swap3A_149, %swap3A_150] {strides = array<i32>} : memref<16x128xi32, #tpu.memory_space<vmem>>, vector<16xi32>,
      tpu.vector_store %arg6[%swap3A_149, %swap3A_150], %gather3A_147 {strides = array<i32>} : memref<16x128xi32, #tpu.memory_space<vmem>>, vector<16xi32>,
      %add3A_152 = arith.constant 112 : i32
      %add3A_153 = vector.broadcast %add3A_152 : i32 to vector<16xi32>
      %add3A_154 = arith.addi %iota3A, %add3A_153 : vector<16xi32>
      %gather3A_155 = tpu.vector_load_idx %arg5[%add3A_154, %broadcast_in_dim3A_95] : memref<128x128xi32, #tpu.memory_space<vmem>>[vector<16xi32>, vector<16xi32>], vector<16xi32>,
      %swap3A_156 = arith.constant 1 : i32
      %swap3A_157 = arith.index_cast %swap3A_156 : i32 to index
      %swap3A_158 = arith.constant 112 : index
      %swap3A_159 = tpu.vector_load %arg6[%swap3A_157, %swap3A_158] {strides = array<i32>} : memref<16x128xi32, #tpu.memory_space<vmem>>, vector<16xi32>,
      tpu.vector_store %arg6[%swap3A_157, %swap3A_158], %gather3A_155 {strides = array<i32>} : memref<16x128xi32, #tpu.memory_space<vmem>>, vector<16xi32>,
      %dma_start3A_160 = arith.constant 1 : i32
      %dma_start3A_161 = arith.constant 1 : i32
      %dma_start3A_162 = arith.constant 1 : i32
      %dma_start3A_163 = arith.constant 0 : i32
      %dma_start3A_164 = arith.constant 0 : i32
      %dma_start3A_165 = tpu.memref_slice %arg7[%dma_start3A_162, %dma_start3A_163, %dma_start3A_164] : memref<16x128x32xf32, #tpu.memory_space<vmem>> -> memref<1x128x32xf32, #tpu.memory_space<vmem>>
      %dma_start3A_166 = tpu.memref_squeeze %dma_start3A_165 : memref<1x128x32xf32, #tpu.memory_space<vmem>> -> memref<128x32xf32, #tpu.memory_space<vmem>>
      %dma_start3A_167 = arith.constant 0 : i32
      %dma_start3A_168 = tpu.memref_slice %arg6[%dma_start3A_161, %dma_start3A_167] : memref<16x128xi32, #tpu.memory_space<vmem>> -> memref<1x128xi32, #tpu.memory_space<vmem>>
      %dma_start3A_169 = tpu.memref_squeeze %dma_start3A_168 : memref<1x128xi32, #tpu.memory_space<vmem>> -> memref<128xi32, #tpu.memory_space<vmem>>
      %dma_start3A_170 = arith.constant 0 : i32
      %dma_start3A_171 = arith.constant 0 : i32
      %dma_start3A_172 = tpu.memref_slice %arg2[%dma_start3A_160, %dma_start3A_170, %dma_start3A_171] : memref<16x65536x32xf32, #tpu.memory_space<hbm>> -> memref<1x65536x32xf32, #tpu.memory_space<hbm>>
      %dma_start3A_173 = tpu.memref_squeeze %dma_start3A_172 : memref<1x65536x32xf32, #tpu.memory_space<hbm>> -> memref<65536x32xf32, #tpu.memory_space<hbm>>
      %dma_start3A_174 = arith.constant 0 : i32
      %dma_start3A_175 = arith.constant 0 : i32
      %dma_start3A_176 = tpu.memref_slice %dma_start3A_173[%dma_start3A_174, %dma_start3A_175] : memref<65536x32xf32, #tpu.memory_space<hbm>> -> memref<65536x32xf32, #tpu.memory_space<hbm>>
      tpu.enqueue_indirect_dma source(%dma_start3A_176 : memref<65536x32xf32, #tpu.memory_space<hbm>>) target(%dma_start3A_166 : memref<128x32xf32, #tpu.memory_space<vmem>>) offsets(%dma_start3A_169 : memref<128xi32, #tpu.memory_space<vmem>>) semaphore(%arg8 : memref<!tpu.dma_semaphore, #tpu.memory_space<semaphore_mem>>)
      %broadcast_in_dim3A_177 = arith.constant 2 : i32
      %broadcast_in_dim3A_178 = vector.broadcast %broadcast_in_dim3A_177 : i32 to vector<16xi32>
      %add3A_179 = arith.constant 0 : i32
      %add3A_180 = vector.broadcast %add3A_179 : i32 to vector<16xi32>
      %add3A_181 = arith.addi %iota3A, %add3A_180 : vector<16xi32>
      %gather3A_182 = tpu.vector_load_idx %arg5[%add3A_181, %broadcast_in_dim3A_178] : memref<128x128xi32, #tpu.memory_space<vmem>>[vector<16xi32>, vector<16xi32>], vector<16xi32>,
      %swap3A_183 = arith.constant 2 : i32
      %swap3A_184 = arith.index_cast %swap3A_183 : i32 to index
      %swap3A_185 = arith.constant 0 : index
      %swap3A_186 = tpu.vector_load %arg6[%swap3A_184, %swap3A_185] {strides = array<i32>} : memref<16x128xi32, #tpu.memory_space<vmem>>, vector<16xi32>,
      tpu.vector_store %arg6[%swap3A_184, %swap3A_185], %gather3A_182 {strides = array<i32>} : memref<16x128xi32, #tpu.memory_space<vmem>>, vector<16xi32>,
      %add3A_187 = arith.constant 16 : i32
      %add3A_188 = vector.broadcast %add3A_187 : i32 to vector<16xi32>
      %add3A_189 = arith.addi %iota3A, %add3A_188 : vector<16xi32>
      %gather3A_190 = tpu.vector_load_idx %arg5[%add3A_189, %broadcast_in_dim3A_178] : memref<128x128xi32, #tpu.memory_space<vmem>>[vector<16xi32>, vector<16xi32>], vector<16xi32>,
      %swap3A_191 = arith.constant 2 : i32
      %swap3A_192 = arith.index_cast %swap3A_191 : i32 to index
      %swap3A_193 = arith.constant 16 : index
      %swap3A_194 = tpu.vector_load %arg6[%swap3A_192, %swap3A_193] {strides = array<i32>} : memref<16x128xi32, #tpu.memory_space<vmem>>, vector<16xi32>,
      tpu.vector_store %arg6[%swap3A_192, %swap3A_193], %gather3A_190 {strides = array<i32>} : memref<16x128xi32, #tpu.memory_space<vmem>>, vector<16xi32>,
      %add3A_195 = arith.constant 32 : i32
      %add3A_196 = vector.broadcast %add3A_195 : i32 to vector<16xi32>
      %add3A_197 = arith.addi %iota3A, %add3A_196 : vector<16xi32>
      %gather3A_198 = tpu.vector_load_idx %arg5[%add3A_197, %broadcast_in_dim3A_178] : memref<128x128xi32, #tpu.memory_space<vmem>>[vector<16xi32>, vector<16xi32>], vector<16xi32>,
      %swap3A_199 = arith.constant 2 : i32
      %swap3A_200 = arith.index_cast %swap3A_199 : i32 to index
      %swap3A_201 = arith.constant 32 : index
      %swap3A_202 = tpu.vector_load %arg6[%swap3A_200, %swap3A_201] {strides = array<i32>} : memref<16x128xi32, #tpu.memory_space<vmem>>, vector<16xi32>,
      tpu.vector_store %arg6[%swap3A_200, %swap3A_201], %gather3A_198 {strides = array<i32>} : memref<16x128xi32, #tpu.memory_space<vmem>>, vector<16xi32>,
      %add3A_203 = arith.constant 48 : i32
      %add3A_204 = vector.broadcast %add3A_203 : i32 to vector<16xi32>
      %add3A_205 = arith.addi %iota3A, %add3A_204 : vector<16xi32>
      %gather3A_206 = tpu.vector_load_idx %arg5[%add3A_205, %broadcast_in_dim3A_178] : memref<128x128xi32, #tpu.memory_space<vmem>>[vector<16xi32>, vector<16xi32>], vector<16xi32>,
      %swap3A_207 = arith.constant 2 : i32
      %swap3A_208 = arith.index_cast %swap3A_207 : i32 to index
      %swap3A_209 = arith.constant 48 : index
      %swap3A_210 = tpu.vector_load %arg6[%swap3A_208, %swap3A_209] {strides = array<i32>} : memref<16x128xi32, #tpu.memory_space<vmem>>, vector<16xi32>,
      tpu.vector_store %arg6[%swap3A_208, %swap3A_209], %gather3A_206 {strides = array<i32>} : memref<16x128xi32, #tpu.memory_space<vmem>>, vector<16xi32>,
      %add3A_211 = arith.constant 64 : i32
      %add3A_212 = vector.broadcast %add3A_211 : i32 to vector<16xi32>
      %add3A_213 = arith.addi %iota3A, %add3A_212 : vector<16xi32>
      %gather3A_214 = tpu.vector_load_idx %arg5[%add3A_213, %broadcast_in_dim3A_178] : memref<128x128xi32, #tpu.memory_space<vmem>>[vector<16xi32>, vector<16xi32>], vector<16xi32>,
      %swap3A_215 = arith.constant 2 : i32
      %swap3A_216 = arith.index_cast %swap3A_215 : i32 to index
      %swap3A_217 = arith.constant 64 : index
      %swap3A_218 = tpu.vector_load %arg6[%swap3A_216, %swap3A_217] {strides = array<i32>} : memref<16x128xi32, #tpu.memory_space<vmem>>, vector<16xi32>,
      tpu.vector_store %arg6[%swap3A_216, %swap3A_217], %gather3A_214 {strides = array<i32>} : memref<16x128xi32, #tpu.memory_space<vmem>>, vector<16xi32>,
      %add3A_219 = arith.constant 80 : i32
      %add3A_220 = vector.broadcast %add3A_219 : i32 to vector<16xi32>
      %add3A_221 = arith.addi %iota3A, %add3A_220 : vector<16xi32>
      %gather3A_222 = tpu.vector_load_idx %arg5[%add3A_221, %broadcast_in_dim3A_178] : memref<128x128xi32, #tpu.memory_space<vmem>>[vector<16xi32>, vector<16xi32>], vector<16xi32>,
      %swap3A_223 = arith.constant 2 : i32
      %swap3A_224 = arith.index_cast %swap3A_223 : i32 to index
      %swap3A_225 = arith.constant 80 : index
      %swap3A_226 = tpu.vector_load %arg6[%swap3A_224, %swap3A_225] {strides = array<i32>} : memref<16x128xi32, #tpu.memory_space<vmem>>, vector<16xi32>,
      tpu.vector_store %arg6[%swap3A_224, %swap3A_225], %gather3A_222 {strides = array<i32>} : memref<16x128xi32, #tpu.memory_space<vmem>>, vector<16xi32>,
      %add3A_227 = arith.constant 96 : i32
      %add3A_228 = vector.broadcast %add3A_227 : i32 to vector<16xi32>
      %add3A_229 = arith.addi %iota3A, %add3A_228 : vector<16xi32>
      %gather3A_230 = tpu.vector_load_idx %arg5[%add3A_229, %broadcast_in_dim3A_178] : memref<128x128xi32, #tpu.memory_space<vmem>>[vector<16xi32>, vector<16xi32>], vector<16xi32>,
      %swap3A_231 = arith.constant 2 : i32
      %swap3A_232 = arith.index_cast %swap3A_231 : i32 to index
      %swap3A_233 = arith.constant 96 : index
      %swap3A_234 = tpu.vector_load %arg6[%swap3A_232, %swap3A_233] {strides = array<i32>} : memref<16x128xi32, #tpu.memory_space<vmem>>, vector<16xi32>,
      tpu.vector_store %arg6[%swap3A_232, %swap3A_233], %gather3A_230 {strides = array<i32>} : memref<16x128xi32, #tpu.memory_space<vmem>>, vector<16xi32>,
      %add3A_235 = arith.constant 112 : i32
      %add3A_236 = vector.broadcast %add3A_235 : i32 to vector<16xi32>
      %add3A_237 = arith.addi %iota3A, %add3A_236 : vector<16xi32>
      %gather3A_238 = tpu.vector_load_idx %arg5[%add3A_237, %broadcast_in_dim3A_178] : memref<128x128xi32, #tpu.memory_space<vmem>>[vector<16xi32>, vector<16xi32>], vector<16xi32>,
      %swap3A_239 = arith.constant 2 : i32
      %swap3A_240 = arith.index_cast %swap3A_239 : i32 to index
      %swap3A_241 = arith.constant 112 : index
      %swap3A_242 = tpu.vector_load %arg6[%swap3A_240, %swap3A_241] {strides = array<i32>} : memref<16x128xi32, #tpu.memory_space<vmem>>, vector<16xi32>,
      tpu.vector_store %arg6[%swap3A_240, %swap3A_241], %gather3A_238 {strides = array<i32>} : memref<16x128xi32, #tpu.memory_space<vmem>>, vector<16xi32>,
      %dma_start3A_243 = arith.constant 2 : i32
      %dma_start3A_244 = arith.constant 2 : i32
      %dma_start3A_245 = arith.constant 2 : i32
      %dma_start3A_246 = arith.constant 0 : i32
      %dma_start3A_247 = arith.constant 0 : i32
      %dma_start3A_248 = tpu.memref_slice %arg7[%dma_start3A_245, %dma_start3A_246, %dma_start3A_247] : memref<16x128x32xf32, #tpu.memory_space<vmem>> -> memref<1x128x32xf32, #tpu.memory_space<vmem>>
      %dma_start3A_249 = tpu.memref_squeeze %dma_start3A_248 : memref<1x128x32xf32, #tpu.memory_space<vmem>> -> memref<128x32xf32, #tpu.memory_space<vmem>>
      %dma_start3A_250 = arith.constant 0 : i32
      %dma_start3A_251 = tpu.memref_slice %arg6[%dma_start3A_244, %dma_start3A_250] : memref<16x128xi32, #tpu.memory_space<vmem>> -> memref<1x128xi32, #tpu.memory_space<vmem>>
      %dma_start3A_252 = tpu.memref_squeeze %dma_start3A_251 : memref<1x128xi32, #tpu.memory_space<vmem>> -> memref<128xi32, #tpu.memory_space<vmem>>
      %dma_start3A_253 = arith.constant 0 : i32
      %dma_start3A_254 = arith.constant 0 : i32
      %dma_start3A_255 = tpu.memref_slice %arg2[%dma_start3A_243, %dma_start3A_253, %dma_start3A_254] : memref<16x65536x32xf32, #tpu.memory_space<hbm>> -> memref<1x65536x32xf32, #tpu.memory_space<hbm>>
      %dma_start3A_256 = tpu.memref_squeeze %dma_start3A_255 : memref<1x65536x32xf32, #tpu.memory_space<hbm>> -> memref<65536x32xf32, #tpu.memory_space<hbm>>
      %dma_start3A_257 = arith.constant 0 : i32
      %dma_start3A_258 = arith.constant 0 : i32
      %dma_start3A_259 = tpu.memref_slice %dma_start3A_256[%dma_start3A_257, %dma_start3A_258] : memref<65536x32xf32, #tpu.memory_space<hbm>> -> memref<65536x32xf32, #tpu.memory_space<hbm>>
      tpu.enqueue_indirect_dma source(%dma_start3A_259 : memref<65536x32xf32, #tpu.memory_space<hbm>>) target(%dma_start3A_249 : memref<128x32xf32, #tpu.memory_space<vmem>>) offsets(%dma_start3A_252 : memref<128xi32, #tpu.memory_space<vmem>>) semaphore(%arg8 : memref<!tpu.dma_semaphore, #tpu.memory_space<semaphore_mem>>)
      %broadcast_in_dim3A_260 = arith.constant 3 : i32
      %broadcast_in_dim3A_261 = vector.broadcast %broadcast_in_dim3A_260 : i32 to vector<16xi32>
      %add3A_262 = arith.constant 0 : i32
      %add3A_263 = vector.broadcast %add3A_262 : i32 to vector<16xi32>
      %add3A_264 = arith.addi %iota3A, %add3A_263 : vector<16xi32>
      %gather3A_265 = tpu.vector_load_idx %arg5[%add3A_264, %broadcast_in_dim3A_261] : memref<128x128xi32, #tpu.memory_space<vmem>>[vector<16xi32>, vector<16xi32>], vector<16xi32>,
      %swap3A_266 = arith.constant 3 : i32
      %swap3A_267 = arith.index_cast %swap3A_266 : i32 to index
      %swap3A_268 = arith.constant 0 : index
      %swap3A_269 = tpu.vector_load %arg6[%swap3A_267, %swap3A_268] {strides = array<i32>} : memref<16x128xi32, #tpu.memory_space<vmem>>, vector<16xi32>,
      tpu.vector_store %arg6[%swap3A_267, %swap3A_268], %gather3A_265 {strides = array<i32>} : memref<16x128xi32, #tpu.memory_space<vmem>>, vector<16xi32>,
      %add3A_270 = arith.constant 16 : i32
      %add3A_271 = vector.broadcast %add3A_270 : i32 to vector<16xi32>
      %add3A_272 = arith.addi %iota3A, %add3A_271 : vector<16xi32>
      %gather3A_273 = tpu.vector_load_idx %arg5[%add3A_272, %broadcast_in_dim3A_261] : memref<128x128xi32, #tpu.memory_space<vmem>>[vector<16xi32>, vector<16xi32>], vector<16xi32>,
      %swap3A_274 = arith.constant 3 : i32
      %swap3A_275 = arith.index_cast %swap3A_274 : i32 to index
      %swap3A_276 = arith.constant 16 : index
      %swap3A_277 = tpu.vector_load %arg6[%swap3A_275, %swap3A_276] {strides = array<i32>} : memref<16x128xi32, #tpu.memory_space<vmem>>, vector<16xi32>,
      tpu.vector_store %arg6[%swap3A_275, %swap3A_276], %gather3A_273 {strides = array<i32>} : memref<16x128xi32, #tpu.memory_space<vmem>>, vector<16xi32>,
      %add3A_278 = arith.constant 32 : i32
      %add3A_279 = vector.broadcast %add3A_278 : i32 to vector<16xi32>
      %add3A_280 = arith.addi %iota3A, %add3A_279 : vector<16xi32>
      %gather3A_281 = tpu.vector_load_idx %arg5[%add3A_280, %broadcast_in_dim3A_261] : memref<128x128xi32, #tpu.memory_space<vmem>>[vector<16xi32>, vector<16xi32>], vector<16xi32>,
      %swap3A_282 = arith.constant 3 : i32
      %swap3A_283 = arith.index_cast %swap3A_282 : i32 to index
      %swap3A_284 = arith.constant 32 : index
      %swap3A_285 = tpu.vector_load %arg6[%swap3A_283, %swap3A_284] {strides = array<i32>} : memref<16x128xi32, #tpu.memory_space<vmem>>, vector<16xi32>,
      tpu.vector_store %arg6[%swap3A_283, %swap3A_284], %gather3A_281 {strides = array<i32>} : memref<16x128xi32, #tpu.memory_space<vmem>>, vector<16xi32>,
      %add3A_286 = arith.constant 48 : i32
      %add3A_287 = vector.broadcast %add3A_286 : i32 to vector<16xi32>
      %add3A_288 = arith.addi %iota3A, %add3A_287 : vector<16xi32>
      %gather3A_289 = tpu.vector_load_idx %arg5[%add3A_288, %broadcast_in_dim3A_261] : memref<128x128xi32, #tpu.memory_space<vmem>>[vector<16xi32>, vector<16xi32>], vector<16xi32>,
      %swap3A_290 = arith.constant 3 : i32
      %swap3A_291 = arith.index_cast %swap3A_290 : i32 to index
      %swap3A_292 = arith.constant 48 : index
      %swap3A_293 = tpu.vector_load %arg6[%swap3A_291, %swap3A_292] {strides = array<i32>} : memref<16x128xi32, #tpu.memory_space<vmem>>, vector<16xi32>,
      tpu.vector_store %arg6[%swap3A_291, %swap3A_292], %gather3A_289 {strides = array<i32>} : memref<16x128xi32, #tpu.memory_space<vmem>>, vector<16xi32>,
      %add3A_294 = arith.constant 64 : i32
      %add3A_295 = vector.broadcast %add3A_294 : i32 to vector<16xi32>
      %add3A_296 = arith.addi %iota3A, %add3A_295 : vector<16xi32>
      %gather3A_297 = tpu.vector_load_idx %arg5[%add3A_296, %broadcast_in_dim3A_261] : memref<128x128xi32, #tpu.memory_space<vmem>>[vector<16xi32>, vector<16xi32>], vector<16xi32>,
      %swap3A_298 = arith.constant 3 : i32
      %swap3A_299 = arith.index_cast %swap3A_298 : i32 to index
      %swap3A_300 = arith.constant 64 : index
      %swap3A_301 = tpu.vector_load %arg6[%swap3A_299, %swap3A_300] {strides = array<i32>} : memref<16x128xi32, #tpu.memory_space<vmem>>, vector<16xi32>,
      tpu.vector_store %arg6[%swap3A_299, %swap3A_300], %gather3A_297 {strides = array<i32>} : memref<16x128xi32, #tpu.memory_space<vmem>>, vector<16xi32>,
      %add3A_302 = arith.constant 80 : i32
      %add3A_303 = vector.broadcast %add3A_302 : i32 to vector<16xi32>
      %add3A_304 = arith.addi %iota3A, %add3A_303 : vector<16xi32>
      %gather3A_305 = tpu.vector_load_idx %arg5[%add3A_304, %broadcast_in_dim3A_261] : memref<128x128xi32, #tpu.memory_space<vmem>>[vector<16xi32>, vector<16xi32>], vector<16xi32>,
      %swap3A_306 = arith.constant 3 : i32
      %swap3A_307 = arith.index_cast %swap3A_306 : i32 to index
      %swap3A_308 = arith.constant 80 : index
      %swap3A_309 = tpu.vector_load %arg6[%swap3A_307, %swap3A_308] {strides = array<i32>} : memref<16x128xi32, #tpu.memory_space<vmem>>, vector<16xi32>,
      tpu.vector_store %arg6[%swap3A_307, %swap3A_308], %gather3A_305 {strides = array<i32>} : memref<16x128xi32, #tpu.memory_space<vmem>>, vector<16xi32>,
      %add3A_310 = arith.constant 96 : i32
      %add3A_311 = vector.broadcast %add3A_310 : i32 to vector<16xi32>
      %add3A_312 = arith.addi %iota3A, %add3A_311 : vector<16xi32>
      %gather3A_313 = tpu.vector_load_idx %arg5[%add3A_312, %broadcast_in_dim3A_261] : memref<128x128xi32, #tpu.memory_space<vmem>>[vector<16xi32>, vector<16xi32>], vector<16xi32>,
      %swap3A_314 = arith.constant 3 : i32
      %swap3A_315 = arith.index_cast %swap3A_314 : i32 to index
      %swap3A_316 = arith.constant 96 : index
      %swap3A_317 = tpu.vector_load %arg6[%swap3A_315, %swap3A_316] {strides = array<i32>} : memref<16x128xi32, #tpu.memory_space<vmem>>, vector<16xi32>,
      tpu.vector_store %arg6[%swap3A_315, %swap3A_316], %gather3A_313 {strides = array<i32>} : memref<16x128xi32, #tpu.memory_space<vmem>>, vector<16xi32>,
      %add3A_318 = arith.constant 112 : i32
      %add3A_319 = vector.broadcast %add3A_318 : i32 to vector<16xi32>
      %add3A_320 = arith.addi %iota3A, %add3A_319 : vector<16xi32>
      %gather3A_321 = tpu.vector_load_idx %arg5[%add3A_320, %broadcast_in_dim3A_261] : memref<128x128xi32, #tpu.memory_space<vmem>>[vector<16xi32>, vector<16xi32>], vector<16xi32>,
      %swap3A_322 = arith.constant 3 : i32
      %swap3A_323 = arith.index_cast %swap3A_322 : i32 to index
      %swap3A_324 = arith.constant 112 : index
      %swap3A_325 = tpu.vector_load %arg6[%swap3A_323, %swap3A_324] {strides = array<i32>} : memref<16x128xi32, #tpu.memory_space<vmem>>, vector<16xi32>,
      tpu.vector_store %arg6[%swap3A_323, %swap3A_324], %gather3A_321 {strides = array<i32>} : memref<16x128xi32, #tpu.memory_space<vmem>>, vector<16xi32>,
      %dma_start3A_326 = arith.constant 3 : i32
      %dma_start3A_327 = arith.constant 3 : i32
      %dma_start3A_328 = arith.constant 3 : i32
      %dma_start3A_329 = arith.constant 0 : i32
      %dma_start3A_330 = arith.constant 0 : i32
      %dma_start3A_331 = tpu.memref_slice %arg7[%dma_start3A_328, %dma_start3A_329, %dma_start3A_330] : memref<16x128x32xf32, #tpu.memory_space<vmem>> -> memref<1x128x32xf32, #tpu.memory_space<vmem>>
      %dma_start3A_332 = tpu.memref_squeeze %dma_start3A_331 : memref<1x128x32xf32, #tpu.memory_space<vmem>> -> memref<128x32xf32, #tpu.memory_space<vmem>>
      %dma_start3A_333 = arith.constant 0 : i32
      %dma_start3A_334 = tpu.memref_slice %arg6[%dma_start3A_327, %dma_start3A_333] : memref<16x128xi32, #tpu.memory_space<vmem>> -> memref<1x128xi32, #tpu.memory_space<vmem>>
      %dma_start3A_335 = tpu.memref_squeeze %dma_start3A_334 : memref<1x128xi32, #tpu.memory_space<vmem>> -> memref<128xi32, #tpu.memory_space<vmem>>
      %dma_start3A_336 = arith.constant 0 : i32
      %dma_start3A_337 = arith.constant 0 : i32
      %dma_start3A_338 = tpu.memref_slice %arg2[%dma_start3A_326, %dma_start3A_336, %dma_start3A_337] : memref<16x65536x32xf32, #tpu.memory_space<hbm>> -> memref<1x65536x32xf32, #tpu.memory_space<hbm>>
      %dma_start3A_339 = tpu.memref_squeeze %dma_start3A_338 : memref<1x65536x32xf32, #tpu.memory_space<hbm>> -> memref<65536x32xf32, #tpu.memory_space<hbm>>
      %dma_start3A_340 = arith.constant 0 : i32
      %dma_start3A_341 = arith.constant 0 : i32
      %dma_start3A_342 = tpu.memref_slice %dma_start3A_339[%dma_start3A_340, %dma_start3A_341] : memref<65536x32xf32, #tpu.memory_space<hbm>> -> memref<65536x32xf32, #tpu.memory_space<hbm>>
      tpu.enqueue_indirect_dma source(%dma_start3A_342 : memref<65536x32xf32, #tpu.memory_space<hbm>>) target(%dma_start3A_332 : memref<128x32xf32, #tpu.memory_space<vmem>>) offsets(%dma_start3A_335 : memref<128xi32, #tpu.memory_space<vmem>>) semaphore(%arg8 : memref<!tpu.dma_semaphore, #tpu.memory_space<semaphore_mem>>)
      %broadcast_in_dim3A_343 = arith.constant 4 : i32
      %broadcast_in_dim3A_344 = vector.broadcast %broadcast_in_dim3A_343 : i32 to vector<16xi32>
      %add3A_345 = arith.constant 0 : i32
      %add3A_346 = vector.broadcast %add3A_345 : i32 to vector<16xi32>
      %add3A_347 = arith.addi %iota3A, %add3A_346 : vector<16xi32>
      %gather3A_348 = tpu.vector_load_idx %arg5[%add3A_347, %broadcast_in_dim3A_344] : memref<128x128xi32, #tpu.memory_space<vmem>>[vector<16xi32>, vector<16xi32>], vector<16xi32>,
      %swap3A_349 = arith.constant 4 : i32
      %swap3A_350 = arith.index_cast %swap3A_349 : i32 to index
      %swap3A_351 = arith.constant 0 : index
      %swap3A_352 = tpu.vector_load %arg6[%swap3A_350, %swap3A_351] {strides = array<i32>} : memref<16x128xi32, #tpu.memory_space<vmem>>, vector<16xi32>,
      tpu.vector_store %arg6[%swap3A_350, %swap3A_351], %gather3A_348 {strides = array<i32>} : memref<16x128xi32, #tpu.memory_space<vmem>>, vector<16xi32>,
      %add3A_353 = arith.constant 16 : i32
      %add3A_354 = vector.broadcast %add3A_353 : i32 to vector<16xi32>
      %add3A_355 = arith.addi %iota3A, %add3A_354 : vector<16xi32>
      %gather3A_356 = tpu.vector_load_idx %arg5[%add3A_355, %broadcast_in_dim3A_344] : memref<128x128xi32, #tpu.memory_space<vmem>>[vector<16xi32>, vector<16xi32>], vector<16xi32>,
      %swap3A_357 = arith.constant 4 : i32
      %swap3A_358 = arith.index_cast %swap3A_357 : i32 to index
      %swap3A_359 = arith.constant 16 : index
      %swap3A_360 = tpu.vector_load %arg6[%swap3A_358, %swap3A_359] {strides = array<i32>} : memref<16x128xi32, #tpu.memory_space<vmem>>, vector<16xi32>,
      tpu.vector_store %arg6[%swap3A_358, %swap3A_359], %gather3A_356 {strides = array<i32>} : memref<16x128xi32, #tpu.memory_space<vmem>>, vector<16xi32>,
      %add3A_361 = arith.constant 32 : i32
      %add3A_362 = vector.broadcast %add3A_361 : i32 to vector<16xi32>
      %add3A_363 = arith.addi %iota3A, %add3A_362 : vector<16xi32>
      %gather3A_364 = tpu.vector_load_idx %arg5[%add3A_363, %broadcast_in_dim3A_344] : memref<128x128xi32, #tpu.memory_space<vmem>>[vector<16xi32>, vector<16xi32>], vector<16xi32>,
      %swap3A_365 = arith.constant 4 : i32
      %swap3A_366 = arith.index_cast %swap3A_365 : i32 to index
      %swap3A_367 = arith.constant 32 : index
      %swap3A_368 = tpu.vector_load %arg6[%swap3A_366, %swap3A_367] {strides = array<i32>} : memref<16x128xi32, #tpu.memory_space<vmem>>, vector<16xi32>,
      tpu.vector_store %arg6[%swap3A_366, %swap3A_367], %gather3A_364 {strides = array<i32>} : memref<16x128xi32, #tpu.memory_space<vmem>>, vector<16xi32>,
      %add3A_369 = arith.constant 48 : i32
      %add3A_370 = vector.broadcast %add3A_369 : i32 to vector<16xi32>
      %add3A_371 = arith.addi %iota3A, %add3A_370 : vector<16xi32>
      %gather3A_372 = tpu.vector_load_idx %arg5[%add3A_371, %broadcast_in_dim3A_344] : memref<128x128xi32, #tpu.memory_space<vmem>>[vector<16xi32>, vector<16xi32>], vector<16xi32>,
      %swap3A_373 = arith.constant 4 : i32
      %swap3A_374 = arith.index_cast %swap3A_373 : i32 to index
      %swap3A_375 = arith.constant 48 : index
      %swap3A_376 = tpu.vector_load %arg6[%swap3A_374, %swap3A_375] {strides = array<i32>} : memref<16x128xi32, #tpu.memory_space<vmem>>, vector<16xi32>,
      tpu.vector_store %arg6[%swap3A_374, %swap3A_375], %gather3A_372 {strides = array<i32>} : memref<16x128xi32, #tpu.memory_space<vmem>>, vector<16xi32>,
      %add3A_377 = arith.constant 64 : i32
      %add3A_378 = vector.broadcast %add3A_377 : i32 to vector<16xi32>
      %add3A_379 = arith.addi %iota3A, %add3A_378 : vector<16xi32>
      %gather3A_380 = tpu.vector_load_idx %arg5[%add3A_379, %broadcast_in_dim3A_344] : memref<128x128xi32, #tpu.memory_space<vmem>>[vector<16xi32>, vector<16xi32>], vector<16xi32>,
      %swap3A_381 = arith.constant 4 : i32
      %swap3A_382 = arith.index_cast %swap3A_381 : i32 to index
      %swap3A_383 = arith.constant 64 : index
      %swap3A_384 = tpu.vector_load %arg6[%swap3A_382, %swap3A_383] {strides = array<i32>} : memref<16x128xi32, #tpu.memory_space<vmem>>, vector<16xi32>,
      tpu.vector_store %arg6[%swap3A_382, %swap3A_383], %gather3A_380 {strides = array<i32>} : memref<16x128xi32, #tpu.memory_space<vmem>>, vector<16xi32>,
      %add3A_385 = arith.constant 80 : i32
      %add3A_386 = vector.broadcast %add3A_385 : i32 to vector<16xi32>
      %add3A_387 = arith.addi %iota3A, %add3A_386 : vector<16xi32>
      %gather3A_388 = tpu.vector_load_idx %arg5[%add3A_387, %broadcast_in_dim3A_344] : memref<128x128xi32, #tpu.memory_space<vmem>>[vector<16xi32>, vector<16xi32>], vector<16xi32>,
      %swap3A_389 = arith.constant 4 : i32
      %swap3A_390 = arith.index_cast %swap3A_389 : i32 to index
      %swap3A_391 = arith.constant 80 : index
      %swap3A_392 = tpu.vector_load %arg6[%swap3A_390, %swap3A_391] {strides = array<i32>} : memref<16x128xi32, #tpu.memory_space<vmem>>, vector<16xi32>,
      tpu.vector_store %arg6[%swap3A_390, %swap3A_391], %gather3A_388 {strides = array<i32>} : memref<16x128xi32, #tpu.memory_space<vmem>>, vector<16xi32>,
      %add3A_393 = arith.constant 96 : i32
      %add3A_394 = vector.broadcast %add3A_393 : i32 to vector<16xi32>
      %add3A_395 = arith.addi %iota3A, %add3A_394 : vector<16xi32>
      %gather3A_396 = tpu.vector_load_idx %arg5[%add3A_395, %broadcast_in_dim3A_344] : memref<128x128xi32, #tpu.memory_space<vmem>>[vector<16xi32>, vector<16xi32>], vector<16xi32>,
      %swap3A_397 = arith.constant 4 : i32
      %swap3A_398 = arith.index_cast %swap3A_397 : i32 to index
      %swap3A_399 = arith.constant 96 : index
      %swap3A_400 = tpu.vector_load %arg6[%swap3A_398, %swap3A_399] {strides = array<i32>} : memref<16x128xi32, #tpu.memory_space<vmem>>, vector<16xi32>,
      tpu.vector_store %arg6[%swap3A_398, %swap3A_399], %gather3A_396 {strides = array<i32>} : memref<16x128xi32, #tpu.memory_space<vmem>>, vector<16xi32>,
      %add3A_401 = arith.constant 112 : i32
      %add3A_402 = vector.broadcast %add3A_401 : i32 to vector<16xi32>
      %add3A_403 = arith.addi %iota3A, %add3A_402 : vector<16xi32>
      %gather3A_404 = tpu.vector_load_idx %arg5[%add3A_403, %broadcast_in_dim3A_344] : memref<128x128xi32, #tpu.memory_space<vmem>>[vector<16xi32>, vector<16xi32>], vector<16xi32>,
      %swap3A_405 = arith.constant 4 : i32
      %swap3A_406 = arith.index_cast %swap3A_405 : i32 to index
      %swap3A_407 = arith.constant 112 : index
      %swap3A_408 = tpu.vector_load %arg6[%swap3A_406, %swap3A_407] {strides = array<i32>} : memref<16x128xi32, #tpu.memory_space<vmem>>, vector<16xi32>,
      tpu.vector_store %arg6[%swap3A_406, %swap3A_407], %gather3A_404 {strides = array<i32>} : memref<16x128xi32, #tpu.memory_space<vmem>>, vector<16xi32>,
      %dma_start3A_409 = arith.constant 4 : i32
      %dma_start3A_410 = arith.constant 4 : i32
      %dma_start3A_411 = arith.constant 4 : i32
      %dma_start3A_412 = arith.constant 0 : i32
      %dma_start3A_413 = arith.constant 0 : i32
      %dma_start3A_414 = tpu.memref_slice %arg7[%dma_start3A_411, %dma_start3A_412, %dma_start3A_413] : memref<16x128x32xf32, #tpu.memory_space<vmem>> -> memref<1x128x32xf32, #tpu.memory_space<vmem>>
      %dma_start3A_415 = tpu.memref_squeeze %dma_start3A_414 : memref<1x128x32xf32, #tpu.memory_space<vmem>> -> memref<128x32xf32, #tpu.memory_space<vmem>>
      %dma_start3A_416 = arith.constant 0 : i32
      %dma_start3A_417 = tpu.memref_slice %arg6[%dma_start3A_410, %dma_start3A_416] : memref<16x128xi32, #tpu.memory_space<vmem>> -> memref<1x128xi32, #tpu.memory_space<vmem>>
      %dma_start3A_418 = tpu.memref_squeeze %dma_start3A_417 : memref<1x128xi32, #tpu.memory_space<vmem>> -> memref<128xi32, #tpu.memory_space<vmem>>
      %dma_start3A_419 = arith.constant 0 : i32
      %dma_start3A_420 = arith.constant 0 : i32
      %dma_start3A_421 = tpu.memref_slice %arg2[%dma_start3A_409, %dma_start3A_419, %dma_start3A_420] : memref<16x65536x32xf32, #tpu.memory_space<hbm>> -> memref<1x65536x32xf32, #tpu.memory_space<hbm>>
      %dma_start3A_422 = tpu.memref_squeeze %dma_start3A_421 : memref<1x65536x32xf32, #tpu.memory_space<hbm>> -> memref<65536x32xf32, #tpu.memory_space<hbm>>
      %dma_start3A_423 = arith.constant 0 : i32
      %dma_start3A_424 = arith.constant 0 : i32
      %dma_start3A_425 = tpu.memref_slice %dma_start3A_422[%dma_start3A_423, %dma_start3A_424] : memref<65536x32xf32, #tpu.memory_space<hbm>> -> memref<65536x32xf32, #tpu.memory_space<hbm>>
      tpu.enqueue_indirect_dma source(%dma_start3A_425 : memref<65536x32xf32, #tpu.memory_space<hbm>>) target(%dma_start3A_415 : memref<128x32xf32, #tpu.memory_space<vmem>>) offsets(%dma_start3A_418 : memref<128xi32, #tpu.memory_space<vmem>>) semaphore(%arg8 : memref<!tpu.dma_semaphore, #tpu.memory_space<semaphore_mem>>)
      %broadcast_in_dim3A_426 = arith.constant 5 : i32
      %broadcast_in_dim3A_427 = vector.broadcast %broadcast_in_dim3A_426 : i32 to vector<16xi32>
      %add3A_428 = arith.constant 0 : i32
      %add3A_429 = vector.broadcast %add3A_428 : i32 to vector<16xi32>
      %add3A_430 = arith.addi %iota3A, %add3A_429 : vector<16xi32>
      %gather3A_431 = tpu.vector_load_idx %arg5[%add3A_430, %broadcast_in_dim3A_427] : memref<128x128xi32, #tpu.memory_space<vmem>>[vector<16xi32>, vector<16xi32>], vector<16xi32>,
      %swap3A_432 = arith.constant 5 : i32
      %swap3A_433 = arith.index_cast %swap3A_432 : i32 to index
      %swap3A_434 = arith.constant 0 : index
      %swap3A_435 = tpu.vector_load %arg6[%swap3A_433, %swap3A_434] {strides = array<i32>} : memref<16x128xi32, #tpu.memory_space<vmem>>, vector<16xi32>,
      tpu.vector_store %arg6[%swap3A_433, %swap3A_434], %gather3A_431 {strides = array<i32>} : memref<16x128xi32, #tpu.memory_space<vmem>>, vector<16xi32>,
      %add3A_436 = arith.constant 16 : i32
      %add3A_437 = vector.broadcast %add3A_436 : i32 to vector<16xi32>
      %add3A_438 = arith.addi %iota3A, %add3A_437 : vector<16xi32>
      %gather3A_439 = tpu.vector_load_idx %arg5[%add3A_438, %broadcast_in_dim3A_427] : memref<128x128xi32, #tpu.memory_space<vmem>>[vector<16xi32>, vector<16xi32>], vector<16xi32>,
      %swap3A_440 = arith.constant 5 : i32
      %swap3A_441 = arith.index_cast %swap3A_440 : i32 to index
      %swap3A_442 = arith.constant 16 : index
      %swap3A_443 = tpu.vector_load %arg6[%swap3A_441, %swap3A_442] {strides = array<i32>} : memref<16x128xi32, #tpu.memory_space<vmem>>, vector<16xi32>,
      tpu.vector_store %arg6[%swap3A_441, %swap3A_442], %gather3A_439 {strides = array<i32>} : memref<16x128xi32, #tpu.memory_space<vmem>>, vector<16xi32>,
      %add3A_444 = arith.constant 32 : i32
      %add3A_445 = vector.broadcast %add3A_444 : i32 to vector<16xi32>
      %add3A_446 = arith.addi %iota3A, %add3A_445 : vector<16xi32>
      %gather3A_447 = tpu.vector_load_idx %arg5[%add3A_446, %broadcast_in_dim3A_427] : memref<128x128xi32, #tpu.memory_space<vmem>>[vector<16xi32>, vector<16xi32>], vector<16xi32>,
      %swap3A_448 = arith.constant 5 : i32
      %swap3A_449 = arith.index_cast %swap3A_448 : i32 to index
      %swap3A_450 = arith.constant 32 : index
      %swap3A_451 = tpu.vector_load %arg6[%swap3A_449, %swap3A_450] {strides = array<i32>} : memref<16x128xi32, #tpu.memory_space<vmem>>, vector<16xi32>,
      tpu.vector_store %arg6[%swap3A_449, %swap3A_450], %gather3A_447 {strides = array<i32>} : memref<16x128xi32, #tpu.memory_space<vmem>>, vector<16xi32>,
      %add3A_452 = arith.constant 48 : i32
      %add3A_453 = vector.broadcast %add3A_452 : i32 to vector<16xi32>
      %add3A_454 = arith.addi %iota3A, %add3A_453 : vector<16xi32>
      %gather3A_455 = tpu.vector_load_idx %arg5[%add3A_454, %broadcast_in_dim3A_427] : memref<128x128xi32, #tpu.memory_space<vmem>>[vector<16xi32>, vector<16xi32>], vector<16xi32>,
      %swap3A_456 = arith.constant 5 : i32
      %swap3A_457 = arith.index_cast %swap3A_456 : i32 to index
      %swap3A_458 = arith.constant 48 : index
      %swap3A_459 = tpu.vector_load %arg6[%swap3A_457, %swap3A_458] {strides = array<i32>} : memref<16x128xi32, #tpu.memory_space<vmem>>, vector<16xi32>,
      tpu.vector_store %arg6[%swap3A_457, %swap3A_458], %gather3A_455 {strides = array<i32>} : memref<16x128xi32, #tpu.memory_space<vmem>>, vector<16xi32>,
      %add3A_460 = arith.constant 64 : i32
      %add3A_461 = vector.broadcast %add3A_460 : i32 to vector<16xi32>
      %add3A_462 = arith.addi %iota3A, %add3A_461 : vector<16xi32>
      %gather3A_463 = tpu.vector_load_idx %arg5[%add3A_462, %broadcast_in_dim3A_427] : memref<128x128xi32, #tpu.memory_space<vmem>>[vector<16xi32>, vector<16xi32>], vector<16xi32>,
      %swap3A_464 = arith.constant 5 : i32
      %swap3A_465 = arith.index_cast %swap3A_464 : i32 to index
      %swap3A_466 = arith.constant 64 : index
      %swap3A_467 = tpu.vector_load %arg6[%swap3A_465, %swap3A_466] {strides = array<i32>} : memref<16x128xi32, #tpu.memory_space<vmem>>, vector<16xi32>,
      tpu.vector_store %arg6[%swap3A_465, %swap3A_466], %gather3A_463 {strides = array<i32>} : memref<16x128xi32, #tpu.memory_space<vmem>>, vector<16xi32>,
      %add3A_468 = arith.constant 80 : i32
      %add3A_469 = vector.broadcast %add3A_468 : i32 to vector<16xi32>
      %add3A_470 = arith.addi %iota3A, %add3A_469 : vector<16xi32>
      %gather3A_471 = tpu.vector_load_idx %arg5[%add3A_470, %broadcast_in_dim3A_427] : memref<128x128xi32, #tpu.memory_space<vmem>>[vector<16xi32>, vector<16xi32>], vector<16xi32>,
      %swap3A_472 = arith.constant 5 : i32
      %swap3A_473 = arith.index_cast %swap3A_472 : i32 to index
      %swap3A_474 = arith.constant 80 : index
      %swap3A_475 = tpu.vector_load %arg6[%swap3A_473, %swap3A_474] {strides = array<i32>} : memref<16x128xi32, #tpu.memory_space<vmem>>, vector<16xi32>,
      tpu.vector_store %arg6[%swap3A_473, %swap3A_474], %gather3A_471 {strides = array<i32>} : memref<16x128xi32, #tpu.memory_space<vmem>>, vector<16xi32>,
      %add3A_476 = arith.constant 96 : i32
      %add3A_477 = vector.broadcast %add3A_476 : i32 to vector<16xi32>
      %add3A_478 = arith.addi %iota3A, %add3A_477 : vector<16xi32>
      %gather3A_479 = tpu.vector_load_idx %arg5[%add3A_478, %broadcast_in_dim3A_427] : memref<128x128xi32, #tpu.memory_space<vmem>>[vector<16xi32>, vector<16xi32>], vector<16xi32>,
      %swap3A_480 = arith.constant 5 : i32
      %swap3A_481 = arith.index_cast %swap3A_480 : i32 to index
      %swap3A_482 = arith.constant 96 : index
      %swap3A_483 = tpu.vector_load %arg6[%swap3A_481, %swap3A_482] {strides = array<i32>} : memref<16x128xi32, #tpu.memory_space<vmem>>, vector<16xi32>,
      tpu.vector_store %arg6[%swap3A_481, %swap3A_482], %gather3A_479 {strides = array<i32>} : memref<16x128xi32, #tpu.memory_space<vmem>>, vector<16xi32>,
      %add3A_484 = arith.constant 112 : i32
      %add3A_485 = vector.broadcast %add3A_484 : i32 to vector<16xi32>
      %add3A_486 = arith.addi %iota3A, %add3A_485 : vector<16xi32>
      %gather3A_487 = tpu.vector_load_idx %arg5[%add3A_486, %broadcast_in_dim3A_427] : memref<128x128xi32, #tpu.memory_space<vmem>>[vector<16xi32>, vector<16xi32>], vector<16xi32>,
      %swap3A_488 = arith.constant 5 : i32
      %swap3A_489 = arith.index_cast %swap3A_488 : i32 to index
      %swap3A_490 = arith.constant 112 : index
      %swap3A_491 = tpu.vector_load %arg6[%swap3A_489, %swap3A_490] {strides = array<i32>} : memref<16x128xi32, #tpu.memory_space<vmem>>, vector<16xi32>,
      tpu.vector_store %arg6[%swap3A_489, %swap3A_490], %gather3A_487 {strides = array<i32>} : memref<16x128xi32, #tpu.memory_space<vmem>>, vector<16xi32>,
      %dma_start3A_492 = arith.constant 5 : i32
      %dma_start3A_493 = arith.constant 5 : i32
      %dma_start3A_494 = arith.constant 5 : i32
      %dma_start3A_495 = arith.constant 0 : i32
      %dma_start3A_496 = arith.constant 0 : i32
      %dma_start3A_497 = tpu.memref_slice %arg7[%dma_start3A_494, %dma_start3A_495, %dma_start3A_496] : memref<16x128x32xf32, #tpu.memory_space<vmem>> -> memref<1x128x32xf32, #tpu.memory_space<vmem>>
      %dma_start3A_498 = tpu.memref_squeeze %dma_start3A_497 : memref<1x128x32xf32, #tpu.memory_space<vmem>> -> memref<128x32xf32, #tpu.memory_space<vmem>>
      %dma_start3A_499 = arith.constant 0 : i32
      %dma_start3A_500 = tpu.memref_slice %arg6[%dma_start3A_493, %dma_start3A_499] : memref<16x128xi32, #tpu.memory_space<vmem>> -> memref<1x128xi32, #tpu.memory_space<vmem>>
      %dma_start3A_501 = tpu.memref_squeeze %dma_start3A_500 : memref<1x128xi32, #tpu.memory_space<vmem>> -> memref<128xi32, #tpu.memory_space<vmem>>
      %dma_start3A_502 = arith.constant 0 : i32
      %dma_start3A_503 = arith.constant 0 : i32
      %dma_start3A_504 = tpu.memref_slice %arg2[%dma_start3A_492, %dma_start3A_502, %dma_start3A_503] : memref<16x65536x32xf32, #tpu.memory_space<hbm>> -> memref<1x65536x32xf32, #tpu.memory_space<hbm>>
      %dma_start3A_505 = tpu.memref_squeeze %dma_start3A_504 : memref<1x65536x32xf32, #tpu.memory_space<hbm>> -> memref<65536x32xf32, #tpu.memory_space<hbm>>
      %dma_start3A_506 = arith.constant 0 : i32
      %dma_start3A_507 = arith.constant 0 : i32
      %dma_start3A_508 = tpu.memref_slice %dma_start3A_505[%dma_start3A_506, %dma_start3A_507] : memref<65536x32xf32, #tpu.memory_space<hbm>> -> memref<65536x32xf32, #tpu.memory_space<hbm>>
      tpu.enqueue_indirect_dma source(%dma_start3A_508 : memref<65536x32xf32, #tpu.memory_space<hbm>>) target(%dma_start3A_498 : memref<128x32xf32, #tpu.memory_space<vmem>>) offsets(%dma_start3A_501 : memref<128xi32, #tpu.memory_space<vmem>>) semaphore(%arg8 : memref<!tpu.dma_semaphore, #tpu.memory_space<semaphore_mem>>)
      %broadcast_in_dim3A_509 = arith.constant 6 : i32
      %broadcast_in_dim3A_510 = vector.broadcast %broadcast_in_dim3A_509 : i32 to vector<16xi32>
      %add3A_511 = arith.constant 0 : i32
      %add3A_512 = vector.broadcast %add3A_511 : i32 to vector<16xi32>
      %add3A_513 = arith.addi %iota3A, %add3A_512 : vector<16xi32>
      %gather3A_514 = tpu.vector_load_idx %arg5[%add3A_513, %broadcast_in_dim3A_510] : memref<128x128xi32, #tpu.memory_space<vmem>>[vector<16xi32>, vector<16xi32>], vector<16xi32>,
      %swap3A_515 = arith.constant 6 : i32
      %swap3A_516 = arith.index_cast %swap3A_515 : i32 to index
      %swap3A_517 = arith.constant 0 : index
      %swap3A_518 = tpu.vector_load %arg6[%swap3A_516, %swap3A_517] {strides = array<i32>} : memref<16x128xi32, #tpu.memory_space<vmem>>, vector<16xi32>,
      tpu.vector_store %arg6[%swap3A_516, %swap3A_517], %gather3A_514 {strides = array<i32>} : memref<16x128xi32, #tpu.memory_space<vmem>>, vector<16xi32>,
      %add3A_519 = arith.constant 16 : i32
      %add3A_520 = vector.broadcast %add3A_519 : i32 to vector<16xi32>
      %add3A_521 = arith.addi %iota3A, %add3A_520 : vector<16xi32>
      %gather3A_522 = tpu.vector_load_idx %arg5[%add3A_521, %broadcast_in_dim3A_510] : memref<128x128xi32, #tpu.memory_space<vmem>>[vector<16xi32>, vector<16xi32>], vector<16xi32>,
      %swap3A_523 = arith.constant 6 : i32
      %swap3A_524 = arith.index_cast %swap3A_523 : i32 to index
      %swap3A_525 = arith.constant 16 : index
      %swap3A_526 = tpu.vector_load %arg6[%swap3A_524, %swap3A_525] {strides = array<i32>} : memref<16x128xi32, #tpu.memory_space<vmem>>, vector<16xi32>,
      tpu.vector_store %arg6[%swap3A_524, %swap3A_525], %gather3A_522 {strides = array<i32>} : memref<16x128xi32, #tpu.memory_space<vmem>>, vector<16xi32>,
      %add3A_527 = arith.constant 32 : i32
      %add3A_528 = vector.broadcast %add3A_527 : i32 to vector<16xi32>
      %add3A_529 = arith.addi %iota3A, %add3A_528 : vector<16xi32>
      %gather3A_530 = tpu.vector_load_idx %arg5[%add3A_529, %broadcast_in_dim3A_510] : memref<128x128xi32, #tpu.memory_space<vmem>>[vector<16xi32>, vector<16xi32>], vector<16xi32>,
      %swap3A_531 = arith.constant 6 : i32
      %swap3A_532 = arith.index_cast %swap3A_531 : i32 to index
      %swap3A_533 = arith.constant 32 : index
      %swap3A_534 = tpu.vector_load %arg6[%swap3A_532, %swap3A_533] {strides = array<i32>} : memref<16x128xi32, #tpu.memory_space<vmem>>, vector<16xi32>,
      tpu.vector_store %arg6[%swap3A_532, %swap3A_533], %gather3A_530 {strides = array<i32>} : memref<16x128xi32, #tpu.memory_space<vmem>>, vector<16xi32>,
      %add3A_535 = arith.constant 48 : i32
      %add3A_536 = vector.broadcast %add3A_535 : i32 to vector<16xi32>
      %add3A_537 = arith.addi %iota3A, %add3A_536 : vector<16xi32>
      %gather3A_538 = tpu.vector_load_idx %arg5[%add3A_537, %broadcast_in_dim3A_510] : memref<128x128xi32, #tpu.memory_space<vmem>>[vector<16xi32>, vector<16xi32>], vector<16xi32>,
      %swap3A_539 = arith.constant 6 : i32
      %swap3A_540 = arith.index_cast %swap3A_539 : i32 to index
      %swap3A_541 = arith.constant 48 : index
      %swap3A_542 = tpu.vector_load %arg6[%swap3A_540, %swap3A_541] {strides = array<i32>} : memref<16x128xi32, #tpu.memory_space<vmem>>, vector<16xi32>,
      tpu.vector_store %arg6[%swap3A_540, %swap3A_541], %gather3A_538 {strides = array<i32>} : memref<16x128xi32, #tpu.memory_space<vmem>>, vector<16xi32>,
      %add3A_543 = arith.constant 64 : i32
      %add3A_544 = vector.broadcast %add3A_543 : i32 to vector<16xi32>
      %add3A_545 = arith.addi %iota3A, %add3A_544 : vector<16xi32>
      %gather3A_546 = tpu.vector_load_idx %arg5[%add3A_545, %broadcast_in_dim3A_510] : memref<128x128xi32, #tpu.memory_space<vmem>>[vector<16xi32>, vector<16xi32>], vector<16xi32>,
      %swap3A_547 = arith.constant 6 : i32
      %swap3A_548 = arith.index_cast %swap3A_547 : i32 to index
      %swap3A_549 = arith.constant 64 : index
      %swap3A_550 = tpu.vector_load %arg6[%swap3A_548, %swap3A_549] {strides = array<i32>} : memref<16x128xi32, #tpu.memory_space<vmem>>, vector<16xi32>,
      tpu.vector_store %arg6[%swap3A_548, %swap3A_549], %gather3A_546 {strides = array<i32>} : memref<16x128xi32, #tpu.memory_space<vmem>>, vector<16xi32>,
      %add3A_551 = arith.constant 80 : i32
      %add3A_552 = vector.broadcast %add3A_551 : i32 to vector<16xi32>
      %add3A_553 = arith.addi %iota3A, %add3A_552 : vector<16xi32>
      %gather3A_554 = tpu.vector_load_idx %arg5[%add3A_553, %broadcast_in_dim3A_510] : memref<128x128xi32, #tpu.memory_space<vmem>>[vector<16xi32>, vector<16xi32>], vector<16xi32>,
      %swap3A_555 = arith.constant 6 : i32
      %swap3A_556 = arith.index_cast %swap3A_555 : i32 to index
      %swap3A_557 = arith.constant 80 : index
      %swap3A_558 = tpu.vector_load %arg6[%swap3A_556, %swap3A_557] {strides = array<i32>} : memref<16x128xi32, #tpu.memory_space<vmem>>, vector<16xi32>,
      tpu.vector_store %arg6[%swap3A_556, %swap3A_557], %gather3A_554 {strides = array<i32>} : memref<16x128xi32, #tpu.memory_space<vmem>>, vector<16xi32>,
      %add3A_559 = arith.constant 96 : i32
      %add3A_560 = vector.broadcast %add3A_559 : i32 to vector<16xi32>
      %add3A_561 = arith.addi %iota3A, %add3A_560 : vector<16xi32>
      %gather3A_562 = tpu.vector_load_idx %arg5[%add3A_561, %broadcast_in_dim3A_510] : memref<128x128xi32, #tpu.memory_space<vmem>>[vector<16xi32>, vector<16xi32>], vector<16xi32>,
      %swap3A_563 = arith.constant 6 : i32
      %swap3A_564 = arith.index_cast %swap3A_563 : i32 to index
      %swap3A_565 = arith.constant 96 : index
      %swap3A_566 = tpu.vector_load %arg6[%swap3A_564, %swap3A_565] {strides = array<i32>} : memref<16x128xi32, #tpu.memory_space<vmem>>, vector<16xi32>,
      tpu.vector_store %arg6[%swap3A_564, %swap3A_565], %gather3A_562 {strides = array<i32>} : memref<16x128xi32, #tpu.memory_space<vmem>>, vector<16xi32>,
      %add3A_567 = arith.constant 112 : i32
      %add3A_568 = vector.broadcast %add3A_567 : i32 to vector<16xi32>
      %add3A_569 = arith.addi %iota3A, %add3A_568 : vector<16xi32>
      %gather3A_570 = tpu.vector_load_idx %arg5[%add3A_569, %broadcast_in_dim3A_510] : memref<128x128xi32, #tpu.memory_space<vmem>>[vector<16xi32>, vector<16xi32>], vector<16xi32>,
      %swap3A_571 = arith.constant 6 : i32
      %swap3A_572 = arith.index_cast %swap3A_571 : i32 to index
      %swap3A_573 = arith.constant 112 : index
      %swap3A_574 = tpu.vector_load %arg6[%swap3A_572, %swap3A_573] {strides = array<i32>} : memref<16x128xi32, #tpu.memory_space<vmem>>, vector<16xi32>,
      tpu.vector_store %arg6[%swap3A_572, %swap3A_573], %gather3A_570 {strides = array<i32>} : memref<16x128xi32, #tpu.memory_space<vmem>>, vector<16xi32>,
      %dma_start3A_575 = arith.constant 6 : i32
      %dma_start3A_576 = arith.constant 6 : i32
      %dma_start3A_577 = arith.constant 6 : i32
      %dma_start3A_578 = arith.constant 0 : i32
      %dma_start3A_579 = arith.constant 0 : i32
      %dma_start3A_580 = tpu.memref_slice %arg7[%dma_start3A_577, %dma_start3A_578, %dma_start3A_579] : memref<16x128x32xf32, #tpu.memory_space<vmem>> -> memref<1x128x32xf32, #tpu.memory_space<vmem>>
      %dma_start3A_581 = tpu.memref_squeeze %dma_start3A_580 : memref<1x128x32xf32, #tpu.memory_space<vmem>> -> memref<128x32xf32, #tpu.memory_space<vmem>>
      %dma_start3A_582 = arith.constant 0 : i32
      %dma_start3A_583 = tpu.memref_slice %arg6[%dma_start3A_576, %dma_start3A_582] : memref<16x128xi32, #tpu.memory_space<vmem>> -> memref<1x128xi32, #tpu.memory_space<vmem>>
      %dma_start3A_584 = tpu.memref_squeeze %dma_start3A_583 : memref<1x128xi32, #tpu.memory_space<vmem>> -> memref<128xi32, #tpu.memory_space<vmem>>
      %dma_start3A_585 = arith.constant 0 : i32
      %dma_start3A_586 = arith.constant 0 : i32
      %dma_start3A_587 = tpu.memref_slice %arg2[%dma_start3A_575, %dma_start3A_585, %dma_start3A_586] : memref<16x65536x32xf32, #tpu.memory_space<hbm>> -> memref<1x65536x32xf32, #tpu.memory_space<hbm>>
      %dma_start3A_588 = tpu.memref_squeeze %dma_start3A_587 : memref<1x65536x32xf32, #tpu.memory_space<hbm>> -> memref<65536x32xf32, #tpu.memory_space<hbm>>
      %dma_start3A_589 = arith.constant 0 : i32
      %dma_start3A_590 = arith.constant 0 : i32
      %dma_start3A_591 = tpu.memref_slice %dma_start3A_588[%dma_start3A_589, %dma_start3A_590] : memref<65536x32xf32, #tpu.memory_space<hbm>> -> memref<65536x32xf32, #tpu.memory_space<hbm>>
      tpu.enqueue_indirect_dma source(%dma_start3A_591 : memref<65536x32xf32, #tpu.memory_space<hbm>>) target(%dma_start3A_581 : memref<128x32xf32, #tpu.memory_space<vmem>>) offsets(%dma_start3A_584 : memref<128xi32, #tpu.memory_space<vmem>>) semaphore(%arg8 : memref<!tpu.dma_semaphore, #tpu.memory_space<semaphore_mem>>)
      %broadcast_in_dim3A_592 = arith.constant 7 : i32
      %broadcast_in_dim3A_593 = vector.broadcast %broadcast_in_dim3A_592 : i32 to vector<16xi32>
      %add3A_594 = arith.constant 0 : i32
      %add3A_595 = vector.broadcast %add3A_594 : i32 to vector<16xi32>
      %add3A_596 = arith.addi %iota3A, %add3A_595 : vector<16xi32>
      %gather3A_597 = tpu.vector_load_idx %arg5[%add3A_596, %broadcast_in_dim3A_593] : memref<128x128xi32, #tpu.memory_space<vmem>>[vector<16xi32>, vector<16xi32>], vector<16xi32>,
      %swap3A_598 = arith.constant 7 : i32
      %swap3A_599 = arith.index_cast %swap3A_598 : i32 to index
      %swap3A_600 = arith.constant 0 : index
      %swap3A_601 = tpu.vector_load %arg6[%swap3A_599, %swap3A_600] {strides = array<i32>} : memref<16x128xi32, #tpu.memory_space<vmem>>, vector<16xi32>,
      tpu.vector_store %arg6[%swap3A_599, %swap3A_600], %gather3A_597 {strides = array<i32>} : memref<16x128xi32, #tpu.memory_space<vmem>>, vector<16xi32>,
      %add3A_602 = arith.constant 16 : i32
      %add3A_603 = vector.broadcast %add3A_602 : i32 to vector<16xi32>
      %add3A_604 = arith.addi %iota3A, %add3A_603 : vector<16xi32>
      %gather3A_605 = tpu.vector_load_idx %arg5[%add3A_604, %broadcast_in_dim3A_593] : memref<128x128xi32, #tpu.memory_space<vmem>>[vector<16xi32>, vector<16xi32>], vector<16xi32>,
      %swap3A_606 = arith.constant 7 : i32
      %swap3A_607 = arith.index_cast %swap3A_606 : i32 to index
      %swap3A_608 = arith.constant 16 : index
      %swap3A_609 = tpu.vector_load %arg6[%swap3A_607, %swap3A_608] {strides = array<i32>} : memref<16x128xi32, #tpu.memory_space<vmem>>, vector<16xi32>,
      tpu.vector_store %arg6[%swap3A_607, %swap3A_608], %gather3A_605 {strides = array<i32>} : memref<16x128xi32, #tpu.memory_space<vmem>>, vector<16xi32>,
      %add3A_610 = arith.constant 32 : i32
      %add3A_611 = vector.broadcast %add3A_610 : i32 to vector<16xi32>
      %add3A_612 = arith.addi %iota3A, %add3A_611 : vector<16xi32>
      %gather3A_613 = tpu.vector_load_idx %arg5[%add3A_612, %broadcast_in_dim3A_593] : memref<128x128xi32, #tpu.memory_space<vmem>>[vector<16xi32>, vector<16xi32>], vector<16xi32>,
      %swap3A_614 = arith.constant 7 : i32
      %swap3A_615 = arith.index_cast %swap3A_614 : i32 to index
      %swap3A_616 = arith.constant 32 : index
      %swap3A_617 = tpu.vector_load %arg6[%swap3A_615, %swap3A_616] {strides = array<i32>} : memref<16x128xi32, #tpu.memory_space<vmem>>, vector<16xi32>,
      tpu.vector_store %arg6[%swap3A_615, %swap3A_616], %gather3A_613 {strides = array<i32>} : memref<16x128xi32, #tpu.memory_space<vmem>>, vector<16xi32>,
      %add3A_618 = arith.constant 48 : i32
      %add3A_619 = vector.broadcast %add3A_618 : i32 to vector<16xi32>
      %add3A_620 = arith.addi %iota3A, %add3A_619 : vector<16xi32>
      %gather3A_621 = tpu.vector_load_idx %arg5[%add3A_620, %broadcast_in_dim3A_593] : memref<128x128xi32, #tpu.memory_space<vmem>>[vector<16xi32>, vector<16xi32>], vector<16xi32>,
      %swap3A_622 = arith.constant 7 : i32
      %swap3A_623 = arith.index_cast %swap3A_622 : i32 to index
      %swap3A_624 = arith.constant 48 : index
      %swap3A_625 = tpu.vector_load %arg6[%swap3A_623, %swap3A_624] {strides = array<i32>} : memref<16x128xi32, #tpu.memory_space<vmem>>, vector<16xi32>,
      tpu.vector_store %arg6[%swap3A_623, %swap3A_624], %gather3A_621 {strides = array<i32>} : memref<16x128xi32, #tpu.memory_space<vmem>>, vector<16xi32>,
      %add3A_626 = arith.constant 64 : i32
      %add3A_627 = vector.broadcast %add3A_626 : i32 to vector<16xi32>
      %add3A_628 = arith.addi %iota3A, %add3A_627 : vector<16xi32>
      %gather3A_629 = tpu.vector_load_idx %arg5[%add3A_628, %broadcast_in_dim3A_593] : memref<128x128xi32, #tpu.memory_space<vmem>>[vector<16xi32>, vector<16xi32>], vector<16xi32>,
      %swap3A_630 = arith.constant 7 : i32
      %swap3A_631 = arith.index_cast %swap3A_630 : i32 to index
      %swap3A_632 = arith.constant 64 : index
      %swap3A_633 = tpu.vector_load %arg6[%swap3A_631, %swap3A_632] {strides = array<i32>} : memref<16x128xi32, #tpu.memory_space<vmem>>, vector<16xi32>,
      tpu.vector_store %arg6[%swap3A_631, %swap3A_632], %gather3A_629 {strides = array<i32>} : memref<16x128xi32, #tpu.memory_space<vmem>>, vector<16xi32>,
      %add3A_634 = arith.constant 80 : i32
      %add3A_635 = vector.broadcast %add3A_634 : i32 to vector<16xi32>
      %add3A_636 = arith.addi %iota3A, %add3A_635 : vector<16xi32>
      %gather3A_637 = tpu.vector_load_idx %arg5[%add3A_636, %broadcast_in_dim3A_593] : memref<128x128xi32, #tpu.memory_space<vmem>>[vector<16xi32>, vector<16xi32>], vector<16xi32>,
      %swap3A_638 = arith.constant 7 : i32
      %swap3A_639 = arith.index_cast %swap3A_638 : i32 to index
      %swap3A_640 = arith.constant 80 : index
      %swap3A_641 = tpu.vector_load %arg6[%swap3A_639, %swap3A_640] {strides = array<i32>} : memref<16x128xi32, #tpu.memory_space<vmem>>, vector<16xi32>,
      tpu.vector_store %arg6[%swap3A_639, %swap3A_640], %gather3A_637 {strides = array<i32>} : memref<16x128xi32, #tpu.memory_space<vmem>>, vector<16xi32>,
      %add3A_642 = arith.constant 96 : i32
      %add3A_643 = vector.broadcast %add3A_642 : i32 to vector<16xi32>
      %add3A_644 = arith.addi %iota3A, %add3A_643 : vector<16xi32>
      %gather3A_645 = tpu.vector_load_idx %arg5[%add3A_644, %broadcast_in_dim3A_593] : memref<128x128xi32, #tpu.memory_space<vmem>>[vector<16xi32>, vector<16xi32>], vector<16xi32>,
      %swap3A_646 = arith.constant 7 : i32
      %swap3A_647 = arith.index_cast %swap3A_646 : i32 to index
      %swap3A_648 = arith.constant 96 : index
      %swap3A_649 = tpu.vector_load %arg6[%swap3A_647, %swap3A_648] {strides = array<i32>} : memref<16x128xi32, #tpu.memory_space<vmem>>, vector<16xi32>,
      tpu.vector_store %arg6[%swap3A_647, %swap3A_648], %gather3A_645 {strides = array<i32>} : memref<16x128xi32, #tpu.memory_space<vmem>>, vector<16xi32>,
      %add3A_650 = arith.constant 112 : i32
      %add3A_651 = vector.broadcast %add3A_650 : i32 to vector<16xi32>
      %add3A_652 = arith.addi %iota3A, %add3A_651 : vector<16xi32>
      %gather3A_653 = tpu.vector_load_idx %arg5[%add3A_652, %broadcast_in_dim3A_593] : memref<128x128xi32, #tpu.memory_space<vmem>>[vector<16xi32>, vector<16xi32>], vector<16xi32>,
      %swap3A_654 = arith.constant 7 : i32
      %swap3A_655 = arith.index_cast %swap3A_654 : i32 to index
      %swap3A_656 = arith.constant 112 : index
      %swap3A_657 = tpu.vector_load %arg6[%swap3A_655, %swap3A_656] {strides = array<i32>} : memref<16x128xi32, #tpu.memory_space<vmem>>, vector<16xi32>,
      tpu.vector_store %arg6[%swap3A_655, %swap3A_656], %gather3A_653 {strides = array<i32>} : memref<16x128xi32, #tpu.memory_space<vmem>>, vector<16xi32>,
      %dma_start3A_658 = arith.constant 7 : i32
      %dma_start3A_659 = arith.constant 7 : i32
      %dma_start3A_660 = arith.constant 7 : i32
      %dma_start3A_661 = arith.constant 0 : i32
      %dma_start3A_662 = arith.constant 0 : i32
      %dma_start3A_663 = tpu.memref_slice %arg7[%dma_start3A_660, %dma_start3A_661, %dma_start3A_662] : memref<16x128x32xf32, #tpu.memory_space<vmem>> -> memref<1x128x32xf32, #tpu.memory_space<vmem>>
      %dma_start3A_664 = tpu.memref_squeeze %dma_start3A_663 : memref<1x128x32xf32, #tpu.memory_space<vmem>> -> memref<128x32xf32, #tpu.memory_space<vmem>>
      %dma_start3A_665 = arith.constant 0 : i32
      %dma_start3A_666 = tpu.memref_slice %arg6[%dma_start3A_659, %dma_start3A_665] : memref<16x128xi32, #tpu.memory_space<vmem>> -> memref<1x128xi32, #tpu.memory_space<vmem>>
      %dma_start3A_667 = tpu.memref_squeeze %dma_start3A_666 : memref<1x128xi32, #tpu.memory_space<vmem>> -> memref<128xi32, #tpu.memory_space<vmem>>
      %dma_start3A_668 = arith.constant 0 : i32
      %dma_start3A_669 = arith.constant 0 : i32
      %dma_start3A_670 = tpu.memref_slice %arg2[%dma_start3A_658, %dma_start3A_668, %dma_start3A_669] : memref<16x65536x32xf32, #tpu.memory_space<hbm>> -> memref<1x65536x32xf32, #tpu.memory_space<hbm>>
      %dma_start3A_671 = tpu.memref_squeeze %dma_start3A_670 : memref<1x65536x32xf32, #tpu.memory_space<hbm>> -> memref<65536x32xf32, #tpu.memory_space<hbm>>
      %dma_start3A_672 = arith.constant 0 : i32
      %dma_start3A_673 = arith.constant 0 : i32
      %dma_start3A_674 = tpu.memref_slice %dma_start3A_671[%dma_start3A_672, %dma_start3A_673] : memref<65536x32xf32, #tpu.memory_space<hbm>> -> memref<65536x32xf32, #tpu.memory_space<hbm>>
      tpu.enqueue_indirect_dma source(%dma_start3A_674 : memref<65536x32xf32, #tpu.memory_space<hbm>>) target(%dma_start3A_664 : memref<128x32xf32, #tpu.memory_space<vmem>>) offsets(%dma_start3A_667 : memref<128xi32, #tpu.memory_space<vmem>>) semaphore(%arg8 : memref<!tpu.dma_semaphore, #tpu.memory_space<semaphore_mem>>)
      %broadcast_in_dim3A_675 = arith.constant 8 : i32
      %broadcast_in_dim3A_676 = vector.broadcast %broadcast_in_dim3A_675 : i32 to vector<16xi32>
      %add3A_677 = arith.constant 0 : i32
      %add3A_678 = vector.broadcast %add3A_677 : i32 to vector<16xi32>
      %add3A_679 = arith.addi %iota3A, %add3A_678 : vector<16xi32>
      %gather3A_680 = tpu.vector_load_idx %arg5[%add3A_679, %broadcast_in_dim3A_676] : memref<128x128xi32, #tpu.memory_space<vmem>>[vector<16xi32>, vector<16xi32>], vector<16xi32>,
      %swap3A_681 = arith.constant 8 : i32
      %swap3A_682 = arith.index_cast %swap3A_681 : i32 to index
      %swap3A_683 = arith.constant 0 : index
      %swap3A_684 = tpu.vector_load %arg6[%swap3A_682, %swap3A_683] {strides = array<i32>} : memref<16x128xi32, #tpu.memory_space<vmem>>, vector<16xi32>,
      tpu.vector_store %arg6[%swap3A_682, %swap3A_683], %gather3A_680 {strides = array<i32>} : memref<16x128xi32, #tpu.memory_space<vmem>>, vector<16xi32>,
      %add3A_685 = arith.constant 16 : i32
      %add3A_686 = vector.broadcast %add3A_685 : i32 to vector<16xi32>
      %add3A_687 = arith.addi %iota3A, %add3A_686 : vector<16xi32>
      %gather3A_688 = tpu.vector_load_idx %arg5[%add3A_687, %broadcast_in_dim3A_676] : memref<128x128xi32, #tpu.memory_space<vmem>>[vector<16xi32>, vector<16xi32>], vector<16xi32>,
      %swap3A_689 = arith.constant 8 : i32
      %swap3A_690 = arith.index_cast %swap3A_689 : i32 to index
      %swap3A_691 = arith.constant 16 : index
      %swap3A_692 = tpu.vector_load %arg6[%swap3A_690, %swap3A_691] {strides = array<i32>} : memref<16x128xi32, #tpu.memory_space<vmem>>, vector<16xi32>,
      tpu.vector_store %arg6[%swap3A_690, %swap3A_691], %gather3A_688 {strides = array<i32>} : memref<16x128xi32, #tpu.memory_space<vmem>>, vector<16xi32>,
      %add3A_693 = arith.constant 32 : i32
      %add3A_694 = vector.broadcast %add3A_693 : i32 to vector<16xi32>
      %add3A_695 = arith.addi %iota3A, %add3A_694 : vector<16xi32>
      %gather3A_696 = tpu.vector_load_idx %arg5[%add3A_695, %broadcast_in_dim3A_676] : memref<128x128xi32, #tpu.memory_space<vmem>>[vector<16xi32>, vector<16xi32>], vector<16xi32>,
      %swap3A_697 = arith.constant 8 : i32
      %swap3A_698 = arith.index_cast %swap3A_697 : i32 to index
      %swap3A_699 = arith.constant 32 : index
      %swap3A_700 = tpu.vector_load %arg6[%swap3A_698, %swap3A_699] {strides = array<i32>} : memref<16x128xi32, #tpu.memory_space<vmem>>, vector<16xi32>,
      tpu.vector_store %arg6[%swap3A_698, %swap3A_699], %gather3A_696 {strides = array<i32>} : memref<16x128xi32, #tpu.memory_space<vmem>>, vector<16xi32>,
      %add3A_701 = arith.constant 48 : i32
      %add3A_702 = vector.broadcast %add3A_701 : i32 to vector<16xi32>
      %add3A_703 = arith.addi %iota3A, %add3A_702 : vector<16xi32>
      %gather3A_704 = tpu.vector_load_idx %arg5[%add3A_703, %broadcast_in_dim3A_676] : memref<128x128xi32, #tpu.memory_space<vmem>>[vector<16xi32>, vector<16xi32>], vector<16xi32>,
      %swap3A_705 = arith.constant 8 : i32
      %swap3A_706 = arith.index_cast %swap3A_705 : i32 to index
      %swap3A_707 = arith.constant 48 : index
      %swap3A_708 = tpu.vector_load %arg6[%swap3A_706, %swap3A_707] {strides = array<i32>} : memref<16x128xi32, #tpu.memory_space<vmem>>, vector<16xi32>,
      tpu.vector_store %arg6[%swap3A_706, %swap3A_707], %gather3A_704 {strides = array<i32>} : memref<16x128xi32, #tpu.memory_space<vmem>>, vector<16xi32>,
      %add3A_709 = arith.constant 64 : i32
      %add3A_710 = vector.broadcast %add3A_709 : i32 to vector<16xi32>
      %add3A_711 = arith.addi %iota3A, %add3A_710 : vector<16xi32>
      %gather3A_712 = tpu.vector_load_idx %arg5[%add3A_711, %broadcast_in_dim3A_676] : memref<128x128xi32, #tpu.memory_space<vmem>>[vector<16xi32>, vector<16xi32>], vector<16xi32>,
      %swap3A_713 = arith.constant 8 : i32
      %swap3A_714 = arith.index_cast %swap3A_713 : i32 to index
      %swap3A_715 = arith.constant 64 : index
      %swap3A_716 = tpu.vector_load %arg6[%swap3A_714, %swap3A_715] {strides = array<i32>} : memref<16x128xi32, #tpu.memory_space<vmem>>, vector<16xi32>,
      tpu.vector_store %arg6[%swap3A_714, %swap3A_715], %gather3A_712 {strides = array<i32>} : memref<16x128xi32, #tpu.memory_space<vmem>>, vector<16xi32>,
      %add3A_717 = arith.constant 80 : i32
      %add3A_718 = vector.broadcast %add3A_717 : i32 to vector<16xi32>
      %add3A_719 = arith.addi %iota3A, %add3A_718 : vector<16xi32>
      %gather3A_720 = tpu.vector_load_idx %arg5[%add3A_719, %broadcast_in_dim3A_676] : memref<128x128xi32, #tpu.memory_space<vmem>>[vector<16xi32>, vector<16xi32>], vector<16xi32>,
      %swap3A_721 = arith.constant 8 : i32
      %swap3A_722 = arith.index_cast %swap3A_721 : i32 to index
      %swap3A_723 = arith.constant 80 : index
      %swap3A_724 = tpu.vector_load %arg6[%swap3A_722, %swap3A_723] {strides = array<i32>} : memref<16x128xi32, #tpu.memory_space<vmem>>, vector<16xi32>,
      tpu.vector_store %arg6[%swap3A_722, %swap3A_723], %gather3A_720 {strides = array<i32>} : memref<16x128xi32, #tpu.memory_space<vmem>>, vector<16xi32>,
      %add3A_725 = arith.constant 96 : i32
      %add3A_726 = vector.broadcast %add3A_725 : i32 to vector<16xi32>
      %add3A_727 = arith.addi %iota3A, %add3A_726 : vector<16xi32>
      %gather3A_728 = tpu.vector_load_idx %arg5[%add3A_727, %broadcast_in_dim3A_676] : memref<128x128xi32, #tpu.memory_space<vmem>>[vector<16xi32>, vector<16xi32>], vector<16xi32>,
      %swap3A_729 = arith.constant 8 : i32
      %swap3A_730 = arith.index_cast %swap3A_729 : i32 to index
      %swap3A_731 = arith.constant 96 : index
      %swap3A_732 = tpu.vector_load %arg6[%swap3A_730, %swap3A_731] {strides = array<i32>} : memref<16x128xi32, #tpu.memory_space<vmem>>, vector<16xi32>,
      tpu.vector_store %arg6[%swap3A_730, %swap3A_731], %gather3A_728 {strides = array<i32>} : memref<16x128xi32, #tpu.memory_space<vmem>>, vector<16xi32>,
      %add3A_733 = arith.constant 112 : i32
      %add3A_734 = vector.broadcast %add3A_733 : i32 to vector<16xi32>
      %add3A_735 = arith.addi %iota3A, %add3A_734 : vector<16xi32>
      %gather3A_736 = tpu.vector_load_idx %arg5[%add3A_735, %broadcast_in_dim3A_676] : memref<128x128xi32, #tpu.memory_space<vmem>>[vector<16xi32>, vector<16xi32>], vector<16xi32>,
      %swap3A_737 = arith.constant 8 : i32
      %swap3A_738 = arith.index_cast %swap3A_737 : i32 to index
      %swap3A_739 = arith.constant 112 : index
      %swap3A_740 = tpu.vector_load %arg6[%swap3A_738, %swap3A_739] {strides = array<i32>} : memref<16x128xi32, #tpu.memory_space<vmem>>, vector<16xi32>,
      tpu.vector_store %arg6[%swap3A_738, %swap3A_739], %gather3A_736 {strides = array<i32>} : memref<16x128xi32, #tpu.memory_space<vmem>>, vector<16xi32>,
      %dma_start3A_741 = arith.constant 8 : i32
      %dma_start3A_742 = arith.constant 8 : i32
      %dma_start3A_743 = arith.constant 8 : i32
      %dma_start3A_744 = arith.constant 0 : i32
      %dma_start3A_745 = arith.constant 0 : i32
      %dma_start3A_746 = tpu.memref_slice %arg7[%dma_start3A_743, %dma_start3A_744, %dma_start3A_745] : memref<16x128x32xf32, #tpu.memory_space<vmem>> -> memref<1x128x32xf32, #tpu.memory_space<vmem>>
      %dma_start3A_747 = tpu.memref_squeeze %dma_start3A_746 : memref<1x128x32xf32, #tpu.memory_space<vmem>> -> memref<128x32xf32, #tpu.memory_space<vmem>>
      %dma_start3A_748 = arith.constant 0 : i32
      %dma_start3A_749 = tpu.memref_slice %arg6[%dma_start3A_742, %dma_start3A_748] : memref<16x128xi32, #tpu.memory_space<vmem>> -> memref<1x128xi32, #tpu.memory_space<vmem>>
      %dma_start3A_750 = tpu.memref_squeeze %dma_start3A_749 : memref<1x128xi32, #tpu.memory_space<vmem>> -> memref<128xi32, #tpu.memory_space<vmem>>
      %dma_start3A_751 = arith.constant 0 : i32
      %dma_start3A_752 = arith.constant 0 : i32
      %dma_start3A_753 = tpu.memref_slice %arg2[%dma_start3A_741, %dma_start3A_751, %dma_start3A_752] : memref<16x65536x32xf32, #tpu.memory_space<hbm>> -> memref<1x65536x32xf32, #tpu.memory_space<hbm>>
      %dma_start3A_754 = tpu.memref_squeeze %dma_start3A_753 : memref<1x65536x32xf32, #tpu.memory_space<hbm>> -> memref<65536x32xf32, #tpu.memory_space<hbm>>
      %dma_start3A_755 = arith.constant 0 : i32
      %dma_start3A_756 = arith.constant 0 : i32
      %dma_start3A_757 = tpu.memref_slice %dma_start3A_754[%dma_start3A_755, %dma_start3A_756] : memref<65536x32xf32, #tpu.memory_space<hbm>> -> memref<65536x32xf32, #tpu.memory_space<hbm>>
      tpu.enqueue_indirect_dma source(%dma_start3A_757 : memref<65536x32xf32, #tpu.memory_space<hbm>>) target(%dma_start3A_747 : memref<128x32xf32, #tpu.memory_space<vmem>>) offsets(%dma_start3A_750 : memref<128xi32, #tpu.memory_space<vmem>>) semaphore(%arg8 : memref<!tpu.dma_semaphore, #tpu.memory_space<semaphore_mem>>)
      %broadcast_in_dim3A_758 = arith.constant 9 : i32
      %broadcast_in_dim3A_759 = vector.broadcast %broadcast_in_dim3A_758 : i32 to vector<16xi32>
      %add3A_760 = arith.constant 0 : i32
      %add3A_761 = vector.broadcast %add3A_760 : i32 to vector<16xi32>
      %add3A_762 = arith.addi %iota3A, %add3A_761 : vector<16xi32>
      %gather3A_763 = tpu.vector_load_idx %arg5[%add3A_762, %broadcast_in_dim3A_759] : memref<128x128xi32, #tpu.memory_space<vmem>>[vector<16xi32>, vector<16xi32>], vector<16xi32>,
      %swap3A_764 = arith.constant 9 : i32
      %swap3A_765 = arith.index_cast %swap3A_764 : i32 to index
      %swap3A_766 = arith.constant 0 : index
      %swap3A_767 = tpu.vector_load %arg6[%swap3A_765, %swap3A_766] {strides = array<i32>} : memref<16x128xi32, #tpu.memory_space<vmem>>, vector<16xi32>,
      tpu.vector_store %arg6[%swap3A_765, %swap3A_766], %gather3A_763 {strides = array<i32>} : memref<16x128xi32, #tpu.memory_space<vmem>>, vector<16xi32>,
      %add3A_768 = arith.constant 16 : i32
      %add3A_769 = vector.broadcast %add3A_768 : i32 to vector<16xi32>
      %add3A_770 = arith.addi %iota3A, %add3A_769 : vector<16xi32>
      %gather3A_771 = tpu.vector_load_idx %arg5[%add3A_770, %broadcast_in_dim3A_759] : memref<128x128xi32, #tpu.memory_space<vmem>>[vector<16xi32>, vector<16xi32>], vector<16xi32>,
      %swap3A_772 = arith.constant 9 : i32
      %swap3A_773 = arith.index_cast %swap3A_772 : i32 to index
      %swap3A_774 = arith.constant 16 : index
      %swap3A_775 = tpu.vector_load %arg6[%swap3A_773, %swap3A_774] {strides = array<i32>} : memref<16x128xi32, #tpu.memory_space<vmem>>, vector<16xi32>,
      tpu.vector_store %arg6[%swap3A_773, %swap3A_774], %gather3A_771 {strides = array<i32>} : memref<16x128xi32, #tpu.memory_space<vmem>>, vector<16xi32>,
      %add3A_776 = arith.constant 32 : i32
      %add3A_777 = vector.broadcast %add3A_776 : i32 to vector<16xi32>
      %add3A_778 = arith.addi %iota3A, %add3A_777 : vector<16xi32>
      %gather3A_779 = tpu.vector_load_idx %arg5[%add3A_778, %broadcast_in_dim3A_759] : memref<128x128xi32, #tpu.memory_space<vmem>>[vector<16xi32>, vector<16xi32>], vector<16xi32>,
      %swap3A_780 = arith.constant 9 : i32
      %swap3A_781 = arith.index_cast %swap3A_780 : i32 to index
      %swap3A_782 = arith.constant 32 : index
      %swap3A_783 = tpu.vector_load %arg6[%swap3A_781, %swap3A_782] {strides = array<i32>} : memref<16x128xi32, #tpu.memory_space<vmem>>, vector<16xi32>,
      tpu.vector_store %arg6[%swap3A_781, %swap3A_782], %gather3A_779 {strides = array<i32>} : memref<16x128xi32, #tpu.memory_space<vmem>>, vector<16xi32>,
      %add3A_784 = arith.constant 48 : i32
      %add3A_785 = vector.broadcast %add3A_784 : i32 to vector<16xi32>
      %add3A_786 = arith.addi %iota3A, %add3A_785 : vector<16xi32>
      %gather3A_787 = tpu.vector_load_idx %arg5[%add3A_786, %broadcast_in_dim3A_759] : memref<128x128xi32, #tpu.memory_space<vmem>>[vector<16xi32>, vector<16xi32>], vector<16xi32>,
      %swap3A_788 = arith.constant 9 : i32
      %swap3A_789 = arith.index_cast %swap3A_788 : i32 to index
      %swap3A_790 = arith.constant 48 : index
      %swap3A_791 = tpu.vector_load %arg6[%swap3A_789, %swap3A_790] {strides = array<i32>} : memref<16x128xi32, #tpu.memory_space<vmem>>, vector<16xi32>,
      tpu.vector_store %arg6[%swap3A_789, %swap3A_790], %gather3A_787 {strides = array<i32>} : memref<16x128xi32, #tpu.memory_space<vmem>>, vector<16xi32>,
      %add3A_792 = arith.constant 64 : i32
      %add3A_793 = vector.broadcast %add3A_792 : i32 to vector<16xi32>
      %add3A_794 = arith.addi %iota3A, %add3A_793 : vector<16xi32>
      %gather3A_795 = tpu.vector_load_idx %arg5[%add3A_794, %broadcast_in_dim3A_759] : memref<128x128xi32, #tpu.memory_space<vmem>>[vector<16xi32>, vector<16xi32>], vector<16xi32>,
      %swap3A_796 = arith.constant 9 : i32
      %swap3A_797 = arith.index_cast %swap3A_796 : i32 to index
      %swap3A_798 = arith.constant 64 : index
      %swap3A_799 = tpu.vector_load %arg6[%swap3A_797, %swap3A_798] {strides = array<i32>} : memref<16x128xi32, #tpu.memory_space<vmem>>, vector<16xi32>,
      tpu.vector_store %arg6[%swap3A_797, %swap3A_798], %gather3A_795 {strides = array<i32>} : memref<16x128xi32, #tpu.memory_space<vmem>>, vector<16xi32>,
      %add3A_800 = arith.constant 80 : i32
      %add3A_801 = vector.broadcast %add3A_800 : i32 to vector<16xi32>
      %add3A_802 = arith.addi %iota3A, %add3A_801 : vector<16xi32>
      %gather3A_803 = tpu.vector_load_idx %arg5[%add3A_802, %broadcast_in_dim3A_759] : memref<128x128xi32, #tpu.memory_space<vmem>>[vector<16xi32>, vector<16xi32>], vector<16xi32>,
      %swap3A_804 = arith.constant 9 : i32
      %swap3A_805 = arith.index_cast %swap3A_804 : i32 to index
      %swap3A_806 = arith.constant 80 : index
      %swap3A_807 = tpu.vector_load %arg6[%swap3A_805, %swap3A_806] {strides = array<i32>} : memref<16x128xi32, #tpu.memory_space<vmem>>, vector<16xi32>,
      tpu.vector_store %arg6[%swap3A_805, %swap3A_806], %gather3A_803 {strides = array<i32>} : memref<16x128xi32, #tpu.memory_space<vmem>>, vector<16xi32>,
      %add3A_808 = arith.constant 96 : i32
      %add3A_809 = vector.broadcast %add3A_808 : i32 to vector<16xi32>
      %add3A_810 = arith.addi %iota3A, %add3A_809 : vector<16xi32>
      %gather3A_811 = tpu.vector_load_idx %arg5[%add3A_810, %broadcast_in_dim3A_759] : memref<128x128xi32, #tpu.memory_space<vmem>>[vector<16xi32>, vector<16xi32>], vector<16xi32>,
      %swap3A_812 = arith.constant 9 : i32
      %swap3A_813 = arith.index_cast %swap3A_812 : i32 to index
      %swap3A_814 = arith.constant 96 : index
      %swap3A_815 = tpu.vector_load %arg6[%swap3A_813, %swap3A_814] {strides = array<i32>} : memref<16x128xi32, #tpu.memory_space<vmem>>, vector<16xi32>,
      tpu.vector_store %arg6[%swap3A_813, %swap3A_814], %gather3A_811 {strides = array<i32>} : memref<16x128xi32, #tpu.memory_space<vmem>>, vector<16xi32>,
      %add3A_816 = arith.constant 112 : i32
      %add3A_817 = vector.broadcast %add3A_816 : i32 to vector<16xi32>
      %add3A_818 = arith.addi %iota3A, %add3A_817 : vector<16xi32>
      %gather3A_819 = tpu.vector_load_idx %arg5[%add3A_818, %broadcast_in_dim3A_759] : memref<128x128xi32, #tpu.memory_space<vmem>>[vector<16xi32>, vector<16xi32>], vector<16xi32>,
      %swap3A_820 = arith.constant 9 : i32
      %swap3A_821 = arith.index_cast %swap3A_820 : i32 to index
      %swap3A_822 = arith.constant 112 : index
      %swap3A_823 = tpu.vector_load %arg6[%swap3A_821, %swap3A_822] {strides = array<i32>} : memref<16x128xi32, #tpu.memory_space<vmem>>, vector<16xi32>,
      tpu.vector_store %arg6[%swap3A_821, %swap3A_822], %gather3A_819 {strides = array<i32>} : memref<16x128xi32, #tpu.memory_space<vmem>>, vector<16xi32>,
      %dma_start3A_824 = arith.constant 9 : i32
      %dma_start3A_825 = arith.constant 9 : i32
      %dma_start3A_826 = arith.constant 9 : i32
      %dma_start3A_827 = arith.constant 0 : i32
      %dma_start3A_828 = arith.constant 0 : i32
      %dma_start3A_829 = tpu.memref_slice %arg7[%dma_start3A_826, %dma_start3A_827, %dma_start3A_828] : memref<16x128x32xf32, #tpu.memory_space<vmem>> -> memref<1x128x32xf32, #tpu.memory_space<vmem>>
      %dma_start3A_830 = tpu.memref_squeeze %dma_start3A_829 : memref<1x128x32xf32, #tpu.memory_space<vmem>> -> memref<128x32xf32, #tpu.memory_space<vmem>>
      %dma_start3A_831 = arith.constant 0 : i32
      %dma_start3A_832 = tpu.memref_slice %arg6[%dma_start3A_825, %dma_start3A_831] : memref<16x128xi32, #tpu.memory_space<vmem>> -> memref<1x128xi32, #tpu.memory_space<vmem>>
      %dma_start3A_833 = tpu.memref_squeeze %dma_start3A_832 : memref<1x128xi32, #tpu.memory_space<vmem>> -> memref<128xi32, #tpu.memory_space<vmem>>
      %dma_start3A_834 = arith.constant 0 : i32
      %dma_start3A_835 = arith.constant 0 : i32
      %dma_start3A_836 = tpu.memref_slice %arg2[%dma_start3A_824, %dma_start3A_834, %dma_start3A_835] : memref<16x65536x32xf32, #tpu.memory_space<hbm>> -> memref<1x65536x32xf32, #tpu.memory_space<hbm>>
      %dma_start3A_837 = tpu.memref_squeeze %dma_start3A_836 : memref<1x65536x32xf32, #tpu.memory_space<hbm>> -> memref<65536x32xf32, #tpu.memory_space<hbm>>
      %dma_start3A_838 = arith.constant 0 : i32
      %dma_start3A_839 = arith.constant 0 : i32
      %dma_start3A_840 = tpu.memref_slice %dma_start3A_837[%dma_start3A_838, %dma_start3A_839] : memref<65536x32xf32, #tpu.memory_space<hbm>> -> memref<65536x32xf32, #tpu.memory_space<hbm>>
      tpu.enqueue_indirect_dma source(%dma_start3A_840 : memref<65536x32xf32, #tpu.memory_space<hbm>>) target(%dma_start3A_830 : memref<128x32xf32, #tpu.memory_space<vmem>>) offsets(%dma_start3A_833 : memref<128xi32, #tpu.memory_space<vmem>>) semaphore(%arg8 : memref<!tpu.dma_semaphore, #tpu.memory_space<semaphore_mem>>)
      %broadcast_in_dim3A_841 = arith.constant 10 : i32
      %broadcast_in_dim3A_842 = vector.broadcast %broadcast_in_dim3A_841 : i32 to vector<16xi32>
      %add3A_843 = arith.constant 0 : i32
      %add3A_844 = vector.broadcast %add3A_843 : i32 to vector<16xi32>
      %add3A_845 = arith.addi %iota3A, %add3A_844 : vector<16xi32>
      %gather3A_846 = tpu.vector_load_idx %arg5[%add3A_845, %broadcast_in_dim3A_842] : memref<128x128xi32, #tpu.memory_space<vmem>>[vector<16xi32>, vector<16xi32>], vector<16xi32>,
      %swap3A_847 = arith.constant 10 : i32
      %swap3A_848 = arith.index_cast %swap3A_847 : i32 to index
      %swap3A_849 = arith.constant 0 : index
      %swap3A_850 = tpu.vector_load %arg6[%swap3A_848, %swap3A_849] {strides = array<i32>} : memref<16x128xi32, #tpu.memory_space<vmem>>, vector<16xi32>,
      tpu.vector_store %arg6[%swap3A_848, %swap3A_849], %gather3A_846 {strides = array<i32>} : memref<16x128xi32, #tpu.memory_space<vmem>>, vector<16xi32>,
      %add3A_851 = arith.constant 16 : i32
      %add3A_852 = vector.broadcast %add3A_851 : i32 to vector<16xi32>
      %add3A_853 = arith.addi %iota3A, %add3A_852 : vector<16xi32>
      %gather3A_854 = tpu.vector_load_idx %arg5[%add3A_853, %broadcast_in_dim3A_842] : memref<128x128xi32, #tpu.memory_space<vmem>>[vector<16xi32>, vector<16xi32>], vector<16xi32>,
      %swap3A_855 = arith.constant 10 : i32
      %swap3A_856 = arith.index_cast %swap3A_855 : i32 to index
      %swap3A_857 = arith.constant 16 : index
      %swap3A_858 = tpu.vector_load %arg6[%swap3A_856, %swap3A_857] {strides = array<i32>} : memref<16x128xi32, #tpu.memory_space<vmem>>, vector<16xi32>,
      tpu.vector_store %arg6[%swap3A_856, %swap3A_857], %gather3A_854 {strides = array<i32>} : memref<16x128xi32, #tpu.memory_space<vmem>>, vector<16xi32>,
      %add3A_859 = arith.constant 32 : i32
      %add3A_860 = vector.broadcast %add3A_859 : i32 to vector<16xi32>
      %add3A_861 = arith.addi %iota3A, %add3A_860 : vector<16xi32>
      %gather3A_862 = tpu.vector_load_idx %arg5[%add3A_861, %broadcast_in_dim3A_842] : memref<128x128xi32, #tpu.memory_space<vmem>>[vector<16xi32>, vector<16xi32>], vector<16xi32>,
      %swap3A_863 = arith.constant 10 : i32
      %swap3A_864 = arith.index_cast %swap3A_863 : i32 to index
      %swap3A_865 = arith.constant 32 : index
      %swap3A_866 = tpu.vector_load %arg6[%swap3A_864, %swap3A_865] {strides = array<i32>} : memref<16x128xi32, #tpu.memory_space<vmem>>, vector<16xi32>,
      tpu.vector_store %arg6[%swap3A_864, %swap3A_865], %gather3A_862 {strides = array<i32>} : memref<16x128xi32, #tpu.memory_space<vmem>>, vector<16xi32>,
      %add3A_867 = arith.constant 48 : i32
      %add3A_868 = vector.broadcast %add3A_867 : i32 to vector<16xi32>
      %add3A_869 = arith.addi %iota3A, %add3A_868 : vector<16xi32>
      %gather3A_870 = tpu.vector_load_idx %arg5[%add3A_869, %broadcast_in_dim3A_842] : memref<128x128xi32, #tpu.memory_space<vmem>>[vector<16xi32>, vector<16xi32>], vector<16xi32>,
      %swap3A_871 = arith.constant 10 : i32
      %swap3A_872 = arith.index_cast %swap3A_871 : i32 to index
      %swap3A_873 = arith.constant 48 : index
      %swap3A_874 = tpu.vector_load %arg6[%swap3A_872, %swap3A_873] {strides = array<i32>} : memref<16x128xi32, #tpu.memory_space<vmem>>, vector<16xi32>,
      tpu.vector_store %arg6[%swap3A_872, %swap3A_873], %gather3A_870 {strides = array<i32>} : memref<16x128xi32, #tpu.memory_space<vmem>>, vector<16xi32>,
      %add3A_875 = arith.constant 64 : i32
      %add3A_876 = vector.broadcast %add3A_875 : i32 to vector<16xi32>
      %add3A_877 = arith.addi %iota3A, %add3A_876 : vector<16xi32>
      %gather3A_878 = tpu.vector_load_idx %arg5[%add3A_877, %broadcast_in_dim3A_842] : memref<128x128xi32, #tpu.memory_space<vmem>>[vector<16xi32>, vector<16xi32>], vector<16xi32>,
      %swap3A_879 = arith.constant 10 : i32
      %swap3A_880 = arith.index_cast %swap3A_879 : i32 to index
      %swap3A_881 = arith.constant 64 : index
      %swap3A_882 = tpu.vector_load %arg6[%swap3A_880, %swap3A_881] {strides = array<i32>} : memref<16x128xi32, #tpu.memory_space<vmem>>, vector<16xi32>,
      tpu.vector_store %arg6[%swap3A_880, %swap3A_881], %gather3A_878 {strides = array<i32>} : memref<16x128xi32, #tpu.memory_space<vmem>>, vector<16xi32>,
      %add3A_883 = arith.constant 80 : i32
      %add3A_884 = vector.broadcast %add3A_883 : i32 to vector<16xi32>
      %add3A_885 = arith.addi %iota3A, %add3A_884 : vector<16xi32>
      %gather3A_886 = tpu.vector_load_idx %arg5[%add3A_885, %broadcast_in_dim3A_842] : memref<128x128xi32, #tpu.memory_space<vmem>>[vector<16xi32>, vector<16xi32>], vector<16xi32>,
      %swap3A_887 = arith.constant 10 : i32
      %swap3A_888 = arith.index_cast %swap3A_887 : i32 to index
      %swap3A_889 = arith.constant 80 : index
      %swap3A_890 = tpu.vector_load %arg6[%swap3A_888, %swap3A_889] {strides = array<i32>} : memref<16x128xi32, #tpu.memory_space<vmem>>, vector<16xi32>,
      tpu.vector_store %arg6[%swap3A_888, %swap3A_889], %gather3A_886 {strides = array<i32>} : memref<16x128xi32, #tpu.memory_space<vmem>>, vector<16xi32>,
      %add3A_891 = arith.constant 96 : i32
      %add3A_892 = vector.broadcast %add3A_891 : i32 to vector<16xi32>
      %add3A_893 = arith.addi %iota3A, %add3A_892 : vector<16xi32>
      %gather3A_894 = tpu.vector_load_idx %arg5[%add3A_893, %broadcast_in_dim3A_842] : memref<128x128xi32, #tpu.memory_space<vmem>>[vector<16xi32>, vector<16xi32>], vector<16xi32>,
      %swap3A_895 = arith.constant 10 : i32
      %swap3A_896 = arith.index_cast %swap3A_895 : i32 to index
      %swap3A_897 = arith.constant 96 : index
      %swap3A_898 = tpu.vector_load %arg6[%swap3A_896, %swap3A_897] {strides = array<i32>} : memref<16x128xi32, #tpu.memory_space<vmem>>, vector<16xi32>,
      tpu.vector_store %arg6[%swap3A_896, %swap3A_897], %gather3A_894 {strides = array<i32>} : memref<16x128xi32, #tpu.memory_space<vmem>>, vector<16xi32>,
      %add3A_899 = arith.constant 112 : i32
      %add3A_900 = vector.broadcast %add3A_899 : i32 to vector<16xi32>
      %add3A_901 = arith.addi %iota3A, %add3A_900 : vector<16xi32>
      %gather3A_902 = tpu.vector_load_idx %arg5[%add3A_901, %broadcast_in_dim3A_842] : memref<128x128xi32, #tpu.memory_space<vmem>>[vector<16xi32>, vector<16xi32>], vector<16xi32>,
      %swap3A_903 = arith.constant 10 : i32
      %swap3A_904 = arith.index_cast %swap3A_903 : i32 to index
      %swap3A_905 = arith.constant 112 : index
      %swap3A_906 = tpu.vector_load %arg6[%swap3A_904, %swap3A_905] {strides = array<i32>} : memref<16x128xi32, #tpu.memory_space<vmem>>, vector<16xi32>,
      tpu.vector_store %arg6[%swap3A_904, %swap3A_905], %gather3A_902 {strides = array<i32>} : memref<16x128xi32, #tpu.memory_space<vmem>>, vector<16xi32>,
      %dma_start3A_907 = arith.constant 10 : i32
      %dma_start3A_908 = arith.constant 10 : i32
      %dma_start3A_909 = arith.constant 10 : i32
      %dma_start3A_910 = arith.constant 0 : i32
      %dma_start3A_911 = arith.constant 0 : i32
      %dma_start3A_912 = tpu.memref_slice %arg7[%dma_start3A_909, %dma_start3A_910, %dma_start3A_911] : memref<16x128x32xf32, #tpu.memory_space<vmem>> -> memref<1x128x32xf32, #tpu.memory_space<vmem>>
      %dma_start3A_913 = tpu.memref_squeeze %dma_start3A_912 : memref<1x128x32xf32, #tpu.memory_space<vmem>> -> memref<128x32xf32, #tpu.memory_space<vmem>>
      %dma_start3A_914 = arith.constant 0 : i32
      %dma_start3A_915 = tpu.memref_slice %arg6[%dma_start3A_908, %dma_start3A_914] : memref<16x128xi32, #tpu.memory_space<vmem>> -> memref<1x128xi32, #tpu.memory_space<vmem>>
      %dma_start3A_916 = tpu.memref_squeeze %dma_start3A_915 : memref<1x128xi32, #tpu.memory_space<vmem>> -> memref<128xi32, #tpu.memory_space<vmem>>
      %dma_start3A_917 = arith.constant 0 : i32
      %dma_start3A_918 = arith.constant 0 : i32
      %dma_start3A_919 = tpu.memref_slice %arg2[%dma_start3A_907, %dma_start3A_917, %dma_start3A_918] : memref<16x65536x32xf32, #tpu.memory_space<hbm>> -> memref<1x65536x32xf32, #tpu.memory_space<hbm>>
      %dma_start3A_920 = tpu.memref_squeeze %dma_start3A_919 : memref<1x65536x32xf32, #tpu.memory_space<hbm>> -> memref<65536x32xf32, #tpu.memory_space<hbm>>
      %dma_start3A_921 = arith.constant 0 : i32
      %dma_start3A_922 = arith.constant 0 : i32
      %dma_start3A_923 = tpu.memref_slice %dma_start3A_920[%dma_start3A_921, %dma_start3A_922] : memref<65536x32xf32, #tpu.memory_space<hbm>> -> memref<65536x32xf32, #tpu.memory_space<hbm>>
      tpu.enqueue_indirect_dma source(%dma_start3A_923 : memref<65536x32xf32, #tpu.memory_space<hbm>>) target(%dma_start3A_913 : memref<128x32xf32, #tpu.memory_space<vmem>>) offsets(%dma_start3A_916 : memref<128xi32, #tpu.memory_space<vmem>>) semaphore(%arg8 : memref<!tpu.dma_semaphore, #tpu.memory_space<semaphore_mem>>)
      %broadcast_in_dim3A_924 = arith.constant 11 : i32
      %broadcast_in_dim3A_925 = vector.broadcast %broadcast_in_dim3A_924 : i32 to vector<16xi32>
      %add3A_926 = arith.constant 0 : i32
      %add3A_927 = vector.broadcast %add3A_926 : i32 to vector<16xi32>
      %add3A_928 = arith.addi %iota3A, %add3A_927 : vector<16xi32>
      %gather3A_929 = tpu.vector_load_idx %arg5[%add3A_928, %broadcast_in_dim3A_925] : memref<128x128xi32, #tpu.memory_space<vmem>>[vector<16xi32>, vector<16xi32>], vector<16xi32>,
      %swap3A_930 = arith.constant 11 : i32
      %swap3A_931 = arith.index_cast %swap3A_930 : i32 to index
      %swap3A_932 = arith.constant 0 : index
      %swap3A_933 = tpu.vector_load %arg6[%swap3A_931, %swap3A_932] {strides = array<i32>} : memref<16x128xi32, #tpu.memory_space<vmem>>, vector<16xi32>,
      tpu.vector_store %arg6[%swap3A_931, %swap3A_932], %gather3A_929 {strides = array<i32>} : memref<16x128xi32, #tpu.memory_space<vmem>>, vector<16xi32>,
      %add3A_934 = arith.constant 16 : i32
      %add3A_935 = vector.broadcast %add3A_934 : i32 to vector<16xi32>
      %add3A_936 = arith.addi %iota3A, %add3A_935 : vector<16xi32>
      %gather3A_937 = tpu.vector_load_idx %arg5[%add3A_936, %broadcast_in_dim3A_925] : memref<128x128xi32, #tpu.memory_space<vmem>>[vector<16xi32>, vector<16xi32>], vector<16xi32>,
      %swap3A_938 = arith.constant 11 : i32
      %swap3A_939 = arith.index_cast %swap3A_938 : i32 to index
      %swap3A_940 = arith.constant 16 : index
      %swap3A_941 = tpu.vector_load %arg6[%swap3A_939, %swap3A_940] {strides = array<i32>} : memref<16x128xi32, #tpu.memory_space<vmem>>, vector<16xi32>,
      tpu.vector_store %arg6[%swap3A_939, %swap3A_940], %gather3A_937 {strides = array<i32>} : memref<16x128xi32, #tpu.memory_space<vmem>>, vector<16xi32>,
      %add3A_942 = arith.constant 32 : i32
      %add3A_943 = vector.broadcast %add3A_942 : i32 to vector<16xi32>
      %add3A_944 = arith.addi %iota3A, %add3A_943 : vector<16xi32>
      %gather3A_945 = tpu.vector_load_idx %arg5[%add3A_944, %broadcast_in_dim3A_925] : memref<128x128xi32, #tpu.memory_space<vmem>>[vector<16xi32>, vector<16xi32>], vector<16xi32>,
      %swap3A_946 = arith.constant 11 : i32
      %swap3A_947 = arith.index_cast %swap3A_946 : i32 to index
      %swap3A_948 = arith.constant 32 : index
      %swap3A_949 = tpu.vector_load %arg6[%swap3A_947, %swap3A_948] {strides = array<i32>} : memref<16x128xi32, #tpu.memory_space<vmem>>, vector<16xi32>,
      tpu.vector_store %arg6[%swap3A_947, %swap3A_948], %gather3A_945 {strides = array<i32>} : memref<16x128xi32, #tpu.memory_space<vmem>>, vector<16xi32>,
      %add3A_950 = arith.constant 48 : i32
      %add3A_951 = vector.broadcast %add3A_950 : i32 to vector<16xi32>
      %add3A_952 = arith.addi %iota3A, %add3A_951 : vector<16xi32>
      %gather3A_953 = tpu.vector_load_idx %arg5[%add3A_952, %broadcast_in_dim3A_925] : memref<128x128xi32, #tpu.memory_space<vmem>>[vector<16xi32>, vector<16xi32>], vector<16xi32>,
      %swap3A_954 = arith.constant 11 : i32
      %swap3A_955 = arith.index_cast %swap3A_954 : i32 to index
      %swap3A_956 = arith.constant 48 : index
      %swap3A_957 = tpu.vector_load %arg6[%swap3A_955, %swap3A_956] {strides = array<i32>} : memref<16x128xi32, #tpu.memory_space<vmem>>, vector<16xi32>,
      tpu.vector_store %arg6[%swap3A_955, %swap3A_956], %gather3A_953 {strides = array<i32>} : memref<16x128xi32, #tpu.memory_space<vmem>>, vector<16xi32>,
      %add3A_958 = arith.constant 64 : i32
      %add3A_959 = vector.broadcast %add3A_958 : i32 to vector<16xi32>
      %add3A_960 = arith.addi %iota3A, %add3A_959 : vector<16xi32>
      %gather3A_961 = tpu.vector_load_idx %arg5[%add3A_960, %broadcast_in_dim3A_925] : memref<128x128xi32, #tpu.memory_space<vmem>>[vector<16xi32>, vector<16xi32>], vector<16xi32>,
      %swap3A_962 = arith.constant 11 : i32
      %swap3A_963 = arith.index_cast %swap3A_962 : i32 to index
      %swap3A_964 = arith.constant 64 : index
      %swap3A_965 = tpu.vector_load %arg6[%swap3A_963, %swap3A_964] {strides = array<i32>} : memref<16x128xi32, #tpu.memory_space<vmem>>, vector<16xi32>,
      tpu.vector_store %arg6[%swap3A_963, %swap3A_964], %gather3A_961 {strides = array<i32>} : memref<16x128xi32, #tpu.memory_space<vmem>>, vector<16xi32>,
      %add3A_966 = arith.constant 80 : i32
      %add3A_967 = vector.broadcast %add3A_966 : i32 to vector<16xi32>
      %add3A_968 = arith.addi %iota3A, %add3A_967 : vector<16xi32>
      %gather3A_969 = tpu.vector_load_idx %arg5[%add3A_968, %broadcast_in_dim3A_925] : memref<128x128xi32, #tpu.memory_space<vmem>>[vector<16xi32>, vector<16xi32>], vector<16xi32>,
      %swap3A_970 = arith.constant 11 : i32
      %swap3A_971 = arith.index_cast %swap3A_970 : i32 to index
      %swap3A_972 = arith.constant 80 : index
      %swap3A_973 = tpu.vector_load %arg6[%swap3A_971, %swap3A_972] {strides = array<i32>} : memref<16x128xi32, #tpu.memory_space<vmem>>, vector<16xi32>,
      tpu.vector_store %arg6[%swap3A_971, %swap3A_972], %gather3A_969 {strides = array<i32>} : memref<16x128xi32, #tpu.memory_space<vmem>>, vector<16xi32>,
      %add3A_974 = arith.constant 96 : i32
      %add3A_975 = vector.broadcast %add3A_974 : i32 to vector<16xi32>
      %add3A_976 = arith.addi %iota3A, %add3A_975 : vector<16xi32>
      %gather3A_977 = tpu.vector_load_idx %arg5[%add3A_976, %broadcast_in_dim3A_925] : memref<128x128xi32, #tpu.memory_space<vmem>>[vector<16xi32>, vector<16xi32>], vector<16xi32>,
      %swap3A_978 = arith.constant 11 : i32
      %swap3A_979 = arith.index_cast %swap3A_978 : i32 to index
      %swap3A_980 = arith.constant 96 : index
      %swap3A_981 = tpu.vector_load %arg6[%swap3A_979, %swap3A_980] {strides = array<i32>} : memref<16x128xi32, #tpu.memory_space<vmem>>, vector<16xi32>,
      tpu.vector_store %arg6[%swap3A_979, %swap3A_980], %gather3A_977 {strides = array<i32>} : memref<16x128xi32, #tpu.memory_space<vmem>>, vector<16xi32>,
      %add3A_982 = arith.constant 112 : i32
      %add3A_983 = vector.broadcast %add3A_982 : i32 to vector<16xi32>
      %add3A_984 = arith.addi %iota3A, %add3A_983 : vector<16xi32>
      %gather3A_985 = tpu.vector_load_idx %arg5[%add3A_984, %broadcast_in_dim3A_925] : memref<128x128xi32, #tpu.memory_space<vmem>>[vector<16xi32>, vector<16xi32>], vector<16xi32>,
      %swap3A_986 = arith.constant 11 : i32
      %swap3A_987 = arith.index_cast %swap3A_986 : i32 to index
      %swap3A_988 = arith.constant 112 : index
      %swap3A_989 = tpu.vector_load %arg6[%swap3A_987, %swap3A_988] {strides = array<i32>} : memref<16x128xi32, #tpu.memory_space<vmem>>, vector<16xi32>,
      tpu.vector_store %arg6[%swap3A_987, %swap3A_988], %gather3A_985 {strides = array<i32>} : memref<16x128xi32, #tpu.memory_space<vmem>>, vector<16xi32>,
      %dma_start3A_990 = arith.constant 11 : i32
      %dma_start3A_991 = arith.constant 11 : i32
      %dma_start3A_992 = arith.constant 11 : i32
      %dma_start3A_993 = arith.constant 0 : i32
      %dma_start3A_994 = arith.constant 0 : i32
      %dma_start3A_995 = tpu.memref_slice %arg7[%dma_start3A_992, %dma_start3A_993, %dma_start3A_994] : memref<16x128x32xf32, #tpu.memory_space<vmem>> -> memref<1x128x32xf32, #tpu.memory_space<vmem>>
      %dma_start3A_996 = tpu.memref_squeeze %dma_start3A_995 : memref<1x128x32xf32, #tpu.memory_space<vmem>> -> memref<128x32xf32, #tpu.memory_space<vmem>>
      %dma_start3A_997 = arith.constant 0 : i32
      %dma_start3A_998 = tpu.memref_slice %arg6[%dma_start3A_991, %dma_start3A_997] : memref<16x128xi32, #tpu.memory_space<vmem>> -> memref<1x128xi32, #tpu.memory_space<vmem>>
      %dma_start3A_999 = tpu.memref_squeeze %dma_start3A_998 : memref<1x128xi32, #tpu.memory_space<vmem>> -> memref<128xi32, #tpu.memory_space<vmem>>
      %dma_start3A_1000 = arith.constant 0 : i32
      %dma_start3A_1001 = arith.constant 0 : i32
      %dma_start3A_1002 = tpu.memref_slice %arg2[%dma_start3A_990, %dma_start3A_1000, %dma_start3A_1001] : memref<16x65536x32xf32, #tpu.memory_space<hbm>> -> memref<1x65536x32xf32, #tpu.memory_space<hbm>>
      %dma_start3A_1003 = tpu.memref_squeeze %dma_start3A_1002 : memref<1x65536x32xf32, #tpu.memory_space<hbm>> -> memref<65536x32xf32, #tpu.memory_space<hbm>>
      %dma_start3A_1004 = arith.constant 0 : i32
      %dma_start3A_1005 = arith.constant 0 : i32
      %dma_start3A_1006 = tpu.memref_slice %dma_start3A_1003[%dma_start3A_1004, %dma_start3A_1005] : memref<65536x32xf32, #tpu.memory_space<hbm>> -> memref<65536x32xf32, #tpu.memory_space<hbm>>
      tpu.enqueue_indirect_dma source(%dma_start3A_1006 : memref<65536x32xf32, #tpu.memory_space<hbm>>) target(%dma_start3A_996 : memref<128x32xf32, #tpu.memory_space<vmem>>) offsets(%dma_start3A_999 : memref<128xi32, #tpu.memory_space<vmem>>) semaphore(%arg8 : memref<!tpu.dma_semaphore, #tpu.memory_space<semaphore_mem>>)
      %broadcast_in_dim3A_1007 = arith.constant 12 : i32
      %broadcast_in_dim3A_1008 = vector.broadcast %broadcast_in_dim3A_1007 : i32 to vector<16xi32>
      %add3A_1009 = arith.constant 0 : i32
      %add3A_1010 = vector.broadcast %add3A_1009 : i32 to vector<16xi32>
      %add3A_1011 = arith.addi %iota3A, %add3A_1010 : vector<16xi32>
      %gather3A_1012 = tpu.vector_load_idx %arg5[%add3A_1011, %broadcast_in_dim3A_1008] : memref<128x128xi32, #tpu.memory_space<vmem>>[vector<16xi32>, vector<16xi32>], vector<16xi32>,
      %swap3A_1013 = arith.constant 12 : i32
      %swap3A_1014 = arith.index_cast %swap3A_1013 : i32 to index
      %swap3A_1015 = arith.constant 0 : index
      %swap3A_1016 = tpu.vector_load %arg6[%swap3A_1014, %swap3A_1015] {strides = array<i32>} : memref<16x128xi32, #tpu.memory_space<vmem>>, vector<16xi32>,
      tpu.vector_store %arg6[%swap3A_1014, %swap3A_1015], %gather3A_1012 {strides = array<i32>} : memref<16x128xi32, #tpu.memory_space<vmem>>, vector<16xi32>,
      %add3A_1017 = arith.constant 16 : i32
      %add3A_1018 = vector.broadcast %add3A_1017 : i32 to vector<16xi32>
      %add3A_1019 = arith.addi %iota3A, %add3A_1018 : vector<16xi32>
      %gather3A_1020 = tpu.vector_load_idx %arg5[%add3A_1019, %broadcast_in_dim3A_1008] : memref<128x128xi32, #tpu.memory_space<vmem>>[vector<16xi32>, vector<16xi32>], vector<16xi32>,
      %swap3A_1021 = arith.constant 12 : i32
      %swap3A_1022 = arith.index_cast %swap3A_1021 : i32 to index
      %swap3A_1023 = arith.constant 16 : index
      %swap3A_1024 = tpu.vector_load %arg6[%swap3A_1022, %swap3A_1023] {strides = array<i32>} : memref<16x128xi32, #tpu.memory_space<vmem>>, vector<16xi32>,
      tpu.vector_store %arg6[%swap3A_1022, %swap3A_1023], %gather3A_1020 {strides = array<i32>} : memref<16x128xi32, #tpu.memory_space<vmem>>, vector<16xi32>,
      %add3A_1025 = arith.constant 32 : i32
      %add3A_1026 = vector.broadcast %add3A_1025 : i32 to vector<16xi32>
      %add3A_1027 = arith.addi %iota3A, %add3A_1026 : vector<16xi32>
      %gather3A_1028 = tpu.vector_load_idx %arg5[%add3A_1027, %broadcast_in_dim3A_1008] : memref<128x128xi32, #tpu.memory_space<vmem>>[vector<16xi32>, vector<16xi32>], vector<16xi32>,
      %swap3A_1029 = arith.constant 12 : i32
      %swap3A_1030 = arith.index_cast %swap3A_1029 : i32 to index
      %swap3A_1031 = arith.constant 32 : index
      %swap3A_1032 = tpu.vector_load %arg6[%swap3A_1030, %swap3A_1031] {strides = array<i32>} : memref<16x128xi32, #tpu.memory_space<vmem>>, vector<16xi32>,
      tpu.vector_store %arg6[%swap3A_1030, %swap3A_1031], %gather3A_1028 {strides = array<i32>} : memref<16x128xi32, #tpu.memory_space<vmem>>, vector<16xi32>,
      %add3A_1033 = arith.constant 48 : i32
      %add3A_1034 = vector.broadcast %add3A_1033 : i32 to vector<16xi32>
      %add3A_1035 = arith.addi %iota3A, %add3A_1034 : vector<16xi32>
      %gather3A_1036 = tpu.vector_load_idx %arg5[%add3A_1035, %broadcast_in_dim3A_1008] : memref<128x128xi32, #tpu.memory_space<vmem>>[vector<16xi32>, vector<16xi32>], vector<16xi32>,
      %swap3A_1037 = arith.constant 12 : i32
      %swap3A_1038 = arith.index_cast %swap3A_1037 : i32 to index
      %swap3A_1039 = arith.constant 48 : index
      %swap3A_1040 = tpu.vector_load %arg6[%swap3A_1038, %swap3A_1039] {strides = array<i32>} : memref<16x128xi32, #tpu.memory_space<vmem>>, vector<16xi32>,
      tpu.vector_store %arg6[%swap3A_1038, %swap3A_1039], %gather3A_1036 {strides = array<i32>} : memref<16x128xi32, #tpu.memory_space<vmem>>, vector<16xi32>,
      %add3A_1041 = arith.constant 64 : i32
      %add3A_1042 = vector.broadcast %add3A_1041 : i32 to vector<16xi32>
      %add3A_1043 = arith.addi %iota3A, %add3A_1042 : vector<16xi32>
      %gather3A_1044 = tpu.vector_load_idx %arg5[%add3A_1043, %broadcast_in_dim3A_1008] : memref<128x128xi32, #tpu.memory_space<vmem>>[vector<16xi32>, vector<16xi32>], vector<16xi32>,
      %swap3A_1045 = arith.constant 12 : i32
      %swap3A_1046 = arith.index_cast %swap3A_1045 : i32 to index
      %swap3A_1047 = arith.constant 64 : index
      %swap3A_1048 = tpu.vector_load %arg6[%swap3A_1046, %swap3A_1047] {strides = array<i32>} : memref<16x128xi32, #tpu.memory_space<vmem>>, vector<16xi32>,
      tpu.vector_store %arg6[%swap3A_1046, %swap3A_1047], %gather3A_1044 {strides = array<i32>} : memref<16x128xi32, #tpu.memory_space<vmem>>, vector<16xi32>,
      %add3A_1049 = arith.constant 80 : i32
      %add3A_1050 = vector.broadcast %add3A_1049 : i32 to vector<16xi32>
      %add3A_1051 = arith.addi %iota3A, %add3A_1050 : vector<16xi32>
      %gather3A_1052 = tpu.vector_load_idx %arg5[%add3A_1051, %broadcast_in_dim3A_1008] : memref<128x128xi32, #tpu.memory_space<vmem>>[vector<16xi32>, vector<16xi32>], vector<16xi32>,
      %swap3A_1053 = arith.constant 12 : i32
      %swap3A_1054 = arith.index_cast %swap3A_1053 : i32 to index
      %swap3A_1055 = arith.constant 80 : index
      %swap3A_1056 = tpu.vector_load %arg6[%swap3A_1054, %swap3A_1055] {strides = array<i32>} : memref<16x128xi32, #tpu.memory_space<vmem>>, vector<16xi32>,
      tpu.vector_store %arg6[%swap3A_1054, %swap3A_1055], %gather3A_1052 {strides = array<i32>} : memref<16x128xi32, #tpu.memory_space<vmem>>, vector<16xi32>,
      %add3A_1057 = arith.constant 96 : i32
      %add3A_1058 = vector.broadcast %add3A_1057 : i32 to vector<16xi32>
      %add3A_1059 = arith.addi %iota3A, %add3A_1058 : vector<16xi32>
      %gather3A_1060 = tpu.vector_load_idx %arg5[%add3A_1059, %broadcast_in_dim3A_1008] : memref<128x128xi32, #tpu.memory_space<vmem>>[vector<16xi32>, vector<16xi32>], vector<16xi32>,
      %swap3A_1061 = arith.constant 12 : i32
      %swap3A_1062 = arith.index_cast %swap3A_1061 : i32 to index
      %swap3A_1063 = arith.constant 96 : index
      %swap3A_1064 = tpu.vector_load %arg6[%swap3A_1062, %swap3A_1063] {strides = array<i32>} : memref<16x128xi32, #tpu.memory_space<vmem>>, vector<16xi32>,
      tpu.vector_store %arg6[%swap3A_1062, %swap3A_1063], %gather3A_1060 {strides = array<i32>} : memref<16x128xi32, #tpu.memory_space<vmem>>, vector<16xi32>,
      %add3A_1065 = arith.constant 112 : i32
      %add3A_1066 = vector.broadcast %add3A_1065 : i32 to vector<16xi32>
      %add3A_1067 = arith.addi %iota3A, %add3A_1066 : vector<16xi32>
      %gather3A_1068 = tpu.vector_load_idx %arg5[%add3A_1067, %broadcast_in_dim3A_1008] : memref<128x128xi32, #tpu.memory_space<vmem>>[vector<16xi32>, vector<16xi32>], vector<16xi32>,
      %swap3A_1069 = arith.constant 12 : i32
      %swap3A_1070 = arith.index_cast %swap3A_1069 : i32 to index
      %swap3A_1071 = arith.constant 112 : index
      %swap3A_1072 = tpu.vector_load %arg6[%swap3A_1070, %swap3A_1071] {strides = array<i32>} : memref<16x128xi32, #tpu.memory_space<vmem>>, vector<16xi32>,
      tpu.vector_store %arg6[%swap3A_1070, %swap3A_1071], %gather3A_1068 {strides = array<i32>} : memref<16x128xi32, #tpu.memory_space<vmem>>, vector<16xi32>,
      %dma_start3A_1073 = arith.constant 12 : i32
      %dma_start3A_1074 = arith.constant 12 : i32
      %dma_start3A_1075 = arith.constant 12 : i32
      %dma_start3A_1076 = arith.constant 0 : i32
      %dma_start3A_1077 = arith.constant 0 : i32
      %dma_start3A_1078 = tpu.memref_slice %arg7[%dma_start3A_1075, %dma_start3A_1076, %dma_start3A_1077] : memref<16x128x32xf32, #tpu.memory_space<vmem>> -> memref<1x128x32xf32, #tpu.memory_space<vmem>>
      %dma_start3A_1079 = tpu.memref_squeeze %dma_start3A_1078 : memref<1x128x32xf32, #tpu.memory_space<vmem>> -> memref<128x32xf32, #tpu.memory_space<vmem>>
      %dma_start3A_1080 = arith.constant 0 : i32
      %dma_start3A_1081 = tpu.memref_slice %arg6[%dma_start3A_1074, %dma_start3A_1080] : memref<16x128xi32, #tpu.memory_space<vmem>> -> memref<1x128xi32, #tpu.memory_space<vmem>>
      %dma_start3A_1082 = tpu.memref_squeeze %dma_start3A_1081 : memref<1x128xi32, #tpu.memory_space<vmem>> -> memref<128xi32, #tpu.memory_space<vmem>>
      %dma_start3A_1083 = arith.constant 0 : i32
      %dma_start3A_1084 = arith.constant 0 : i32
      %dma_start3A_1085 = tpu.memref_slice %arg2[%dma_start3A_1073, %dma_start3A_1083, %dma_start3A_1084] : memref<16x65536x32xf32, #tpu.memory_space<hbm>> -> memref<1x65536x32xf32, #tpu.memory_space<hbm>>
      %dma_start3A_1086 = tpu.memref_squeeze %dma_start3A_1085 : memref<1x65536x32xf32, #tpu.memory_space<hbm>> -> memref<65536x32xf32, #tpu.memory_space<hbm>>
      %dma_start3A_1087 = arith.constant 0 : i32
      %dma_start3A_1088 = arith.constant 0 : i32
      %dma_start3A_1089 = tpu.memref_slice %dma_start3A_1086[%dma_start3A_1087, %dma_start3A_1088] : memref<65536x32xf32, #tpu.memory_space<hbm>> -> memref<65536x32xf32, #tpu.memory_space<hbm>>
      tpu.enqueue_indirect_dma source(%dma_start3A_1089 : memref<65536x32xf32, #tpu.memory_space<hbm>>) target(%dma_start3A_1079 : memref<128x32xf32, #tpu.memory_space<vmem>>) offsets(%dma_start3A_1082 : memref<128xi32, #tpu.memory_space<vmem>>) semaphore(%arg8 : memref<!tpu.dma_semaphore, #tpu.memory_space<semaphore_mem>>)
      %broadcast_in_dim3A_1090 = arith.constant 13 : i32
      %broadcast_in_dim3A_1091 = vector.broadcast %broadcast_in_dim3A_1090 : i32 to vector<16xi32>
      %add3A_1092 = arith.constant 0 : i32
      %add3A_1093 = vector.broadcast %add3A_1092 : i32 to vector<16xi32>
      %add3A_1094 = arith.addi %iota3A, %add3A_1093 : vector<16xi32>
      %gather3A_1095 = tpu.vector_load_idx %arg5[%add3A_1094, %broadcast_in_dim3A_1091] : memref<128x128xi32, #tpu.memory_space<vmem>>[vector<16xi32>, vector<16xi32>], vector<16xi32>,
      %swap3A_1096 = arith.constant 13 : i32
      %swap3A_1097 = arith.index_cast %swap3A_1096 : i32 to index
      %swap3A_1098 = arith.constant 0 : index
      %swap3A_1099 = tpu.vector_load %arg6[%swap3A_1097, %swap3A_1098] {strides = array<i32>} : memref<16x128xi32, #tpu.memory_space<vmem>>, vector<16xi32>,
      tpu.vector_store %arg6[%swap3A_1097, %swap3A_1098], %gather3A_1095 {strides = array<i32>} : memref<16x128xi32, #tpu.memory_space<vmem>>, vector<16xi32>,
      %add3A_1100 = arith.constant 16 : i32
      %add3A_1101 = vector.broadcast %add3A_1100 : i32 to vector<16xi32>
      %add3A_1102 = arith.addi %iota3A, %add3A_1101 : vector<16xi32>
      %gather3A_1103 = tpu.vector_load_idx %arg5[%add3A_1102, %broadcast_in_dim3A_1091] : memref<128x128xi32, #tpu.memory_space<vmem>>[vector<16xi32>, vector<16xi32>], vector<16xi32>,
      %swap3A_1104 = arith.constant 13 : i32
      %swap3A_1105 = arith.index_cast %swap3A_1104 : i32 to index
      %swap3A_1106 = arith.constant 16 : index
      %swap3A_1107 = tpu.vector_load %arg6[%swap3A_1105, %swap3A_1106] {strides = array<i32>} : memref<16x128xi32, #tpu.memory_space<vmem>>, vector<16xi32>,
      tpu.vector_store %arg6[%swap3A_1105, %swap3A_1106], %gather3A_1103 {strides = array<i32>} : memref<16x128xi32, #tpu.memory_space<vmem>>, vector<16xi32>,
      %add3A_1108 = arith.constant 32 : i32
      %add3A_1109 = vector.broadcast %add3A_1108 : i32 to vector<16xi32>
      %add3A_1110 = arith.addi %iota3A, %add3A_1109 : vector<16xi32>
      %gather3A_1111 = tpu.vector_load_idx %arg5[%add3A_1110, %broadcast_in_dim3A_1091] : memref<128x128xi32, #tpu.memory_space<vmem>>[vector<16xi32>, vector<16xi32>], vector<16xi32>,
      %swap3A_1112 = arith.constant 13 : i32
      %swap3A_1113 = arith.index_cast %swap3A_1112 : i32 to index
      %swap3A_1114 = arith.constant 32 : index
      %swap3A_1115 = tpu.vector_load %arg6[%swap3A_1113, %swap3A_1114] {strides = array<i32>} : memref<16x128xi32, #tpu.memory_space<vmem>>, vector<16xi32>,
      tpu.vector_store %arg6[%swap3A_1113, %swap3A_1114], %gather3A_1111 {strides = array<i32>} : memref<16x128xi32, #tpu.memory_space<vmem>>, vector<16xi32>,
      %add3A_1116 = arith.constant 48 : i32
      %add3A_1117 = vector.broadcast %add3A_1116 : i32 to vector<16xi32>
      %add3A_1118 = arith.addi %iota3A, %add3A_1117 : vector<16xi32>
      %gather3A_1119 = tpu.vector_load_idx %arg5[%add3A_1118, %broadcast_in_dim3A_1091] : memref<128x128xi32, #tpu.memory_space<vmem>>[vector<16xi32>, vector<16xi32>], vector<16xi32>,
      %swap3A_1120 = arith.constant 13 : i32
      %swap3A_1121 = arith.index_cast %swap3A_1120 : i32 to index
      %swap3A_1122 = arith.constant 48 : index
      %swap3A_1123 = tpu.vector_load %arg6[%swap3A_1121, %swap3A_1122] {strides = array<i32>} : memref<16x128xi32, #tpu.memory_space<vmem>>, vector<16xi32>,
      tpu.vector_store %arg6[%swap3A_1121, %swap3A_1122], %gather3A_1119 {strides = array<i32>} : memref<16x128xi32, #tpu.memory_space<vmem>>, vector<16xi32>,
      %add3A_1124 = arith.constant 64 : i32
      %add3A_1125 = vector.broadcast %add3A_1124 : i32 to vector<16xi32>
      %add3A_1126 = arith.addi %iota3A, %add3A_1125 : vector<16xi32>
      %gather3A_1127 = tpu.vector_load_idx %arg5[%add3A_1126, %broadcast_in_dim3A_1091] : memref<128x128xi32, #tpu.memory_space<vmem>>[vector<16xi32>, vector<16xi32>], vector<16xi32>,
      %swap3A_1128 = arith.constant 13 : i32
      %swap3A_1129 = arith.index_cast %swap3A_1128 : i32 to index
      %swap3A_1130 = arith.constant 64 : index
      %swap3A_1131 = tpu.vector_load %arg6[%swap3A_1129, %swap3A_1130] {strides = array<i32>} : memref<16x128xi32, #tpu.memory_space<vmem>>, vector<16xi32>,
      tpu.vector_store %arg6[%swap3A_1129, %swap3A_1130], %gather3A_1127 {strides = array<i32>} : memref<16x128xi32, #tpu.memory_space<vmem>>, vector<16xi32>,
      %add3A_1132 = arith.constant 80 : i32
      %add3A_1133 = vector.broadcast %add3A_1132 : i32 to vector<16xi32>
      %add3A_1134 = arith.addi %iota3A, %add3A_1133 : vector<16xi32>
      %gather3A_1135 = tpu.vector_load_idx %arg5[%add3A_1134, %broadcast_in_dim3A_1091] : memref<128x128xi32, #tpu.memory_space<vmem>>[vector<16xi32>, vector<16xi32>], vector<16xi32>,
      %swap3A_1136 = arith.constant 13 : i32
      %swap3A_1137 = arith.index_cast %swap3A_1136 : i32 to index
      %swap3A_1138 = arith.constant 80 : index
      %swap3A_1139 = tpu.vector_load %arg6[%swap3A_1137, %swap3A_1138] {strides = array<i32>} : memref<16x128xi32, #tpu.memory_space<vmem>>, vector<16xi32>,
      tpu.vector_store %arg6[%swap3A_1137, %swap3A_1138], %gather3A_1135 {strides = array<i32>} : memref<16x128xi32, #tpu.memory_space<vmem>>, vector<16xi32>,
      %add3A_1140 = arith.constant 96 : i32
      %add3A_1141 = vector.broadcast %add3A_1140 : i32 to vector<16xi32>
      %add3A_1142 = arith.addi %iota3A, %add3A_1141 : vector<16xi32>
      %gather3A_1143 = tpu.vector_load_idx %arg5[%add3A_1142, %broadcast_in_dim3A_1091] : memref<128x128xi32, #tpu.memory_space<vmem>>[vector<16xi32>, vector<16xi32>], vector<16xi32>,
      %swap3A_1144 = arith.constant 13 : i32
      %swap3A_1145 = arith.index_cast %swap3A_1144 : i32 to index
      %swap3A_1146 = arith.constant 96 : index
      %swap3A_1147 = tpu.vector_load %arg6[%swap3A_1145, %swap3A_1146] {strides = array<i32>} : memref<16x128xi32, #tpu.memory_space<vmem>>, vector<16xi32>,
      tpu.vector_store %arg6[%swap3A_1145, %swap3A_1146], %gather3A_1143 {strides = array<i32>} : memref<16x128xi32, #tpu.memory_space<vmem>>, vector<16xi32>,
      %add3A_1148 = arith.constant 112 : i32
      %add3A_1149 = vector.broadcast %add3A_1148 : i32 to vector<16xi32>
      %add3A_1150 = arith.addi %iota3A, %add3A_1149 : vector<16xi32>
      %gather3A_1151 = tpu.vector_load_idx %arg5[%add3A_1150, %broadcast_in_dim3A_1091] : memref<128x128xi32, #tpu.memory_space<vmem>>[vector<16xi32>, vector<16xi32>], vector<16xi32>,
      %swap3A_1152 = arith.constant 13 : i32
      %swap3A_1153 = arith.index_cast %swap3A_1152 : i32 to index
      %swap3A_1154 = arith.constant 112 : index
      %swap3A_1155 = tpu.vector_load %arg6[%swap3A_1153, %swap3A_1154] {strides = array<i32>} : memref<16x128xi32, #tpu.memory_space<vmem>>, vector<16xi32>,
      tpu.vector_store %arg6[%swap3A_1153, %swap3A_1154], %gather3A_1151 {strides = array<i32>} : memref<16x128xi32, #tpu.memory_space<vmem>>, vector<16xi32>,
      %dma_start3A_1156 = arith.constant 13 : i32
      %dma_start3A_1157 = arith.constant 13 : i32
      %dma_start3A_1158 = arith.constant 13 : i32
      %dma_start3A_1159 = arith.constant 0 : i32
      %dma_start3A_1160 = arith.constant 0 : i32
      %dma_start3A_1161 = tpu.memref_slice %arg7[%dma_start3A_1158, %dma_start3A_1159, %dma_start3A_1160] : memref<16x128x32xf32, #tpu.memory_space<vmem>> -> memref<1x128x32xf32, #tpu.memory_space<vmem>>
      %dma_start3A_1162 = tpu.memref_squeeze %dma_start3A_1161 : memref<1x128x32xf32, #tpu.memory_space<vmem>> -> memref<128x32xf32, #tpu.memory_space<vmem>>
      %dma_start3A_1163 = arith.constant 0 : i32
      %dma_start3A_1164 = tpu.memref_slice %arg6[%dma_start3A_1157, %dma_start3A_1163] : memref<16x128xi32, #tpu.memory_space<vmem>> -> memref<1x128xi32, #tpu.memory_space<vmem>>
      %dma_start3A_1165 = tpu.memref_squeeze %dma_start3A_1164 : memref<1x128xi32, #tpu.memory_space<vmem>> -> memref<128xi32, #tpu.memory_space<vmem>>
      %dma_start3A_1166 = arith.constant 0 : i32
      %dma_start3A_1167 = arith.constant 0 : i32
      %dma_start3A_1168 = tpu.memref_slice %arg2[%dma_start3A_1156, %dma_start3A_1166, %dma_start3A_1167] : memref<16x65536x32xf32, #tpu.memory_space<hbm>> -> memref<1x65536x32xf32, #tpu.memory_space<hbm>>
      %dma_start3A_1169 = tpu.memref_squeeze %dma_start3A_1168 : memref<1x65536x32xf32, #tpu.memory_space<hbm>> -> memref<65536x32xf32, #tpu.memory_space<hbm>>
      %dma_start3A_1170 = arith.constant 0 : i32
      %dma_start3A_1171 = arith.constant 0 : i32
      %dma_start3A_1172 = tpu.memref_slice %dma_start3A_1169[%dma_start3A_1170, %dma_start3A_1171] : memref<65536x32xf32, #tpu.memory_space<hbm>> -> memref<65536x32xf32, #tpu.memory_space<hbm>>
      tpu.enqueue_indirect_dma source(%dma_start3A_1172 : memref<65536x32xf32, #tpu.memory_space<hbm>>) target(%dma_start3A_1162 : memref<128x32xf32, #tpu.memory_space<vmem>>) offsets(%dma_start3A_1165 : memref<128xi32, #tpu.memory_space<vmem>>) semaphore(%arg8 : memref<!tpu.dma_semaphore, #tpu.memory_space<semaphore_mem>>)
      %broadcast_in_dim3A_1173 = arith.constant 14 : i32
      %broadcast_in_dim3A_1174 = vector.broadcast %broadcast_in_dim3A_1173 : i32 to vector<16xi32>
      %add3A_1175 = arith.constant 0 : i32
      %add3A_1176 = vector.broadcast %add3A_1175 : i32 to vector<16xi32>
      %add3A_1177 = arith.addi %iota3A, %add3A_1176 : vector<16xi32>
      %gather3A_1178 = tpu.vector_load_idx %arg5[%add3A_1177, %broadcast_in_dim3A_1174] : memref<128x128xi32, #tpu.memory_space<vmem>>[vector<16xi32>, vector<16xi32>], vector<16xi32>,
      %swap3A_1179 = arith.constant 14 : i32
      %swap3A_1180 = arith.index_cast %swap3A_1179 : i32 to index
      %swap3A_1181 = arith.constant 0 : index
      %swap3A_1182 = tpu.vector_load %arg6[%swap3A_1180, %swap3A_1181] {strides = array<i32>} : memref<16x128xi32, #tpu.memory_space<vmem>>, vector<16xi32>,
      tpu.vector_store %arg6[%swap3A_1180, %swap3A_1181], %gather3A_1178 {strides = array<i32>} : memref<16x128xi32, #tpu.memory_space<vmem>>, vector<16xi32>,
      %add3A_1183 = arith.constant 16 : i32
      %add3A_1184 = vector.broadcast %add3A_1183 : i32 to vector<16xi32>
      %add3A_1185 = arith.addi %iota3A, %add3A_1184 : vector<16xi32>
      %gather3A_1186 = tpu.vector_load_idx %arg5[%add3A_1185, %broadcast_in_dim3A_1174] : memref<128x128xi32, #tpu.memory_space<vmem>>[vector<16xi32>, vector<16xi32>], vector<16xi32>,
      %swap3A_1187 = arith.constant 14 : i32
      %swap3A_1188 = arith.index_cast %swap3A_1187 : i32 to index
      %swap3A_1189 = arith.constant 16 : index
      %swap3A_1190 = tpu.vector_load %arg6[%swap3A_1188, %swap3A_1189] {strides = array<i32>} : memref<16x128xi32, #tpu.memory_space<vmem>>, vector<16xi32>,
      tpu.vector_store %arg6[%swap3A_1188, %swap3A_1189], %gather3A_1186 {strides = array<i32>} : memref<16x128xi32, #tpu.memory_space<vmem>>, vector<16xi32>,
      %add3A_1191 = arith.constant 32 : i32
      %add3A_1192 = vector.broadcast %add3A_1191 : i32 to vector<16xi32>
      %add3A_1193 = arith.addi %iota3A, %add3A_1192 : vector<16xi32>
      %gather3A_1194 = tpu.vector_load_idx %arg5[%add3A_1193, %broadcast_in_dim3A_1174] : memref<128x128xi32, #tpu.memory_space<vmem>>[vector<16xi32>, vector<16xi32>], vector<16xi32>,
      %swap3A_1195 = arith.constant 14 : i32
      %swap3A_1196 = arith.index_cast %swap3A_1195 : i32 to index
      %swap3A_1197 = arith.constant 32 : index
      %swap3A_1198 = tpu.vector_load %arg6[%swap3A_1196, %swap3A_1197] {strides = array<i32>} : memref<16x128xi32, #tpu.memory_space<vmem>>, vector<16xi32>,
      tpu.vector_store %arg6[%swap3A_1196, %swap3A_1197], %gather3A_1194 {strides = array<i32>} : memref<16x128xi32, #tpu.memory_space<vmem>>, vector<16xi32>,
      %add3A_1199 = arith.constant 48 : i32
      %add3A_1200 = vector.broadcast %add3A_1199 : i32 to vector<16xi32>
      %add3A_1201 = arith.addi %iota3A, %add3A_1200 : vector<16xi32>
      %gather3A_1202 = tpu.vector_load_idx %arg5[%add3A_1201, %broadcast_in_dim3A_1174] : memref<128x128xi32, #tpu.memory_space<vmem>>[vector<16xi32>, vector<16xi32>], vector<16xi32>,
      %swap3A_1203 = arith.constant 14 : i32
      %swap3A_1204 = arith.index_cast %swap3A_1203 : i32 to index
      %swap3A_1205 = arith.constant 48 : index
      %swap3A_1206 = tpu.vector_load %arg6[%swap3A_1204, %swap3A_1205] {strides = array<i32>} : memref<16x128xi32, #tpu.memory_space<vmem>>, vector<16xi32>,
      tpu.vector_store %arg6[%swap3A_1204, %swap3A_1205], %gather3A_1202 {strides = array<i32>} : memref<16x128xi32, #tpu.memory_space<vmem>>, vector<16xi32>,
      %add3A_1207 = arith.constant 64 : i32
      %add3A_1208 = vector.broadcast %add3A_1207 : i32 to vector<16xi32>
      %add3A_1209 = arith.addi %iota3A, %add3A_1208 : vector<16xi32>
      %gather3A_1210 = tpu.vector_load_idx %arg5[%add3A_1209, %broadcast_in_dim3A_1174] : memref<128x128xi32, #tpu.memory_space<vmem>>[vector<16xi32>, vector<16xi32>], vector<16xi32>,
      %swap3A_1211 = arith.constant 14 : i32
      %swap3A_1212 = arith.index_cast %swap3A_1211 : i32 to index
      %swap3A_1213 = arith.constant 64 : index
      %swap3A_1214 = tpu.vector_load %arg6[%swap3A_1212, %swap3A_1213] {strides = array<i32>} : memref<16x128xi32, #tpu.memory_space<vmem>>, vector<16xi32>,
      tpu.vector_store %arg6[%swap3A_1212, %swap3A_1213], %gather3A_1210 {strides = array<i32>} : memref<16x128xi32, #tpu.memory_space<vmem>>, vector<16xi32>,
      %add3A_1215 = arith.constant 80 : i32
      %add3A_1216 = vector.broadcast %add3A_1215 : i32 to vector<16xi32>
      %add3A_1217 = arith.addi %iota3A, %add3A_1216 : vector<16xi32>
      %gather3A_1218 = tpu.vector_load_idx %arg5[%add3A_1217, %broadcast_in_dim3A_1174] : memref<128x128xi32, #tpu.memory_space<vmem>>[vector<16xi32>, vector<16xi32>], vector<16xi32>,
      %swap3A_1219 = arith.constant 14 : i32
      %swap3A_1220 = arith.index_cast %swap3A_1219 : i32 to index
      %swap3A_1221 = arith.constant 80 : index
      %swap3A_1222 = tpu.vector_load %arg6[%swap3A_1220, %swap3A_1221] {strides = array<i32>} : memref<16x128xi32, #tpu.memory_space<vmem>>, vector<16xi32>,
      tpu.vector_store %arg6[%swap3A_1220, %swap3A_1221], %gather3A_1218 {strides = array<i32>} : memref<16x128xi32, #tpu.memory_space<vmem>>, vector<16xi32>,
      %add3A_1223 = arith.constant 96 : i32
      %add3A_1224 = vector.broadcast %add3A_1223 : i32 to vector<16xi32>
      %add3A_1225 = arith.addi %iota3A, %add3A_1224 : vector<16xi32>
      %gather3A_1226 = tpu.vector_load_idx %arg5[%add3A_1225, %broadcast_in_dim3A_1174] : memref<128x128xi32, #tpu.memory_space<vmem>>[vector<16xi32>, vector<16xi32>], vector<16xi32>,
      %swap3A_1227 = arith.constant 14 : i32
      %swap3A_1228 = arith.index_cast %swap3A_1227 : i32 to index
      %swap3A_1229 = arith.constant 96 : index
      %swap3A_1230 = tpu.vector_load %arg6[%swap3A_1228, %swap3A_1229] {strides = array<i32>} : memref<16x128xi32, #tpu.memory_space<vmem>>, vector<16xi32>,
      tpu.vector_store %arg6[%swap3A_1228, %swap3A_1229], %gather3A_1226 {strides = array<i32>} : memref<16x128xi32, #tpu.memory_space<vmem>>, vector<16xi32>,
      %add3A_1231 = arith.constant 112 : i32
      %add3A_1232 = vector.broadcast %add3A_1231 : i32 to vector<16xi32>
      %add3A_1233 = arith.addi %iota3A, %add3A_1232 : vector<16xi32>
      %gather3A_1234 = tpu.vector_load_idx %arg5[%add3A_1233, %broadcast_in_dim3A_1174] : memref<128x128xi32, #tpu.memory_space<vmem>>[vector<16xi32>, vector<16xi32>], vector<16xi32>,
      %swap3A_1235 = arith.constant 14 : i32
      %swap3A_1236 = arith.index_cast %swap3A_1235 : i32 to index
      %swap3A_1237 = arith.constant 112 : index
      %swap3A_1238 = tpu.vector_load %arg6[%swap3A_1236, %swap3A_1237] {strides = array<i32>} : memref<16x128xi32, #tpu.memory_space<vmem>>, vector<16xi32>,
      tpu.vector_store %arg6[%swap3A_1236, %swap3A_1237], %gather3A_1234 {strides = array<i32>} : memref<16x128xi32, #tpu.memory_space<vmem>>, vector<16xi32>,
      %dma_start3A_1239 = arith.constant 14 : i32
      %dma_start3A_1240 = arith.constant 14 : i32
      %dma_start3A_1241 = arith.constant 14 : i32
      %dma_start3A_1242 = arith.constant 0 : i32
      %dma_start3A_1243 = arith.constant 0 : i32
      %dma_start3A_1244 = tpu.memref_slice %arg7[%dma_start3A_1241, %dma_start3A_1242, %dma_start3A_1243] : memref<16x128x32xf32, #tpu.memory_space<vmem>> -> memref<1x128x32xf32, #tpu.memory_space<vmem>>
      %dma_start3A_1245 = tpu.memref_squeeze %dma_start3A_1244 : memref<1x128x32xf32, #tpu.memory_space<vmem>> -> memref<128x32xf32, #tpu.memory_space<vmem>>
      %dma_start3A_1246 = arith.constant 0 : i32
      %dma_start3A_1247 = tpu.memref_slice %arg6[%dma_start3A_1240, %dma_start3A_1246] : memref<16x128xi32, #tpu.memory_space<vmem>> -> memref<1x128xi32, #tpu.memory_space<vmem>>
      %dma_start3A_1248 = tpu.memref_squeeze %dma_start3A_1247 : memref<1x128xi32, #tpu.memory_space<vmem>> -> memref<128xi32, #tpu.memory_space<vmem>>
      %dma_start3A_1249 = arith.constant 0 : i32
      %dma_start3A_1250 = arith.constant 0 : i32
      %dma_start3A_1251 = tpu.memref_slice %arg2[%dma_start3A_1239, %dma_start3A_1249, %dma_start3A_1250] : memref<16x65536x32xf32, #tpu.memory_space<hbm>> -> memref<1x65536x32xf32, #tpu.memory_space<hbm>>
      %dma_start3A_1252 = tpu.memref_squeeze %dma_start3A_1251 : memref<1x65536x32xf32, #tpu.memory_space<hbm>> -> memref<65536x32xf32, #tpu.memory_space<hbm>>
      %dma_start3A_1253 = arith.constant 0 : i32
      %dma_start3A_1254 = arith.constant 0 : i32
      %dma_start3A_1255 = tpu.memref_slice %dma_start3A_1252[%dma_start3A_1253, %dma_start3A_1254] : memref<65536x32xf32, #tpu.memory_space<hbm>> -> memref<65536x32xf32, #tpu.memory_space<hbm>>
      tpu.enqueue_indirect_dma source(%dma_start3A_1255 : memref<65536x32xf32, #tpu.memory_space<hbm>>) target(%dma_start3A_1245 : memref<128x32xf32, #tpu.memory_space<vmem>>) offsets(%dma_start3A_1248 : memref<128xi32, #tpu.memory_space<vmem>>) semaphore(%arg8 : memref<!tpu.dma_semaphore, #tpu.memory_space<semaphore_mem>>)
      %broadcast_in_dim3A_1256 = arith.constant 15 : i32
      %broadcast_in_dim3A_1257 = vector.broadcast %broadcast_in_dim3A_1256 : i32 to vector<16xi32>
      %add3A_1258 = arith.constant 0 : i32
      %add3A_1259 = vector.broadcast %add3A_1258 : i32 to vector<16xi32>
      %add3A_1260 = arith.addi %iota3A, %add3A_1259 : vector<16xi32>
      %gather3A_1261 = tpu.vector_load_idx %arg5[%add3A_1260, %broadcast_in_dim3A_1257] : memref<128x128xi32, #tpu.memory_space<vmem>>[vector<16xi32>, vector<16xi32>], vector<16xi32>,
      %swap3A_1262 = arith.constant 15 : i32
      %swap3A_1263 = arith.index_cast %swap3A_1262 : i32 to index
      %swap3A_1264 = arith.constant 0 : index
      %swap3A_1265 = tpu.vector_load %arg6[%swap3A_1263, %swap3A_1264] {strides = array<i32>} : memref<16x128xi32, #tpu.memory_space<vmem>>, vector<16xi32>,
      tpu.vector_store %arg6[%swap3A_1263, %swap3A_1264], %gather3A_1261 {strides = array<i32>} : memref<16x128xi32, #tpu.memory_space<vmem>>, vector<16xi32>,
      %add3A_1266 = arith.constant 16 : i32
      %add3A_1267 = vector.broadcast %add3A_1266 : i32 to vector<16xi32>
      %add3A_1268 = arith.addi %iota3A, %add3A_1267 : vector<16xi32>
      %gather3A_1269 = tpu.vector_load_idx %arg5[%add3A_1268, %broadcast_in_dim3A_1257] : memref<128x128xi32, #tpu.memory_space<vmem>>[vector<16xi32>, vector<16xi32>], vector<16xi32>,
      %swap3A_1270 = arith.constant 15 : i32
      %swap3A_1271 = arith.index_cast %swap3A_1270 : i32 to index
      %swap3A_1272 = arith.constant 16 : index
      %swap3A_1273 = tpu.vector_load %arg6[%swap3A_1271, %swap3A_1272] {strides = array<i32>} : memref<16x128xi32, #tpu.memory_space<vmem>>, vector<16xi32>,
      tpu.vector_store %arg6[%swap3A_1271, %swap3A_1272], %gather3A_1269 {strides = array<i32>} : memref<16x128xi32, #tpu.memory_space<vmem>>, vector<16xi32>,
      %add3A_1274 = arith.constant 32 : i32
      %add3A_1275 = vector.broadcast %add3A_1274 : i32 to vector<16xi32>
      %add3A_1276 = arith.addi %iota3A, %add3A_1275 : vector<16xi32>
      %gather3A_1277 = tpu.vector_load_idx %arg5[%add3A_1276, %broadcast_in_dim3A_1257] : memref<128x128xi32, #tpu.memory_space<vmem>>[vector<16xi32>, vector<16xi32>], vector<16xi32>,
      %swap3A_1278 = arith.constant 15 : i32
      %swap3A_1279 = arith.index_cast %swap3A_1278 : i32 to index
      %swap3A_1280 = arith.constant 32 : index
      %swap3A_1281 = tpu.vector_load %arg6[%swap3A_1279, %swap3A_1280] {strides = array<i32>} : memref<16x128xi32, #tpu.memory_space<vmem>>, vector<16xi32>,
      tpu.vector_store %arg6[%swap3A_1279, %swap3A_1280], %gather3A_1277 {strides = array<i32>} : memref<16x128xi32, #tpu.memory_space<vmem>>, vector<16xi32>,
      %add3A_1282 = arith.constant 48 : i32
      %add3A_1283 = vector.broadcast %add3A_1282 : i32 to vector<16xi32>
      %add3A_1284 = arith.addi %iota3A, %add3A_1283 : vector<16xi32>
      %gather3A_1285 = tpu.vector_load_idx %arg5[%add3A_1284, %broadcast_in_dim3A_1257] : memref<128x128xi32, #tpu.memory_space<vmem>>[vector<16xi32>, vector<16xi32>], vector<16xi32>,
      %swap3A_1286 = arith.constant 15 : i32
      %swap3A_1287 = arith.index_cast %swap3A_1286 : i32 to index
      %swap3A_1288 = arith.constant 48 : index
      %swap3A_1289 = tpu.vector_load %arg6[%swap3A_1287, %swap3A_1288] {strides = array<i32>} : memref<16x128xi32, #tpu.memory_space<vmem>>, vector<16xi32>,
      tpu.vector_store %arg6[%swap3A_1287, %swap3A_1288], %gather3A_1285 {strides = array<i32>} : memref<16x128xi32, #tpu.memory_space<vmem>>, vector<16xi32>,
      %add3A_1290 = arith.constant 64 : i32
      %add3A_1291 = vector.broadcast %add3A_1290 : i32 to vector<16xi32>
      %add3A_1292 = arith.addi %iota3A, %add3A_1291 : vector<16xi32>
      %gather3A_1293 = tpu.vector_load_idx %arg5[%add3A_1292, %broadcast_in_dim3A_1257] : memref<128x128xi32, #tpu.memory_space<vmem>>[vector<16xi32>, vector<16xi32>], vector<16xi32>,
      %swap3A_1294 = arith.constant 15 : i32
      %swap3A_1295 = arith.index_cast %swap3A_1294 : i32 to index
      %swap3A_1296 = arith.constant 64 : index
      %swap3A_1297 = tpu.vector_load %arg6[%swap3A_1295, %swap3A_1296] {strides = array<i32>} : memref<16x128xi32, #tpu.memory_space<vmem>>, vector<16xi32>,
      tpu.vector_store %arg6[%swap3A_1295, %swap3A_1296], %gather3A_1293 {strides = array<i32>} : memref<16x128xi32, #tpu.memory_space<vmem>>, vector<16xi32>,
      %add3A_1298 = arith.constant 80 : i32
      %add3A_1299 = vector.broadcast %add3A_1298 : i32 to vector<16xi32>
      %add3A_1300 = arith.addi %iota3A, %add3A_1299 : vector<16xi32>
      %gather3A_1301 = tpu.vector_load_idx %arg5[%add3A_1300, %broadcast_in_dim3A_1257] : memref<128x128xi32, #tpu.memory_space<vmem>>[vector<16xi32>, vector<16xi32>], vector<16xi32>,
      %swap3A_1302 = arith.constant 15 : i32
      %swap3A_1303 = arith.index_cast %swap3A_1302 : i32 to index
      %swap3A_1304 = arith.constant 80 : index
      %swap3A_1305 = tpu.vector_load %arg6[%swap3A_1303, %swap3A_1304] {strides = array<i32>} : memref<16x128xi32, #tpu.memory_space<vmem>>, vector<16xi32>,
      tpu.vector_store %arg6[%swap3A_1303, %swap3A_1304], %gather3A_1301 {strides = array<i32>} : memref<16x128xi32, #tpu.memory_space<vmem>>, vector<16xi32>,
      %add3A_1306 = arith.constant 96 : i32
      %add3A_1307 = vector.broadcast %add3A_1306 : i32 to vector<16xi32>
      %add3A_1308 = arith.addi %iota3A, %add3A_1307 : vector<16xi32>
      %gather3A_1309 = tpu.vector_load_idx %arg5[%add3A_1308, %broadcast_in_dim3A_1257] : memref<128x128xi32, #tpu.memory_space<vmem>>[vector<16xi32>, vector<16xi32>], vector<16xi32>,
      %swap3A_1310 = arith.constant 15 : i32
      %swap3A_1311 = arith.index_cast %swap3A_1310 : i32 to index
      %swap3A_1312 = arith.constant 96 : index
      %swap3A_1313 = tpu.vector_load %arg6[%swap3A_1311, %swap3A_1312] {strides = array<i32>} : memref<16x128xi32, #tpu.memory_space<vmem>>, vector<16xi32>,
      tpu.vector_store %arg6[%swap3A_1311, %swap3A_1312], %gather3A_1309 {strides = array<i32>} : memref<16x128xi32, #tpu.memory_space<vmem>>, vector<16xi32>,
      %add3A_1314 = arith.constant 112 : i32
      %add3A_1315 = vector.broadcast %add3A_1314 : i32 to vector<16xi32>
      %add3A_1316 = arith.addi %iota3A, %add3A_1315 : vector<16xi32>
      %gather3A_1317 = tpu.vector_load_idx %arg5[%add3A_1316, %broadcast_in_dim3A_1257] : memref<128x128xi32, #tpu.memory_space<vmem>>[vector<16xi32>, vector<16xi32>], vector<16xi32>,
      %swap3A_1318 = arith.constant 15 : i32
      %swap3A_1319 = arith.index_cast %swap3A_1318 : i32 to index
      %swap3A_1320 = arith.constant 112 : index
      %swap3A_1321 = tpu.vector_load %arg6[%swap3A_1319, %swap3A_1320] {strides = array<i32>} : memref<16x128xi32, #tpu.memory_space<vmem>>, vector<16xi32>,
      tpu.vector_store %arg6[%swap3A_1319, %swap3A_1320], %gather3A_1317 {strides = array<i32>} : memref<16x128xi32, #tpu.memory_space<vmem>>, vector<16xi32>,
      %dma_start3A_1322 = arith.constant 15 : i32
      %dma_start3A_1323 = arith.constant 15 : i32
      %dma_start3A_1324 = arith.constant 15 : i32
      %dma_start3A_1325 = arith.constant 0 : i32
      %dma_start3A_1326 = arith.constant 0 : i32
      %dma_start3A_1327 = tpu.memref_slice %arg7[%dma_start3A_1324, %dma_start3A_1325, %dma_start3A_1326] : memref<16x128x32xf32, #tpu.memory_space<vmem>> -> memref<1x128x32xf32, #tpu.memory_space<vmem>>
      %dma_start3A_1328 = tpu.memref_squeeze %dma_start3A_1327 : memref<1x128x32xf32, #tpu.memory_space<vmem>> -> memref<128x32xf32, #tpu.memory_space<vmem>>
      %dma_start3A_1329 = arith.constant 0 : i32
      %dma_start3A_1330 = tpu.memref_slice %arg6[%dma_start3A_1323, %dma_start3A_1329] : memref<16x128xi32, #tpu.memory_space<vmem>> -> memref<1x128xi32, #tpu.memory_space<vmem>>
      %dma_start3A_1331 = tpu.memref_squeeze %dma_start3A_1330 : memref<1x128xi32, #tpu.memory_space<vmem>> -> memref<128xi32, #tpu.memory_space<vmem>>
      %dma_start3A_1332 = arith.constant 0 : i32
      %dma_start3A_1333 = arith.constant 0 : i32
      %dma_start3A_1334 = tpu.memref_slice %arg2[%dma_start3A_1322, %dma_start3A_1332, %dma_start3A_1333] : memref<16x65536x32xf32, #tpu.memory_space<hbm>> -> memref<1x65536x32xf32, #tpu.memory_space<hbm>>
      %dma_start3A_1335 = tpu.memref_squeeze %dma_start3A_1334 : memref<1x65536x32xf32, #tpu.memory_space<hbm>> -> memref<65536x32xf32, #tpu.memory_space<hbm>>
      %dma_start3A_1336 = arith.constant 0 : i32
      %dma_start3A_1337 = arith.constant 0 : i32
      %dma_start3A_1338 = tpu.memref_slice %dma_start3A_1335[%dma_start3A_1336, %dma_start3A_1337] : memref<65536x32xf32, #tpu.memory_space<hbm>> -> memref<65536x32xf32, #tpu.memory_space<hbm>>
      tpu.enqueue_indirect_dma source(%dma_start3A_1338 : memref<65536x32xf32, #tpu.memory_space<hbm>>) target(%dma_start3A_1328 : memref<128x32xf32, #tpu.memory_space<vmem>>) offsets(%dma_start3A_1331 : memref<128xi32, #tpu.memory_space<vmem>>) semaphore(%arg8 : memref<!tpu.dma_semaphore, #tpu.memory_space<semaphore_mem>>)
      %dma_wait3A = arith.constant 0 : i32
      %dma_wait3A_1339 = arith.constant 0 : i32
      %dma_wait3A_1340 = arith.constant 0 : i32
      %dma_wait3A_1341 = arith.constant 0 : i32
      %dma_wait3A_1342 = arith.constant 0 : i32
      %dma_wait3A_1343 = tpu.memref_slice %arg7[%dma_wait3A_1340, %dma_wait3A_1341, %dma_wait3A_1342] : memref<16x128x32xf32, #tpu.memory_space<vmem>> -> memref<1x128x32xf32, #tpu.memory_space<vmem>>
      %dma_wait3A_1344 = tpu.memref_squeeze %dma_wait3A_1343 : memref<1x128x32xf32, #tpu.memory_space<vmem>> -> memref<128x32xf32, #tpu.memory_space<vmem>>
      %dma_wait3A_1345 = arith.constant 0 : i32
      %dma_wait3A_1346 = tpu.memref_slice %arg6[%dma_wait3A_1339, %dma_wait3A_1345] : memref<16x128xi32, #tpu.memory_space<vmem>> -> memref<1x128xi32, #tpu.memory_space<vmem>>
      %dma_wait3A_1347 = tpu.memref_squeeze %dma_wait3A_1346 : memref<1x128xi32, #tpu.memory_space<vmem>> -> memref<128xi32, #tpu.memory_space<vmem>>
      %dma_wait3A_1348 = arith.constant 0 : i32
      %dma_wait3A_1349 = arith.constant 0 : i32
      %dma_wait3A_1350 = tpu.memref_slice %arg2[%dma_wait3A, %dma_wait3A_1348, %dma_wait3A_1349] : memref<16x65536x32xf32, #tpu.memory_space<hbm>> -> memref<1x65536x32xf32, #tpu.memory_space<hbm>>
      %dma_wait3A_1351 = tpu.memref_squeeze %dma_wait3A_1350 : memref<1x65536x32xf32, #tpu.memory_space<hbm>> -> memref<65536x32xf32, #tpu.memory_space<hbm>>
      %dma_wait3A_1352 = arith.constant 0 : i32
      %dma_wait3A_1353 = arith.constant 0 : i32
      %dma_wait3A_1354 = tpu.memref_slice %dma_wait3A_1351[%dma_wait3A_1352, %dma_wait3A_1353] : memref<65536x32xf32, #tpu.memory_space<hbm>> -> memref<65536x32xf32, #tpu.memory_space<hbm>>
      tpu.wait_indirect_dma semaphore(%arg8 : memref<!tpu.dma_semaphore, #tpu.memory_space<semaphore_mem>>) src(%dma_wait3A_1354 : memref<65536x32xf32, #tpu.memory_space<hbm>>) dst(%dma_wait3A_1344 : memref<128x32xf32, #tpu.memory_space<vmem>>)
      %dma_wait3A_1355 = arith.constant 1 : i32
      %dma_wait3A_1356 = arith.constant 1 : i32
      %dma_wait3A_1357 = arith.constant 1 : i32
      %dma_wait3A_1358 = arith.constant 0 : i32
      %dma_wait3A_1359 = arith.constant 0 : i32
      %dma_wait3A_1360 = tpu.memref_slice %arg7[%dma_wait3A_1357, %dma_wait3A_1358, %dma_wait3A_1359] : memref<16x128x32xf32, #tpu.memory_space<vmem>> -> memref<1x128x32xf32, #tpu.memory_space<vmem>>
      %dma_wait3A_1361 = tpu.memref_squeeze %dma_wait3A_1360 : memref<1x128x32xf32, #tpu.memory_space<vmem>> -> memref<128x32xf32, #tpu.memory_space<vmem>>
      %dma_wait3A_1362 = arith.constant 0 : i32
      %dma_wait3A_1363 = tpu.memref_slice %arg6[%dma_wait3A_1356, %dma_wait3A_1362] : memref<16x128xi32, #tpu.memory_space<vmem>> -> memref<1x128xi32, #tpu.memory_space<vmem>>
      %dma_wait3A_1364 = tpu.memref_squeeze %dma_wait3A_1363 : memref<1x128xi32, #tpu.memory_space<vmem>> -> memref<128xi32, #tpu.memory_space<vmem>>
      %dma_wait3A_1365 = arith.constant 0 : i32
      %dma_wait3A_1366 = arith.constant 0 : i32
      %dma_wait3A_1367 = tpu.memref_slice %arg2[%dma_wait3A_1355, %dma_wait3A_1365, %dma_wait3A_1366] : memref<16x65536x32xf32, #tpu.memory_space<hbm>> -> memref<1x65536x32xf32, #tpu.memory_space<hbm>>
      %dma_wait3A_1368 = tpu.memref_squeeze %dma_wait3A_1367 : memref<1x65536x32xf32, #tpu.memory_space<hbm>> -> memref<65536x32xf32, #tpu.memory_space<hbm>>
      %dma_wait3A_1369 = arith.constant 0 : i32
      %dma_wait3A_1370 = arith.constant 0 : i32
      %dma_wait3A_1371 = tpu.memref_slice %dma_wait3A_1368[%dma_wait3A_1369, %dma_wait3A_1370] : memref<65536x32xf32, #tpu.memory_space<hbm>> -> memref<65536x32xf32, #tpu.memory_space<hbm>>
      tpu.wait_indirect_dma semaphore(%arg8 : memref<!tpu.dma_semaphore, #tpu.memory_space<semaphore_mem>>) src(%dma_wait3A_1371 : memref<65536x32xf32, #tpu.memory_space<hbm>>) dst(%dma_wait3A_1361 : memref<128x32xf32, #tpu.memory_space<vmem>>)
      %dma_wait3A_1372 = arith.constant 2 : i32
      %dma_wait3A_1373 = arith.constant 2 : i32
      %dma_wait3A_1374 = arith.constant 2 : i32
      %dma_wait3A_1375 = arith.constant 0 : i32
      %dma_wait3A_1376 = arith.constant 0 : i32
      %dma_wait3A_1377 = tpu.memref_slice %arg7[%dma_wait3A_1374, %dma_wait3A_1375, %dma_wait3A_1376] : memref<16x128x32xf32, #tpu.memory_space<vmem>> -> memref<1x128x32xf32, #tpu.memory_space<vmem>>
      %dma_wait3A_1378 = tpu.memref_squeeze %dma_wait3A_1377 : memref<1x128x32xf32, #tpu.memory_space<vmem>> -> memref<128x32xf32, #tpu.memory_space<vmem>>
      %dma_wait3A_1379 = arith.constant 0 : i32
      %dma_wait3A_1380 = tpu.memref_slice %arg6[%dma_wait3A_1373, %dma_wait3A_1379] : memref<16x128xi32, #tpu.memory_space<vmem>> -> memref<1x128xi32, #tpu.memory_space<vmem>>
      %dma_wait3A_1381 = tpu.memref_squeeze %dma_wait3A_1380 : memref<1x128xi32, #tpu.memory_space<vmem>> -> memref<128xi32, #tpu.memory_space<vmem>>
      %dma_wait3A_1382 = arith.constant 0 : i32
      %dma_wait3A_1383 = arith.constant 0 : i32
      %dma_wait3A_1384 = tpu.memref_slice %arg2[%dma_wait3A_1372, %dma_wait3A_1382, %dma_wait3A_1383] : memref<16x65536x32xf32, #tpu.memory_space<hbm>> -> memref<1x65536x32xf32, #tpu.memory_space<hbm>>
      %dma_wait3A_1385 = tpu.memref_squeeze %dma_wait3A_1384 : memref<1x65536x32xf32, #tpu.memory_space<hbm>> -> memref<65536x32xf32, #tpu.memory_space<hbm>>
      %dma_wait3A_1386 = arith.constant 0 : i32
      %dma_wait3A_1387 = arith.constant 0 : i32
      %dma_wait3A_1388 = tpu.memref_slice %dma_wait3A_1385[%dma_wait3A_1386, %dma_wait3A_1387] : memref<65536x32xf32, #tpu.memory_space<hbm>> -> memref<65536x32xf32, #tpu.memory_space<hbm>>
      tpu.wait_indirect_dma semaphore(%arg8 : memref<!tpu.dma_semaphore, #tpu.memory_space<semaphore_mem>>) src(%dma_wait3A_1388 : memref<65536x32xf32, #tpu.memory_space<hbm>>) dst(%dma_wait3A_1378 : memref<128x32xf32, #tpu.memory_space<vmem>>)
      %dma_wait3A_1389 = arith.constant 3 : i32
      %dma_wait3A_1390 = arith.constant 3 : i32
      %dma_wait3A_1391 = arith.constant 3 : i32
      %dma_wait3A_1392 = arith.constant 0 : i32
      %dma_wait3A_1393 = arith.constant 0 : i32
      %dma_wait3A_1394 = tpu.memref_slice %arg7[%dma_wait3A_1391, %dma_wait3A_1392, %dma_wait3A_1393] : memref<16x128x32xf32, #tpu.memory_space<vmem>> -> memref<1x128x32xf32, #tpu.memory_space<vmem>>
      %dma_wait3A_1395 = tpu.memref_squeeze %dma_wait3A_1394 : memref<1x128x32xf32, #tpu.memory_space<vmem>> -> memref<128x32xf32, #tpu.memory_space<vmem>>
      %dma_wait3A_1396 = arith.constant 0 : i32
      %dma_wait3A_1397 = tpu.memref_slice %arg6[%dma_wait3A_1390, %dma_wait3A_1396] : memref<16x128xi32, #tpu.memory_space<vmem>> -> memref<1x128xi32, #tpu.memory_space<vmem>>
      %dma_wait3A_1398 = tpu.memref_squeeze %dma_wait3A_1397 : memref<1x128xi32, #tpu.memory_space<vmem>> -> memref<128xi32, #tpu.memory_space<vmem>>
      %dma_wait3A_1399 = arith.constant 0 : i32
      %dma_wait3A_1400 = arith.constant 0 : i32
      %dma_wait3A_1401 = tpu.memref_slice %arg2[%dma_wait3A_1389, %dma_wait3A_1399, %dma_wait3A_1400] : memref<16x65536x32xf32, #tpu.memory_space<hbm>> -> memref<1x65536x32xf32, #tpu.memory_space<hbm>>
      %dma_wait3A_1402 = tpu.memref_squeeze %dma_wait3A_1401 : memref<1x65536x32xf32, #tpu.memory_space<hbm>> -> memref<65536x32xf32, #tpu.memory_space<hbm>>
      %dma_wait3A_1403 = arith.constant 0 : i32
      %dma_wait3A_1404 = arith.constant 0 : i32
      %dma_wait3A_1405 = tpu.memref_slice %dma_wait3A_1402[%dma_wait3A_1403, %dma_wait3A_1404] : memref<65536x32xf32, #tpu.memory_space<hbm>> -> memref<65536x32xf32, #tpu.memory_space<hbm>>
      tpu.wait_indirect_dma semaphore(%arg8 : memref<!tpu.dma_semaphore, #tpu.memory_space<semaphore_mem>>) src(%dma_wait3A_1405 : memref<65536x32xf32, #tpu.memory_space<hbm>>) dst(%dma_wait3A_1395 : memref<128x32xf32, #tpu.memory_space<vmem>>)
      %dma_wait3A_1406 = arith.constant 4 : i32
      %dma_wait3A_1407 = arith.constant 4 : i32
      %dma_wait3A_1408 = arith.constant 4 : i32
      %dma_wait3A_1409 = arith.constant 0 : i32
      %dma_wait3A_1410 = arith.constant 0 : i32
      %dma_wait3A_1411 = tpu.memref_slice %arg7[%dma_wait3A_1408, %dma_wait3A_1409, %dma_wait3A_1410] : memref<16x128x32xf32, #tpu.memory_space<vmem>> -> memref<1x128x32xf32, #tpu.memory_space<vmem>>
      %dma_wait3A_1412 = tpu.memref_squeeze %dma_wait3A_1411 : memref<1x128x32xf32, #tpu.memory_space<vmem>> -> memref<128x32xf32, #tpu.memory_space<vmem>>
      %dma_wait3A_1413 = arith.constant 0 : i32
      %dma_wait3A_1414 = tpu.memref_slice %arg6[%dma_wait3A_1407, %dma_wait3A_1413] : memref<16x128xi32, #tpu.memory_space<vmem>> -> memref<1x128xi32, #tpu.memory_space<vmem>>
      %dma_wait3A_1415 = tpu.memref_squeeze %dma_wait3A_1414 : memref<1x128xi32, #tpu.memory_space<vmem>> -> memref<128xi32, #tpu.memory_space<vmem>>
      %dma_wait3A_1416 = arith.constant 0 : i32
      %dma_wait3A_1417 = arith.constant 0 : i32
      %dma_wait3A_1418 = tpu.memref_slice %arg2[%dma_wait3A_1406, %dma_wait3A_1416, %dma_wait3A_1417] : memref<16x65536x32xf32, #tpu.memory_space<hbm>> -> memref<1x65536x32xf32, #tpu.memory_space<hbm>>
      %dma_wait3A_1419 = tpu.memref_squeeze %dma_wait3A_1418 : memref<1x65536x32xf32, #tpu.memory_space<hbm>> -> memref<65536x32xf32, #tpu.memory_space<hbm>>
      %dma_wait3A_1420 = arith.constant 0 : i32
      %dma_wait3A_1421 = arith.constant 0 : i32
      %dma_wait3A_1422 = tpu.memref_slice %dma_wait3A_1419[%dma_wait3A_1420, %dma_wait3A_1421] : memref<65536x32xf32, #tpu.memory_space<hbm>> -> memref<65536x32xf32, #tpu.memory_space<hbm>>
      tpu.wait_indirect_dma semaphore(%arg8 : memref<!tpu.dma_semaphore, #tpu.memory_space<semaphore_mem>>) src(%dma_wait3A_1422 : memref<65536x32xf32, #tpu.memory_space<hbm>>) dst(%dma_wait3A_1412 : memref<128x32xf32, #tpu.memory_space<vmem>>)
      %dma_wait3A_1423 = arith.constant 5 : i32
      %dma_wait3A_1424 = arith.constant 5 : i32
      %dma_wait3A_1425 = arith.constant 5 : i32
      %dma_wait3A_1426 = arith.constant 0 : i32
      %dma_wait3A_1427 = arith.constant 0 : i32
      %dma_wait3A_1428 = tpu.memref_slice %arg7[%dma_wait3A_1425, %dma_wait3A_1426, %dma_wait3A_1427] : memref<16x128x32xf32, #tpu.memory_space<vmem>> -> memref<1x128x32xf32, #tpu.memory_space<vmem>>
      %dma_wait3A_1429 = tpu.memref_squeeze %dma_wait3A_1428 : memref<1x128x32xf32, #tpu.memory_space<vmem>> -> memref<128x32xf32, #tpu.memory_space<vmem>>
      %dma_wait3A_1430 = arith.constant 0 : i32
      %dma_wait3A_1431 = tpu.memref_slice %arg6[%dma_wait3A_1424, %dma_wait3A_1430] : memref<16x128xi32, #tpu.memory_space<vmem>> -> memref<1x128xi32, #tpu.memory_space<vmem>>
      %dma_wait3A_1432 = tpu.memref_squeeze %dma_wait3A_1431 : memref<1x128xi32, #tpu.memory_space<vmem>> -> memref<128xi32, #tpu.memory_space<vmem>>
      %dma_wait3A_1433 = arith.constant 0 : i32
      %dma_wait3A_1434 = arith.constant 0 : i32
      %dma_wait3A_1435 = tpu.memref_slice %arg2[%dma_wait3A_1423, %dma_wait3A_1433, %dma_wait3A_1434] : memref<16x65536x32xf32, #tpu.memory_space<hbm>> -> memref<1x65536x32xf32, #tpu.memory_space<hbm>>
      %dma_wait3A_1436 = tpu.memref_squeeze %dma_wait3A_1435 : memref<1x65536x32xf32, #tpu.memory_space<hbm>> -> memref<65536x32xf32, #tpu.memory_space<hbm>>
      %dma_wait3A_1437 = arith.constant 0 : i32
      %dma_wait3A_1438 = arith.constant 0 : i32
      %dma_wait3A_1439 = tpu.memref_slice %dma_wait3A_1436[%dma_wait3A_1437, %dma_wait3A_1438] : memref<65536x32xf32, #tpu.memory_space<hbm>> -> memref<65536x32xf32, #tpu.memory_space<hbm>>
      tpu.wait_indirect_dma semaphore(%arg8 : memref<!tpu.dma_semaphore, #tpu.memory_space<semaphore_mem>>) src(%dma_wait3A_1439 : memref<65536x32xf32, #tpu.memory_space<hbm>>) dst(%dma_wait3A_1429 : memref<128x32xf32, #tpu.memory_space<vmem>>)
      %dma_wait3A_1440 = arith.constant 6 : i32
      %dma_wait3A_1441 = arith.constant 6 : i32
      %dma_wait3A_1442 = arith.constant 6 : i32
      %dma_wait3A_1443 = arith.constant 0 : i32
      %dma_wait3A_1444 = arith.constant 0 : i32
      %dma_wait3A_1445 = tpu.memref_slice %arg7[%dma_wait3A_1442, %dma_wait3A_1443, %dma_wait3A_1444] : memref<16x128x32xf32, #tpu.memory_space<vmem>> -> memref<1x128x32xf32, #tpu.memory_space<vmem>>
      %dma_wait3A_1446 = tpu.memref_squeeze %dma_wait3A_1445 : memref<1x128x32xf32, #tpu.memory_space<vmem>> -> memref<128x32xf32, #tpu.memory_space<vmem>>
      %dma_wait3A_1447 = arith.constant 0 : i32
      %dma_wait3A_1448 = tpu.memref_slice %arg6[%dma_wait3A_1441, %dma_wait3A_1447] : memref<16x128xi32, #tpu.memory_space<vmem>> -> memref<1x128xi32, #tpu.memory_space<vmem>>
      %dma_wait3A_1449 = tpu.memref_squeeze %dma_wait3A_1448 : memref<1x128xi32, #tpu.memory_space<vmem>> -> memref<128xi32, #tpu.memory_space<vmem>>
      %dma_wait3A_1450 = arith.constant 0 : i32
      %dma_wait3A_1451 = arith.constant 0 : i32
      %dma_wait3A_1452 = tpu.memref_slice %arg2[%dma_wait3A_1440, %dma_wait3A_1450, %dma_wait3A_1451] : memref<16x65536x32xf32, #tpu.memory_space<hbm>> -> memref<1x65536x32xf32, #tpu.memory_space<hbm>>
      %dma_wait3A_1453 = tpu.memref_squeeze %dma_wait3A_1452 : memref<1x65536x32xf32, #tpu.memory_space<hbm>> -> memref<65536x32xf32, #tpu.memory_space<hbm>>
      %dma_wait3A_1454 = arith.constant 0 : i32
      %dma_wait3A_1455 = arith.constant 0 : i32
      %dma_wait3A_1456 = tpu.memref_slice %dma_wait3A_1453[%dma_wait3A_1454, %dma_wait3A_1455] : memref<65536x32xf32, #tpu.memory_space<hbm>> -> memref<65536x32xf32, #tpu.memory_space<hbm>>
      tpu.wait_indirect_dma semaphore(%arg8 : memref<!tpu.dma_semaphore, #tpu.memory_space<semaphore_mem>>) src(%dma_wait3A_1456 : memref<65536x32xf32, #tpu.memory_space<hbm>>) dst(%dma_wait3A_1446 : memref<128x32xf32, #tpu.memory_space<vmem>>)
      %dma_wait3A_1457 = arith.constant 7 : i32
      %dma_wait3A_1458 = arith.constant 7 : i32
      %dma_wait3A_1459 = arith.constant 7 : i32
      %dma_wait3A_1460 = arith.constant 0 : i32
      %dma_wait3A_1461 = arith.constant 0 : i32
      %dma_wait3A_1462 = tpu.memref_slice %arg7[%dma_wait3A_1459, %dma_wait3A_1460, %dma_wait3A_1461] : memref<16x128x32xf32, #tpu.memory_space<vmem>> -> memref<1x128x32xf32, #tpu.memory_space<vmem>>
      %dma_wait3A_1463 = tpu.memref_squeeze %dma_wait3A_1462 : memref<1x128x32xf32, #tpu.memory_space<vmem>> -> memref<128x32xf32, #tpu.memory_space<vmem>>
      %dma_wait3A_1464 = arith.constant 0 : i32
      %dma_wait3A_1465 = tpu.memref_slice %arg6[%dma_wait3A_1458, %dma_wait3A_1464] : memref<16x128xi32, #tpu.memory_space<vmem>> -> memref<1x128xi32, #tpu.memory_space<vmem>>
      %dma_wait3A_1466 = tpu.memref_squeeze %dma_wait3A_1465 : memref<1x128xi32, #tpu.memory_space<vmem>> -> memref<128xi32, #tpu.memory_space<vmem>>
      %dma_wait3A_1467 = arith.constant 0 : i32
      %dma_wait3A_1468 = arith.constant 0 : i32
      %dma_wait3A_1469 = tpu.memref_slice %arg2[%dma_wait3A_1457, %dma_wait3A_1467, %dma_wait3A_1468] : memref<16x65536x32xf32, #tpu.memory_space<hbm>> -> memref<1x65536x32xf32, #tpu.memory_space<hbm>>
      %dma_wait3A_1470 = tpu.memref_squeeze %dma_wait3A_1469 : memref<1x65536x32xf32, #tpu.memory_space<hbm>> -> memref<65536x32xf32, #tpu.memory_space<hbm>>
      %dma_wait3A_1471 = arith.constant 0 : i32
      %dma_wait3A_1472 = arith.constant 0 : i32
      %dma_wait3A_1473 = tpu.memref_slice %dma_wait3A_1470[%dma_wait3A_1471, %dma_wait3A_1472] : memref<65536x32xf32, #tpu.memory_space<hbm>> -> memref<65536x32xf32, #tpu.memory_space<hbm>>
      tpu.wait_indirect_dma semaphore(%arg8 : memref<!tpu.dma_semaphore, #tpu.memory_space<semaphore_mem>>) src(%dma_wait3A_1473 : memref<65536x32xf32, #tpu.memory_space<hbm>>) dst(%dma_wait3A_1463 : memref<128x32xf32, #tpu.memory_space<vmem>>)
      %dma_wait3A_1474 = arith.constant 8 : i32
      %dma_wait3A_1475 = arith.constant 8 : i32
      %dma_wait3A_1476 = arith.constant 8 : i32
      %dma_wait3A_1477 = arith.constant 0 : i32
      %dma_wait3A_1478 = arith.constant 0 : i32
      %dma_wait3A_1479 = tpu.memref_slice %arg7[%dma_wait3A_1476, %dma_wait3A_1477, %dma_wait3A_1478] : memref<16x128x32xf32, #tpu.memory_space<vmem>> -> memref<1x128x32xf32, #tpu.memory_space<vmem>>
      %dma_wait3A_1480 = tpu.memref_squeeze %dma_wait3A_1479 : memref<1x128x32xf32, #tpu.memory_space<vmem>> -> memref<128x32xf32, #tpu.memory_space<vmem>>
      %dma_wait3A_1481 = arith.constant 0 : i32
      %dma_wait3A_1482 = tpu.memref_slice %arg6[%dma_wait3A_1475, %dma_wait3A_1481] : memref<16x128xi32, #tpu.memory_space<vmem>> -> memref<1x128xi32, #tpu.memory_space<vmem>>
      %dma_wait3A_1483 = tpu.memref_squeeze %dma_wait3A_1482 : memref<1x128xi32, #tpu.memory_space<vmem>> -> memref<128xi32, #tpu.memory_space<vmem>>
      %dma_wait3A_1484 = arith.constant 0 : i32
      %dma_wait3A_1485 = arith.constant 0 : i32
      %dma_wait3A_1486 = tpu.memref_slice %arg2[%dma_wait3A_1474, %dma_wait3A_1484, %dma_wait3A_1485] : memref<16x65536x32xf32, #tpu.memory_space<hbm>> -> memref<1x65536x32xf32, #tpu.memory_space<hbm>>
      %dma_wait3A_1487 = tpu.memref_squeeze %dma_wait3A_1486 : memref<1x65536x32xf32, #tpu.memory_space<hbm>> -> memref<65536x32xf32, #tpu.memory_space<hbm>>
      %dma_wait3A_1488 = arith.constant 0 : i32
      %dma_wait3A_1489 = arith.constant 0 : i32
      %dma_wait3A_1490 = tpu.memref_slice %dma_wait3A_1487[%dma_wait3A_1488, %dma_wait3A_1489] : memref<65536x32xf32, #tpu.memory_space<hbm>> -> memref<65536x32xf32, #tpu.memory_space<hbm>>
      tpu.wait_indirect_dma semaphore(%arg8 : memref<!tpu.dma_semaphore, #tpu.memory_space<semaphore_mem>>) src(%dma_wait3A_1490 : memref<65536x32xf32, #tpu.memory_space<hbm>>) dst(%dma_wait3A_1480 : memref<128x32xf32, #tpu.memory_space<vmem>>)
      %dma_wait3A_1491 = arith.constant 9 : i32
      %dma_wait3A_1492 = arith.constant 9 : i32
      %dma_wait3A_1493 = arith.constant 9 : i32
      %dma_wait3A_1494 = arith.constant 0 : i32
      %dma_wait3A_1495 = arith.constant 0 : i32
      %dma_wait3A_1496 = tpu.memref_slice %arg7[%dma_wait3A_1493, %dma_wait3A_1494, %dma_wait3A_1495] : memref<16x128x32xf32, #tpu.memory_space<vmem>> -> memref<1x128x32xf32, #tpu.memory_space<vmem>>
      %dma_wait3A_1497 = tpu.memref_squeeze %dma_wait3A_1496 : memref<1x128x32xf32, #tpu.memory_space<vmem>> -> memref<128x32xf32, #tpu.memory_space<vmem>>
      %dma_wait3A_1498 = arith.constant 0 : i32
      %dma_wait3A_1499 = tpu.memref_slice %arg6[%dma_wait3A_1492, %dma_wait3A_1498] : memref<16x128xi32, #tpu.memory_space<vmem>> -> memref<1x128xi32, #tpu.memory_space<vmem>>
      %dma_wait3A_1500 = tpu.memref_squeeze %dma_wait3A_1499 : memref<1x128xi32, #tpu.memory_space<vmem>> -> memref<128xi32, #tpu.memory_space<vmem>>
      %dma_wait3A_1501 = arith.constant 0 : i32
      %dma_wait3A_1502 = arith.constant 0 : i32
      %dma_wait3A_1503 = tpu.memref_slice %arg2[%dma_wait3A_1491, %dma_wait3A_1501, %dma_wait3A_1502] : memref<16x65536x32xf32, #tpu.memory_space<hbm>> -> memref<1x65536x32xf32, #tpu.memory_space<hbm>>
      %dma_wait3A_1504 = tpu.memref_squeeze %dma_wait3A_1503 : memref<1x65536x32xf32, #tpu.memory_space<hbm>> -> memref<65536x32xf32, #tpu.memory_space<hbm>>
      %dma_wait3A_1505 = arith.constant 0 : i32
      %dma_wait3A_1506 = arith.constant 0 : i32
      %dma_wait3A_1507 = tpu.memref_slice %dma_wait3A_1504[%dma_wait3A_1505, %dma_wait3A_1506] : memref<65536x32xf32, #tpu.memory_space<hbm>> -> memref<65536x32xf32, #tpu.memory_space<hbm>>
      tpu.wait_indirect_dma semaphore(%arg8 : memref<!tpu.dma_semaphore, #tpu.memory_space<semaphore_mem>>) src(%dma_wait3A_1507 : memref<65536x32xf32, #tpu.memory_space<hbm>>) dst(%dma_wait3A_1497 : memref<128x32xf32, #tpu.memory_space<vmem>>)
      %dma_wait3A_1508 = arith.constant 10 : i32
      %dma_wait3A_1509 = arith.constant 10 : i32
      %dma_wait3A_1510 = arith.constant 10 : i32
      %dma_wait3A_1511 = arith.constant 0 : i32
      %dma_wait3A_1512 = arith.constant 0 : i32
      %dma_wait3A_1513 = tpu.memref_slice %arg7[%dma_wait3A_1510, %dma_wait3A_1511, %dma_wait3A_1512] : memref<16x128x32xf32, #tpu.memory_space<vmem>> -> memref<1x128x32xf32, #tpu.memory_space<vmem>>
      %dma_wait3A_1514 = tpu.memref_squeeze %dma_wait3A_1513 : memref<1x128x32xf32, #tpu.memory_space<vmem>> -> memref<128x32xf32, #tpu.memory_space<vmem>>
      %dma_wait3A_1515 = arith.constant 0 : i32
      %dma_wait3A_1516 = tpu.memref_slice %arg6[%dma_wait3A_1509, %dma_wait3A_1515] : memref<16x128xi32, #tpu.memory_space<vmem>> -> memref<1x128xi32, #tpu.memory_space<vmem>>
      %dma_wait3A_1517 = tpu.memref_squeeze %dma_wait3A_1516 : memref<1x128xi32, #tpu.memory_space<vmem>> -> memref<128xi32, #tpu.memory_space<vmem>>
      %dma_wait3A_1518 = arith.constant 0 : i32
      %dma_wait3A_1519 = arith.constant 0 : i32
      %dma_wait3A_1520 = tpu.memref_slice %arg2[%dma_wait3A_1508, %dma_wait3A_1518, %dma_wait3A_1519] : memref<16x65536x32xf32, #tpu.memory_space<hbm>> -> memref<1x65536x32xf32, #tpu.memory_space<hbm>>
      %dma_wait3A_1521 = tpu.memref_squeeze %dma_wait3A_1520 : memref<1x65536x32xf32, #tpu.memory_space<hbm>> -> memref<65536x32xf32, #tpu.memory_space<hbm>>
      %dma_wait3A_1522 = arith.constant 0 : i32
      %dma_wait3A_1523 = arith.constant 0 : i32
      %dma_wait3A_1524 = tpu.memref_slice %dma_wait3A_1521[%dma_wait3A_1522, %dma_wait3A_1523] : memref<65536x32xf32, #tpu.memory_space<hbm>> -> memref<65536x32xf32, #tpu.memory_space<hbm>>
      tpu.wait_indirect_dma semaphore(%arg8 : memref<!tpu.dma_semaphore, #tpu.memory_space<semaphore_mem>>) src(%dma_wait3A_1524 : memref<65536x32xf32, #tpu.memory_space<hbm>>) dst(%dma_wait3A_1514 : memref<128x32xf32, #tpu.memory_space<vmem>>)
      %dma_wait3A_1525 = arith.constant 11 : i32
      %dma_wait3A_1526 = arith.constant 11 : i32
      %dma_wait3A_1527 = arith.constant 11 : i32
      %dma_wait3A_1528 = arith.constant 0 : i32
      %dma_wait3A_1529 = arith.constant 0 : i32
      %dma_wait3A_1530 = tpu.memref_slice %arg7[%dma_wait3A_1527, %dma_wait3A_1528, %dma_wait3A_1529] : memref<16x128x32xf32, #tpu.memory_space<vmem>> -> memref<1x128x32xf32, #tpu.memory_space<vmem>>
      %dma_wait3A_1531 = tpu.memref_squeeze %dma_wait3A_1530 : memref<1x128x32xf32, #tpu.memory_space<vmem>> -> memref<128x32xf32, #tpu.memory_space<vmem>>
      %dma_wait3A_1532 = arith.constant 0 : i32
      %dma_wait3A_1533 = tpu.memref_slice %arg6[%dma_wait3A_1526, %dma_wait3A_1532] : memref<16x128xi32, #tpu.memory_space<vmem>> -> memref<1x128xi32, #tpu.memory_space<vmem>>
      %dma_wait3A_1534 = tpu.memref_squeeze %dma_wait3A_1533 : memref<1x128xi32, #tpu.memory_space<vmem>> -> memref<128xi32, #tpu.memory_space<vmem>>
      %dma_wait3A_1535 = arith.constant 0 : i32
      %dma_wait3A_1536 = arith.constant 0 : i32
      %dma_wait3A_1537 = tpu.memref_slice %arg2[%dma_wait3A_1525, %dma_wait3A_1535, %dma_wait3A_1536] : memref<16x65536x32xf32, #tpu.memory_space<hbm>> -> memref<1x65536x32xf32, #tpu.memory_space<hbm>>
      %dma_wait3A_1538 = tpu.memref_squeeze %dma_wait3A_1537 : memref<1x65536x32xf32, #tpu.memory_space<hbm>> -> memref<65536x32xf32, #tpu.memory_space<hbm>>
      %dma_wait3A_1539 = arith.constant 0 : i32
      %dma_wait3A_1540 = arith.constant 0 : i32
      %dma_wait3A_1541 = tpu.memref_slice %dma_wait3A_1538[%dma_wait3A_1539, %dma_wait3A_1540] : memref<65536x32xf32, #tpu.memory_space<hbm>> -> memref<65536x32xf32, #tpu.memory_space<hbm>>
      tpu.wait_indirect_dma semaphore(%arg8 : memref<!tpu.dma_semaphore, #tpu.memory_space<semaphore_mem>>) src(%dma_wait3A_1541 : memref<65536x32xf32, #tpu.memory_space<hbm>>) dst(%dma_wait3A_1531 : memref<128x32xf32, #tpu.memory_space<vmem>>)
      %dma_wait3A_1542 = arith.constant 12 : i32
      %dma_wait3A_1543 = arith.constant 12 : i32
      %dma_wait3A_1544 = arith.constant 12 : i32
      %dma_wait3A_1545 = arith.constant 0 : i32
      %dma_wait3A_1546 = arith.constant 0 : i32
      %dma_wait3A_1547 = tpu.memref_slice %arg7[%dma_wait3A_1544, %dma_wait3A_1545, %dma_wait3A_1546] : memref<16x128x32xf32, #tpu.memory_space<vmem>> -> memref<1x128x32xf32, #tpu.memory_space<vmem>>
      %dma_wait3A_1548 = tpu.memref_squeeze %dma_wait3A_1547 : memref<1x128x32xf32, #tpu.memory_space<vmem>> -> memref<128x32xf32, #tpu.memory_space<vmem>>
      %dma_wait3A_1549 = arith.constant 0 : i32
      %dma_wait3A_1550 = tpu.memref_slice %arg6[%dma_wait3A_1543, %dma_wait3A_1549] : memref<16x128xi32, #tpu.memory_space<vmem>> -> memref<1x128xi32, #tpu.memory_space<vmem>>
      %dma_wait3A_1551 = tpu.memref_squeeze %dma_wait3A_1550 : memref<1x128xi32, #tpu.memory_space<vmem>> -> memref<128xi32, #tpu.memory_space<vmem>>
      %dma_wait3A_1552 = arith.constant 0 : i32
      %dma_wait3A_1553 = arith.constant 0 : i32
      %dma_wait3A_1554 = tpu.memref_slice %arg2[%dma_wait3A_1542, %dma_wait3A_1552, %dma_wait3A_1553] : memref<16x65536x32xf32, #tpu.memory_space<hbm>> -> memref<1x65536x32xf32, #tpu.memory_space<hbm>>
      %dma_wait3A_1555 = tpu.memref_squeeze %dma_wait3A_1554 : memref<1x65536x32xf32, #tpu.memory_space<hbm>> -> memref<65536x32xf32, #tpu.memory_space<hbm>>
      %dma_wait3A_1556 = arith.constant 0 : i32
      %dma_wait3A_1557 = arith.constant 0 : i32
      %dma_wait3A_1558 = tpu.memref_slice %dma_wait3A_1555[%dma_wait3A_1556, %dma_wait3A_1557] : memref<65536x32xf32, #tpu.memory_space<hbm>> -> memref<65536x32xf32, #tpu.memory_space<hbm>>
      tpu.wait_indirect_dma semaphore(%arg8 : memref<!tpu.dma_semaphore, #tpu.memory_space<semaphore_mem>>) src(%dma_wait3A_1558 : memref<65536x32xf32, #tpu.memory_space<hbm>>) dst(%dma_wait3A_1548 : memref<128x32xf32, #tpu.memory_space<vmem>>)
      %dma_wait3A_1559 = arith.constant 13 : i32
      %dma_wait3A_1560 = arith.constant 13 : i32
      %dma_wait3A_1561 = arith.constant 13 : i32
      %dma_wait3A_1562 = arith.constant 0 : i32
      %dma_wait3A_1563 = arith.constant 0 : i32
      %dma_wait3A_1564 = tpu.memref_slice %arg7[%dma_wait3A_1561, %dma_wait3A_1562, %dma_wait3A_1563] : memref<16x128x32xf32, #tpu.memory_space<vmem>> -> memref<1x128x32xf32, #tpu.memory_space<vmem>>
      %dma_wait3A_1565 = tpu.memref_squeeze %dma_wait3A_1564 : memref<1x128x32xf32, #tpu.memory_space<vmem>> -> memref<128x32xf32, #tpu.memory_space<vmem>>
      %dma_wait3A_1566 = arith.constant 0 : i32
      %dma_wait3A_1567 = tpu.memref_slice %arg6[%dma_wait3A_1560, %dma_wait3A_1566] : memref<16x128xi32, #tpu.memory_space<vmem>> -> memref<1x128xi32, #tpu.memory_space<vmem>>
      %dma_wait3A_1568 = tpu.memref_squeeze %dma_wait3A_1567 : memref<1x128xi32, #tpu.memory_space<vmem>> -> memref<128xi32, #tpu.memory_space<vmem>>
      %dma_wait3A_1569 = arith.constant 0 : i32
      %dma_wait3A_1570 = arith.constant 0 : i32
      %dma_wait3A_1571 = tpu.memref_slice %arg2[%dma_wait3A_1559, %dma_wait3A_1569, %dma_wait3A_1570] : memref<16x65536x32xf32, #tpu.memory_space<hbm>> -> memref<1x65536x32xf32, #tpu.memory_space<hbm>>
      %dma_wait3A_1572 = tpu.memref_squeeze %dma_wait3A_1571 : memref<1x65536x32xf32, #tpu.memory_space<hbm>> -> memref<65536x32xf32, #tpu.memory_space<hbm>>
      %dma_wait3A_1573 = arith.constant 0 : i32
      %dma_wait3A_1574 = arith.constant 0 : i32
      %dma_wait3A_1575 = tpu.memref_slice %dma_wait3A_1572[%dma_wait3A_1573, %dma_wait3A_1574] : memref<65536x32xf32, #tpu.memory_space<hbm>> -> memref<65536x32xf32, #tpu.memory_space<hbm>>
      tpu.wait_indirect_dma semaphore(%arg8 : memref<!tpu.dma_semaphore, #tpu.memory_space<semaphore_mem>>) src(%dma_wait3A_1575 : memref<65536x32xf32, #tpu.memory_space<hbm>>) dst(%dma_wait3A_1565 : memref<128x32xf32, #tpu.memory_space<vmem>>)
      %dma_wait3A_1576 = arith.constant 14 : i32
      %dma_wait3A_1577 = arith.constant 14 : i32
      %dma_wait3A_1578 = arith.constant 14 : i32
      %dma_wait3A_1579 = arith.constant 0 : i32
      %dma_wait3A_1580 = arith.constant 0 : i32
      %dma_wait3A_1581 = tpu.memref_slice %arg7[%dma_wait3A_1578, %dma_wait3A_1579, %dma_wait3A_1580] : memref<16x128x32xf32, #tpu.memory_space<vmem>> -> memref<1x128x32xf32, #tpu.memory_space<vmem>>
      %dma_wait3A_1582 = tpu.memref_squeeze %dma_wait3A_1581 : memref<1x128x32xf32, #tpu.memory_space<vmem>> -> memref<128x32xf32, #tpu.memory_space<vmem>>
      %dma_wait3A_1583 = arith.constant 0 : i32
      %dma_wait3A_1584 = tpu.memref_slice %arg6[%dma_wait3A_1577, %dma_wait3A_1583] : memref<16x128xi32, #tpu.memory_space<vmem>> -> memref<1x128xi32, #tpu.memory_space<vmem>>
      %dma_wait3A_1585 = tpu.memref_squeeze %dma_wait3A_1584 : memref<1x128xi32, #tpu.memory_space<vmem>> -> memref<128xi32, #tpu.memory_space<vmem>>
      %dma_wait3A_1586 = arith.constant 0 : i32
      %dma_wait3A_1587 = arith.constant 0 : i32
      %dma_wait3A_1588 = tpu.memref_slice %arg2[%dma_wait3A_1576, %dma_wait3A_1586, %dma_wait3A_1587] : memref<16x65536x32xf32, #tpu.memory_space<hbm>> -> memref<1x65536x32xf32, #tpu.memory_space<hbm>>
      %dma_wait3A_1589 = tpu.memref_squeeze %dma_wait3A_1588 : memref<1x65536x32xf32, #tpu.memory_space<hbm>> -> memref<65536x32xf32, #tpu.memory_space<hbm>>
      %dma_wait3A_1590 = arith.constant 0 : i32
      %dma_wait3A_1591 = arith.constant 0 : i32
      %dma_wait3A_1592 = tpu.memref_slice %dma_wait3A_1589[%dma_wait3A_1590, %dma_wait3A_1591] : memref<65536x32xf32, #tpu.memory_space<hbm>> -> memref<65536x32xf32, #tpu.memory_space<hbm>>
      tpu.wait_indirect_dma semaphore(%arg8 : memref<!tpu.dma_semaphore, #tpu.memory_space<semaphore_mem>>) src(%dma_wait3A_1592 : memref<65536x32xf32, #tpu.memory_space<hbm>>) dst(%dma_wait3A_1582 : memref<128x32xf32, #tpu.memory_space<vmem>>)
      %dma_wait3A_1593 = arith.constant 15 : i32
      %dma_wait3A_1594 = arith.constant 15 : i32
      %dma_wait3A_1595 = arith.constant 15 : i32
      %dma_wait3A_1596 = arith.constant 0 : i32
      %dma_wait3A_1597 = arith.constant 0 : i32
      %dma_wait3A_1598 = tpu.memref_slice %arg7[%dma_wait3A_1595, %dma_wait3A_1596, %dma_wait3A_1597] : memref<16x128x32xf32, #tpu.memory_space<vmem>> -> memref<1x128x32xf32, #tpu.memory_space<vmem>>
      %dma_wait3A_1599 = tpu.memref_squeeze %dma_wait3A_1598 : memref<1x128x32xf32, #tpu.memory_space<vmem>> -> memref<128x32xf32, #tpu.memory_space<vmem>>
      %dma_wait3A_1600 = arith.constant 0 : i32
      %dma_wait3A_1601 = tpu.memref_slice %arg6[%dma_wait3A_1594, %dma_wait3A_1600] : memref<16x128xi32, #tpu.memory_space<vmem>> -> memref<1x128xi32, #tpu.memory_space<vmem>>
      %dma_wait3A_1602 = tpu.memref_squeeze %dma_wait3A_1601 : memref<1x128xi32, #tpu.memory_space<vmem>> -> memref<128xi32, #tpu.memory_space<vmem>>
      %dma_wait3A_1603 = arith.constant 0 : i32
      %dma_wait3A_1604 = arith.constant 0 : i32
      %dma_wait3A_1605 = tpu.memref_slice %arg2[%dma_wait3A_1593, %dma_wait3A_1603, %dma_wait3A_1604] : memref<16x65536x32xf32, #tpu.memory_space<hbm>> -> memref<1x65536x32xf32, #tpu.memory_space<hbm>>
      %dma_wait3A_1606 = tpu.memref_squeeze %dma_wait3A_1605 : memref<1x65536x32xf32, #tpu.memory_space<hbm>> -> memref<65536x32xf32, #tpu.memory_space<hbm>>
      %dma_wait3A_1607 = arith.constant 0 : i32
      %dma_wait3A_1608 = arith.constant 0 : i32
      %dma_wait3A_1609 = tpu.memref_slice %dma_wait3A_1606[%dma_wait3A_1607, %dma_wait3A_1608] : memref<65536x32xf32, #tpu.memory_space<hbm>> -> memref<65536x32xf32, #tpu.memory_space<hbm>>
      tpu.wait_indirect_dma semaphore(%arg8 : memref<!tpu.dma_semaphore, #tpu.memory_space<semaphore_mem>>) src(%dma_wait3A_1609 : memref<65536x32xf32, #tpu.memory_space<hbm>>) dst(%dma_wait3A_1599 : memref<128x32xf32, #tpu.memory_space<vmem>>)
      %add3A_1610 = arith.constant 0 : i32
      %add3A_1611 = arith.addi %add3A_1610, %add3A_14 : i32
      %run_scoped3A = arith.constant 0 : i32
      "tpu.region"() ({
        %run_scoped3A_1657 = tpu.sem_alloc : memref<!tpu.dma_semaphore, #tpu.memory_space<semaphore_mem>>
        %dma_start3A_1658 = arith.constant 0 : i32
        %dma_start3A_1659 = arith.constant 0 : i32
        %dma_start3A_1660 = tpu.memref_slice %arg7[%run_scoped3A, %dma_start3A_1658, %dma_start3A_1659] : memref<16x128x32xf32, #tpu.memory_space<vmem>> -> memref<1x128x32xf32, #tpu.memory_space<vmem>>
        %dma_start3A_1661 = tpu.memref_squeeze %dma_start3A_1660 : memref<1x128x32xf32, #tpu.memory_space<vmem>> -> memref<128x32xf32, #tpu.memory_space<vmem>>
        %dma_start3A_1662 = arith.constant 0 : i32
        %dma_start3A_1663 = tpu.memref_slice %arg4[%add3A_1611, %dma_start3A_1662] : memref<65536x128xf32, #tpu.memory_space<hbm>> -> memref<128x32xf32, #tpu.memory_space<hbm>>
        %dma_start3A_1664 = arith.constant 0 : i32
        %dma_start3A_1665 = tpu.memref_slice %arg4[%add3A_1611, %dma_start3A_1664] : memref<65536x128xf32, #tpu.memory_space<hbm>> -> memref<128x32xf32, #tpu.memory_space<hbm>>
        %dma_start3A_1666 = arith.constant 0 : i32
        %dma_start3A_1667 = arith.constant 0 : i32
        %dma_start3A_1668 = tpu.memref_slice %arg7[%run_scoped3A, %dma_start3A_1666, %dma_start3A_1667] : memref<16x128x32xf32, #tpu.memory_space<vmem>> -> memref<1x128x32xf32, #tpu.memory_space<vmem>>
        %dma_start3A_1669 = tpu.memref_squeeze %dma_start3A_1668 : memref<1x128x32xf32, #tpu.memory_space<vmem>> -> memref<128x32xf32, #tpu.memory_space<vmem>>
        tpu.enqueue_dma source(%dma_start3A_1669 : memref<128x32xf32, #tpu.memory_space<vmem>>) target(%dma_start3A_1665 : memref<128x32xf32, #tpu.memory_space<hbm>>) target_semaphore(%run_scoped3A_1657 : memref<!tpu.dma_semaphore, #tpu.memory_space<semaphore_mem>>)
        %dma_wait3A_1670 = arith.constant 0 : i32
        %dma_wait3A_1671 = arith.constant 0 : i32
        %dma_wait3A_1672 = tpu.memref_slice %arg7[%run_scoped3A, %dma_wait3A_1670, %dma_wait3A_1671] : memref<16x128x32xf32, #tpu.memory_space<vmem>> -> memref<1x128x32xf32, #tpu.memory_space<vmem>>
        %dma_wait3A_1673 = tpu.memref_squeeze %dma_wait3A_1672 : memref<1x128x32xf32, #tpu.memory_space<vmem>> -> memref<128x32xf32, #tpu.memory_space<vmem>>
        %dma_wait3A_1674 = arith.constant 0 : i32
        %dma_wait3A_1675 = tpu.memref_slice %arg4[%add3A_1611, %dma_wait3A_1674] : memref<65536x128xf32, #tpu.memory_space<hbm>> -> memref<128x32xf32, #tpu.memory_space<hbm>>
        %dma_wait3A_1676 = arith.constant 0 : i32
        %dma_wait3A_1677 = tpu.memref_slice %arg4[%add3A_1611, %dma_wait3A_1676] : memref<65536x128xf32, #tpu.memory_space<hbm>> -> memref<128x32xf32, #tpu.memory_space<hbm>>
        %dma_wait3A_1678 = arith.constant 0 : i32
        %dma_wait3A_1679 = arith.constant 0 : i32
        %dma_wait3A_1680 = tpu.memref_slice %arg7[%run_scoped3A, %dma_wait3A_1678, %dma_wait3A_1679] : memref<16x128x32xf32, #tpu.memory_space<vmem>> -> memref<1x128x32xf32, #tpu.memory_space<vmem>>
        %dma_wait3A_1681 = tpu.memref_squeeze %dma_wait3A_1680 : memref<1x128x32xf32, #tpu.memory_space<vmem>> -> memref<128x32xf32, #tpu.memory_space<vmem>>
        tpu.wait_dma2 semaphore(%run_scoped3A_1657 : memref<!tpu.dma_semaphore, #tpu.memory_space<semaphore_mem>>) src(%dma_wait3A_1681 : memref<128x32xf32, #tpu.memory_space<vmem>>) dst(%dma_wait3A_1677 : memref<128x32xf32, #tpu.memory_space<hbm>>)
        tpu.yield
      }) : () -> ()
      %add3A_1612 = arith.constant 0 : i32
      %add3A_1613 = arith.addi %add3A_1612, %add3A_14 : i32
      %run_scoped3A_1614 = arith.constant 1 : i32
      "tpu.region"() ({
        %run_scoped3A_1657 = tpu.sem_alloc : memref<!tpu.dma_semaphore, #tpu.memory_space<semaphore_mem>>
        %dma_start3A_1658 = arith.constant 0 : i32
        %dma_start3A_1659 = arith.constant 0 : i32
        %dma_start3A_1660 = tpu.memref_slice %arg7[%run_scoped3A_1614, %dma_start3A_1658, %dma_start3A_1659] : memref<16x128x32xf32, #tpu.memory_space<vmem>> -> memref<1x128x32xf32, #tpu.memory_space<vmem>>
        %dma_start3A_1661 = tpu.memref_squeeze %dma_start3A_1660 : memref<1x128x32xf32, #tpu.memory_space<vmem>> -> memref<128x32xf32, #tpu.memory_space<vmem>>
        %dma_start3A_1662 = arith.constant 32 : i32
        %dma_start3A_1663 = tpu.memref_slice %arg4[%add3A_1613, %dma_start3A_1662] : memref<65536x128xf32, #tpu.memory_space<hbm>> -> memref<128x32xf32, #tpu.memory_space<hbm>>
        %dma_start3A_1664 = arith.constant 32 : i32
        %dma_start3A_1665 = tpu.memref_slice %arg4[%add3A_1613, %dma_start3A_1664] : memref<65536x128xf32, #tpu.memory_space<hbm>> -> memref<128x32xf32, #tpu.memory_space<hbm>>
        %dma_start3A_1666 = arith.constant 0 : i32
        %dma_start3A_1667 = arith.constant 0 : i32
        %dma_start3A_1668 = tpu.memref_slice %arg7[%run_scoped3A_1614, %dma_start3A_1666, %dma_start3A_1667] : memref<16x128x32xf32, #tpu.memory_space<vmem>> -> memref<1x128x32xf32, #tpu.memory_space<vmem>>
        %dma_start3A_1669 = tpu.memref_squeeze %dma_start3A_1668 : memref<1x128x32xf32, #tpu.memory_space<vmem>> -> memref<128x32xf32, #tpu.memory_space<vmem>>
        tpu.enqueue_dma source(%dma_start3A_1669 : memref<128x32xf32, #tpu.memory_space<vmem>>) target(%dma_start3A_1665 : memref<128x32xf32, #tpu.memory_space<hbm>>) target_semaphore(%run_scoped3A_1657 : memref<!tpu.dma_semaphore, #tpu.memory_space<semaphore_mem>>)
        %dma_wait3A_1670 = arith.constant 0 : i32
        %dma_wait3A_1671 = arith.constant 0 : i32
        %dma_wait3A_1672 = tpu.memref_slice %arg7[%run_scoped3A_1614, %dma_wait3A_1670, %dma_wait3A_1671] : memref<16x128x32xf32, #tpu.memory_space<vmem>> -> memref<1x128x32xf32, #tpu.memory_space<vmem>>
        %dma_wait3A_1673 = tpu.memref_squeeze %dma_wait3A_1672 : memref<1x128x32xf32, #tpu.memory_space<vmem>> -> memref<128x32xf32, #tpu.memory_space<vmem>>
        %dma_wait3A_1674 = arith.constant 32 : i32
        %dma_wait3A_1675 = tpu.memref_slice %arg4[%add3A_1613, %dma_wait3A_1674] : memref<65536x128xf32, #tpu.memory_space<hbm>> -> memref<128x32xf32, #tpu.memory_space<hbm>>
        %dma_wait3A_1676 = arith.constant 32 : i32
        %dma_wait3A_1677 = tpu.memref_slice %arg4[%add3A_1613, %dma_wait3A_1676] : memref<65536x128xf32, #tpu.memory_space<hbm>> -> memref<128x32xf32, #tpu.memory_space<hbm>>
        %dma_wait3A_1678 = arith.constant 0 : i32
        %dma_wait3A_1679 = arith.constant 0 : i32
        %dma_wait3A_1680 = tpu.memref_slice %arg7[%run_scoped3A_1614, %dma_wait3A_1678, %dma_wait3A_1679] : memref<16x128x32xf32, #tpu.memory_space<vmem>> -> memref<1x128x32xf32, #tpu.memory_space<vmem>>
        %dma_wait3A_1681 = tpu.memref_squeeze %dma_wait3A_1680 : memref<1x128x32xf32, #tpu.memory_space<vmem>> -> memref<128x32xf32, #tpu.memory_space<vmem>>
        tpu.wait_dma2 semaphore(%run_scoped3A_1657 : memref<!tpu.dma_semaphore, #tpu.memory_space<semaphore_mem>>) src(%dma_wait3A_1681 : memref<128x32xf32, #tpu.memory_space<vmem>>) dst(%dma_wait3A_1677 : memref<128x32xf32, #tpu.memory_space<hbm>>)
        tpu.yield
      }) : () -> ()
      %add3A_1615 = arith.constant 0 : i32
      %add3A_1616 = arith.addi %add3A_1615, %add3A_14 : i32
      %run_scoped3A_1617 = arith.constant 2 : i32
      "tpu.region"() ({
        %run_scoped3A_1657 = tpu.sem_alloc : memref<!tpu.dma_semaphore, #tpu.memory_space<semaphore_mem>>
        %dma_start3A_1658 = arith.constant 0 : i32
        %dma_start3A_1659 = arith.constant 0 : i32
        %dma_start3A_1660 = tpu.memref_slice %arg7[%run_scoped3A_1617, %dma_start3A_1658, %dma_start3A_1659] : memref<16x128x32xf32, #tpu.memory_space<vmem>> -> memref<1x128x32xf32, #tpu.memory_space<vmem>>
        %dma_start3A_1661 = tpu.memref_squeeze %dma_start3A_1660 : memref<1x128x32xf32, #tpu.memory_space<vmem>> -> memref<128x32xf32, #tpu.memory_space<vmem>>
        %dma_start3A_1662 = arith.constant 64 : i32
        %dma_start3A_1663 = tpu.memref_slice %arg4[%add3A_1616, %dma_start3A_1662] : memref<65536x128xf32, #tpu.memory_space<hbm>> -> memref<128x32xf32, #tpu.memory_space<hbm>>
        %dma_start3A_1664 = arith.constant 64 : i32
        %dma_start3A_1665 = tpu.memref_slice %arg4[%add3A_1616, %dma_start3A_1664] : memref<65536x128xf32, #tpu.memory_space<hbm>> -> memref<128x32xf32, #tpu.memory_space<hbm>>
        %dma_start3A_1666 = arith.constant 0 : i32
        %dma_start3A_1667 = arith.constant 0 : i32
        %dma_start3A_1668 = tpu.memref_slice %arg7[%run_scoped3A_1617, %dma_start3A_1666, %dma_start3A_1667] : memref<16x128x32xf32, #tpu.memory_space<vmem>> -> memref<1x128x32xf32, #tpu.memory_space<vmem>>
        %dma_start3A_1669 = tpu.memref_squeeze %dma_start3A_1668 : memref<1x128x32xf32, #tpu.memory_space<vmem>> -> memref<128x32xf32, #tpu.memory_space<vmem>>
        tpu.enqueue_dma source(%dma_start3A_1669 : memref<128x32xf32, #tpu.memory_space<vmem>>) target(%dma_start3A_1665 : memref<128x32xf32, #tpu.memory_space<hbm>>) target_semaphore(%run_scoped3A_1657 : memref<!tpu.dma_semaphore, #tpu.memory_space<semaphore_mem>>)
        %dma_wait3A_1670 = arith.constant 0 : i32
        %dma_wait3A_1671 = arith.constant 0 : i32
        %dma_wait3A_1672 = tpu.memref_slice %arg7[%run_scoped3A_1617, %dma_wait3A_1670, %dma_wait3A_1671] : memref<16x128x32xf32, #tpu.memory_space<vmem>> -> memref<1x128x32xf32, #tpu.memory_space<vmem>>
        %dma_wait3A_1673 = tpu.memref_squeeze %dma_wait3A_1672 : memref<1x128x32xf32, #tpu.memory_space<vmem>> -> memref<128x32xf32, #tpu.memory_space<vmem>>
        %dma_wait3A_1674 = arith.constant 64 : i32
        %dma_wait3A_1675 = tpu.memref_slice %arg4[%add3A_1616, %dma_wait3A_1674] : memref<65536x128xf32, #tpu.memory_space<hbm>> -> memref<128x32xf32, #tpu.memory_space<hbm>>
        %dma_wait3A_1676 = arith.constant 64 : i32
        %dma_wait3A_1677 = tpu.memref_slice %arg4[%add3A_1616, %dma_wait3A_1676] : memref<65536x128xf32, #tpu.memory_space<hbm>> -> memref<128x32xf32, #tpu.memory_space<hbm>>
        %dma_wait3A_1678 = arith.constant 0 : i32
        %dma_wait3A_1679 = arith.constant 0 : i32
        %dma_wait3A_1680 = tpu.memref_slice %arg7[%run_scoped3A_1617, %dma_wait3A_1678, %dma_wait3A_1679] : memref<16x128x32xf32, #tpu.memory_space<vmem>> -> memref<1x128x32xf32, #tpu.memory_space<vmem>>
        %dma_wait3A_1681 = tpu.memref_squeeze %dma_wait3A_1680 : memref<1x128x32xf32, #tpu.memory_space<vmem>> -> memref<128x32xf32, #tpu.memory_space<vmem>>
        tpu.wait_dma2 semaphore(%run_scoped3A_1657 : memref<!tpu.dma_semaphore, #tpu.memory_space<semaphore_mem>>) src(%dma_wait3A_1681 : memref<128x32xf32, #tpu.memory_space<vmem>>) dst(%dma_wait3A_1677 : memref<128x32xf32, #tpu.memory_space<hbm>>)
        tpu.yield
      }) : () -> ()
      %add3A_1618 = arith.constant 0 : i32
      %add3A_1619 = arith.addi %add3A_1618, %add3A_14 : i32
      %run_scoped3A_1620 = arith.constant 3 : i32
      "tpu.region"() ({
        %run_scoped3A_1657 = tpu.sem_alloc : memref<!tpu.dma_semaphore, #tpu.memory_space<semaphore_mem>>
        %dma_start3A_1658 = arith.constant 0 : i32
        %dma_start3A_1659 = arith.constant 0 : i32
        %dma_start3A_1660 = tpu.memref_slice %arg7[%run_scoped3A_1620, %dma_start3A_1658, %dma_start3A_1659] : memref<16x128x32xf32, #tpu.memory_space<vmem>> -> memref<1x128x32xf32, #tpu.memory_space<vmem>>
        %dma_start3A_1661 = tpu.memref_squeeze %dma_start3A_1660 : memref<1x128x32xf32, #tpu.memory_space<vmem>> -> memref<128x32xf32, #tpu.memory_space<vmem>>
        %dma_start3A_1662 = arith.constant 96 : i32
        %dma_start3A_1663 = tpu.memref_slice %arg4[%add3A_1619, %dma_start3A_1662] : memref<65536x128xf32, #tpu.memory_space<hbm>> -> memref<128x32xf32, #tpu.memory_space<hbm>>
        %dma_start3A_1664 = arith.constant 96 : i32
        %dma_start3A_1665 = tpu.memref_slice %arg4[%add3A_1619, %dma_start3A_1664] : memref<65536x128xf32, #tpu.memory_space<hbm>> -> memref<128x32xf32, #tpu.memory_space<hbm>>
        %dma_start3A_1666 = arith.constant 0 : i32
        %dma_start3A_1667 = arith.constant 0 : i32
        %dma_start3A_1668 = tpu.memref_slice %arg7[%run_scoped3A_1620, %dma_start3A_1666, %dma_start3A_1667] : memref<16x128x32xf32, #tpu.memory_space<vmem>> -> memref<1x128x32xf32, #tpu.memory_space<vmem>>
        %dma_start3A_1669 = tpu.memref_squeeze %dma_start3A_1668 : memref<1x128x32xf32, #tpu.memory_space<vmem>> -> memref<128x32xf32, #tpu.memory_space<vmem>>
        tpu.enqueue_dma source(%dma_start3A_1669 : memref<128x32xf32, #tpu.memory_space<vmem>>) target(%dma_start3A_1665 : memref<128x32xf32, #tpu.memory_space<hbm>>) target_semaphore(%run_scoped3A_1657 : memref<!tpu.dma_semaphore, #tpu.memory_space<semaphore_mem>>)
        %dma_wait3A_1670 = arith.constant 0 : i32
        %dma_wait3A_1671 = arith.constant 0 : i32
        %dma_wait3A_1672 = tpu.memref_slice %arg7[%run_scoped3A_1620, %dma_wait3A_1670, %dma_wait3A_1671] : memref<16x128x32xf32, #tpu.memory_space<vmem>> -> memref<1x128x32xf32, #tpu.memory_space<vmem>>
        %dma_wait3A_1673 = tpu.memref_squeeze %dma_wait3A_1672 : memref<1x128x32xf32, #tpu.memory_space<vmem>> -> memref<128x32xf32, #tpu.memory_space<vmem>>
        %dma_wait3A_1674 = arith.constant 96 : i32
        %dma_wait3A_1675 = tpu.memref_slice %arg4[%add3A_1619, %dma_wait3A_1674] : memref<65536x128xf32, #tpu.memory_space<hbm>> -> memref<128x32xf32, #tpu.memory_space<hbm>>
        %dma_wait3A_1676 = arith.constant 96 : i32
        %dma_wait3A_1677 = tpu.memref_slice %arg4[%add3A_1619, %dma_wait3A_1676] : memref<65536x128xf32, #tpu.memory_space<hbm>> -> memref<128x32xf32, #tpu.memory_space<hbm>>
        %dma_wait3A_1678 = arith.constant 0 : i32
        %dma_wait3A_1679 = arith.constant 0 : i32
        %dma_wait3A_1680 = tpu.memref_slice %arg7[%run_scoped3A_1620, %dma_wait3A_1678, %dma_wait3A_1679] : memref<16x128x32xf32, #tpu.memory_space<vmem>> -> memref<1x128x32xf32, #tpu.memory_space<vmem>>
        %dma_wait3A_1681 = tpu.memref_squeeze %dma_wait3A_1680 : memref<1x128x32xf32, #tpu.memory_space<vmem>> -> memref<128x32xf32, #tpu.memory_space<vmem>>
        tpu.wait_dma2 semaphore(%run_scoped3A_1657 : memref<!tpu.dma_semaphore, #tpu.memory_space<semaphore_mem>>) src(%dma_wait3A_1681 : memref<128x32xf32, #tpu.memory_space<vmem>>) dst(%dma_wait3A_1677 : memref<128x32xf32, #tpu.memory_space<hbm>>)
        tpu.yield
      }) : () -> ()
      %add3A_1621 = arith.constant 16384 : i32
      %add3A_1622 = arith.addi %add3A_1621, %add3A_14 : i32
      %run_scoped3A_1623 = arith.constant 4 : i32
      "tpu.region"() ({
        %run_scoped3A_1657 = tpu.sem_alloc : memref<!tpu.dma_semaphore, #tpu.memory_space<semaphore_mem>>
        %dma_start3A_1658 = arith.constant 0 : i32
        %dma_start3A_1659 = arith.constant 0 : i32
        %dma_start3A_1660 = tpu.memref_slice %arg7[%run_scoped3A_1623, %dma_start3A_1658, %dma_start3A_1659] : memref<16x128x32xf32, #tpu.memory_space<vmem>> -> memref<1x128x32xf32, #tpu.memory_space<vmem>>
        %dma_start3A_1661 = tpu.memref_squeeze %dma_start3A_1660 : memref<1x128x32xf32, #tpu.memory_space<vmem>> -> memref<128x32xf32, #tpu.memory_space<vmem>>
        %dma_start3A_1662 = arith.constant 0 : i32
        %dma_start3A_1663 = tpu.memref_slice %arg4[%add3A_1622, %dma_start3A_1662] : memref<65536x128xf32, #tpu.memory_space<hbm>> -> memref<128x32xf32, #tpu.memory_space<hbm>>
        %dma_start3A_1664 = arith.constant 0 : i32
        %dma_start3A_1665 = tpu.memref_slice %arg4[%add3A_1622, %dma_start3A_1664] : memref<65536x128xf32, #tpu.memory_space<hbm>> -> memref<128x32xf32, #tpu.memory_space<hbm>>
        %dma_start3A_1666 = arith.constant 0 : i32
        %dma_start3A_1667 = arith.constant 0 : i32
        %dma_start3A_1668 = tpu.memref_slice %arg7[%run_scoped3A_1623, %dma_start3A_1666, %dma_start3A_1667] : memref<16x128x32xf32, #tpu.memory_space<vmem>> -> memref<1x128x32xf32, #tpu.memory_space<vmem>>
        %dma_start3A_1669 = tpu.memref_squeeze %dma_start3A_1668 : memref<1x128x32xf32, #tpu.memory_space<vmem>> -> memref<128x32xf32, #tpu.memory_space<vmem>>
        tpu.enqueue_dma source(%dma_start3A_1669 : memref<128x32xf32, #tpu.memory_space<vmem>>) target(%dma_start3A_1665 : memref<128x32xf32, #tpu.memory_space<hbm>>) target_semaphore(%run_scoped3A_1657 : memref<!tpu.dma_semaphore, #tpu.memory_space<semaphore_mem>>)
        %dma_wait3A_1670 = arith.constant 0 : i32
        %dma_wait3A_1671 = arith.constant 0 : i32
        %dma_wait3A_1672 = tpu.memref_slice %arg7[%run_scoped3A_1623, %dma_wait3A_1670, %dma_wait3A_1671] : memref<16x128x32xf32, #tpu.memory_space<vmem>> -> memref<1x128x32xf32, #tpu.memory_space<vmem>>
        %dma_wait3A_1673 = tpu.memref_squeeze %dma_wait3A_1672 : memref<1x128x32xf32, #tpu.memory_space<vmem>> -> memref<128x32xf32, #tpu.memory_space<vmem>>
        %dma_wait3A_1674 = arith.constant 0 : i32
        %dma_wait3A_1675 = tpu.memref_slice %arg4[%add3A_1622, %dma_wait3A_1674] : memref<65536x128xf32, #tpu.memory_space<hbm>> -> memref<128x32xf32, #tpu.memory_space<hbm>>
        %dma_wait3A_1676 = arith.constant 0 : i32
        %dma_wait3A_1677 = tpu.memref_slice %arg4[%add3A_1622, %dma_wait3A_1676] : memref<65536x128xf32, #tpu.memory_space<hbm>> -> memref<128x32xf32, #tpu.memory_space<hbm>>
        %dma_wait3A_1678 = arith.constant 0 : i32
        %dma_wait3A_1679 = arith.constant 0 : i32
        %dma_wait3A_1680 = tpu.memref_slice %arg7[%run_scoped3A_1623, %dma_wait3A_1678, %dma_wait3A_1679] : memref<16x128x32xf32, #tpu.memory_space<vmem>> -> memref<1x128x32xf32, #tpu.memory_space<vmem>>
        %dma_wait3A_1681 = tpu.memref_squeeze %dma_wait3A_1680 : memref<1x128x32xf32, #tpu.memory_space<vmem>> -> memref<128x32xf32, #tpu.memory_space<vmem>>
        tpu.wait_dma2 semaphore(%run_scoped3A_1657 : memref<!tpu.dma_semaphore, #tpu.memory_space<semaphore_mem>>) src(%dma_wait3A_1681 : memref<128x32xf32, #tpu.memory_space<vmem>>) dst(%dma_wait3A_1677 : memref<128x32xf32, #tpu.memory_space<hbm>>)
        tpu.yield
      }) : () -> ()
      %add3A_1624 = arith.constant 16384 : i32
      %add3A_1625 = arith.addi %add3A_1624, %add3A_14 : i32
      %run_scoped3A_1626 = arith.constant 5 : i32
      "tpu.region"() ({
        %run_scoped3A_1657 = tpu.sem_alloc : memref<!tpu.dma_semaphore, #tpu.memory_space<semaphore_mem>>
        %dma_start3A_1658 = arith.constant 0 : i32
        %dma_start3A_1659 = arith.constant 0 : i32
        %dma_start3A_1660 = tpu.memref_slice %arg7[%run_scoped3A_1626, %dma_start3A_1658, %dma_start3A_1659] : memref<16x128x32xf32, #tpu.memory_space<vmem>> -> memref<1x128x32xf32, #tpu.memory_space<vmem>>
        %dma_start3A_1661 = tpu.memref_squeeze %dma_start3A_1660 : memref<1x128x32xf32, #tpu.memory_space<vmem>> -> memref<128x32xf32, #tpu.memory_space<vmem>>
        %dma_start3A_1662 = arith.constant 32 : i32
        %dma_start3A_1663 = tpu.memref_slice %arg4[%add3A_1625, %dma_start3A_1662] : memref<65536x128xf32, #tpu.memory_space<hbm>> -> memref<128x32xf32, #tpu.memory_space<hbm>>
        %dma_start3A_1664 = arith.constant 32 : i32
        %dma_start3A_1665 = tpu.memref_slice %arg4[%add3A_1625, %dma_start3A_1664] : memref<65536x128xf32, #tpu.memory_space<hbm>> -> memref<128x32xf32, #tpu.memory_space<hbm>>
        %dma_start3A_1666 = arith.constant 0 : i32
        %dma_start3A_1667 = arith.constant 0 : i32
        %dma_start3A_1668 = tpu.memref_slice %arg7[%run_scoped3A_1626, %dma_start3A_1666, %dma_start3A_1667] : memref<16x128x32xf32, #tpu.memory_space<vmem>> -> memref<1x128x32xf32, #tpu.memory_space<vmem>>
        %dma_start3A_1669 = tpu.memref_squeeze %dma_start3A_1668 : memref<1x128x32xf32, #tpu.memory_space<vmem>> -> memref<128x32xf32, #tpu.memory_space<vmem>>
        tpu.enqueue_dma source(%dma_start3A_1669 : memref<128x32xf32, #tpu.memory_space<vmem>>) target(%dma_start3A_1665 : memref<128x32xf32, #tpu.memory_space<hbm>>) target_semaphore(%run_scoped3A_1657 : memref<!tpu.dma_semaphore, #tpu.memory_space<semaphore_mem>>)
        %dma_wait3A_1670 = arith.constant 0 : i32
        %dma_wait3A_1671 = arith.constant 0 : i32
        %dma_wait3A_1672 = tpu.memref_slice %arg7[%run_scoped3A_1626, %dma_wait3A_1670, %dma_wait3A_1671] : memref<16x128x32xf32, #tpu.memory_space<vmem>> -> memref<1x128x32xf32, #tpu.memory_space<vmem>>
        %dma_wait3A_1673 = tpu.memref_squeeze %dma_wait3A_1672 : memref<1x128x32xf32, #tpu.memory_space<vmem>> -> memref<128x32xf32, #tpu.memory_space<vmem>>
        %dma_wait3A_1674 = arith.constant 32 : i32
        %dma_wait3A_1675 = tpu.memref_slice %arg4[%add3A_1625, %dma_wait3A_1674] : memref<65536x128xf32, #tpu.memory_space<hbm>> -> memref<128x32xf32, #tpu.memory_space<hbm>>
        %dma_wait3A_1676 = arith.constant 32 : i32
        %dma_wait3A_1677 = tpu.memref_slice %arg4[%add3A_1625, %dma_wait3A_1676] : memref<65536x128xf32, #tpu.memory_space<hbm>> -> memref<128x32xf32, #tpu.memory_space<hbm>>
        %dma_wait3A_1678 = arith.constant 0 : i32
        %dma_wait3A_1679 = arith.constant 0 : i32
        %dma_wait3A_1680 = tpu.memref_slice %arg7[%run_scoped3A_1626, %dma_wait3A_1678, %dma_wait3A_1679] : memref<16x128x32xf32, #tpu.memory_space<vmem>> -> memref<1x128x32xf32, #tpu.memory_space<vmem>>
        %dma_wait3A_1681 = tpu.memref_squeeze %dma_wait3A_1680 : memref<1x128x32xf32, #tpu.memory_space<vmem>> -> memref<128x32xf32, #tpu.memory_space<vmem>>
        tpu.wait_dma2 semaphore(%run_scoped3A_1657 : memref<!tpu.dma_semaphore, #tpu.memory_space<semaphore_mem>>) src(%dma_wait3A_1681 : memref<128x32xf32, #tpu.memory_space<vmem>>) dst(%dma_wait3A_1677 : memref<128x32xf32, #tpu.memory_space<hbm>>)
        tpu.yield
      }) : () -> ()
      %add3A_1627 = arith.constant 16384 : i32
      %add3A_1628 = arith.addi %add3A_1627, %add3A_14 : i32
      %run_scoped3A_1629 = arith.constant 6 : i32
      "tpu.region"() ({
        %run_scoped3A_1657 = tpu.sem_alloc : memref<!tpu.dma_semaphore, #tpu.memory_space<semaphore_mem>>
        %dma_start3A_1658 = arith.constant 0 : i32
        %dma_start3A_1659 = arith.constant 0 : i32
        %dma_start3A_1660 = tpu.memref_slice %arg7[%run_scoped3A_1629, %dma_start3A_1658, %dma_start3A_1659] : memref<16x128x32xf32, #tpu.memory_space<vmem>> -> memref<1x128x32xf32, #tpu.memory_space<vmem>>
        %dma_start3A_1661 = tpu.memref_squeeze %dma_start3A_1660 : memref<1x128x32xf32, #tpu.memory_space<vmem>> -> memref<128x32xf32, #tpu.memory_space<vmem>>
        %dma_start3A_1662 = arith.constant 64 : i32
        %dma_start3A_1663 = tpu.memref_slice %arg4[%add3A_1628, %dma_start3A_1662] : memref<65536x128xf32, #tpu.memory_space<hbm>> -> memref<128x32xf32, #tpu.memory_space<hbm>>
        %dma_start3A_1664 = arith.constant 64 : i32
        %dma_start3A_1665 = tpu.memref_slice %arg4[%add3A_1628, %dma_start3A_1664] : memref<65536x128xf32, #tpu.memory_space<hbm>> -> memref<128x32xf32, #tpu.memory_space<hbm>>
        %dma_start3A_1666 = arith.constant 0 : i32
        %dma_start3A_1667 = arith.constant 0 : i32
        %dma_start3A_1668 = tpu.memref_slice %arg7[%run_scoped3A_1629, %dma_start3A_1666, %dma_start3A_1667] : memref<16x128x32xf32, #tpu.memory_space<vmem>> -> memref<1x128x32xf32, #tpu.memory_space<vmem>>
        %dma_start3A_1669 = tpu.memref_squeeze %dma_start3A_1668 : memref<1x128x32xf32, #tpu.memory_space<vmem>> -> memref<128x32xf32, #tpu.memory_space<vmem>>
        tpu.enqueue_dma source(%dma_start3A_1669 : memref<128x32xf32, #tpu.memory_space<vmem>>) target(%dma_start3A_1665 : memref<128x32xf32, #tpu.memory_space<hbm>>) target_semaphore(%run_scoped3A_1657 : memref<!tpu.dma_semaphore, #tpu.memory_space<semaphore_mem>>)
        %dma_wait3A_1670 = arith.constant 0 : i32
        %dma_wait3A_1671 = arith.constant 0 : i32
        %dma_wait3A_1672 = tpu.memref_slice %arg7[%run_scoped3A_1629, %dma_wait3A_1670, %dma_wait3A_1671] : memref<16x128x32xf32, #tpu.memory_space<vmem>> -> memref<1x128x32xf32, #tpu.memory_space<vmem>>
        %dma_wait3A_1673 = tpu.memref_squeeze %dma_wait3A_1672 : memref<1x128x32xf32, #tpu.memory_space<vmem>> -> memref<128x32xf32, #tpu.memory_space<vmem>>
        %dma_wait3A_1674 = arith.constant 64 : i32
        %dma_wait3A_1675 = tpu.memref_slice %arg4[%add3A_1628, %dma_wait3A_1674] : memref<65536x128xf32, #tpu.memory_space<hbm>> -> memref<128x32xf32, #tpu.memory_space<hbm>>
        %dma_wait3A_1676 = arith.constant 64 : i32
        %dma_wait3A_1677 = tpu.memref_slice %arg4[%add3A_1628, %dma_wait3A_1676] : memref<65536x128xf32, #tpu.memory_space<hbm>> -> memref<128x32xf32, #tpu.memory_space<hbm>>
        %dma_wait3A_1678 = arith.constant 0 : i32
        %dma_wait3A_1679 = arith.constant 0 : i32
        %dma_wait3A_1680 = tpu.memref_slice %arg7[%run_scoped3A_1629, %dma_wait3A_1678, %dma_wait3A_1679] : memref<16x128x32xf32, #tpu.memory_space<vmem>> -> memref<1x128x32xf32, #tpu.memory_space<vmem>>
        %dma_wait3A_1681 = tpu.memref_squeeze %dma_wait3A_1680 : memref<1x128x32xf32, #tpu.memory_space<vmem>> -> memref<128x32xf32, #tpu.memory_space<vmem>>
        tpu.wait_dma2 semaphore(%run_scoped3A_1657 : memref<!tpu.dma_semaphore, #tpu.memory_space<semaphore_mem>>) src(%dma_wait3A_1681 : memref<128x32xf32, #tpu.memory_space<vmem>>) dst(%dma_wait3A_1677 : memref<128x32xf32, #tpu.memory_space<hbm>>)
        tpu.yield
      }) : () -> ()
      %add3A_1630 = arith.constant 16384 : i32
      %add3A_1631 = arith.addi %add3A_1630, %add3A_14 : i32
      %run_scoped3A_1632 = arith.constant 7 : i32
      "tpu.region"() ({
        %run_scoped3A_1657 = tpu.sem_alloc : memref<!tpu.dma_semaphore, #tpu.memory_space<semaphore_mem>>
        %dma_start3A_1658 = arith.constant 0 : i32
        %dma_start3A_1659 = arith.constant 0 : i32
        %dma_start3A_1660 = tpu.memref_slice %arg7[%run_scoped3A_1632, %dma_start3A_1658, %dma_start3A_1659] : memref<16x128x32xf32, #tpu.memory_space<vmem>> -> memref<1x128x32xf32, #tpu.memory_space<vmem>>
        %dma_start3A_1661 = tpu.memref_squeeze %dma_start3A_1660 : memref<1x128x32xf32, #tpu.memory_space<vmem>> -> memref<128x32xf32, #tpu.memory_space<vmem>>
        %dma_start3A_1662 = arith.constant 96 : i32
        %dma_start3A_1663 = tpu.memref_slice %arg4[%add3A_1631, %dma_start3A_1662] : memref<65536x128xf32, #tpu.memory_space<hbm>> -> memref<128x32xf32, #tpu.memory_space<hbm>>
        %dma_start3A_1664 = arith.constant 96 : i32
        %dma_start3A_1665 = tpu.memref_slice %arg4[%add3A_1631, %dma_start3A_1664] : memref<65536x128xf32, #tpu.memory_space<hbm>> -> memref<128x32xf32, #tpu.memory_space<hbm>>
        %dma_start3A_1666 = arith.constant 0 : i32
        %dma_start3A_1667 = arith.constant 0 : i32
        %dma_start3A_1668 = tpu.memref_slice %arg7[%run_scoped3A_1632, %dma_start3A_1666, %dma_start3A_1667] : memref<16x128x32xf32, #tpu.memory_space<vmem>> -> memref<1x128x32xf32, #tpu.memory_space<vmem>>
        %dma_start3A_1669 = tpu.memref_squeeze %dma_start3A_1668 : memref<1x128x32xf32, #tpu.memory_space<vmem>> -> memref<128x32xf32, #tpu.memory_space<vmem>>
        tpu.enqueue_dma source(%dma_start3A_1669 : memref<128x32xf32, #tpu.memory_space<vmem>>) target(%dma_start3A_1665 : memref<128x32xf32, #tpu.memory_space<hbm>>) target_semaphore(%run_scoped3A_1657 : memref<!tpu.dma_semaphore, #tpu.memory_space<semaphore_mem>>)
        %dma_wait3A_1670 = arith.constant 0 : i32
        %dma_wait3A_1671 = arith.constant 0 : i32
        %dma_wait3A_1672 = tpu.memref_slice %arg7[%run_scoped3A_1632, %dma_wait3A_1670, %dma_wait3A_1671] : memref<16x128x32xf32, #tpu.memory_space<vmem>> -> memref<1x128x32xf32, #tpu.memory_space<vmem>>
        %dma_wait3A_1673 = tpu.memref_squeeze %dma_wait3A_1672 : memref<1x128x32xf32, #tpu.memory_space<vmem>> -> memref<128x32xf32, #tpu.memory_space<vmem>>
        %dma_wait3A_1674 = arith.constant 96 : i32
        %dma_wait3A_1675 = tpu.memref_slice %arg4[%add3A_1631, %dma_wait3A_1674] : memref<65536x128xf32, #tpu.memory_space<hbm>> -> memref<128x32xf32, #tpu.memory_space<hbm>>
        %dma_wait3A_1676 = arith.constant 96 : i32
        %dma_wait3A_1677 = tpu.memref_slice %arg4[%add3A_1631, %dma_wait3A_1676] : memref<65536x128xf32, #tpu.memory_space<hbm>> -> memref<128x32xf32, #tpu.memory_space<hbm>>
        %dma_wait3A_1678 = arith.constant 0 : i32
        %dma_wait3A_1679 = arith.constant 0 : i32
        %dma_wait3A_1680 = tpu.memref_slice %arg7[%run_scoped3A_1632, %dma_wait3A_1678, %dma_wait3A_1679] : memref<16x128x32xf32, #tpu.memory_space<vmem>> -> memref<1x128x32xf32, #tpu.memory_space<vmem>>
        %dma_wait3A_1681 = tpu.memref_squeeze %dma_wait3A_1680 : memref<1x128x32xf32, #tpu.memory_space<vmem>> -> memref<128x32xf32, #tpu.memory_space<vmem>>
        tpu.wait_dma2 semaphore(%run_scoped3A_1657 : memref<!tpu.dma_semaphore, #tpu.memory_space<semaphore_mem>>) src(%dma_wait3A_1681 : memref<128x32xf32, #tpu.memory_space<vmem>>) dst(%dma_wait3A_1677 : memref<128x32xf32, #tpu.memory_space<hbm>>)
        tpu.yield
      }) : () -> ()
      %add3A_1633 = arith.constant 32768 : i32
      %add3A_1634 = arith.addi %add3A_1633, %add3A_14 : i32
      %run_scoped3A_1635 = arith.constant 8 : i32
      "tpu.region"() ({
        %run_scoped3A_1657 = tpu.sem_alloc : memref<!tpu.dma_semaphore, #tpu.memory_space<semaphore_mem>>
        %dma_start3A_1658 = arith.constant 0 : i32
        %dma_start3A_1659 = arith.constant 0 : i32
        %dma_start3A_1660 = tpu.memref_slice %arg7[%run_scoped3A_1635, %dma_start3A_1658, %dma_start3A_1659] : memref<16x128x32xf32, #tpu.memory_space<vmem>> -> memref<1x128x32xf32, #tpu.memory_space<vmem>>
        %dma_start3A_1661 = tpu.memref_squeeze %dma_start3A_1660 : memref<1x128x32xf32, #tpu.memory_space<vmem>> -> memref<128x32xf32, #tpu.memory_space<vmem>>
        %dma_start3A_1662 = arith.constant 0 : i32
        %dma_start3A_1663 = tpu.memref_slice %arg4[%add3A_1634, %dma_start3A_1662] : memref<65536x128xf32, #tpu.memory_space<hbm>> -> memref<128x32xf32, #tpu.memory_space<hbm>>
        %dma_start3A_1664 = arith.constant 0 : i32
        %dma_start3A_1665 = tpu.memref_slice %arg4[%add3A_1634, %dma_start3A_1664] : memref<65536x128xf32, #tpu.memory_space<hbm>> -> memref<128x32xf32, #tpu.memory_space<hbm>>
        %dma_start3A_1666 = arith.constant 0 : i32
        %dma_start3A_1667 = arith.constant 0 : i32
        %dma_start3A_1668 = tpu.memref_slice %arg7[%run_scoped3A_1635, %dma_start3A_1666, %dma_start3A_1667] : memref<16x128x32xf32, #tpu.memory_space<vmem>> -> memref<1x128x32xf32, #tpu.memory_space<vmem>>
        %dma_start3A_1669 = tpu.memref_squeeze %dma_start3A_1668 : memref<1x128x32xf32, #tpu.memory_space<vmem>> -> memref<128x32xf32, #tpu.memory_space<vmem>>
        tpu.enqueue_dma source(%dma_start3A_1669 : memref<128x32xf32, #tpu.memory_space<vmem>>) target(%dma_start3A_1665 : memref<128x32xf32, #tpu.memory_space<hbm>>) target_semaphore(%run_scoped3A_1657 : memref<!tpu.dma_semaphore, #tpu.memory_space<semaphore_mem>>)
        %dma_wait3A_1670 = arith.constant 0 : i32
        %dma_wait3A_1671 = arith.constant 0 : i32
        %dma_wait3A_1672 = tpu.memref_slice %arg7[%run_scoped3A_1635, %dma_wait3A_1670, %dma_wait3A_1671] : memref<16x128x32xf32, #tpu.memory_space<vmem>> -> memref<1x128x32xf32, #tpu.memory_space<vmem>>
        %dma_wait3A_1673 = tpu.memref_squeeze %dma_wait3A_1672 : memref<1x128x32xf32, #tpu.memory_space<vmem>> -> memref<128x32xf32, #tpu.memory_space<vmem>>
        %dma_wait3A_1674 = arith.constant 0 : i32
        %dma_wait3A_1675 = tpu.memref_slice %arg4[%add3A_1634, %dma_wait3A_1674] : memref<65536x128xf32, #tpu.memory_space<hbm>> -> memref<128x32xf32, #tpu.memory_space<hbm>>
        %dma_wait3A_1676 = arith.constant 0 : i32
        %dma_wait3A_1677 = tpu.memref_slice %arg4[%add3A_1634, %dma_wait3A_1676] : memref<65536x128xf32, #tpu.memory_space<hbm>> -> memref<128x32xf32, #tpu.memory_space<hbm>>
        %dma_wait3A_1678 = arith.constant 0 : i32
        %dma_wait3A_1679 = arith.constant 0 : i32
        %dma_wait3A_1680 = tpu.memref_slice %arg7[%run_scoped3A_1635, %dma_wait3A_1678, %dma_wait3A_1679] : memref<16x128x32xf32, #tpu.memory_space<vmem>> -> memref<1x128x32xf32, #tpu.memory_space<vmem>>
        %dma_wait3A_1681 = tpu.memref_squeeze %dma_wait3A_1680 : memref<1x128x32xf32, #tpu.memory_space<vmem>> -> memref<128x32xf32, #tpu.memory_space<vmem>>
        tpu.wait_dma2 semaphore(%run_scoped3A_1657 : memref<!tpu.dma_semaphore, #tpu.memory_space<semaphore_mem>>) src(%dma_wait3A_1681 : memref<128x32xf32, #tpu.memory_space<vmem>>) dst(%dma_wait3A_1677 : memref<128x32xf32, #tpu.memory_space<hbm>>)
        tpu.yield
      }) : () -> ()
      %add3A_1636 = arith.constant 32768 : i32
      %add3A_1637 = arith.addi %add3A_1636, %add3A_14 : i32
      %run_scoped3A_1638 = arith.constant 9 : i32
      "tpu.region"() ({
        %run_scoped3A_1657 = tpu.sem_alloc : memref<!tpu.dma_semaphore, #tpu.memory_space<semaphore_mem>>
        %dma_start3A_1658 = arith.constant 0 : i32
        %dma_start3A_1659 = arith.constant 0 : i32
        %dma_start3A_1660 = tpu.memref_slice %arg7[%run_scoped3A_1638, %dma_start3A_1658, %dma_start3A_1659] : memref<16x128x32xf32, #tpu.memory_space<vmem>> -> memref<1x128x32xf32, #tpu.memory_space<vmem>>
        %dma_start3A_1661 = tpu.memref_squeeze %dma_start3A_1660 : memref<1x128x32xf32, #tpu.memory_space<vmem>> -> memref<128x32xf32, #tpu.memory_space<vmem>>
        %dma_start3A_1662 = arith.constant 32 : i32
        %dma_start3A_1663 = tpu.memref_slice %arg4[%add3A_1637, %dma_start3A_1662] : memref<65536x128xf32, #tpu.memory_space<hbm>> -> memref<128x32xf32, #tpu.memory_space<hbm>>
        %dma_start3A_1664 = arith.constant 32 : i32
        %dma_start3A_1665 = tpu.memref_slice %arg4[%add3A_1637, %dma_start3A_1664] : memref<65536x128xf32, #tpu.memory_space<hbm>> -> memref<128x32xf32, #tpu.memory_space<hbm>>
        %dma_start3A_1666 = arith.constant 0 : i32
        %dma_start3A_1667 = arith.constant 0 : i32
        %dma_start3A_1668 = tpu.memref_slice %arg7[%run_scoped3A_1638, %dma_start3A_1666, %dma_start3A_1667] : memref<16x128x32xf32, #tpu.memory_space<vmem>> -> memref<1x128x32xf32, #tpu.memory_space<vmem>>
        %dma_start3A_1669 = tpu.memref_squeeze %dma_start3A_1668 : memref<1x128x32xf32, #tpu.memory_space<vmem>> -> memref<128x32xf32, #tpu.memory_space<vmem>>
        tpu.enqueue_dma source(%dma_start3A_1669 : memref<128x32xf32, #tpu.memory_space<vmem>>) target(%dma_start3A_1665 : memref<128x32xf32, #tpu.memory_space<hbm>>) target_semaphore(%run_scoped3A_1657 : memref<!tpu.dma_semaphore, #tpu.memory_space<semaphore_mem>>)
        %dma_wait3A_1670 = arith.constant 0 : i32
        %dma_wait3A_1671 = arith.constant 0 : i32
        %dma_wait3A_1672 = tpu.memref_slice %arg7[%run_scoped3A_1638, %dma_wait3A_1670, %dma_wait3A_1671] : memref<16x128x32xf32, #tpu.memory_space<vmem>> -> memref<1x128x32xf32, #tpu.memory_space<vmem>>
        %dma_wait3A_1673 = tpu.memref_squeeze %dma_wait3A_1672 : memref<1x128x32xf32, #tpu.memory_space<vmem>> -> memref<128x32xf32, #tpu.memory_space<vmem>>
        %dma_wait3A_1674 = arith.constant 32 : i32
        %dma_wait3A_1675 = tpu.memref_slice %arg4[%add3A_1637, %dma_wait3A_1674] : memref<65536x128xf32, #tpu.memory_space<hbm>> -> memref<128x32xf32, #tpu.memory_space<hbm>>
        %dma_wait3A_1676 = arith.constant 32 : i32
        %dma_wait3A_1677 = tpu.memref_slice %arg4[%add3A_1637, %dma_wait3A_1676] : memref<65536x128xf32, #tpu.memory_space<hbm>> -> memref<128x32xf32, #tpu.memory_space<hbm>>
        %dma_wait3A_1678 = arith.constant 0 : i32
        %dma_wait3A_1679 = arith.constant 0 : i32
        %dma_wait3A_1680 = tpu.memref_slice %arg7[%run_scoped3A_1638, %dma_wait3A_1678, %dma_wait3A_1679] : memref<16x128x32xf32, #tpu.memory_space<vmem>> -> memref<1x128x32xf32, #tpu.memory_space<vmem>>
        %dma_wait3A_1681 = tpu.memref_squeeze %dma_wait3A_1680 : memref<1x128x32xf32, #tpu.memory_space<vmem>> -> memref<128x32xf32, #tpu.memory_space<vmem>>
        tpu.wait_dma2 semaphore(%run_scoped3A_1657 : memref<!tpu.dma_semaphore, #tpu.memory_space<semaphore_mem>>) src(%dma_wait3A_1681 : memref<128x32xf32, #tpu.memory_space<vmem>>) dst(%dma_wait3A_1677 : memref<128x32xf32, #tpu.memory_space<hbm>>)
        tpu.yield
      }) : () -> ()
      %add3A_1639 = arith.constant 32768 : i32
      %add3A_1640 = arith.addi %add3A_1639, %add3A_14 : i32
      %run_scoped3A_1641 = arith.constant 10 : i32
      "tpu.region"() ({
        %run_scoped3A_1657 = tpu.sem_alloc : memref<!tpu.dma_semaphore, #tpu.memory_space<semaphore_mem>>
        %dma_start3A_1658 = arith.constant 0 : i32
        %dma_start3A_1659 = arith.constant 0 : i32
        %dma_start3A_1660 = tpu.memref_slice %arg7[%run_scoped3A_1641, %dma_start3A_1658, %dma_start3A_1659] : memref<16x128x32xf32, #tpu.memory_space<vmem>> -> memref<1x128x32xf32, #tpu.memory_space<vmem>>
        %dma_start3A_1661 = tpu.memref_squeeze %dma_start3A_1660 : memref<1x128x32xf32, #tpu.memory_space<vmem>> -> memref<128x32xf32, #tpu.memory_space<vmem>>
        %dma_start3A_1662 = arith.constant 64 : i32
        %dma_start3A_1663 = tpu.memref_slice %arg4[%add3A_1640, %dma_start3A_1662] : memref<65536x128xf32, #tpu.memory_space<hbm>> -> memref<128x32xf32, #tpu.memory_space<hbm>>
        %dma_start3A_1664 = arith.constant 64 : i32
        %dma_start3A_1665 = tpu.memref_slice %arg4[%add3A_1640, %dma_start3A_1664] : memref<65536x128xf32, #tpu.memory_space<hbm>> -> memref<128x32xf32, #tpu.memory_space<hbm>>
        %dma_start3A_1666 = arith.constant 0 : i32
        %dma_start3A_1667 = arith.constant 0 : i32
        %dma_start3A_1668 = tpu.memref_slice %arg7[%run_scoped3A_1641, %dma_start3A_1666, %dma_start3A_1667] : memref<16x128x32xf32, #tpu.memory_space<vmem>> -> memref<1x128x32xf32, #tpu.memory_space<vmem>>
        %dma_start3A_1669 = tpu.memref_squeeze %dma_start3A_1668 : memref<1x128x32xf32, #tpu.memory_space<vmem>> -> memref<128x32xf32, #tpu.memory_space<vmem>>
        tpu.enqueue_dma source(%dma_start3A_1669 : memref<128x32xf32, #tpu.memory_space<vmem>>) target(%dma_start3A_1665 : memref<128x32xf32, #tpu.memory_space<hbm>>) target_semaphore(%run_scoped3A_1657 : memref<!tpu.dma_semaphore, #tpu.memory_space<semaphore_mem>>)
        %dma_wait3A_1670 = arith.constant 0 : i32
        %dma_wait3A_1671 = arith.constant 0 : i32
        %dma_wait3A_1672 = tpu.memref_slice %arg7[%run_scoped3A_1641, %dma_wait3A_1670, %dma_wait3A_1671] : memref<16x128x32xf32, #tpu.memory_space<vmem>> -> memref<1x128x32xf32, #tpu.memory_space<vmem>>
        %dma_wait3A_1673 = tpu.memref_squeeze %dma_wait3A_1672 : memref<1x128x32xf32, #tpu.memory_space<vmem>> -> memref<128x32xf32, #tpu.memory_space<vmem>>
        %dma_wait3A_1674 = arith.constant 64 : i32
        %dma_wait3A_1675 = tpu.memref_slice %arg4[%add3A_1640, %dma_wait3A_1674] : memref<65536x128xf32, #tpu.memory_space<hbm>> -> memref<128x32xf32, #tpu.memory_space<hbm>>
        %dma_wait3A_1676 = arith.constant 64 : i32
        %dma_wait3A_1677 = tpu.memref_slice %arg4[%add3A_1640, %dma_wait3A_1676] : memref<65536x128xf32, #tpu.memory_space<hbm>> -> memref<128x32xf32, #tpu.memory_space<hbm>>
        %dma_wait3A_1678 = arith.constant 0 : i32
        %dma_wait3A_1679 = arith.constant 0 : i32
        %dma_wait3A_1680 = tpu.memref_slice %arg7[%run_scoped3A_1641, %dma_wait3A_1678, %dma_wait3A_1679] : memref<16x128x32xf32, #tpu.memory_space<vmem>> -> memref<1x128x32xf32, #tpu.memory_space<vmem>>
        %dma_wait3A_1681 = tpu.memref_squeeze %dma_wait3A_1680 : memref<1x128x32xf32, #tpu.memory_space<vmem>> -> memref<128x32xf32, #tpu.memory_space<vmem>>
        tpu.wait_dma2 semaphore(%run_scoped3A_1657 : memref<!tpu.dma_semaphore, #tpu.memory_space<semaphore_mem>>) src(%dma_wait3A_1681 : memref<128x32xf32, #tpu.memory_space<vmem>>) dst(%dma_wait3A_1677 : memref<128x32xf32, #tpu.memory_space<hbm>>)
        tpu.yield
      }) : () -> ()
      %add3A_1642 = arith.constant 32768 : i32
      %add3A_1643 = arith.addi %add3A_1642, %add3A_14 : i32
      %run_scoped3A_1644 = arith.constant 11 : i32
      "tpu.region"() ({
        %run_scoped3A_1657 = tpu.sem_alloc : memref<!tpu.dma_semaphore, #tpu.memory_space<semaphore_mem>>
        %dma_start3A_1658 = arith.constant 0 : i32
        %dma_start3A_1659 = arith.constant 0 : i32
        %dma_start3A_1660 = tpu.memref_slice %arg7[%run_scoped3A_1644, %dma_start3A_1658, %dma_start3A_1659] : memref<16x128x32xf32, #tpu.memory_space<vmem>> -> memref<1x128x32xf32, #tpu.memory_space<vmem>>
        %dma_start3A_1661 = tpu.memref_squeeze %dma_start3A_1660 : memref<1x128x32xf32, #tpu.memory_space<vmem>> -> memref<128x32xf32, #tpu.memory_space<vmem>>
        %dma_start3A_1662 = arith.constant 96 : i32
        %dma_start3A_1663 = tpu.memref_slice %arg4[%add3A_1643, %dma_start3A_1662] : memref<65536x128xf32, #tpu.memory_space<hbm>> -> memref<128x32xf32, #tpu.memory_space<hbm>>
        %dma_start3A_1664 = arith.constant 96 : i32
        %dma_start3A_1665 = tpu.memref_slice %arg4[%add3A_1643, %dma_start3A_1664] : memref<65536x128xf32, #tpu.memory_space<hbm>> -> memref<128x32xf32, #tpu.memory_space<hbm>>
        %dma_start3A_1666 = arith.constant 0 : i32
        %dma_start3A_1667 = arith.constant 0 : i32
        %dma_start3A_1668 = tpu.memref_slice %arg7[%run_scoped3A_1644, %dma_start3A_1666, %dma_start3A_1667] : memref<16x128x32xf32, #tpu.memory_space<vmem>> -> memref<1x128x32xf32, #tpu.memory_space<vmem>>
        %dma_start3A_1669 = tpu.memref_squeeze %dma_start3A_1668 : memref<1x128x32xf32, #tpu.memory_space<vmem>> -> memref<128x32xf32, #tpu.memory_space<vmem>>
        tpu.enqueue_dma source(%dma_start3A_1669 : memref<128x32xf32, #tpu.memory_space<vmem>>) target(%dma_start3A_1665 : memref<128x32xf32, #tpu.memory_space<hbm>>) target_semaphore(%run_scoped3A_1657 : memref<!tpu.dma_semaphore, #tpu.memory_space<semaphore_mem>>)
        %dma_wait3A_1670 = arith.constant 0 : i32
        %dma_wait3A_1671 = arith.constant 0 : i32
        %dma_wait3A_1672 = tpu.memref_slice %arg7[%run_scoped3A_1644, %dma_wait3A_1670, %dma_wait3A_1671] : memref<16x128x32xf32, #tpu.memory_space<vmem>> -> memref<1x128x32xf32, #tpu.memory_space<vmem>>
        %dma_wait3A_1673 = tpu.memref_squeeze %dma_wait3A_1672 : memref<1x128x32xf32, #tpu.memory_space<vmem>> -> memref<128x32xf32, #tpu.memory_space<vmem>>
        %dma_wait3A_1674 = arith.constant 96 : i32
        %dma_wait3A_1675 = tpu.memref_slice %arg4[%add3A_1643, %dma_wait3A_1674] : memref<65536x128xf32, #tpu.memory_space<hbm>> -> memref<128x32xf32, #tpu.memory_space<hbm>>
        %dma_wait3A_1676 = arith.constant 96 : i32
        %dma_wait3A_1677 = tpu.memref_slice %arg4[%add3A_1643, %dma_wait3A_1676] : memref<65536x128xf32, #tpu.memory_space<hbm>> -> memref<128x32xf32, #tpu.memory_space<hbm>>
        %dma_wait3A_1678 = arith.constant 0 : i32
        %dma_wait3A_1679 = arith.constant 0 : i32
        %dma_wait3A_1680 = tpu.memref_slice %arg7[%run_scoped3A_1644, %dma_wait3A_1678, %dma_wait3A_1679] : memref<16x128x32xf32, #tpu.memory_space<vmem>> -> memref<1x128x32xf32, #tpu.memory_space<vmem>>
        %dma_wait3A_1681 = tpu.memref_squeeze %dma_wait3A_1680 : memref<1x128x32xf32, #tpu.memory_space<vmem>> -> memref<128x32xf32, #tpu.memory_space<vmem>>
        tpu.wait_dma2 semaphore(%run_scoped3A_1657 : memref<!tpu.dma_semaphore, #tpu.memory_space<semaphore_mem>>) src(%dma_wait3A_1681 : memref<128x32xf32, #tpu.memory_space<vmem>>) dst(%dma_wait3A_1677 : memref<128x32xf32, #tpu.memory_space<hbm>>)
        tpu.yield
      }) : () -> ()
      %add3A_1645 = arith.constant 49152 : i32
      %add3A_1646 = arith.addi %add3A_1645, %add3A_14 : i32
      %run_scoped3A_1647 = arith.constant 12 : i32
      "tpu.region"() ({
        %run_scoped3A_1657 = tpu.sem_alloc : memref<!tpu.dma_semaphore, #tpu.memory_space<semaphore_mem>>
        %dma_start3A_1658 = arith.constant 0 : i32
        %dma_start3A_1659 = arith.constant 0 : i32
        %dma_start3A_1660 = tpu.memref_slice %arg7[%run_scoped3A_1647, %dma_start3A_1658, %dma_start3A_1659] : memref<16x128x32xf32, #tpu.memory_space<vmem>> -> memref<1x128x32xf32, #tpu.memory_space<vmem>>
        %dma_start3A_1661 = tpu.memref_squeeze %dma_start3A_1660 : memref<1x128x32xf32, #tpu.memory_space<vmem>> -> memref<128x32xf32, #tpu.memory_space<vmem>>
        %dma_start3A_1662 = arith.constant 0 : i32
        %dma_start3A_1663 = tpu.memref_slice %arg4[%add3A_1646, %dma_start3A_1662] : memref<65536x128xf32, #tpu.memory_space<hbm>> -> memref<128x32xf32, #tpu.memory_space<hbm>>
        %dma_start3A_1664 = arith.constant 0 : i32
        %dma_start3A_1665 = tpu.memref_slice %arg4[%add3A_1646, %dma_start3A_1664] : memref<65536x128xf32, #tpu.memory_space<hbm>> -> memref<128x32xf32, #tpu.memory_space<hbm>>
        %dma_start3A_1666 = arith.constant 0 : i32
        %dma_start3A_1667 = arith.constant 0 : i32
        %dma_start3A_1668 = tpu.memref_slice %arg7[%run_scoped3A_1647, %dma_start3A_1666, %dma_start3A_1667] : memref<16x128x32xf32, #tpu.memory_space<vmem>> -> memref<1x128x32xf32, #tpu.memory_space<vmem>>
        %dma_start3A_1669 = tpu.memref_squeeze %dma_start3A_1668 : memref<1x128x32xf32, #tpu.memory_space<vmem>> -> memref<128x32xf32, #tpu.memory_space<vmem>>
        tpu.enqueue_dma source(%dma_start3A_1669 : memref<128x32xf32, #tpu.memory_space<vmem>>) target(%dma_start3A_1665 : memref<128x32xf32, #tpu.memory_space<hbm>>) target_semaphore(%run_scoped3A_1657 : memref<!tpu.dma_semaphore, #tpu.memory_space<semaphore_mem>>)
        %dma_wait3A_1670 = arith.constant 0 : i32
        %dma_wait3A_1671 = arith.constant 0 : i32
        %dma_wait3A_1672 = tpu.memref_slice %arg7[%run_scoped3A_1647, %dma_wait3A_1670, %dma_wait3A_1671] : memref<16x128x32xf32, #tpu.memory_space<vmem>> -> memref<1x128x32xf32, #tpu.memory_space<vmem>>
        %dma_wait3A_1673 = tpu.memref_squeeze %dma_wait3A_1672 : memref<1x128x32xf32, #tpu.memory_space<vmem>> -> memref<128x32xf32, #tpu.memory_space<vmem>>
        %dma_wait3A_1674 = arith.constant 0 : i32
        %dma_wait3A_1675 = tpu.memref_slice %arg4[%add3A_1646, %dma_wait3A_1674] : memref<65536x128xf32, #tpu.memory_space<hbm>> -> memref<128x32xf32, #tpu.memory_space<hbm>>
        %dma_wait3A_1676 = arith.constant 0 : i32
        %dma_wait3A_1677 = tpu.memref_slice %arg4[%add3A_1646, %dma_wait3A_1676] : memref<65536x128xf32, #tpu.memory_space<hbm>> -> memref<128x32xf32, #tpu.memory_space<hbm>>
        %dma_wait3A_1678 = arith.constant 0 : i32
        %dma_wait3A_1679 = arith.constant 0 : i32
        %dma_wait3A_1680 = tpu.memref_slice %arg7[%run_scoped3A_1647, %dma_wait3A_1678, %dma_wait3A_1679] : memref<16x128x32xf32, #tpu.memory_space<vmem>> -> memref<1x128x32xf32, #tpu.memory_space<vmem>>
        %dma_wait3A_1681 = tpu.memref_squeeze %dma_wait3A_1680 : memref<1x128x32xf32, #tpu.memory_space<vmem>> -> memref<128x32xf32, #tpu.memory_space<vmem>>
        tpu.wait_dma2 semaphore(%run_scoped3A_1657 : memref<!tpu.dma_semaphore, #tpu.memory_space<semaphore_mem>>) src(%dma_wait3A_1681 : memref<128x32xf32, #tpu.memory_space<vmem>>) dst(%dma_wait3A_1677 : memref<128x32xf32, #tpu.memory_space<hbm>>)
        tpu.yield
      }) : () -> ()
      %add3A_1648 = arith.constant 49152 : i32
      %add3A_1649 = arith.addi %add3A_1648, %add3A_14 : i32
      %run_scoped3A_1650 = arith.constant 13 : i32
      "tpu.region"() ({
        %run_scoped3A_1657 = tpu.sem_alloc : memref<!tpu.dma_semaphore, #tpu.memory_space<semaphore_mem>>
        %dma_start3A_1658 = arith.constant 0 : i32
        %dma_start3A_1659 = arith.constant 0 : i32
        %dma_start3A_1660 = tpu.memref_slice %arg7[%run_scoped3A_1650, %dma_start3A_1658, %dma_start3A_1659] : memref<16x128x32xf32, #tpu.memory_space<vmem>> -> memref<1x128x32xf32, #tpu.memory_space<vmem>>
        %dma_start3A_1661 = tpu.memref_squeeze %dma_start3A_1660 : memref<1x128x32xf32, #tpu.memory_space<vmem>> -> memref<128x32xf32, #tpu.memory_space<vmem>>
        %dma_start3A_1662 = arith.constant 32 : i32
        %dma_start3A_1663 = tpu.memref_slice %arg4[%add3A_1649, %dma_start3A_1662] : memref<65536x128xf32, #tpu.memory_space<hbm>> -> memref<128x32xf32, #tpu.memory_space<hbm>>
        %dma_start3A_1664 = arith.constant 32 : i32
        %dma_start3A_1665 = tpu.memref_slice %arg4[%add3A_1649, %dma_start3A_1664] : memref<65536x128xf32, #tpu.memory_space<hbm>> -> memref<128x32xf32, #tpu.memory_space<hbm>>
        %dma_start3A_1666 = arith.constant 0 : i32
        %dma_start3A_1667 = arith.constant 0 : i32
        %dma_start3A_1668 = tpu.memref_slice %arg7[%run_scoped3A_1650, %dma_start3A_1666, %dma_start3A_1667] : memref<16x128x32xf32, #tpu.memory_space<vmem>> -> memref<1x128x32xf32, #tpu.memory_space<vmem>>
        %dma_start3A_1669 = tpu.memref_squeeze %dma_start3A_1668 : memref<1x128x32xf32, #tpu.memory_space<vmem>> -> memref<128x32xf32, #tpu.memory_space<vmem>>
        tpu.enqueue_dma source(%dma_start3A_1669 : memref<128x32xf32, #tpu.memory_space<vmem>>) target(%dma_start3A_1665 : memref<128x32xf32, #tpu.memory_space<hbm>>) target_semaphore(%run_scoped3A_1657 : memref<!tpu.dma_semaphore, #tpu.memory_space<semaphore_mem>>)
        %dma_wait3A_1670 = arith.constant 0 : i32
        %dma_wait3A_1671 = arith.constant 0 : i32
        %dma_wait3A_1672 = tpu.memref_slice %arg7[%run_scoped3A_1650, %dma_wait3A_1670, %dma_wait3A_1671] : memref<16x128x32xf32, #tpu.memory_space<vmem>> -> memref<1x128x32xf32, #tpu.memory_space<vmem>>
        %dma_wait3A_1673 = tpu.memref_squeeze %dma_wait3A_1672 : memref<1x128x32xf32, #tpu.memory_space<vmem>> -> memref<128x32xf32, #tpu.memory_space<vmem>>
        %dma_wait3A_1674 = arith.constant 32 : i32
        %dma_wait3A_1675 = tpu.memref_slice %arg4[%add3A_1649, %dma_wait3A_1674] : memref<65536x128xf32, #tpu.memory_space<hbm>> -> memref<128x32xf32, #tpu.memory_space<hbm>>
        %dma_wait3A_1676 = arith.constant 32 : i32
        %dma_wait3A_1677 = tpu.memref_slice %arg4[%add3A_1649, %dma_wait3A_1676] : memref<65536x128xf32, #tpu.memory_space<hbm>> -> memref<128x32xf32, #tpu.memory_space<hbm>>
        %dma_wait3A_1678 = arith.constant 0 : i32
        %dma_wait3A_1679 = arith.constant 0 : i32
        %dma_wait3A_1680 = tpu.memref_slice %arg7[%run_scoped3A_1650, %dma_wait3A_1678, %dma_wait3A_1679] : memref<16x128x32xf32, #tpu.memory_space<vmem>> -> memref<1x128x32xf32, #tpu.memory_space<vmem>>
        %dma_wait3A_1681 = tpu.memref_squeeze %dma_wait3A_1680 : memref<1x128x32xf32, #tpu.memory_space<vmem>> -> memref<128x32xf32, #tpu.memory_space<vmem>>
        tpu.wait_dma2 semaphore(%run_scoped3A_1657 : memref<!tpu.dma_semaphore, #tpu.memory_space<semaphore_mem>>) src(%dma_wait3A_1681 : memref<128x32xf32, #tpu.memory_space<vmem>>) dst(%dma_wait3A_1677 : memref<128x32xf32, #tpu.memory_space<hbm>>)
        tpu.yield
      }) : () -> ()
      %add3A_1651 = arith.constant 49152 : i32
      %add3A_1652 = arith.addi %add3A_1651, %add3A_14 : i32
      %run_scoped3A_1653 = arith.constant 14 : i32
      "tpu.region"() ({
        %run_scoped3A_1657 = tpu.sem_alloc : memref<!tpu.dma_semaphore, #tpu.memory_space<semaphore_mem>>
        %dma_start3A_1658 = arith.constant 0 : i32
        %dma_start3A_1659 = arith.constant 0 : i32
        %dma_start3A_1660 = tpu.memref_slice %arg7[%run_scoped3A_1653, %dma_start3A_1658, %dma_start3A_1659] : memref<16x128x32xf32, #tpu.memory_space<vmem>> -> memref<1x128x32xf32, #tpu.memory_space<vmem>>
        %dma_start3A_1661 = tpu.memref_squeeze %dma_start3A_1660 : memref<1x128x32xf32, #tpu.memory_space<vmem>> -> memref<128x32xf32, #tpu.memory_space<vmem>>
        %dma_start3A_1662 = arith.constant 64 : i32
        %dma_start3A_1663 = tpu.memref_slice %arg4[%add3A_1652, %dma_start3A_1662] : memref<65536x128xf32, #tpu.memory_space<hbm>> -> memref<128x32xf32, #tpu.memory_space<hbm>>
        %dma_start3A_1664 = arith.constant 64 : i32
        %dma_start3A_1665 = tpu.memref_slice %arg4[%add3A_1652, %dma_start3A_1664] : memref<65536x128xf32, #tpu.memory_space<hbm>> -> memref<128x32xf32, #tpu.memory_space<hbm>>
        %dma_start3A_1666 = arith.constant 0 : i32
        %dma_start3A_1667 = arith.constant 0 : i32
        %dma_start3A_1668 = tpu.memref_slice %arg7[%run_scoped3A_1653, %dma_start3A_1666, %dma_start3A_1667] : memref<16x128x32xf32, #tpu.memory_space<vmem>> -> memref<1x128x32xf32, #tpu.memory_space<vmem>>
        %dma_start3A_1669 = tpu.memref_squeeze %dma_start3A_1668 : memref<1x128x32xf32, #tpu.memory_space<vmem>> -> memref<128x32xf32, #tpu.memory_space<vmem>>
        tpu.enqueue_dma source(%dma_start3A_1669 : memref<128x32xf32, #tpu.memory_space<vmem>>) target(%dma_start3A_1665 : memref<128x32xf32, #tpu.memory_space<hbm>>) target_semaphore(%run_scoped3A_1657 : memref<!tpu.dma_semaphore, #tpu.memory_space<semaphore_mem>>)
        %dma_wait3A_1670 = arith.constant 0 : i32
        %dma_wait3A_1671 = arith.constant 0 : i32
        %dma_wait3A_1672 = tpu.memref_slice %arg7[%run_scoped3A_1653, %dma_wait3A_1670, %dma_wait3A_1671] : memref<16x128x32xf32, #tpu.memory_space<vmem>> -> memref<1x128x32xf32, #tpu.memory_space<vmem>>
        %dma_wait3A_1673 = tpu.memref_squeeze %dma_wait3A_1672 : memref<1x128x32xf32, #tpu.memory_space<vmem>> -> memref<128x32xf32, #tpu.memory_space<vmem>>
        %dma_wait3A_1674 = arith.constant 64 : i32
        %dma_wait3A_1675 = tpu.memref_slice %arg4[%add3A_1652, %dma_wait3A_1674] : memref<65536x128xf32, #tpu.memory_space<hbm>> -> memref<128x32xf32, #tpu.memory_space<hbm>>
        %dma_wait3A_1676 = arith.constant 64 : i32
        %dma_wait3A_1677 = tpu.memref_slice %arg4[%add3A_1652, %dma_wait3A_1676] : memref<65536x128xf32, #tpu.memory_space<hbm>> -> memref<128x32xf32, #tpu.memory_space<hbm>>
        %dma_wait3A_1678 = arith.constant 0 : i32
        %dma_wait3A_1679 = arith.constant 0 : i32
        %dma_wait3A_1680 = tpu.memref_slice %arg7[%run_scoped3A_1653, %dma_wait3A_1678, %dma_wait3A_1679] : memref<16x128x32xf32, #tpu.memory_space<vmem>> -> memref<1x128x32xf32, #tpu.memory_space<vmem>>
        %dma_wait3A_1681 = tpu.memref_squeeze %dma_wait3A_1680 : memref<1x128x32xf32, #tpu.memory_space<vmem>> -> memref<128x32xf32, #tpu.memory_space<vmem>>
        tpu.wait_dma2 semaphore(%run_scoped3A_1657 : memref<!tpu.dma_semaphore, #tpu.memory_space<semaphore_mem>>) src(%dma_wait3A_1681 : memref<128x32xf32, #tpu.memory_space<vmem>>) dst(%dma_wait3A_1677 : memref<128x32xf32, #tpu.memory_space<hbm>>)
        tpu.yield
      }) : () -> ()
      %add3A_1654 = arith.constant 49152 : i32
      %add3A_1655 = arith.addi %add3A_1654, %add3A_14 : i32
      %run_scoped3A_1656 = arith.constant 15 : i32
      "tpu.region"() ({
        %run_scoped3A_1657 = tpu.sem_alloc : memref<!tpu.dma_semaphore, #tpu.memory_space<semaphore_mem>>
        %dma_start3A_1658 = arith.constant 0 : i32
        %dma_start3A_1659 = arith.constant 0 : i32
        %dma_start3A_1660 = tpu.memref_slice %arg7[%run_scoped3A_1656, %dma_start3A_1658, %dma_start3A_1659] : memref<16x128x32xf32, #tpu.memory_space<vmem>> -> memref<1x128x32xf32, #tpu.memory_space<vmem>>
        %dma_start3A_1661 = tpu.memref_squeeze %dma_start3A_1660 : memref<1x128x32xf32, #tpu.memory_space<vmem>> -> memref<128x32xf32, #tpu.memory_space<vmem>>
        %dma_start3A_1662 = arith.constant 96 : i32
        %dma_start3A_1663 = tpu.memref_slice %arg4[%add3A_1655, %dma_start3A_1662] : memref<65536x128xf32, #tpu.memory_space<hbm>> -> memref<128x32xf32, #tpu.memory_space<hbm>>
        %dma_start3A_1664 = arith.constant 96 : i32
        %dma_start3A_1665 = tpu.memref_slice %arg4[%add3A_1655, %dma_start3A_1664] : memref<65536x128xf32, #tpu.memory_space<hbm>> -> memref<128x32xf32, #tpu.memory_space<hbm>>
        %dma_start3A_1666 = arith.constant 0 : i32
        %dma_start3A_1667 = arith.constant 0 : i32
        %dma_start3A_1668 = tpu.memref_slice %arg7[%run_scoped3A_1656, %dma_start3A_1666, %dma_start3A_1667] : memref<16x128x32xf32, #tpu.memory_space<vmem>> -> memref<1x128x32xf32, #tpu.memory_space<vmem>>
        %dma_start3A_1669 = tpu.memref_squeeze %dma_start3A_1668 : memref<1x128x32xf32, #tpu.memory_space<vmem>> -> memref<128x32xf32, #tpu.memory_space<vmem>>
        tpu.enqueue_dma source(%dma_start3A_1669 : memref<128x32xf32, #tpu.memory_space<vmem>>) target(%dma_start3A_1665 : memref<128x32xf32, #tpu.memory_space<hbm>>) target_semaphore(%run_scoped3A_1657 : memref<!tpu.dma_semaphore, #tpu.memory_space<semaphore_mem>>)
        %dma_wait3A_1670 = arith.constant 0 : i32
        %dma_wait3A_1671 = arith.constant 0 : i32
        %dma_wait3A_1672 = tpu.memref_slice %arg7[%run_scoped3A_1656, %dma_wait3A_1670, %dma_wait3A_1671] : memref<16x128x32xf32, #tpu.memory_space<vmem>> -> memref<1x128x32xf32, #tpu.memory_space<vmem>>
        %dma_wait3A_1673 = tpu.memref_squeeze %dma_wait3A_1672 : memref<1x128x32xf32, #tpu.memory_space<vmem>> -> memref<128x32xf32, #tpu.memory_space<vmem>>
        %dma_wait3A_1674 = arith.constant 96 : i32
        %dma_wait3A_1675 = tpu.memref_slice %arg4[%add3A_1655, %dma_wait3A_1674] : memref<65536x128xf32, #tpu.memory_space<hbm>> -> memref<128x32xf32, #tpu.memory_space<hbm>>
        %dma_wait3A_1676 = arith.constant 96 : i32
        %dma_wait3A_1677 = tpu.memref_slice %arg4[%add3A_1655, %dma_wait3A_1676] : memref<65536x128xf32, #tpu.memory_space<hbm>> -> memref<128x32xf32, #tpu.memory_space<hbm>>
        %dma_wait3A_1678 = arith.constant 0 : i32
        %dma_wait3A_1679 = arith.constant 0 : i32
        %dma_wait3A_1680 = tpu.memref_slice %arg7[%run_scoped3A_1656, %dma_wait3A_1678, %dma_wait3A_1679] : memref<16x128x32xf32, #tpu.memory_space<vmem>> -> memref<1x128x32xf32, #tpu.memory_space<vmem>>
        %dma_wait3A_1681 = tpu.memref_squeeze %dma_wait3A_1680 : memref<1x128x32xf32, #tpu.memory_space<vmem>> -> memref<128x32xf32, #tpu.memory_space<vmem>>
        tpu.wait_dma2 semaphore(%run_scoped3A_1657 : memref<!tpu.dma_semaphore, #tpu.memory_space<semaphore_mem>>) src(%dma_wait3A_1681 : memref<128x32xf32, #tpu.memory_space<vmem>>) dst(%dma_wait3A_1677 : memref<128x32xf32, #tpu.memory_space<hbm>>)
        tpu.yield
      }) : () -> ()
    }
    %scan3A_6 = arith.constant 4 : i32
    return
  }
}

module attributes {stable_mosaic.version = 14 : i64} {
  func.func @_hash_body(%arg0: i32, %arg1: memref<1024x576xf32, #tpu.memory_space<vmem>>, %arg2: memref<576x256xf32, #tpu.memory_space<vmem>>, %arg3: memref<256x16xf32, #tpu.memory_space<vmem>>, %arg4: memref<1024x128xi32, #tpu.memory_space<vmem>>) attributes {dimension_semantics = [#tpu.dimension_semantics<arbitrary>], iteration_bounds = array<i64: 16>, scalar_prefetch = 0 : i64, scratch_operands = 0 : i64, tpu.core_type = #tpu.core_type<tc>, window_params = [{transform_indices = @transform_0, window_bounds = array<i64: 1024, 576>}, {pipeline_mode = #tpu.pipeline_mode<synchronous>, transform_indices = @transform_1, window_bounds = array<i64: 576, 256>}, {pipeline_mode = #tpu.pipeline_mode<synchronous>, transform_indices = @transform_2, window_bounds = array<i64: 256, 16>}, {transform_indices = @transform_3, window_bounds = array<i64: 1024, 128>}]} {
    %get3A = arith.constant 0 : index
    %get3A_0 = arith.constant 0 : index
    %get3A_1 = vector.load %arg1[%get3A, %get3A_0] : memref<1024x576xf32, #tpu.memory_space<vmem>>, vector<1024x576xf32>
    %get3A_2 = arith.constant 0 : index
    %get3A_3 = arith.constant 0 : index
    %get3A_4 = vector.load %arg2[%get3A_2, %get3A_3] : memref<576x256xf32, #tpu.memory_space<vmem>>, vector<576x256xf32>
    %dot_general3A = arith.constant dense<0.000000e+00> : vector<1024x256xf32>
    %dot_general3A_5 = tpu.matmul %get3A_1, %get3A_4, %dot_general3A {dimension_numbers = #tpu.dot_dimension_numbers<[1], [0], [0], [1], [0, 0, 1, 1], [], []>, transpose_lhs_hint = false} : vector<1024x576xf32>, vector<576x256xf32>, vector<1024x256xf32> -> vector<1024x256xf32>
    %gt3A = arith.constant 0.000000e+00 : f32
    %gt3A_6 = vector.broadcast %gt3A : f32 to vector<1024x256xf32>
    %gt3A_7 = arith.cmpf ogt, %dot_general3A_5, %gt3A_6 : vector<1024x256xf32>
    %jit3A = arith.constant 1.000000e+00 : f32
    %jit3A_8 = arith.constant 0.000000e+00 : f32
    %broadcast_in_dim3A = vector.broadcast %jit3A : f32 to vector<1024x256xf32>
    %broadcast_in_dim3A_9 = vector.broadcast %jit3A_8 : f32 to vector<1024x256xf32>
    %select_n3A = arith.select %gt3A_7, %broadcast_in_dim3A, %broadcast_in_dim3A_9 : vector<1024x256xi1>, vector<1024x256xf32>
    %get3A_10 = arith.constant 0 : index
    %get3A_11 = arith.constant 0 : index
    %get3A_12 = vector.load %arg3[%get3A_10, %get3A_11] : memref<256x16xf32, #tpu.memory_space<vmem>>, vector<256x16xf32>
    %dot_general3A_13 = arith.constant dense<0.000000e+00> : vector<1024x16xf32>
    %dot_general3A_14 = tpu.matmul %select_n3A, %get3A_12, %dot_general3A_13 {dimension_numbers = #tpu.dot_dimension_numbers<[1], [0], [0], [1], [0, 0, 1, 1], [], []>, precision = #tpu.contract_precision<fp32>, transpose_lhs_hint = false} : vector<1024x256xf32>, vector<256x16xf32>, vector<1024x16xf32> -> vector<1024x16xf32>
    %convert_element_type3A = arith.fptosi %dot_general3A_14 : vector<1024x16xf32> to vector<1024x16xi32>
    %broadcast_in_dim3A_15 = arith.constant 0 : i32
    %broadcast_in_dim3A_16 = vector.broadcast %broadcast_in_dim3A_15 : i32 to vector<1024x112xi32>
    %concatenate3A = tpu.concatenate %convert_element_type3A, %broadcast_in_dim3A_16 in 1 : vector<1024x16xi32>, vector<1024x112xi32> -> vector<1024x128xi32>
    %swap3A = arith.constant 0 : index
    %swap3A_17 = arith.constant 0 : index
    %swap3A_18 = vector.load %arg4[%swap3A, %swap3A_17] : memref<1024x128xi32, #tpu.memory_space<vmem>>, vector<1024x128xi32>
    tpu.vector_store %arg4[%swap3A, %swap3A_17], %concatenate3A {strides = array<i32>} : memref<1024x128xi32, #tpu.memory_space<vmem>>, vector<1024x128xi32>,
    return
  }
  func.func @transform_0(%arg0: i32) -> (i32, i32) {
    %c0_i32 = arith.constant 0 : i32
    %c0_i32_0 = arith.constant 0 : i32
    return %arg0, %c0_i32 : i32, i32
  }
  func.func @transform_1(%arg0: i32) -> (i32, i32) {
    %c0_i32 = arith.constant 0 : i32
    %c0_i32_0 = arith.constant 0 : i32
    %c0_i32_1 = arith.constant 0 : i32
    return %c0_i32, %c0_i32_0 : i32, i32
  }
  func.func @transform_2(%arg0: i32) -> (i32, i32) {
    %c0_i32 = arith.constant 0 : i32
    %c0_i32_0 = arith.constant 0 : i32
    %c0_i32_1 = arith.constant 0 : i32
    return %c0_i32, %c0_i32_0 : i32, i32
  }
  func.func @transform_3(%arg0: i32) -> (i32, i32) {
    %c0_i32 = arith.constant 0 : i32
    %c0_i32_0 = arith.constant 0 : i32
    return %arg0, %c0_i32 : i32, i32
  }
}

module attributes {stable_mosaic.version = 14 : i64} {
  func.func @_ln_body(%arg0: i32, %arg1: memref<1024x128xf32, #tpu.memory_space<vmem>>, %arg2: memref<1024x128xf32, #tpu.memory_space<vmem>>, %arg3: memref<1024x128xf32, #tpu.memory_space<vmem>>, %arg4: memref<1024x128xf32, #tpu.memory_space<vmem>>, %arg5: memref<1x512xf32, #tpu.memory_space<vmem>>, %arg6: memref<1x512xf32, #tpu.memory_space<vmem>>, %arg7: memref<1024x512xf32, #tpu.memory_space<vmem>>) attributes {dimension_semantics = [#tpu.dimension_semantics<arbitrary>], iteration_bounds = array<i64: 16>, scalar_prefetch = 0 : i64, scratch_operands = 0 : i64, tpu.core_type = #tpu.core_type<tc>, window_params = [{transform_indices = @transform_0, window_bounds = array<i64: 1024, 128>}, {transform_indices = @transform_1, window_bounds = array<i64: 1024, 128>}, {transform_indices = @transform_2, window_bounds = array<i64: 1024, 128>}, {transform_indices = @transform_3, window_bounds = array<i64: 1024, 128>}, {pipeline_mode = #tpu.pipeline_mode<synchronous>, transform_indices = @transform_4, window_bounds = array<i64: 1, 512>}, {pipeline_mode = #tpu.pipeline_mode<synchronous>, transform_indices = @transform_5, window_bounds = array<i64: 1, 512>}, {transform_indices = @transform_6, window_bounds = array<i64: 1024, 512>}]} {
    %get3A = arith.constant 0 : index
    %get3A_0 = arith.constant 0 : index
    %get3A_1 = vector.load %arg1[%get3A, %get3A_0] : memref<1024x128xf32, #tpu.memory_space<vmem>>, vector<1024x128xf32>
    %get3A_2 = arith.constant 0 : index
    %get3A_3 = arith.constant 0 : index
    %get3A_4 = vector.load %arg2[%get3A_2, %get3A_3] : memref<1024x128xf32, #tpu.memory_space<vmem>>, vector<1024x128xf32>
    %get3A_5 = arith.constant 0 : index
    %get3A_6 = arith.constant 0 : index
    %get3A_7 = vector.load %arg3[%get3A_5, %get3A_6] : memref<1024x128xf32, #tpu.memory_space<vmem>>, vector<1024x128xf32>
    %get3A_8 = arith.constant 0 : index
    %get3A_9 = arith.constant 0 : index
    %get3A_10 = vector.load %arg4[%get3A_8, %get3A_9] : memref<1024x128xf32, #tpu.memory_space<vmem>>, vector<1024x128xf32>
    %add3A = arith.addf %get3A_1, %get3A_4 : vector<1024x128xf32>
    %add3A_11 = arith.addf %add3A, %get3A_7 : vector<1024x128xf32>
    %add3A_12 = arith.addf %add3A_11, %get3A_10 : vector<1024x128xf32>
    %reduce_sum3A = arith.constant dense<0.000000e+00> : vector<1024xf32>
    %reduce_sum3A_13 = vector.multi_reduction <add>, %add3A_12, %reduce_sum3A [1] : vector<1024x128xf32> to vector<1024xf32>
    %broadcast_in_dim3A = vector.shape_cast %reduce_sum3A_13 : vector<1024xf32> to vector<1024x1xf32>
    %mul3A = arith.constant 0.001953125 : f32
    %mul3A_14 = vector.broadcast %mul3A : f32 to vector<1024x1xf32>
    %mul3A_15 = arith.mulf %broadcast_in_dim3A, %mul3A_14 : vector<1024x1xf32>
    %sub3A = vector.broadcast %mul3A_15 : vector<1024x1xf32> to vector<1024x128xf32>
    %sub3A_16 = arith.subf %get3A_1, %sub3A : vector<1024x128xf32>
    %sub3A_17 = vector.broadcast %mul3A_15 : vector<1024x1xf32> to vector<1024x128xf32>
    %sub3A_18 = arith.subf %get3A_1, %sub3A_17 : vector<1024x128xf32>
    %mul3A_19 = arith.mulf %sub3A_16, %sub3A_18 : vector<1024x128xf32>
    %sub3A_20 = vector.broadcast %mul3A_15 : vector<1024x1xf32> to vector<1024x128xf32>
    %sub3A_21 = arith.subf %get3A_4, %sub3A_20 : vector<1024x128xf32>
    %sub3A_22 = vector.broadcast %mul3A_15 : vector<1024x1xf32> to vector<1024x128xf32>
    %sub3A_23 = arith.subf %get3A_4, %sub3A_22 : vector<1024x128xf32>
    %mul3A_24 = arith.mulf %sub3A_21, %sub3A_23 : vector<1024x128xf32>
    %sub3A_25 = vector.broadcast %mul3A_15 : vector<1024x1xf32> to vector<1024x128xf32>
    %sub3A_26 = arith.subf %get3A_7, %sub3A_25 : vector<1024x128xf32>
    %sub3A_27 = vector.broadcast %mul3A_15 : vector<1024x1xf32> to vector<1024x128xf32>
    %sub3A_28 = arith.subf %get3A_7, %sub3A_27 : vector<1024x128xf32>
    %mul3A_29 = arith.mulf %sub3A_26, %sub3A_28 : vector<1024x128xf32>
    %sub3A_30 = vector.broadcast %mul3A_15 : vector<1024x1xf32> to vector<1024x128xf32>
    %sub3A_31 = arith.subf %get3A_10, %sub3A_30 : vector<1024x128xf32>
    %sub3A_32 = vector.broadcast %mul3A_15 : vector<1024x1xf32> to vector<1024x128xf32>
    %sub3A_33 = arith.subf %get3A_10, %sub3A_32 : vector<1024x128xf32>
    %mul3A_34 = arith.mulf %sub3A_31, %sub3A_33 : vector<1024x128xf32>
    %add3A_35 = arith.addf %mul3A_19, %mul3A_24 : vector<1024x128xf32>
    %add3A_36 = arith.addf %add3A_35, %mul3A_29 : vector<1024x128xf32>
    %add3A_37 = arith.addf %add3A_36, %mul3A_34 : vector<1024x128xf32>
    %reduce_sum3A_38 = arith.constant dense<0.000000e+00> : vector<1024xf32>
    %reduce_sum3A_39 = vector.multi_reduction <add>, %add3A_37, %reduce_sum3A_38 [1] : vector<1024x128xf32> to vector<1024xf32>
    %broadcast_in_dim3A_40 = vector.shape_cast %reduce_sum3A_39 : vector<1024xf32> to vector<1024x1xf32>
    %mul3A_41 = arith.constant 0.001953125 : f32
    %mul3A_42 = vector.broadcast %mul3A_41 : f32 to vector<1024x1xf32>
    %mul3A_43 = arith.mulf %broadcast_in_dim3A_40, %mul3A_42 : vector<1024x1xf32>
    %add3A_44 = arith.constant 9.99999997E-7 : f32
    %add3A_45 = vector.broadcast %add3A_44 : f32 to vector<1024x1xf32>
    %add3A_46 = arith.addf %mul3A_43, %add3A_45 : vector<1024x1xf32>
    %rsqrt3A = math.rsqrt %add3A_46 : vector<1024x1xf32>
    %sub3A_47 = vector.broadcast %mul3A_15 : vector<1024x1xf32> to vector<1024x128xf32>
    %sub3A_48 = arith.subf %get3A_1, %sub3A_47 : vector<1024x128xf32>
    %mul3A_49 = vector.broadcast %rsqrt3A : vector<1024x1xf32> to vector<1024x128xf32>
    %mul3A_50 = arith.mulf %sub3A_48, %mul3A_49 : vector<1024x128xf32>
    %get3A_51 = arith.constant 0 : index
    %get3A_52 = arith.constant 0 : index
    %get3A_53 = vector.load %arg5[%get3A_51, %get3A_52] : memref<1x512xf32, #tpu.memory_space<vmem>>, vector<1x128xf32>
    %mul3A_54 = vector.broadcast %get3A_53 : vector<1x128xf32> to vector<1024x128xf32>
    %mul3A_55 = arith.mulf %mul3A_50, %mul3A_54 : vector<1024x128xf32>
    %get3A_56 = arith.constant 0 : index
    %get3A_57 = arith.constant 0 : index
    %get3A_58 = vector.load %arg6[%get3A_56, %get3A_57] : memref<1x512xf32, #tpu.memory_space<vmem>>, vector<1x128xf32>
    %add3A_59 = vector.broadcast %get3A_58 : vector<1x128xf32> to vector<1024x128xf32>
    %add3A_60 = arith.addf %mul3A_55, %add3A_59 : vector<1024x128xf32>
    %swap3A = arith.constant 0 : index
    %swap3A_61 = arith.constant 0 : index
    %swap3A_62 = vector.load %arg7[%swap3A, %swap3A_61] : memref<1024x512xf32, #tpu.memory_space<vmem>>, vector<1024x128xf32>
    tpu.vector_store %arg7[%swap3A, %swap3A_61], %add3A_60 {strides = array<i32>} : memref<1024x512xf32, #tpu.memory_space<vmem>>, vector<1024x128xf32>,
    %sub3A_63 = vector.broadcast %mul3A_15 : vector<1024x1xf32> to vector<1024x128xf32>
    %sub3A_64 = arith.subf %get3A_4, %sub3A_63 : vector<1024x128xf32>
    %mul3A_65 = vector.broadcast %rsqrt3A : vector<1024x1xf32> to vector<1024x128xf32>
    %mul3A_66 = arith.mulf %sub3A_64, %mul3A_65 : vector<1024x128xf32>
    %get3A_67 = arith.constant 0 : index
    %get3A_68 = arith.constant 128 : index
    %get3A_69 = vector.load %arg5[%get3A_67, %get3A_68] : memref<1x512xf32, #tpu.memory_space<vmem>>, vector<1x128xf32>
    %mul3A_70 = vector.broadcast %get3A_69 : vector<1x128xf32> to vector<1024x128xf32>
    %mul3A_71 = arith.mulf %mul3A_66, %mul3A_70 : vector<1024x128xf32>
    %get3A_72 = arith.constant 0 : index
    %get3A_73 = arith.constant 128 : index
    %get3A_74 = vector.load %arg6[%get3A_72, %get3A_73] : memref<1x512xf32, #tpu.memory_space<vmem>>, vector<1x128xf32>
    %add3A_75 = vector.broadcast %get3A_74 : vector<1x128xf32> to vector<1024x128xf32>
    %add3A_76 = arith.addf %mul3A_71, %add3A_75 : vector<1024x128xf32>
    %swap3A_77 = arith.constant 0 : index
    %swap3A_78 = arith.constant 128 : index
    %swap3A_79 = vector.load %arg7[%swap3A_77, %swap3A_78] : memref<1024x512xf32, #tpu.memory_space<vmem>>, vector<1024x128xf32>
    tpu.vector_store %arg7[%swap3A_77, %swap3A_78], %add3A_76 {strides = array<i32>} : memref<1024x512xf32, #tpu.memory_space<vmem>>, vector<1024x128xf32>,
    %sub3A_80 = vector.broadcast %mul3A_15 : vector<1024x1xf32> to vector<1024x128xf32>
    %sub3A_81 = arith.subf %get3A_7, %sub3A_80 : vector<1024x128xf32>
    %mul3A_82 = vector.broadcast %rsqrt3A : vector<1024x1xf32> to vector<1024x128xf32>
    %mul3A_83 = arith.mulf %sub3A_81, %mul3A_82 : vector<1024x128xf32>
    %get3A_84 = arith.constant 0 : index
    %get3A_85 = arith.constant 256 : index
    %get3A_86 = vector.load %arg5[%get3A_84, %get3A_85] : memref<1x512xf32, #tpu.memory_space<vmem>>, vector<1x128xf32>
    %mul3A_87 = vector.broadcast %get3A_86 : vector<1x128xf32> to vector<1024x128xf32>
    %mul3A_88 = arith.mulf %mul3A_83, %mul3A_87 : vector<1024x128xf32>
    %get3A_89 = arith.constant 0 : index
    %get3A_90 = arith.constant 256 : index
    %get3A_91 = vector.load %arg6[%get3A_89, %get3A_90] : memref<1x512xf32, #tpu.memory_space<vmem>>, vector<1x128xf32>
    %add3A_92 = vector.broadcast %get3A_91 : vector<1x128xf32> to vector<1024x128xf32>
    %add3A_93 = arith.addf %mul3A_88, %add3A_92 : vector<1024x128xf32>
    %swap3A_94 = arith.constant 0 : index
    %swap3A_95 = arith.constant 256 : index
    %swap3A_96 = vector.load %arg7[%swap3A_94, %swap3A_95] : memref<1024x512xf32, #tpu.memory_space<vmem>>, vector<1024x128xf32>
    tpu.vector_store %arg7[%swap3A_94, %swap3A_95], %add3A_93 {strides = array<i32>} : memref<1024x512xf32, #tpu.memory_space<vmem>>, vector<1024x128xf32>,
    %sub3A_97 = vector.broadcast %mul3A_15 : vector<1024x1xf32> to vector<1024x128xf32>
    %sub3A_98 = arith.subf %get3A_10, %sub3A_97 : vector<1024x128xf32>
    %mul3A_99 = vector.broadcast %rsqrt3A : vector<1024x1xf32> to vector<1024x128xf32>
    %mul3A_100 = arith.mulf %sub3A_98, %mul3A_99 : vector<1024x128xf32>
    %get3A_101 = arith.constant 0 : index
    %get3A_102 = arith.constant 384 : index
    %get3A_103 = vector.load %arg5[%get3A_101, %get3A_102] : memref<1x512xf32, #tpu.memory_space<vmem>>, vector<1x128xf32>
    %mul3A_104 = vector.broadcast %get3A_103 : vector<1x128xf32> to vector<1024x128xf32>
    %mul3A_105 = arith.mulf %mul3A_100, %mul3A_104 : vector<1024x128xf32>
    %get3A_106 = arith.constant 0 : index
    %get3A_107 = arith.constant 384 : index
    %get3A_108 = vector.load %arg6[%get3A_106, %get3A_107] : memref<1x512xf32, #tpu.memory_space<vmem>>, vector<1x128xf32>
    %add3A_109 = vector.broadcast %get3A_108 : vector<1x128xf32> to vector<1024x128xf32>
    %add3A_110 = arith.addf %mul3A_105, %add3A_109 : vector<1024x128xf32>
    %swap3A_111 = arith.constant 0 : index
    %swap3A_112 = arith.constant 384 : index
    %swap3A_113 = vector.load %arg7[%swap3A_111, %swap3A_112] : memref<1024x512xf32, #tpu.memory_space<vmem>>, vector<1024x128xf32>
    tpu.vector_store %arg7[%swap3A_111, %swap3A_112], %add3A_110 {strides = array<i32>} : memref<1024x512xf32, #tpu.memory_space<vmem>>, vector<1024x128xf32>,
    return
  }
  func.func @transform_0(%arg0: i32) -> (i32, i32) {
    %add3A = arith.constant 0 : i32
    %add3A_0 = arith.addi %add3A, %arg0 : i32
    %c0_i32 = arith.constant 0 : i32
    %c0_i32_1 = arith.constant 0 : i32
    return %add3A_0, %c0_i32 : i32, i32
  }
  func.func @transform_1(%arg0: i32) -> (i32, i32) {
    %add3A = arith.constant 16 : i32
    %add3A_0 = arith.addi %add3A, %arg0 : i32
    %c0_i32 = arith.constant 0 : i32
    %c0_i32_1 = arith.constant 0 : i32
    return %add3A_0, %c0_i32 : i32, i32
  }
  func.func @transform_2(%arg0: i32) -> (i32, i32) {
    %add3A = arith.constant 32 : i32
    %add3A_0 = arith.addi %add3A, %arg0 : i32
    %c0_i32 = arith.constant 0 : i32
    %c0_i32_1 = arith.constant 0 : i32
    return %add3A_0, %c0_i32 : i32, i32
  }
  func.func @transform_3(%arg0: i32) -> (i32, i32) {
    %add3A = arith.constant 48 : i32
    %add3A_0 = arith.addi %add3A, %arg0 : i32
    %c0_i32 = arith.constant 0 : i32
    %c0_i32_1 = arith.constant 0 : i32
    return %add3A_0, %c0_i32 : i32, i32
  }
  func.func @transform_4(%arg0: i32) -> (i32, i32) {
    %c0_i32 = arith.constant 0 : i32
    %c0_i32_0 = arith.constant 0 : i32
    %c0_i32_1 = arith.constant 0 : i32
    return %c0_i32, %c0_i32_0 : i32, i32
  }
  func.func @transform_5(%arg0: i32) -> (i32, i32) {
    %c0_i32 = arith.constant 0 : i32
    %c0_i32_0 = arith.constant 0 : i32
    %c0_i32_1 = arith.constant 0 : i32
    return %c0_i32, %c0_i32_0 : i32, i32
  }
  func.func @transform_6(%arg0: i32) -> (i32, i32) {
    %c0_i32 = arith.constant 0 : i32
    %c0_i32_0 = arith.constant 0 : i32
    return %arg0, %c0_i32 : i32, i32
  }
}

</mosaic_0001>

<sc_bundles>
// kernel: kernel.5.cloned.1.call-start
scs
__scs_entry_jumppad:
0x0: {  	(pc) =	sbr.rel $0x88, $3  }
0x1: {  	(tag) =	ssettag $0x0;
	lr =	simm.s32 $0x1  }
0x2: {  	[smem:$0x3F9B] =	sst lr;
	_ =	strace $0xD0000000  }
0x3: {  	_ = 	snop  }
0x4: {  	_ = 	snop  }
0x5: {  	_ = 	snop  }
0x6: {  	_ = 	snop  }
0x7: {  	_ = 	snop  }
__scs_overlays_trampoline_lowered:
0x8: {  	[smem:$0x3FAA] =	sst s0  }
0x9: {  	[smem:$0x3FAB] =	sst s1  }
0xa: {  	[smem:$0x3FAC] =	sst s2  }
0xb: {  	[smem:$0x3FAD] =	sst s3  }
0xc: {  	[smem:$0x3FAE] =	sst s4  }
0xd: {  	[smem:$0x3FAF] =	sst s5  }
0xe: {  	[smem:$0x3FB0] =	sst s6  }
0xf: {  	[smem:$0x3FB1] =	sst s7  }
0x10: {  	[smem:$0x3FB2] =	sst s8  }
0x11: {  	[smem:$0x3FB3] =	sst s9;
	s0 =	simm.s32 @!p0 $0x0  }
0x12: {  	s1 =	sld [smem:$0x3F99];
	s0 =	simm.s32 @p0 $0x1  }
0x13: {  	[smem:$0x3FB4] =	sst s0;
	s0 =	simm.s32 @!p1 $0x0  }
0x14: {  	s2 =	sld [smem:$0x3F98];
	s0 =	simm.s32 @p1 $0x1  }
0x15: {  	[smem:$0x3FB5] =	sst s0;
	s0 =	simm.s32 @!p2 $0x0  }
0x16: {  	s3 =	sld [smem:$0x3FDB];
	s0 =	simm.s32 @p2 $0x1  }
0x17: {  	s4 =	simm.s32 $0x1BF5;
	[smem:$0x3FB7] =	sst s0  }
0x18: {  	s0 =	sld [smem:$0x3F9A];
	_ =	swait.ge [sflag:s4], $0x0  }
0x19: {  	s7 =	sld [smem:$0x3F9B]  }
0x1a: {  	s8 =	sadd.s32 $0xFFFFE003, lr  }
0x1b: {  	s9 =	sadd.s32 $0xFFFFFEF7, lr;
	s5 =	simm.s32 $0xFFFFFFFF;
	p2 =	slt.u32 s8, $0xFFFFF086  }
0x1c: {  	p1 =	slt.u32 s9, $0xF7A;
	s5 =	simm.s32 @!p2 $0x0  }
0x1d: {  	s5 =	simm.s32 @p1 $0x1;
	p0 =	seq.s32 s7, s2  }
0x1e: {  	s7 =	smul.u32 @!p0 $0xF7A, s2;
	p2 =	seq.s32 @!p0 s5, $0x0  }
0x1f: {  	s9 =	smul.u32 $0xF7A, s1;
	s8 =	simm.s32 @!p0 $0x1BF5;
	p2 =	por !p2, p0  }
0x20: {  	[sflag:s8] =	ssyncset.s32 @!p0 $0xFFFFF086;
	s6 =	sadd.s32 @!p0 s3, s7;
	s7 =	simm.s32 @!p0 $0x108  }
0x21: {  	s3 =	sadd.s32 s3, s9;
	s6 =	sadd.s32 @!p0 $0x88, s6;
	s7 =	simm.s32 @p2 $0x1082  }
0x22: {  	[simem:s7], [sflag:s8] =	dma.local @!p0 [hbm:s6], $0xF7A  }
0x23: {  	s9 =	sor.u32 $0xD0000000, s2;
	s6 =	simm.s32 $0x108;
	_ =	swait.ge @!p0 [sflag:s8], $0x0  }
0x24: {  	s3 =	sadd.s32 $0x88, s3;
	s6 =	simm.s32 @!p1 $0x1082;
	[sflag:s4] =	ssyncset.s32 $0xFFFFF086  }
0x25: {  	[simem:s6], [sflag:s4] =	dma.local [hbm:s3], $0xF7A  }
0x26: {  	[smem:$0x3F9B] =	sst s1;
	(tag) =	ssettag s2;
	_ =	strace s9  }
0x27: {  	s1 =	sld [smem:$0x3FAB]  }
0x28: {  	s2 =	sld [smem:$0x3FAC]  }
0x29: {  	s4 =	sld [smem:$0x3FAE]  }
0x2a: {  	p0 =	seq.s32 s5, $0x0;
	s5 =	sld [smem:$0x3FAF]  }
0x2b: {  	s6 =	sld [smem:$0x3FB0]  }
0x2c: {  	s7 =	sld [smem:$0x3FB1]  }
0x2d: {  	s3 =	simm.s32 $0x108;
	s8 =	sld [smem:$0x3FB2]  }
0x2e: {  	s3 =	simm.s32 @!p0 $0x1082;
	s9 =	sld [smem:$0x3FB3]  }
0x2f: {  	lr =	sadd.s32 s0, s3;
	s0 =	sld [smem:$0x3FAA]  }
0x30: {  	s3 =	sld [smem:$0x3FAD]  }
0x31: {  	[smem:$0x3FB6] =	sst s10  }
0x32: {  	s10 =	sld [smem:$0x3FB4];
	_ =	sdelay $0x3  }
0x33: {  	p0 =	seq.s32 s10, $0x1;
	s10 =	sld [smem:$0x3FB6];
	_ =	sdelay $0x3  }
0x34: {  	[smem:$0x3FB6] =	sst s10  }
0x35: {  	s10 =	sld [smem:$0x3FB5];
	_ =	sdelay $0x3  }
0x36: {  	p1 =	seq.s32 s10, $0x1;
	s10 =	sld [smem:$0x3FB6];
	_ =	sdelay $0x3  }
0x37: {  	[smem:$0x3FB6] =	sst s10  }
0x38: {  	s10 =	sld [smem:$0x3FB7]  }
0x39: {  	_ = 	snop;
	(pc) =	sbr.ind lr, $3  }
0x3a: {  	_ = 	snop  }
0x3b: {  	_ = 	snop  }
0x3c: {  	p2 =	seq.s32 s10, $0x1;
	s10 =	sld [smem:$0x3FB6]  }
0x3d: {  	_ =	shalt  }
0x3e: {  	_ =	shalt  }
0x3f: {  	_ =	shalt  }
0x40: {  	_ =	shalt  }
0x41: {  	_ =	shalt  }
0x42: {  	_ =	shalt  }
0x43: {  	_ =	shalt  }
0x44: {  	_ =	shalt  }
0x45: {  	_ =	shalt  }
0x46: {  	_ =	shalt  }
0x47: {  	_ =	shalt  }
0x48: {  	_ =	shalt  }
0x49: {  	_ =	shalt  }
0x4a: {  	_ =	shalt  }
0x4b: {  	_ =	shalt  }
0x4c: {  	_ =	shalt  }
0x4d: {  	_ =	shalt  }
0x4e: {  	_ =	shalt  }
0x4f: {  	_ =	shalt  }
0x50: {  	_ =	shalt  }
0x51: {  	_ =	shalt  }
0x52: {  	_ =	shalt  }
0x53: {  	_ =	shalt  }
0x54: {  	_ =	shalt  }
0x55: {  	_ =	shalt  }
0x56: {  	_ =	shalt  }
0x57: {  	_ =	shalt  }
0x58: {  	_ =	shalt  }
0x59: {  	_ =	shalt  }
0x5a: {  	_ =	shalt  }
0x5b: {  	_ =	shalt  }
0x5c: {  	_ =	shalt  }
0x5d: {  	_ =	shalt  }
0x5e: {  	_ =	shalt  }
0x5f: {  	_ =	shalt  }
0x60: {  	_ =	shalt  }
0x61: {  	_ =	shalt  }
0x62: {  	_ =	shalt  }
0x63: {  	_ =	shalt  }
0x64: {  	_ =	shalt  }
0x65: {  	_ =	shalt  }
0x66: {  	_ =	shalt  }
0x67: {  	_ =	shalt  }
0x68: {  	_ =	shalt  }
0x69: {  	_ =	shalt  }
0x6a: {  	_ =	shalt  }
0x6b: {  	_ =	shalt  }
0x6c: {  	_ =	shalt  }
0x6d: {  	_ =	shalt  }
0x6e: {  	_ =	shalt  }
0x6f: {  	_ =	shalt  }
0x70: {  	_ =	shalt  }
0x71: {  	_ =	shalt  }
0x72: {  	_ =	shalt  }
0x73: {  	_ =	shalt  }
0x74: {  	_ =	shalt  }
0x75: {  	_ =	shalt  }
0x76: {  	_ =	shalt  }
0x77: {  	_ =	shalt  }
0x78: {  	_ =	shalt  }
0x79: {  	_ =	shalt  }
0x7a: {  	_ =	shalt  }
0x7b: {  	_ =	shalt  }
0x7c: {  	_ =	shalt  }
0x7d: {  	_ =	shalt  }
0x7e: {  	_ =	shalt  }
0x7f: {  	_ =	shalt  }
0x80: {  	_ =	shalt  }
0x81: {  	_ =	shalt  }
0x82: {  	_ =	shalt  }
0x83: {  	_ =	shalt  }
0x84: {  	_ =	shalt  }
0x85: {  	_ =	shalt  }
0x86: {  	_ =	shalt  }
0x87: {  	_ =	shalt  }
.Lfunc_end0:
.L_simem_size_0:
called_computation.1_lowered:
.L_overlay_start_0:
0x88: {  	s2 =	sld [smem:$0x3FD9]  }
0x89: {  	s3 =	sld [smem:$0x3FFE];
	_ =	sdelay $0x1  }
0x8a: {  	s1 =	srdreg.scid  }
0x8b: {  	s0 =	sand.u32 $0x1, s1  }
0x8c: {  	s17 =	sshll.u32 s0, $0xA;
	s2 =	sadd.s32 s3, s2  }
0x8d: {  	s2 =	sadd.s32 s2, s17  }
0x8e: {  	[smem:$0x3FC2] =	sst s2  }
0x8f: {  	_ = 	snop  }
0x90: {  	s2 =	sld [smem:$0x3FD0];
	(tm) =	ssettm $0x1  }
0x91: {  	s18 =	sld [smem:$0x3FFB];
	_ =	sdelay $0x3  }
0x92: {  	_ =	strace s18  }
0x93: {  	s3 =	sld [smem:$0x3FFC];
	_ =	sdelay $0x3  }
0x94: {  	_ =	strace s3  }
0x95: {  	s3 =	sld [smem:$0x3FFD];
	_ =	sdelay $0x3  }
0x96: {  	_ =	strace s3  }
0x97: {  	_ =	strace $0x8FFFFFFF  }
0x98: {  	s19 =	sld [smem:$0x3FDB];
	_ =	sdelay $0x1  }
0x99: {  	s4 =	simm.s32 $_scs_section_size  }
0x9a: {  	s5 =	simm.s32 $_size__tile_overlayer_lowered;
	s6 =	simm.s32 $_tile_overlayer_lowered  }
0x9b: {  	s22 =	simm.s32 $0x1BFF;
	s21 =	sshll.u32 s6, $0x1;
	s3 =	sadd.s32 s4, s19  }
0x9c: {  	s7 =	simm.s32 $0x0;
	s20 =	sshll.u32 s5, $0x1;
	s5 =	sadd.s32 s21, s3  }
0x9d: {  	[timem:s7], [sflag:s22] =	dma.local [hbm:s5], s20  }
0x9e: {  	_ =	swait.ge [sflag:s22], s20  }
0x9f: {  	s4 =	ssub.s32 $0x0, s20;
	[sflag:s22] =	ssyncset.done $0x0  }
0xa0: {  	[sflag:s22] =	ssyncadd.s32 s4;
	_ =	sdelay $0x1  }
0xa1: {  	s23 =	simm.s32 $0x1B8B  }
0xa2: {  	_ =	swait.ge [sflag:s23], $0x1  }
0xa3: {  	[sflag:s23] =	ssyncset.done $0x0  }
0xa4: {  	s25 =	simm.s32 $0x1B8E;
	s24 =	sld [smem:$0x3FFE];
	[sflag:s23] =	ssyncadd.s32 $0xFFFFFFFF  }
0xa5: {  	s26 =	simm.s32 $execute0_lowered;
	[smem:$0x3FD2] =	sst s25  }
0xa6: {  	s5 =	sshll.u32 s26, $0x1;
	_ =	strace $0x80000049;
	[dreg:$0x1] =	wrdreg $0xFFFFFFFF  }
0xa7: {  	s28 =	simm.s32 $_size_execute0_lowered;
	s3 =	sadd.s32 s3, s5;
	[dreg:$0x0] =	wrdreg $0x0  }
0xa8: {  	s5 =	sshll.u32 s28, $0x1;
	[dreg:$0x2] =	wrdreg s3  }
0xa9: {  	[dreg:$0x3] =	wrdreg s5  }
0xaa: {  	[dreg:$0x4] =	wrdreg $0xC0  }
0xab: {  	_ =	task [dreg:s7], $0x5FFFF  }
0xac: {  	[dreg:$0x1] =	wrdreg $0xFFFFFFFF  }
0xad: {  	[dreg:$0x0] =	wrdreg $0x60  }
0xae: {  	[dreg:$0x2] =	wrdreg s24  }
0xaf: {  	[dreg:$0x3] =	wrdreg s2  }
0xb0: {  	[dreg:$0x4] =	wrdreg $0x9  }
0xb1: {  	_ =	task.clear_ibuf [dreg:s7], $0x5FFFF;
	_ =	strace $0x90000049  }
0xb2: {  	s29 =	simm.s32 $0x9;
	_ =	strace $0x8000004B  }
0xb3: {  	_ =	swait.ge [sflag:s29], $0x1  }
0xb4: {  	[sflag:s29] =	ssyncadd.s32 $0xFFFFFFFF  }
0xb5: {  	_ =	strace $0x9000004B  }
0xb6: {  	_ =	sfence  }
0xb7: {  	s30 =	sld [smem:$0x0];
	_ =	sdelay $0x2  }
0xb8: {  	s31 =	sshll.u32 s1, $0xD;
	s1 =	sshrl.u32 s1, $0x2  }
0xb9: {  	s3 =	sand.u32 $0x4000, s31;
	s1 =	sadd.s32 s1, s30  }
0xba: {  	s0 =	sor.u32 s3, s0;
	s1 =	sshll.u32 s1, $0x11  }
0xbb: {  	s0 =	sor.u32 s1, s0  }
0xbc: {  	s0 =	sadd.s32 $0x8F2B, s0  }
0xbd: {  	[sflag:s0] =	ssyncadd.remote.s32 $0x1  }
0xbe: {  	_ =	sfence.sel $0xFFFF  }
0xbf: {  	[dreg:$0x0] =	wrdreg $0xFFFFFFFF;
	(pc) =	sbr.abs _section_cstart, $3  }
0xc0: {  	[dreg:$0x1] =	wrdreg $0xFFFFFFFF  }
0xc1: {  	_ =	task.clear_ibuf [dreg:s7], $0x2FFFF;
	_ =	strace $0x9FFFFFFF  }
0xc2: {  	(tm) =	ssettm $0x7FFFFFFF  }
0xc3: {  	_ =	shalt  }
tec
execute0_lowered:
.L_overlay_start_1:
0x0: {  	(tag) =	ssettag $0x1  }
0x1: {  	s3 =	rddreg [dreg:$0x0]  }
0x2: {  	s4 =	rddreg [dreg:$0x1]  }
0x3: {  	s0 =	rddreg [dreg:$0x2];
	s1 =	simm.s32 $0x0  }
0x4: {  	[smem:$0x7FF] =	sst s1;
	s2 =	sadd.s32 $0x1001400, s3  }
0x5: {  	s12 =	sadd.s32 $0x1041400, s3;
	_ =	strace $0x8000004A;
	[dreg:$0x3] =	wrdreg s2  }
0x6: {  	s13 =	sadd.s32 $0x1081400, s3;
	[dreg:$0x4] =	wrdreg s12  }
0x7: {  	s14 =	sadd.s32 $0x10C1400, s3;
	[dreg:$0x5] =	wrdreg s13  }
0x8: {  	s15 =	sadd.s32 $0x1101400, s3;
	[dreg:$0x6] =	wrdreg s14  }
0x9: {  	s5 =	sadd.s32 $0x1141400, s3;
	[dreg:$0x7] =	wrdreg s15  }
0xa: {  	s16 =	sadd.s32 $0x1181400, s3;
	[dreg:$0x8] =	wrdreg s5  }
0xb: {  	s17 =	sadd.s32 $0x11C1400, s3;
	[dreg:$0x9] =	wrdreg s16  }
0xc: {  	s18 =	sadd.s32 $0x1201400, s3;
	[dreg:$0xa] =	wrdreg s17  }
0xd: {  	s19 =	sadd.s32 $0x1241400, s3;
	[dreg:$0xb] =	wrdreg s18  }
0xe: {  	s20 =	sadd.s32 $0x1281400, s3;
	[dreg:$0xc] =	wrdreg s19  }
0xf: {  	s21 =	sadd.s32 $0x12C1400, s3;
	[dreg:$0xd] =	wrdreg s20  }
0x10: {  	s22 =	sadd.s32 $0x1301400, s3;
	[dreg:$0xe] =	wrdreg s21  }
0x11: {  	s23 =	sadd.s32 $0x1341400, s3;
	[dreg:$0xf] =	wrdreg s22  }
0x12: {  	s24 =	sadd.s32 $0x1381400, s3;
	[dreg:$0x10] =	wrdreg s23  }
0x13: {  	s26 =	simm.s32 $0x4000;
	[dreg:$0x11] =	wrdreg s24  }
0x14: {  	v0 =	vlaneseq.u32;
	s28 =	simm.s32 $0x4080;
	[dreg:$0x15] =	wrdreg s26  }
0x15: {  	s29 =	simm.s32 $0x4100;
	v0 =	vmul.u32 $0x80, v0;
	[dreg:$0x16] =	wrdreg s28  }
0x16: {  	s8 =	srdreg.scid;
	s30 =	simm.s32 $0x4180;
	[dreg:$0x17] =	wrdreg s29  }
0x17: {  	s31 =	simm.s32 $0x4200;
	s11 =	simm.s32 $0x4280;
	[dreg:$0x18] =	wrdreg s30;
	v2 =	vor.u32 $0x800, v0;
	v3 =	vor.u32 $0x1000, v0;
	v4 =	vor.u32 $0x1800, v0  }
0x18: {  	s8 =	sand.u32 $0x1, s8;
	s2 =	stileid.u32;
	[dreg:$0x19] =	wrdreg s31;
	v5 =	vor.u32 $0x2000, v0;
	v6 =	vor.u32 $0x2800, v0;
	v7 =	vor.u32 $0x3000, v0  }
0x19: {  	s9 =	ssub.s32 $0x2, s8;
	s8 =	sshll.u32 s8, $0xD;
	[dreg:$0x1a] =	wrdreg s11;
	v8 =	vor.u32 $0x3800, v0;
	v9 =	vor.u32 $0x1, v0;
	v10 =	vor.u32 $0x801, v0  }
0x1a: {  	s12 =	simm.s32 $0x4300;
	s11 =	simm.s32 $0x9800;
	s13 =	simm.s32 $0x4380;
	v11 =	vor.u32 $0x1001, v0;
	v12 =	vor.u32 $0x1801, v0;
	v13 =	vor.u32 $0x2001, v0  }
0x1b: {  	s14 =	simm.s32 $0x4400;
	s15 =	simm.s32 $0x4480;
	s16 =	simm.s32 $0x4500;
	v14 =	vor.u32 $0x2801, v0;
	v15 =	vor.u32 $0x3001, v0;
	v16 =	vor.u32 $0x3801, v0  }
0x1c: {  	s17 =	simm.s32 $0x4580;
	s18 =	simm.s32 $0x4600;
	v17 =	vor.u32 $0x2, v0;
	v18 =	vor.u32 $0x802, v0;
	v19 =	vor.u32 $0x1002, v0;
	[dreg:$0x1b] =	wrdreg s12  }
0x1d: {  	s19 =	simm.s32 $0x4680;
	s20 =	simm.s32 $0x4700;
	v20 =	vor.u32 $0x1802, v0;
	v21 =	vor.u32 $0x2002, v0;
	v22 =	vor.u32 $0x2802, v0;
	[dreg:$0x1c] =	wrdreg s13  }
0x1e: {  	s21 =	simm.s32 $0x4780;
	s22 =	simm.s32 $0x1;
	v23 =	vor.u32 $0x3002, v0;
	v24 =	vor.u32 $0x3802, v0;
	v25 =	vor.u32 $0x3, v0;
	[dreg:$0x1d] =	wrdreg s14  }
0x1f: {  	s23 =	simm.s32 $0x20;
	s24 =	simm.s32 $0x0;
	v26 =	vor.u32 $0x803, v0;
	v27 =	vor.u32 $0x1003, v0;
	v28 =	vor.u32 $0x1803, v0;
	[dreg:$0x1e] =	wrdreg s15  }
0x20: {  	s6 =	sshll.u32 s2, $0xE;
	s10 =	sshrl.u32 s9, $0x1;
	v29 =	vor.u32 $0x2003, v0;
	v30 =	vor.u32 $0x2803, v0;
	v31 =	vor.u32 $0x3003, v0;
	[dreg:$0x1f] =	wrdreg s16  }
0x21: {  	v32 =	vor.u32 $0x3803, v0;
	v33 =	vor.u32 $0x4, v0;
	v34 =	vor.u32 $0x804, v0;
	s12 =	simm.s32 $0xA800;
	s13 =	simm.s32 $0xB800;
	[smem:$0x7F9] =	sst s17  }
0x22: {  	v35 =	vor.u32 $0x1004, v0;
	v36 =	vor.u32 $0x1804, v0;
	v37 =	vor.u32 $0x2004, v0;
	s14 =	simm.s32 $0xC800;
	s15 =	simm.s32 $0xD800;
	[smem:$0x7FA] =	sst s18  }
0x23: {  	v38 =	vor.u32 $0x2804, v0;
	v39 =	vor.u32 $0x3004, v0;
	v40 =	vor.u32 $0x3804, v0;
	s16 =	simm.s32 $0xE800;
	s17 =	simm.s32 $0xF800;
	[smem:$0x7FB] =	sst s19  }
0x24: {  	v41 =	vor.u32 $0x5, v0;
	v42 =	vor.u32 $0x805, v0;
	v43 =	vor.u32 $0x1005, v0;
	s18 =	simm.s32 $0x10800;
	s19 =	simm.s32 $0x11800;
	[smem:$0x7FC] =	sst s20  }
0x25: {  	v44 =	vor.u32 $0x1805, v0;
	v45 =	vor.u32 $0x2005, v0;
	v46 =	vor.u32 $0x2805, v0;
	s20 =	simm.s32 $0x12800;
	[smem:$0x7FD] =	sst s21;
	s21 =	simm.s32 $0x13800  }
0x26: {  	v47 =	vor.u32 $0x3005, v0;
	v48 =	vor.u32 $0x3805, v0;
	v49 =	vor.u32 $0x6, v0;
	s7 =	sadd.s32 s6, s3;
	s9 =	ssub.s32 s9, s10;
	s3 =	sadd.s32 $0x13C1400, s3  }
0x27: {  	v50 =	vor.u32 $0x806, v0;
	v51 =	vor.u32 $0x1006, v0;
	v52 =	vor.u32 $0x1806, v0;
	s4 =	sadd.s32 s6, s4;
	s6 =	simm.s32 $0x4800;
	s10 =	simm.s32 $0x8800  }
0x28: {  	v53 =	vor.u32 $0x2006, v0;
	v54 =	vor.u32 $0x2806, v0;
	v55 =	vor.u32 $0x3006, v0;
	s25 =	sadd.s32 s8, s7;
	[dreg:$0x12] =	wrdreg s3;
	s3 =	smax.u32 s9, $0x1  }
0x29: {  	v56 =	vor.u32 $0x3806, v0;
	v57 =	vor.u32 $0x7, v0;
	v1 =	vor.u32 $0x3807, v0;
	s4 =	sadd.s32 s8, s4;
	s7 =	simm.s32 $0x5800;
	s8 =	simm.s32 $0x6800  }
0x2a: {  	v58 =	vor.u32 $0x807, v0;
	v59 =	vor.u32 $0x1007, v0;
	v63 =	vor.u32 $0x3007, v0;
	[tilespmem:$0x1FFE0] =	vst v1;
	s9 =	simm.s32 $0x7800;
	s5 =	sadd.s32 $0x1400, s25;
	[dreg:$0x14] =	wrdreg s4  }
0x2b: {  	v60 =	vor.u32 $0x1807, v0;
	v61 =	vor.u32 $0x2007, v0;
	v62 =	vor.u32 $0x2807, v0;
	[tilespmem:$0x1FFF0] =	vst v63;
	s4 =	simm.s32 $0x2;
	[dreg:$0x13] =	wrdreg s5;
	s5 =	simm.s32 $0x80  }
.LBB2_1:
0x2c: {  	s25 =	simm.s32 $0x0  }
.LBB2_2:
0x2d: {  	s26 =	rddreg [dreg:$0x14]  }
0x2e: {  	s26 =	sadd.s32 s25, s26  }
0x2f: {  	[tilespmem:s1], [sflag:$0x2] =	stream.linear.gather [hbm4b:s26+s1], $0x4000, $0x38;
	[tilespmem:$0x14800] =	vst v63  }
0x30: {  	_ =	swait.ge [sflag:s4], $0x4000  }
0x31: {  	[sflag:s4] =	ssyncset.done $0x0  }
0x32: {  	[sflag:s4] =	ssyncadd.s32 $0xFFFFC000  }
0x33: {  	v1 =	vld.idx.msk [tilespmem:v0+s1+$0x0], $0xffff;
	_ =	sdelay $0x4  }
0x34: {  	[tilespmem:$0x4000] =	vst v1  }
0x35: {  	v1 =	vld.idx.msk [tilespmem:v2+s1+$0x0], $0xffff;
	_ =	sdelay $0x4  }
0x36: {  	[tilespmem:$0x4010] =	vst v1  }
0x37: {  	v1 =	vld.idx.msk [tilespmem:v3+s1+$0x0], $0xffff;
	_ =	sdelay $0x4  }
0x38: {  	[tilespmem:$0x4020] =	vst v1  }
0x39: {  	v1 =	vld.idx.msk [tilespmem:v4+s1+$0x0], $0xffff;
	_ =	sdelay $0x4  }
0x3a: {  	[tilespmem:$0x4030] =	vst v1  }
0x3b: {  	v1 =	vld.idx.msk [tilespmem:v5+s1+$0x0], $0xffff;
	_ =	sdelay $0x4  }
0x3c: {  	[tilespmem:$0x4040] =	vst v1  }
0x3d: {  	v1 =	vld.idx.msk [tilespmem:v6+s1+$0x0], $0xffff;
	_ =	sdelay $0x4  }
0x3e: {  	[tilespmem:$0x4050] =	vst v1  }
0x3f: {  	v1 =	vld.idx.msk [tilespmem:v7+s1+$0x0], $0xffff;
	_ =	sdelay $0x4  }
0x40: {  	[tilespmem:$0x4060] =	vst v1  }
0x41: {  	v1 =	vld.idx.msk [tilespmem:v8+s1+$0x0], $0xffff;
	_ =	sdelay $0x3  }
0x42: {  	s31 =	rddreg [dreg:$0x3]  }
0x43: {  	s28 =	rddreg [dreg:$0x15];
	[tilespmem:$0x4070] =	vst v1  }
0x44: {  	[tilespmem:s6], [sflag:$0x1] =	stream.indirect.gather [hbm4b:s31+s5], $0x20, s28, s5, $0xb8;
	[tilespmem:$0x14800] =	vst v63  }
0x45: {  	v1 =	vld.idx.msk [tilespmem:v9+s1+$0x0], $0xffff;
	_ =	sdelay $0x4  }
0x46: {  	[tilespmem:$0x4080] =	vst v1  }
0x47: {  	v1 =	vld.idx.msk [tilespmem:v10+s1+$0x0], $0xffff;
	_ =	sdelay $0x4  }
0x48: {  	[tilespmem:$0x4090] =	vst v1  }
0x49: {  	v1 =	vld.idx.msk [tilespmem:v11+s1+$0x0], $0xffff;
	_ =	sdelay $0x4  }
0x4a: {  	[tilespmem:$0x40A0] =	vst v1  }
0x4b: {  	v1 =	vld.idx.msk [tilespmem:v12+s1+$0x0], $0xffff;
	_ =	sdelay $0x4  }
0x4c: {  	[tilespmem:$0x40B0] =	vst v1  }
0x4d: {  	v1 =	vld.idx.msk [tilespmem:v13+s1+$0x0], $0xffff;
	_ =	sdelay $0x4  }
0x4e: {  	[tilespmem:$0x40C0] =	vst v1  }
0x4f: {  	v1 =	vld.idx.msk [tilespmem:v14+s1+$0x0], $0xffff;
	_ =	sdelay $0x4  }
0x50: {  	[tilespmem:$0x40D0] =	vst v1  }
0x51: {  	v1 =	vld.idx.msk [tilespmem:v15+s1+$0x0], $0xffff;
	_ =	sdelay $0x4  }
0x52: {  	[tilespmem:$0x40E0] =	vst v1  }
0x53: {  	v1 =	vld.idx.msk [tilespmem:v16+s1+$0x0], $0xffff;
	_ =	sdelay $0x3  }
0x54: {  	s29 =	rddreg [dreg:$0x4]  }
0x55: {  	s30 =	rddreg [dreg:$0x16];
	[tilespmem:$0x40F0] =	vst v1  }
0x56: {  	[tilespmem:s7], [sflag:$0x1] =	stream.indirect.gather [hbm4b:s29+s5], $0x20, s30, s5, $0xb8;
	[tilespmem:$0x14800] =	vst v63  }
0x57: {  	v1 =	vld.idx.msk [tilespmem:v17+s1+$0x0], $0xffff;
	_ =	sdelay $0x4  }
0x58: {  	[tilespmem:$0x4100] =	vst v1  }
0x59: {  	v1 =	vld.idx.msk [tilespmem:v18+s1+$0x0], $0xffff;
	_ =	sdelay $0x4  }
0x5a: {  	[tilespmem:$0x4110] =	vst v1  }
0x5b: {  	v1 =	vld.idx.msk [tilespmem:v19+s1+$0x0], $0xffff;
	_ =	sdelay $0x4  }
0x5c: {  	[tilespmem:$0x4120] =	vst v1  }
0x5d: {  	v1 =	vld.idx.msk [tilespmem:v20+s1+$0x0], $0xffff;
	_ =	sdelay $0x4  }
0x5e: {  	[tilespmem:$0x4130] =	vst v1  }
0x5f: {  	v1 =	vld.idx.msk [tilespmem:v21+s1+$0x0], $0xffff;
	_ =	sdelay $0x4  }
0x60: {  	[tilespmem:$0x4140] =	vst v1  }
0x61: {  	v1 =	vld.idx.msk [tilespmem:v22+s1+$0x0], $0xffff;
	_ =	sdelay $0x4  }
0x62: {  	[tilespmem:$0x4150] =	vst v1  }
0x63: {  	v1 =	vld.idx.msk [tilespmem:v23+s1+$0x0], $0xffff;
	_ =	sdelay $0x4  }
0x64: {  	[tilespmem:$0x4160] =	vst v1  }
0x65: {  	v1 =	vld.idx.msk [tilespmem:v24+s1+$0x0], $0xffff;
	_ =	sdelay $0x3  }
0x66: {  	s31 =	rddreg [dreg:$0x5]  }
0x67: {  	s29 =	rddreg [dreg:$0x17];
	[tilespmem:$0x4170] =	vst v1  }
0x68: {  	[tilespmem:s8], [sflag:$0x1] =	stream.indirect.gather [hbm4b:s31+s5], $0x20, s29, s5, $0xb8;
	[tilespmem:$0x14800] =	vst v63  }
0x69: {  	v1 =	vld.idx.msk [tilespmem:v25+s1+$0x0], $0xffff;
	_ =	sdelay $0x4  }
0x6a: {  	[tilespmem:$0x4180] =	vst v1  }
0x6b: {  	v1 =	vld.idx.msk [tilespmem:v26+s1+$0x0], $0xffff;
	_ =	sdelay $0x4  }
0x6c: {  	[tilespmem:$0x4190] =	vst v1  }
0x6d: {  	v1 =	vld.idx.msk [tilespmem:v27+s1+$0x0], $0xffff;
	_ =	sdelay $0x4  }
0x6e: {  	[tilespmem:$0x41A0] =	vst v1  }
0x6f: {  	v1 =	vld.idx.msk [tilespmem:v28+s1+$0x0], $0xffff;
	_ =	sdelay $0x4  }
0x70: {  	[tilespmem:$0x41B0] =	vst v1  }
0x71: {  	v1 =	vld.idx.msk [tilespmem:v29+s1+$0x0], $0xffff;
	_ =	sdelay $0x4  }
0x72: {  	[tilespmem:$0x41C0] =	vst v1  }
0x73: {  	v1 =	vld.idx.msk [tilespmem:v30+s1+$0x0], $0xffff;
	_ =	sdelay $0x4  }
0x74: {  	[tilespmem:$0x41D0] =	vst v1  }
0x75: {  	v1 =	vld.idx.msk [tilespmem:v31+s1+$0x0], $0xffff;
	_ =	sdelay $0x4  }
0x76: {  	[tilespmem:$0x41E0] =	vst v1  }
0x77: {  	v1 =	vld.idx.msk [tilespmem:v32+s1+$0x0], $0xffff;
	_ =	sdelay $0x3  }
0x78: {  	s30 =	rddreg [dreg:$0x6]  }
0x79: {  	s31 =	rddreg [dreg:$0x18];
	[tilespmem:$0x41F0] =	vst v1  }
0x7a: {  	[tilespmem:s9], [sflag:$0x1] =	stream.indirect.gather [hbm4b:s30+s5], $0x20, s31, s5, $0xb8;
	[tilespmem:$0x14800] =	vst v63  }
0x7b: {  	v1 =	vld.idx.msk [tilespmem:v33+s1+$0x0], $0xffff;
	_ =	sdelay $0x4  }
0x7c: {  	[tilespmem:$0x4200] =	vst v1  }
0x7d: {  	v1 =	vld.idx.msk [tilespmem:v34+s1+$0x0], $0xffff;
	_ =	sdelay $0x4  }
0x7e: {  	[tilespmem:$0x4210] =	vst v1  }
0x7f: {  	v1 =	vld.idx.msk [tilespmem:v35+s1+$0x0], $0xffff;
	_ =	sdelay $0x4  }
0x80: {  	[tilespmem:$0x4220] =	vst v1  }
0x81: {  	v1 =	vld.idx.msk [tilespmem:v36+s1+$0x0], $0xffff;
	_ =	sdelay $0x4  }
0x82: {  	[tilespmem:$0x4230] =	vst v1  }
0x83: {  	v1 =	vld.idx.msk [tilespmem:v37+s1+$0x0], $0xffff;
	_ =	sdelay $0x4  }
0x84: {  	[tilespmem:$0x4240] =	vst v1  }
0x85: {  	v1 =	vld.idx.msk [tilespmem:v38+s1+$0x0], $0xffff;
	_ =	sdelay $0x4  }
0x86: {  	[tilespmem:$0x4250] =	vst v1  }
0x87: {  	v1 =	vld.idx.msk [tilespmem:v39+s1+$0x0], $0xffff;
	_ =	sdelay $0x4  }
0x88: {  	[tilespmem:$0x4260] =	vst v1  }
0x89: {  	v1 =	vld.idx.msk [tilespmem:v40+s1+$0x0], $0xffff;
	_ =	sdelay $0x3  }
0x8a: {  	s29 =	rddreg [dreg:$0x7]  }
0x8b: {  	s30 =	rddreg [dreg:$0x19];
	[tilespmem:$0x4270] =	vst v1  }
0x8c: {  	[tilespmem:s10], [sflag:$0x1] =	stream.indirect.gather [hbm4b:s29+s5], $0x20, s30, s5, $0xb8;
	[tilespmem:$0x14800] =	vst v63  }
0x8d: {  	v1 =	vld.idx.msk [tilespmem:v41+s1+$0x0], $0xffff;
	_ =	sdelay $0x4  }
0x8e: {  	[tilespmem:$0x4280] =	vst v1  }
0x8f: {  	v1 =	vld.idx.msk [tilespmem:v42+s1+$0x0], $0xffff;
	_ =	sdelay $0x4  }
0x90: {  	[tilespmem:$0x4290] =	vst v1  }
0x91: {  	v1 =	vld.idx.msk [tilespmem:v43+s1+$0x0], $0xffff;
	_ =	sdelay $0x4  }
0x92: {  	[tilespmem:$0x42A0] =	vst v1  }
0x93: {  	v1 =	vld.idx.msk [tilespmem:v44+s1+$0x0], $0xffff;
	_ =	sdelay $0x4  }
0x94: {  	[tilespmem:$0x42B0] =	vst v1  }
0x95: {  	v1 =	vld.idx.msk [tilespmem:v45+s1+$0x0], $0xffff;
	_ =	sdelay $0x4  }
0x96: {  	[tilespmem:$0x42C0] =	vst v1  }
0x97: {  	v1 =	vld.idx.msk [tilespmem:v46+s1+$0x0], $0xffff;
	_ =	sdelay $0x4  }
0x98: {  	[tilespmem:$0x42D0] =	vst v1  }
0x99: {  	v1 =	vld.idx.msk [tilespmem:v47+s1+$0x0], $0xffff;
	_ =	sdelay $0x4  }
0x9a: {  	[tilespmem:$0x42E0] =	vst v1  }
0x9b: {  	v1 =	vld.idx.msk [tilespmem:v48+s1+$0x0], $0xffff;
	_ =	sdelay $0x3  }
0x9c: {  	s31 =	rddreg [dreg:$0x8]  }
0x9d: {  	s29 =	rddreg [dreg:$0x1a];
	[tilespmem:$0x42F0] =	vst v1  }
0x9e: {  	[tilespmem:s11], [sflag:$0x1] =	stream.indirect.gather [hbm4b:s31+s5], $0x20, s29, s5, $0xb8;
	[tilespmem:$0x14800] =	vst v63  }
0x9f: {  	v1 =	vld.idx.msk [tilespmem:v49+s1+$0x0], $0xffff;
	_ =	sdelay $0x4  }
0xa0: {  	[tilespmem:$0x4300] =	vst v1  }
0xa1: {  	v1 =	vld.idx.msk [tilespmem:v50+s1+$0x0], $0xffff;
	_ =	sdelay $0x4  }
0xa2: {  	[tilespmem:$0x4310] =	vst v1  }
0xa3: {  	v1 =	vld.idx.msk [tilespmem:v51+s1+$0x0], $0xffff;
	_ =	sdelay $0x4  }
0xa4: {  	[tilespmem:$0x4320] =	vst v1  }
0xa5: {  	v1 =	vld.idx.msk [tilespmem:v52+s1+$0x0], $0xffff;
	_ =	sdelay $0x4  }
0xa6: {  	[tilespmem:$0x4330] =	vst v1  }
0xa7: {  	v1 =	vld.idx.msk [tilespmem:v53+s1+$0x0], $0xffff;
	_ =	sdelay $0x4  }
0xa8: {  	[tilespmem:$0x4340] =	vst v1  }
0xa9: {  	v1 =	vld.idx.msk [tilespmem:v54+s1+$0x0], $0xffff;
	_ =	sdelay $0x4  }
0xaa: {  	[tilespmem:$0x4350] =	vst v1  }
0xab: {  	v1 =	vld.idx.msk [tilespmem:v55+s1+$0x0], $0xffff;
	_ =	sdelay $0x4  }
0xac: {  	[tilespmem:$0x4360] =	vst v1  }
0xad: {  	v1 =	vld.idx.msk [tilespmem:v56+s1+$0x0], $0xffff;
	_ =	sdelay $0x3  }
0xae: {  	s30 =	rddreg [dreg:$0x9]  }
0xaf: {  	s31 =	rddreg [dreg:$0x1b];
	[tilespmem:$0x4370] =	vst v1  }
0xb0: {  	[tilespmem:s12], [sflag:$0x1] =	stream.indirect.gather [hbm4b:s30+s5], $0x20, s31, s5, $0xb8;
	[tilespmem:$0x14800] =	vst v63  }
0xb1: {  	v1 =	vld.idx.msk [tilespmem:v57+s1+$0x0], $0xffff;
	_ =	sdelay $0x4  }
0xb2: {  	[tilespmem:$0x4380] =	vst v1  }
0xb3: {  	v1 =	vld.idx.msk [tilespmem:v58+s1+$0x0], $0xffff;
	_ =	sdelay $0x4  }
0xb4: {  	[tilespmem:$0x4390] =	vst v1  }
0xb5: {  	v1 =	vld.idx.msk [tilespmem:v59+s1+$0x0], $0xffff;
	_ =	sdelay $0x4  }
0xb6: {  	[tilespmem:$0x43A0] =	vst v1  }
0xb7: {  	v1 =	vld.idx.msk [tilespmem:v60+s1+$0x0], $0xffff;
	_ =	sdelay $0x4  }
0xb8: {  	[tilespmem:$0x43B0] =	vst v1  }
0xb9: {  	v1 =	vld.idx.msk [tilespmem:v61+s1+$0x0], $0xffff;
	_ =	sdelay $0x4  }
0xba: {  	[tilespmem:$0x43C0] =	vst v1  }
0xbb: {  	v1 =	vld.idx.msk [tilespmem:v62+s1+$0x0], $0xffff;
	_ =	sdelay $0x4  }
0xbc: {  	[tilespmem:$0x43D0] =	vst v1  }
0xbd: {  	v1 =	vld.idx.msk [tilespmem:v63+s1+$0x0], $0xffff;
	_ =	sdelay $0x2  }
0xbe: {  	v63 =	vmov v62;
	v62 =	vmov v61  }
0xbf: {  	v61 =	vmovc v60;
	v60 =	vmovc v59;
	v59 =	vmov v58;
	v58 =	vmov v57;
	v57 =	vmov v56  }
0xc0: {  	v56 =	vmovc v55;
	v55 =	vmovc v54;
	v54 =	vmov v53;
	v53 =	vmov v52;
	v52 =	vmov v51;
	[tilespmem:$0x43E0] =	vst v1;
	v1 =	vld [tilespmem:$0x1FFE0]  }
0xc1: {  	v51 =	vmovc v50;
	v50 =	vmovc v49;
	v49 =	vmov v48;
	v48 =	vmov v47;
	v47 =	vmov v46  }
0xc2: {  	v46 =	vmovc v45;
	v45 =	vmovc v44;
	v44 =	vmov v43;
	v43 =	vmov v42;
	v42 =	vmov v41  }
0xc3: {  	v41 =	vmovc v40;
	v40 =	vmovc v39;
	v39 =	vmov v38;
	v38 =	vmov v37;
	v37 =	vmov v36  }
0xc4: {  	v36 =	vmovc v35;
	v35 =	vmovc v34;
	v34 =	vmov v33;
	v33 =	vmov v32;
	v32 =	vmov v31  }
0xc5: {  	v31 =	vmovc v30;
	v30 =	vmovc v29;
	v29 =	vmov v28;
	v28 =	vmov v27;
	v27 =	vmov v26  }
0xc6: {  	v26 =	vmovc v25;
	v25 =	vmovc v24;
	v24 =	vmov v23;
	v23 =	vmov v22;
	v22 =	vmov v21  }
0xc7: {  	v21 =	vmovc v20;
	v20 =	vmovc v19;
	v19 =	vmov v18;
	v18 =	vmov v17;
	v17 =	vmov v16  }
0xc8: {  	v16 =	vmovc v15;
	v15 =	vmovc v14;
	v14 =	vmov v13;
	v13 =	vmov v12;
	v12 =	vmov v11;
	v1 =	vld.idx.msk [tilespmem:v1+s1+$0x0], $0xffff  }
0xc9: {  	v11 =	vmovc v10;
	v10 =	vmovc v9;
	v9 =	vmov v8;
	v8 =	vmov v7;
	v7 =	vmov v6  }
0xca: {  	v6 =	vmovc v5;
	v5 =	vmovc v4;
	v4 =	vmov v3;
	v3 =	vmov v2;
	v2 =	vor.u32 $0x8, v0;
	_ =	sdelay $0x1  }
0xcb: {  	s29 =	rddreg [dreg:$0xa]  }
0xcc: {  	s30 =	rddreg [dreg:$0x1c];
	[tilespmem:$0x43F0] =	vst v1  }
0xcd: {  	[tilespmem:s13], [sflag:$0x1] =	stream.indirect.gather [hbm4b:s29+s5], $0x20, s30, s5, $0xb8;
	[tilespmem:$0x14800] =	vst v63  }
0xce: {  	v1 =	vld.idx.msk [tilespmem:v2+s1+$0x0], $0xffff  }
0xcf: {  	v2 =	vor.u32 $0x808, v0;
	_ =	sdelay $0x3  }
0xd0: {  	[tilespmem:$0x4400] =	vst v1  }
0xd1: {  	v1 =	vld.idx.msk [tilespmem:v2+s1+$0x0], $0xffff  }
0xd2: {  	v2 =	vor.u32 $0x1008, v0;
	_ =	sdelay $0x3  }
0xd3: {  	[tilespmem:$0x4410] =	vst v1  }
0xd4: {  	v1 =	vld.idx.msk [tilespmem:v2+s1+$0x0], $0xffff  }
0xd5: {  	v2 =	vor.u32 $0x1808, v0;
	_ =	sdelay $0x3  }
0xd6: {  	[tilespmem:$0x4420] =	vst v1  }
0xd7: {  	v1 =	vld.idx.msk [tilespmem:v2+s1+$0x0], $0xffff  }
0xd8: {  	v2 =	vor.u32 $0x2008, v0;
	_ =	sdelay $0x3  }
0xd9: {  	[tilespmem:$0x4430] =	vst v1  }
0xda: {  	v1 =	vld.idx.msk [tilespmem:v2+s1+$0x0], $0xffff  }
0xdb: {  	v2 =	vor.u32 $0x2808, v0;
	_ =	sdelay $0x3  }
0xdc: {  	[tilespmem:$0x4440] =	vst v1  }
0xdd: {  	v1 =	vld.idx.msk [tilespmem:v2+s1+$0x0], $0xffff  }
0xde: {  	v2 =	vor.u32 $0x3008, v0;
	_ =	sdelay $0x3  }
0xdf: {  	[tilespmem:$0x4450] =	vst v1  }
0xe0: {  	v1 =	vld.idx.msk [tilespmem:v2+s1+$0x0], $0xffff  }
0xe1: {  	v2 =	vor.u32 $0x3808, v0;
	_ =	sdelay $0x3  }
0xe2: {  	[tilespmem:$0x4460] =	vst v1  }
0xe3: {  	v1 =	vld.idx.msk [tilespmem:v2+s1+$0x0], $0xffff;
	_ =	sdelay $0x1  }
0xe4: {  	v2 =	vor.u32 $0x9, v0;
	_ =	sdelay $0x1  }
0xe5: {  	s31 =	rddreg [dreg:$0xb]  }
0xe6: {  	s29 =	rddreg [dreg:$0x1d];
	[tilespmem:$0x4470] =	vst v1  }
0xe7: {  	[tilespmem:s14], [sflag:$0x1] =	stream.indirect.gather [hbm4b:s31+s5], $0x20, s29, s5, $0xb8;
	[tilespmem:$0x14800] =	vst v63  }
0xe8: {  	v1 =	vld.idx.msk [tilespmem:v2+s1+$0x0], $0xffff  }
0xe9: {  	v2 =	vor.u32 $0x809, v0;
	_ =	sdelay $0x3  }
0xea: {  	[tilespmem:$0x4480] =	vst v1  }
0xeb: {  	v1 =	vld.idx.msk [tilespmem:v2+s1+$0x0], $0xffff  }
0xec: {  	v2 =	vor.u32 $0x1009, v0;
	_ =	sdelay $0x3  }
0xed: {  	[tilespmem:$0x4490] =	vst v1  }
0xee: {  	v1 =	vld.idx.msk [tilespmem:v2+s1+$0x0], $0xffff  }
0xef: {  	v2 =	vor.u32 $0x1809, v0;
	_ =	sdelay $0x3  }
0xf0: {  	[tilespmem:$0x44A0] =	vst v1  }
0xf1: {  	v1 =	vld.idx.msk [tilespmem:v2+s1+$0x0], $0xffff  }
0xf2: {  	v2 =	vor.u32 $0x2009, v0;
	_ =	sdelay $0x3  }
0xf3: {  	[tilespmem:$0x44B0] =	vst v1  }
0xf4: {  	v1 =	vld.idx.msk [tilespmem:v2+s1+$0x0], $0xffff  }
0xf5: {  	v2 =	vor.u32 $0x2809, v0;
	_ =	sdelay $0x3  }
0xf6: {  	[tilespmem:$0x44C0] =	vst v1  }
0xf7: {  	v1 =	vld.idx.msk [tilespmem:v2+s1+$0x0], $0xffff  }
0xf8: {  	v2 =	vor.u32 $0x3009, v0;
	_ =	sdelay $0x3  }
0xf9: {  	[tilespmem:$0x44D0] =	vst v1  }
0xfa: {  	v1 =	vld.idx.msk [tilespmem:v2+s1+$0x0], $0xffff  }
0xfb: {  	v2 =	vor.u32 $0x3809, v0;
	_ =	sdelay $0x3  }
0xfc: {  	[tilespmem:$0x44E0] =	vst v1  }
0xfd: {  	v1 =	vld.idx.msk [tilespmem:v2+s1+$0x0], $0xffff;
	_ =	sdelay $0x1  }
0xfe: {  	v2 =	vor.u32 $0xA, v0;
	_ =	sdelay $0x1  }
0xff: {  	s30 =	rddreg [dreg:$0xc]  }
0x100: {  	s31 =	rddreg [dreg:$0x1e];
	[tilespmem:$0x44F0] =	vst v1  }
0x101: {  	[tilespmem:s15], [sflag:$0x1] =	stream.indirect.gather [hbm4b:s30+s5], $0x20, s31, s5, $0xb8;
	[tilespmem:$0x14800] =	vst v63  }
0x102: {  	v1 =	vld.idx.msk [tilespmem:v2+s1+$0x0], $0xffff  }
0x103: {  	v2 =	vor.u32 $0x80A, v0;
	_ =	sdelay $0x3  }
0x104: {  	[tilespmem:$0x4500] =	vst v1  }
0x105: {  	v1 =	vld.idx.msk [tilespmem:v2+s1+$0x0], $0xffff  }
0x106: {  	v2 =	vor.u32 $0x100A, v0;
	_ =	sdelay $0x3  }
0x107: {  	[tilespmem:$0x4510] =	vst v1  }
0x108: {  	v1 =	vld.idx.msk [tilespmem:v2+s1+$0x0], $0xffff  }
0x109: {  	v2 =	vor.u32 $0x180A, v0;
	_ =	sdelay $0x3  }
0x10a: {  	[tilespmem:$0x4520] =	vst v1  }
0x10b: {  	v1 =	vld.idx.msk [tilespmem:v2+s1+$0x0], $0xffff  }
0x10c: {  	v2 =	vor.u32 $0x200A, v0;
	_ =	sdelay $0x3  }
0x10d: {  	[tilespmem:$0x4530] =	vst v1  }
0x10e: {  	v1 =	vld.idx.msk [tilespmem:v2+s1+$0x0], $0xffff  }
0x10f: {  	v2 =	vor.u32 $0x280A, v0;
	_ =	sdelay $0x3  }
0x110: {  	[tilespmem:$0x4540] =	vst v1  }
0x111: {  	v1 =	vld.idx.msk [tilespmem:v2+s1+$0x0], $0xffff  }
0x112: {  	v2 =	vor.u32 $0x300A, v0;
	_ =	sdelay $0x3  }
0x113: {  	[tilespmem:$0x4550] =	vst v1  }
0x114: {  	v1 =	vld.idx.msk [tilespmem:v2+s1+$0x0], $0xffff  }
0x115: {  	v2 =	vor.u32 $0x380A, v0;
	_ =	sdelay $0x3  }
0x116: {  	[tilespmem:$0x4560] =	vst v1  }
0x117: {  	v1 =	vld.idx.msk [tilespmem:v2+s1+$0x0], $0xffff;
	_ =	sdelay $0x1  }
0x118: {  	v2 =	vor.u32 $0xB, v0;
	_ =	sdelay $0x1  }
0x119: {  	s29 =	rddreg [dreg:$0xd]  }
0x11a: {  	s30 =	rddreg [dreg:$0x1f];
	[tilespmem:$0x4570] =	vst v1  }
0x11b: {  	[tilespmem:s16], [sflag:$0x1] =	stream.indirect.gather [hbm4b:s29+s5], $0x20, s30, s5, $0xb8;
	[tilespmem:$0x14800] =	vst v63  }
0x11c: {  	v1 =	vld.idx.msk [tilespmem:v2+s1+$0x0], $0xffff  }
0x11d: {  	v2 =	vor.u32 $0x80B, v0;
	_ =	sdelay $0x3  }
0x11e: {  	[tilespmem:$0x4580] =	vst v1  }
0x11f: {  	v1 =	vld.idx.msk [tilespmem:v2+s1+$0x0], $0xffff  }
0x120: {  	v2 =	vor.u32 $0x100B, v0;
	_ =	sdelay $0x3  }
0x121: {  	[tilespmem:$0x4590] =	vst v1  }
0x122: {  	v1 =	vld.idx.msk [tilespmem:v2+s1+$0x0], $0xffff  }
0x123: {  	v2 =	vor.u32 $0x180B, v0;
	_ =	sdelay $0x3  }
0x124: {  	[tilespmem:$0x45A0] =	vst v1  }
0x125: {  	v1 =	vld.idx.msk [tilespmem:v2+s1+$0x0], $0xffff  }
0x126: {  	v2 =	vor.u32 $0x200B, v0;
	_ =	sdelay $0x3  }
0x127: {  	[tilespmem:$0x45B0] =	vst v1  }
0x128: {  	v1 =	vld.idx.msk [tilespmem:v2+s1+$0x0], $0xffff  }
0x129: {  	v2 =	vor.u32 $0x280B, v0;
	_ =	sdelay $0x3  }
0x12a: {  	[tilespmem:$0x45C0] =	vst v1  }
0x12b: {  	v1 =	vld.idx.msk [tilespmem:v2+s1+$0x0], $0xffff  }
0x12c: {  	v2 =	vor.u32 $0x300B, v0;
	_ =	sdelay $0x3  }
0x12d: {  	[tilespmem:$0x45D0] =	vst v1  }
0x12e: {  	v1 =	vld.idx.msk [tilespmem:v2+s1+$0x0], $0xffff  }
0x12f: {  	v2 =	vor.u32 $0x380B, v0;
	_ =	sdelay $0x3  }
0x130: {  	[tilespmem:$0x45E0] =	vst v1  }
0x131: {  	v1 =	vld.idx.msk [tilespmem:v2+s1+$0x0], $0xffff;
	_ =	sdelay $0x1  }
0x132: {  	v2 =	vor.u32 $0xC, v0  }
0x133: {  	s29 =	sld [smem:$0x7F9];
	_ =	sdelay $0x1  }
0x134: {  	s31 =	rddreg [dreg:$0xe];
	[tilespmem:$0x45F0] =	vst v1  }
0x135: {  	[tilespmem:s17], [sflag:$0x1] =	stream.indirect.gather [hbm4b:s31+s5], $0x20, s29, s5, $0xb8;
	[tilespmem:$0x14800] =	vst v63  }
0x136: {  	v1 =	vld.idx.msk [tilespmem:v2+s1+$0x0], $0xffff  }
0x137: {  	v2 =	vor.u32 $0x80C, v0;
	_ =	sdelay $0x3  }
0x138: {  	[tilespmem:$0x4600] =	vst v1  }
0x139: {  	v1 =	vld.idx.msk [tilespmem:v2+s1+$0x0], $0xffff  }
0x13a: {  	v2 =	vor.u32 $0x100C, v0;
	_ =	sdelay $0x3  }
0x13b: {  	[tilespmem:$0x4610] =	vst v1  }
0x13c: {  	v1 =	vld.idx.msk [tilespmem:v2+s1+$0x0], $0xffff  }
0x13d: {  	v2 =	vor.u32 $0x180C, v0;
	_ =	sdelay $0x3  }
0x13e: {  	[tilespmem:$0x4620] =	vst v1  }
0x13f: {  	v1 =	vld.idx.msk [tilespmem:v2+s1+$0x0], $0xffff  }
0x140: {  	v2 =	vor.u32 $0x200C, v0;
	_ =	sdelay $0x3  }
0x141: {  	[tilespmem:$0x4630] =	vst v1  }
0x142: {  	v1 =	vld.idx.msk [tilespmem:v2+s1+$0x0], $0xffff  }
0x143: {  	v2 =	vor.u32 $0x280C, v0;
	_ =	sdelay $0x3  }
0x144: {  	[tilespmem:$0x4640] =	vst v1  }
0x145: {  	v1 =	vld.idx.msk [tilespmem:v2+s1+$0x0], $0xffff  }
0x146: {  	v2 =	vor.u32 $0x300C, v0;
	_ =	sdelay $0x3  }
0x147: {  	[tilespmem:$0x4650] =	vst v1  }
0x148: {  	v1 =	vld.idx.msk [tilespmem:v2+s1+$0x0], $0xffff  }
0x149: {  	v2 =	vor.u32 $0x380C, v0;
	_ =	sdelay $0x3  }
0x14a: {  	[tilespmem:$0x4660] =	vst v1  }
0x14b: {  	v1 =	vld.idx.msk [tilespmem:v2+s1+$0x0], $0xffff;
	_ =	sdelay $0x1  }
0x14c: {  	v2 =	vor.u32 $0xD, v0  }
0x14d: {  	s31 =	sld [smem:$0x7FA];
	_ =	sdelay $0x1  }
0x14e: {  	s30 =	rddreg [dreg:$0xf];
	[tilespmem:$0x4670] =	vst v1  }
0x14f: {  	[tilespmem:s18], [sflag:$0x1] =	stream.indirect.gather [hbm4b:s30+s5], $0x20, s31, s5, $0xb8;
	[tilespmem:$0x14800] =	vst v63  }
0x150: {  	v1 =	vld.idx.msk [tilespmem:v2+s1+$0x0], $0xffff  }
0x151: {  	v2 =	vor.u32 $0x80D, v0;
	_ =	sdelay $0x3  }
0x152: {  	[tilespmem:$0x4680] =	vst v1  }
0x153: {  	v1 =	vld.idx.msk [tilespmem:v2+s1+$0x0], $0xffff  }
0x154: {  	v2 =	vor.u32 $0x100D, v0;
	_ =	sdelay $0x3  }
0x155: {  	[tilespmem:$0x4690] =	vst v1  }
0x156: {  	v1 =	vld.idx.msk [tilespmem:v2+s1+$0x0], $0xffff  }
0x157: {  	v2 =	vor.u32 $0x180D, v0;
	_ =	sdelay $0x3  }
0x158: {  	[tilespmem:$0x46A0] =	vst v1  }
0x159: {  	v1 =	vld.idx.msk [tilespmem:v2+s1+$0x0], $0xffff  }
0x15a: {  	v2 =	vor.u32 $0x200D, v0;
	_ =	sdelay $0x3  }
0x15b: {  	[tilespmem:$0x46B0] =	vst v1  }
0x15c: {  	v1 =	vld.idx.msk [tilespmem:v2+s1+$0x0], $0xffff  }
0x15d: {  	v2 =	vor.u32 $0x280D, v0;
	_ =	sdelay $0x3  }
0x15e: {  	[tilespmem:$0x46C0] =	vst v1  }
0x15f: {  	v1 =	vld.idx.msk [tilespmem:v2+s1+$0x0], $0xffff  }
0x160: {  	v2 =	vor.u32 $0x300D, v0;
	_ =	sdelay $0x3  }
0x161: {  	[tilespmem:$0x46D0] =	vst v1  }
0x162: {  	v1 =	vld.idx.msk [tilespmem:v2+s1+$0x0], $0xffff  }
0x163: {  	v2 =	vor.u32 $0x380D, v0;
	_ =	sdelay $0x3  }
0x164: {  	[tilespmem:$0x46E0] =	vst v1  }
0x165: {  	v1 =	vld.idx.msk [tilespmem:v2+s1+$0x0], $0xffff;
	_ =	sdelay $0x1  }
0x166: {  	v2 =	vor.u32 $0xE, v0  }
0x167: {  	s30 =	sld [smem:$0x7FB];
	_ =	sdelay $0x1  }
0x168: {  	s29 =	rddreg [dreg:$0x10];
	[tilespmem:$0x46F0] =	vst v1  }
0x169: {  	[tilespmem:s19], [sflag:$0x1] =	stream.indirect.gather [hbm4b:s29+s5], $0x20, s30, s5, $0xb8;
	[tilespmem:$0x14800] =	vst v63  }
0x16a: {  	v1 =	vld.idx.msk [tilespmem:v2+s1+$0x0], $0xffff  }
0x16b: {  	v2 =	vor.u32 $0x80E, v0;
	_ =	sdelay $0x3  }
0x16c: {  	[tilespmem:$0x4700] =	vst v1  }
0x16d: {  	v1 =	vld.idx.msk [tilespmem:v2+s1+$0x0], $0xffff  }
0x16e: {  	v2 =	vor.u32 $0x100E, v0;
	_ =	sdelay $0x3  }
0x16f: {  	[tilespmem:$0x4710] =	vst v1  }
0x170: {  	v1 =	vld.idx.msk [tilespmem:v2+s1+$0x0], $0xffff  }
0x171: {  	v2 =	vor.u32 $0x180E, v0;
	_ =	sdelay $0x3  }
0x172: {  	[tilespmem:$0x4720] =	vst v1  }
0x173: {  	v1 =	vld.idx.msk [tilespmem:v2+s1+$0x0], $0xffff  }
0x174: {  	v2 =	vor.u32 $0x200E, v0;
	_ =	sdelay $0x3  }
0x175: {  	[tilespmem:$0x4730] =	vst v1  }
0x176: {  	v1 =	vld.idx.msk [tilespmem:v2+s1+$0x0], $0xffff  }
0x177: {  	v2 =	vor.u32 $0x280E, v0;
	_ =	sdelay $0x3  }
0x178: {  	[tilespmem:$0x4740] =	vst v1  }
0x179: {  	v1 =	vld.idx.msk [tilespmem:v2+s1+$0x0], $0xffff  }
0x17a: {  	v2 =	vor.u32 $0x300E, v0;
	_ =	sdelay $0x3  }
0x17b: {  	[tilespmem:$0x4750] =	vst v1  }
0x17c: {  	v1 =	vld.idx.msk [tilespmem:v2+s1+$0x0], $0xffff  }
0x17d: {  	v2 =	vor.u32 $0x380E, v0;
	_ =	sdelay $0x3  }
0x17e: {  	[tilespmem:$0x4760] =	vst v1  }
0x17f: {  	v1 =	vld.idx.msk [tilespmem:v2+s1+$0x0], $0xffff;
	_ =	sdelay $0x1  }
0x180: {  	v2 =	vor.u32 $0xF, v0  }
0x181: {  	s29 =	sld [smem:$0x7FC];
	_ =	sdelay $0x1  }
0x182: {  	s31 =	rddreg [dreg:$0x11];
	[tilespmem:$0x4770] =	vst v1  }
0x183: {  	[tilespmem:s20], [sflag:$0x1] =	stream.indirect.gather [hbm4b:s31+s5], $0x20, s29, s5, $0xb8;
	[tilespmem:$0x14800] =	vst v63  }
0x184: {  	v1 =	vld.idx.msk [tilespmem:v2+s1+$0x0], $0xffff  }
0x185: {  	v2 =	vor.u32 $0x80F, v0;
	_ =	sdelay $0x3  }
0x186: {  	[tilespmem:$0x4780] =	vst v1  }
0x187: {  	v1 =	vld.idx.msk [tilespmem:v2+s1+$0x0], $0xffff  }
0x188: {  	v2 =	vor.u32 $0x100F, v0;
	_ =	sdelay $0x3  }
0x189: {  	[tilespmem:$0x4790] =	vst v1  }
0x18a: {  	v1 =	vld.idx.msk [tilespmem:v2+s1+$0x0], $0xffff  }
0x18b: {  	v2 =	vor.u32 $0x180F, v0;
	_ =	sdelay $0x3  }
0x18c: {  	[tilespmem:$0x47A0] =	vst v1  }
0x18d: {  	v1 =	vld.idx.msk [tilespmem:v2+s1+$0x0], $0xffff  }
0x18e: {  	v2 =	vor.u32 $0x200F, v0;
	_ =	sdelay $0x3  }
0x18f: {  	[tilespmem:$0x47B0] =	vst v1  }
0x190: {  	v1 =	vld.idx.msk [tilespmem:v2+s1+$0x0], $0xffff  }
0x191: {  	v2 =	vor.u32 $0x280F, v0;
	_ =	sdelay $0x3  }
0x192: {  	[tilespmem:$0x47C0] =	vst v1  }
0x193: {  	v1 =	vld.idx.msk [tilespmem:v2+s1+$0x0], $0xffff  }
0x194: {  	v2 =	vor.u32 $0x300F, v0;
	_ =	sdelay $0x3  }
0x195: {  	[tilespmem:$0x47D0] =	vst v1  }
0x196: {  	v1 =	vld.idx.msk [tilespmem:v2+s1+$0x0], $0xffff  }
0x197: {  	v2 =	vor.u32 $0x380F, v0;
	_ =	sdelay $0x3  }
0x198: {  	[tilespmem:$0x47E0] =	vst v1  }
0x199: {  	v1 =	vld.idx.msk [tilespmem:v2+s1+$0x0], $0xffff;
	v2 =	vmov v3  }
0x19a: {  	v3 =	vmovc v4;
	v4 =	vmovc v5;
	v5 =	vmov v6;
	v6 =	vmov v7;
	v7 =	vmov v8  }
0x19b: {  	v8 =	vmovc v9;
	v9 =	vmovc v10;
	v10 =	vmov v11;
	v11 =	vmov v12;
	v12 =	vmov v13  }
0x19c: {  	v13 =	vmovc v14;
	v14 =	vmovc v15;
	v15 =	vmov v16;
	v16 =	vmov v17;
	v17 =	vmov v18  }
0x19d: {  	v18 =	vmovc v19;
	v19 =	vmovc v20;
	v20 =	vmov v21;
	v21 =	vmov v22;
	v22 =	vmov v23  }
0x19e: {  	v23 =	vmovc v24;
	v24 =	vmovc v25;
	v25 =	vmov v26;
	v26 =	vmov v27;
	v27 =	vmov v28  }
0x19f: {  	v28 =	vmovc v29;
	v29 =	vmovc v30;
	v30 =	vmov v31;
	v31 =	vmov v32;
	v32 =	vmov v33  }
0x1a0: {  	v33 =	vmovc v34;
	v34 =	vmovc v35;
	v35 =	vmov v36;
	v36 =	vmov v37;
	v37 =	vmov v38  }
0x1a1: {  	s31 =	sld [smem:$0x7FD];
	v38 =	vmovc v39;
	v39 =	vmovc v40;
	v40 =	vmov v41;
	v41 =	vmov v42;
	v42 =	vmov v43  }
0x1a2: {  	v43 =	vmovc v44;
	v44 =	vmovc v45;
	v45 =	vmov v46;
	v46 =	vmov v47;
	v47 =	vmov v48  }
0x1a3: {  	s30 =	rddreg [dreg:$0x12];
	v48 =	vmovc v49;
	v49 =	vmovc v50;
	v50 =	vmov v51;
	v51 =	vmov v52;
	v52 =	vmov v53;
	[tilespmem:$0x47F0] =	vst v1  }
0x1a4: {  	v53 =	vmovc v54;
	v54 =	vmovc v55;
	v55 =	vmov v56;
	v56 =	vmov v57;
	v57 =	vmov v58;
	[tilespmem:s21], [sflag:$0x1] =	stream.indirect.gather [hbm4b:s30+s5], $0x20, s31, s5, $0xb8;
	[tilespmem:$0x14800] =	vst v63  }
0x1a5: {  	v58 =	vmovc v59;
	v59 =	vmovc v60;
	v60 =	vmov v61;
	v61 =	vmov v62;
	v62 =	vmov v63;
	v63 =	vld [tilespmem:$0x1FFF0];
	_ =	swait.ge [sflag:s22], $0x1000  }
0x1a6: {  	[sflag:s22] =	ssyncset.done $0x0  }
0x1a7: {  	[sflag:s22] =	ssyncadd.s32 $0xFFFFF000  }
0x1a8: {  	_ =	swait.ge [sflag:s22], $0x1000  }
0x1a9: {  	[sflag:s22] =	ssyncset.done $0x0  }
0x1aa: {  	[sflag:s22] =	ssyncadd.s32 $0xFFFFF000  }
0x1ab: {  	_ =	swait.ge [sflag:s22], $0x1000  }
0x1ac: {  	[sflag:s22] =	ssyncset.done $0x0  }
0x1ad: {  	[sflag:s22] =	ssyncadd.s32 $0xFFFFF000  }
0x1ae: {  	_ =	swait.ge [sflag:s22], $0x1000  }
0x1af: {  	[sflag:s22] =	ssyncset.done $0x0  }
0x1b0: {  	[sflag:s22] =	ssyncadd.s32 $0xFFFFF000  }
0x1b1: {  	_ =	swait.ge [sflag:s22], $0x1000  }
0x1b2: {  	[sflag:s22] =	ssyncset.done $0x0  }
0x1b3: {  	[sflag:s22] =	ssyncadd.s32 $0xFFFFF000  }
0x1b4: {  	_ =	swait.ge [sflag:s22], $0x1000  }
0x1b5: {  	[sflag:s22] =	ssyncset.done $0x0  }
0x1b6: {  	[sflag:s22] =	ssyncadd.s32 $0xFFFFF000  }
0x1b7: {  	_ =	swait.ge [sflag:s22], $0x1000  }
0x1b8: {  	[sflag:s22] =	ssyncset.done $0x0  }
0x1b9: {  	[sflag:s22] =	ssyncadd.s32 $0xFFFFF000  }
0x1ba: {  	_ =	swait.ge [sflag:s22], $0x1000  }
0x1bb: {  	[sflag:s22] =	ssyncset.done $0x0  }
0x1bc: {  	[sflag:s22] =	ssyncadd.s32 $0xFFFFF000  }
0x1bd: {  	_ =	swait.ge [sflag:s22], $0x1000  }
0x1be: {  	[sflag:s22] =	ssyncset.done $0x0  }
0x1bf: {  	[sflag:s22] =	ssyncadd.s32 $0xFFFFF000  }
0x1c0: {  	_ =	swait.ge [sflag:s22], $0x1000  }
0x1c1: {  	[sflag:s22] =	ssyncset.done $0x0  }
0x1c2: {  	[sflag:s22] =	ssyncadd.s32 $0xFFFFF000  }
0x1c3: {  	_ =	swait.ge [sflag:s22], $0x1000  }
0x1c4: {  	[sflag:s22] =	ssyncset.done $0x0  }
0x1c5: {  	[sflag:s22] =	ssyncadd.s32 $0xFFFFF000  }
0x1c6: {  	_ =	swait.ge [sflag:s22], $0x1000  }
0x1c7: {  	[sflag:s22] =	ssyncset.done $0x0  }
0x1c8: {  	[sflag:s22] =	ssyncadd.s32 $0xFFFFF000  }
0x1c9: {  	_ =	swait.ge [sflag:s22], $0x1000  }
0x1ca: {  	[sflag:s22] =	ssyncset.done $0x0  }
0x1cb: {  	[sflag:s22] =	ssyncadd.s32 $0xFFFFF000  }
0x1cc: {  	_ =	swait.ge [sflag:s22], $0x1000  }
0x1cd: {  	[sflag:s22] =	ssyncset.done $0x0  }
0x1ce: {  	[sflag:s22] =	ssyncadd.s32 $0xFFFFF000  }
0x1cf: {  	_ =	swait.ge [sflag:s22], $0x1000  }
0x1d0: {  	[sflag:s22] =	ssyncset.done $0x0  }
0x1d1: {  	[sflag:s22] =	ssyncadd.s32 $0xFFFFF000  }
0x1d2: {  	_ =	swait.ge [sflag:s22], $0x1000  }
0x1d3: {  	s29 =	rddreg [dreg:$0x13];
	[sflag:s22] =	ssyncset.done $0x0  }
0x1d4: {  	[sflag:s22] =	ssyncadd.s32 $0xFFFFF000;
	s26 =	sadd.s32 s25, s29  }
0x1d5: {  	[hbm4b:s26+s23] =	stream.strided.scatter [tilespmem:s6], [sflag:$0x2], $0x1000, s5, s23, $0x38;
	[tilespmem:$0x14800] =	vst v63  }
0x1d6: {  	_ =	swait.ge [sflag:s4], $0x1000  }
0x1d7: {  	[sflag:s4] =	ssyncset.done $0x0  }
0x1d8: {  	s30 =	sadd.s32 $0x4, s26;
	[sflag:s4] =	ssyncadd.s32 $0xFFFFF000  }
0x1d9: {  	[hbm4b:s30+s23] =	stream.strided.scatter [tilespmem:s7], [sflag:$0x2], $0x1000, s5, s23, $0x38;
	[tilespmem:$0x14800] =	vst v63  }
0x1da: {  	_ =	swait.ge [sflag:s4], $0x1000  }
0x1db: {  	[sflag:s4] =	ssyncset.done $0x0  }
0x1dc: {  	s31 =	sadd.s32 $0x8, s26;
	[sflag:s4] =	ssyncadd.s32 $0xFFFFF000  }
0x1dd: {  	[hbm4b:s31+s23] =	stream.strided.scatter [tilespmem:s8], [sflag:$0x2], $0x1000, s5, s23, $0x38;
	[tilespmem:$0x14800] =	vst v63  }
0x1de: {  	_ =	swait.ge [sflag:s4], $0x1000  }
0x1df: {  	[sflag:s4] =	ssyncset.done $0x0  }
0x1e0: {  	s29 =	sadd.s32 $0xC, s26;
	[sflag:s4] =	ssyncadd.s32 $0xFFFFF000  }
0x1e1: {  	[hbm4b:s29+s23] =	stream.strided.scatter [tilespmem:s9], [sflag:$0x2], $0x1000, s5, s23, $0x38;
	[tilespmem:$0x14800] =	vst v63  }
0x1e2: {  	_ =	swait.ge [sflag:s4], $0x1000  }
0x1e3: {  	[sflag:s4] =	ssyncset.done $0x0  }
0x1e4: {  	s30 =	sadd.s32 $0x40000, s26;
	[sflag:s4] =	ssyncadd.s32 $0xFFFFF000  }
0x1e5: {  	[hbm4b:s30+s23] =	stream.strided.scatter [tilespmem:s10], [sflag:$0x2], $0x1000, s5, s23, $0x38;
	[tilespmem:$0x14800] =	vst v63  }
0x1e6: {  	_ =	swait.ge [sflag:s4], $0x1000  }
0x1e7: {  	[sflag:s4] =	ssyncset.done $0x0  }
0x1e8: {  	s31 =	sadd.s32 $0x40004, s26;
	[sflag:s4] =	ssyncadd.s32 $0xFFFFF000  }
0x1e9: {  	[hbm4b:s31+s23] =	stream.strided.scatter [tilespmem:s11], [sflag:$0x2], $0x1000, s5, s23, $0x38;
	[tilespmem:$0x14800] =	vst v63  }
0x1ea: {  	_ =	swait.ge [sflag:s4], $0x1000  }
0x1eb: {  	[sflag:s4] =	ssyncset.done $0x0  }
0x1ec: {  	s29 =	sadd.s32 $0x40008, s26;
	[sflag:s4] =	ssyncadd.s32 $0xFFFFF000  }
0x1ed: {  	[hbm4b:s29+s23] =	stream.strided.scatter [tilespmem:s12], [sflag:$0x2], $0x1000, s5, s23, $0x38;
	[tilespmem:$0x14800] =	vst v63  }
0x1ee: {  	_ =	swait.ge [sflag:s4], $0x1000  }
0x1ef: {  	[sflag:s4] =	ssyncset.done $0x0  }
0x1f0: {  	s30 =	sadd.s32 $0x4000C, s26;
	[sflag:s4] =	ssyncadd.s32 $0xFFFFF000  }
0x1f1: {  	[hbm4b:s30+s23] =	stream.strided.scatter [tilespmem:s13], [sflag:$0x2], $0x1000, s5, s23, $0x38;
	[tilespmem:$0x14800] =	vst v63  }
0x1f2: {  	_ =	swait.ge [sflag:s4], $0x1000  }
0x1f3: {  	[sflag:s4] =	ssyncset.done $0x0  }
0x1f4: {  	s31 =	sadd.s32 $0x80000, s26;
	[sflag:s4] =	ssyncadd.s32 $0xFFFFF000  }
0x1f5: {  	[hbm4b:s31+s23] =	stream.strided.scatter [tilespmem:s14], [sflag:$0x2], $0x1000, s5, s23, $0x38;
	[tilespmem:$0x14800] =	vst v63  }
0x1f6: {  	_ =	swait.ge [sflag:s4], $0x1000  }
0x1f7: {  	[sflag:s4] =	ssyncset.done $0x0  }
0x1f8: {  	s29 =	sadd.s32 $0x80004, s26;
	[sflag:s4] =	ssyncadd.s32 $0xFFFFF000  }
0x1f9: {  	[hbm4b:s29+s23] =	stream.strided.scatter [tilespmem:s15], [sflag:$0x2], $0x1000, s5, s23, $0x38;
	[tilespmem:$0x14800] =	vst v63  }
0x1fa: {  	_ =	swait.ge [sflag:s4], $0x1000  }
0x1fb: {  	[sflag:s4] =	ssyncset.done $0x0  }
0x1fc: {  	s30 =	sadd.s32 $0x80008, s26;
	[sflag:s4] =	ssyncadd.s32 $0xFFFFF000  }
0x1fd: {  	[hbm4b:s30+s23] =	stream.strided.scatter [tilespmem:s16], [sflag:$0x2], $0x1000, s5, s23, $0x38;
	[tilespmem:$0x14800] =	vst v63  }
0x1fe: {  	_ =	swait.ge [sflag:s4], $0x1000  }
0x1ff: {  	[sflag:s4] =	ssyncset.done $0x0  }
0x200: {  	s31 =	sadd.s32 $0x8000C, s26;
	[sflag:s4] =	ssyncadd.s32 $0xFFFFF000  }
0x201: {  	[hbm4b:s31+s23] =	stream.strided.scatter [tilespmem:s17], [sflag:$0x2], $0x1000, s5, s23, $0x38;
	[tilespmem:$0x14800] =	vst v63  }
0x202: {  	_ =	swait.ge [sflag:s4], $0x1000  }
0x203: {  	[sflag:s4] =	ssyncset.done $0x0  }
0x204: {  	s29 =	sadd.s32 $0xC0000, s26;
	[sflag:s4] =	ssyncadd.s32 $0xFFFFF000  }
0x205: {  	[hbm4b:s29+s23] =	stream.strided.scatter [tilespmem:s18], [sflag:$0x2], $0x1000, s5, s23, $0x38;
	[tilespmem:$0x14800] =	vst v63  }
0x206: {  	_ =	swait.ge [sflag:s4], $0x1000  }
0x207: {  	[sflag:s4] =	ssyncset.done $0x0  }
0x208: {  	s30 =	sadd.s32 $0xC0004, s26;
	[sflag:s4] =	ssyncadd.s32 $0xFFFFF000  }
0x209: {  	[hbm4b:s30+s23] =	stream.strided.scatter [tilespmem:s19], [sflag:$0x2], $0x1000, s5, s23, $0x38;
	[tilespmem:$0x14800] =	vst v63  }
0x20a: {  	_ =	swait.ge [sflag:s4], $0x1000  }
0x20b: {  	[sflag:s4] =	ssyncset.done $0x0  }
0x20c: {  	s31 =	sadd.s32 $0xC0008, s26;
	[sflag:s4] =	ssyncadd.s32 $0xFFFFF000  }
0x20d: {  	[hbm4b:s31+s23] =	stream.strided.scatter [tilespmem:s20], [sflag:$0x2], $0x1000, s5, s23, $0x38;
	[tilespmem:$0x14800] =	vst v63  }
0x20e: {  	_ =	swait.ge [sflag:s4], $0x1000  }
0x20f: {  	p0 =	sne.s32 s25, $0x1800;
	[sflag:s4] =	ssyncset.done $0x0  }
.Ltmp0:
0x210: {  	s26 =	sadd.s32 $0xC000C, s26;
	[sflag:s4] =	ssyncadd.s32 $0xFFFFF000;
	(pc) =	sbr.rel @p0 .LBB2_2-.Ltmp0, $4  }
0x211: {  	[hbm4b:s26+s23] =	stream.strided.scatter [tilespmem:s21], [sflag:$0x2], $0x1000, s5, s23, $0x38;
	[tilespmem:$0x14800] =	vst v63  }
0x212: {  	_ =	swait.ge [sflag:s4], $0x1000  }
0x213: {  	[sflag:s4] =	ssyncset.done $0x0  }
0x214: {  	s25 =	sadd.s32 $0x800, s25;
	[sflag:s4] =	ssyncadd.s32 $0xFFFFF000  }
0x215: {  	s24 =	sadd.s32 $0x1, s24  }
0x216: {  	p0 =	sne.s32 s24, s3  }
.Ltmp1:
0x217: {  	_ = 	snop;
	(pc) =	sbr.rel @p0 .LBB2_1-.Ltmp1, $1  }
0x218: {  	_ =	sdelay $0x3  }
0x219: {  	_ =	sfence.sel $0x180000  }
0x21a: {  	[bflag:$0x0] =	sbarrier.arrive $0xFFFF  }
0x21b: {  	p0 =	sne.s32 s2, $0x0;
	_ =	strace $0x9000004A  }
0x21c: {  	s0 =	sadd.s32 @!p0 $0x100000, s0;
	[bflag:$0x2] =	sbarrier.arrive $0xFFFF  }
0x21d: {  	[sflag:s0] =	ssyncadd.tile.s32 @!p0 $0x1;
	_ =	shalt  }
.Lfunc_end2:
_tile_overlayer_lowered:
.L_overlay_start_2:
0x21e: {  	(tag) =	ssettag $0x2  }
0x21f: {  	s0 =	rddreg [dreg:$0x0];
	s2 =	stileid.u32  }
0x220: {  	s1 =	rddreg [dreg:$0x1];
	p0 =	sne.s32 s2, $0x0  }
0x221: {  	s3 =	rddreg [dreg:$0x2];
	[bflag:$0x3] =	sbarrier.arrive $0xFFFF;
	s2 =	simm.s32 @!p0 $0x1C02  }
0x222: {  	[timem:s3], [sflag:s2] =	dma.local @!p0 [hbm:s0], s1  }
0x223: {  	s0 =	simm.s32 @!p0 $0x2  }
0x224: {  	_ =	swait.ge @!p0 [sflag:s0], s1  }
0x225: {  	s1 =	ssub.s32 @!p0 $0x0, s1;
	[sflag:s0] =	ssyncset.done @!p0 $0x0  }
0x226: {  	[sflag:s0] =	ssyncadd.s32 @!p0 s1  }
0x227: {  	[bflag:$0x3] =	sbarrier.arrive $0xFFFF  }
0x228: {  	_ =	shalt  }

// kernel: sparse-core-data-format-call.cloned.1.call-start
scs
called_computation_lowered:
.L_overlay_start_0:
0x0: {  	s2 =	sld [smem:$0x3FD9]  }
0x1: {  	s3 =	sld [smem:$0x3FFE];
	_ =	sdelay $0x1  }
0x2: {  	s1 =	srdreg.scid  }
0x3: {  	s0 =	sand.u32 $0x1, s1  }
0x4: {  	s19 =	sshll.u32 s0, $0xA;
	s2 =	sadd.s32 s3, s2  }
0x5: {  	s2 =	sadd.s32 s2, s19  }
0x6: {  	[smem:$0x3FC2] =	sst s2  }
0x7: {  	_ = 	snop  }
0x8: {  	s2 =	sld [smem:$0x3FC8]  }
0x9: {  	s20 =	sld [smem:$0x3FD0];
	(tm) =	ssettm $0x1  }
0xa: {  	s4 =	sld [smem:$0x3FFB];
	_ =	sdelay $0x3  }
0xb: {  	_ =	strace s4  }
0xc: {  	s4 =	sld [smem:$0x3FFC];
	_ =	sdelay $0x3  }
0xd: {  	_ =	strace s4  }
0xe: {  	s4 =	sld [smem:$0x3FFD];
	_ =	sdelay $0x3  }
0xf: {  	_ =	strace s4  }
0x10: {  	_ =	strace $0x8FFFFFFF  }
0x11: {  	s21 =	sld [smem:$0x3FDB];
	_ =	sdelay $0x1  }
0x12: {  	s5 =	simm.s32 $_scs_section_size  }
0x13: {  	s6 =	simm.s32 $_size__tile_overlayer_lowered;
	s7 =	simm.s32 $_tile_overlayer_lowered  }
0x14: {  	s24 =	simm.s32 $0x1BFF;
	s23 =	sshll.u32 s7, $0x1;
	s4 =	sadd.s32 s5, s21  }
0x15: {  	s8 =	simm.s32 $0x0;
	s22 =	sshll.u32 s6, $0x1;
	s6 =	sadd.s32 s23, s4  }
0x16: {  	[timem:s8], [sflag:s24] =	dma.local [hbm:s6], s22  }
0x17: {  	_ =	swait.ge [sflag:s24], s22  }
0x18: {  	s5 =	ssub.s32 $0x0, s22;
	[sflag:s24] =	ssyncset.done $0x0  }
0x19: {  	[sflag:s24] =	ssyncadd.s32 s5;
	_ =	sdelay $0x1  }
0x1a: {  	s25 =	simm.s32 $0x1B8B  }
0x1b: {  	_ =	swait.ge [sflag:s25], $0x1  }
0x1c: {  	[sflag:s25] =	ssyncset.done $0x0  }
0x1d: {  	s26 =	simm.s32 $0x1B8E;
	[sflag:s25] =	ssyncadd.s32 $0xFFFFFFFF  }
0x1e: {  	s27 =	simm.s32 $execute0_lowered;
	[smem:$0x3FD2] =	sst s26  }
0x1f: {  	s5 =	sshll.u32 s27, $0x1;
	_ =	strace $0x80000046;
	[dreg:$0x1] =	wrdreg $0xFFFFFFFF  }
0x20: {  	s28 =	simm.s32 $_size_execute0_lowered;
	s4 =	sadd.s32 s4, s5;
	[dreg:$0x0] =	wrdreg $0x0  }
0x21: {  	s5 =	sshll.u32 s28, $0x1;
	[dreg:$0x2] =	wrdreg s4  }
0x22: {  	[dreg:$0x3] =	wrdreg s5  }
0x23: {  	[dreg:$0x4] =	wrdreg $0xC0  }
0x24: {  	_ =	task [dreg:s8], $0x5FFFF  }
0x25: {  	[dreg:$0x1] =	wrdreg $0xFFFFFFFF  }
0x26: {  	[dreg:$0x0] =	wrdreg $0x60  }
0x27: {  	[dreg:$0x2] =	wrdreg s2  }
0x28: {  	[dreg:$0x3] =	wrdreg s20  }
0x29: {  	[dreg:$0x4] =	wrdreg $0x9  }
0x2a: {  	_ =	task.clear_ibuf [dreg:s8], $0x5FFFF;
	_ =	strace $0x90000046  }
0x2b: {  	s29 =	simm.s32 $0x9;
	_ =	strace $0x80000048  }
0x2c: {  	_ =	swait.ge [sflag:s29], $0x1  }
0x2d: {  	[sflag:s29] =	ssyncadd.s32 $0xFFFFFFFF  }
0x2e: {  	_ =	strace $0x90000048  }
0x2f: {  	_ =	sfence  }
0x30: {  	s30 =	sld [smem:$0x0];
	_ =	sdelay $0x2  }
0x31: {  	s31 =	sshll.u32 s1, $0xD;
	s1 =	sshrl.u32 s1, $0x2  }
0x32: {  	s3 =	sand.u32 $0x4000, s31;
	s1 =	sadd.s32 s1, s30  }
0x33: {  	s0 =	sor.u32 s3, s0;
	s1 =	sshll.u32 s1, $0x11  }
0x34: {  	s0 =	sor.u32 s1, s0  }
0x35: {  	s0 =	sadd.s32 $0x8F2B, s0  }
0x36: {  	[sflag:s0] =	ssyncadd.remote.s32 $0x1  }
0x37: {  	_ =	sfence.sel $0xFFFF  }
0x38: {  	[dreg:$0x0] =	wrdreg $0xFFFFFFFF;
	(pc) =	sbr.abs _section_cstart, $3  }
0x39: {  	[dreg:$0x1] =	wrdreg $0xFFFFFFFF  }
0x3a: {  	_ =	task.clear_ibuf [dreg:s8], $0x2FFFF;
	_ =	strace $0x9FFFFFFF  }
0x3b: {  	(tm) =	ssettm $0x7FFFFFFF  }
tec
execute0_lowered:
.L_overlay_start_1:
0x0: {  	(tag) =	ssettag $0x1  }
0x1: {  	s2 =	rddreg [dreg:$0x0];
	s0 =	stileid.u32  }
0x2: {  	s1 =	srdreg.scid;
	s3 =	rddreg [dreg:$0x1]  }
0x3: {  	s31 =	simm.s32 $0x2;
	s14 =	simm.s32 $0x0;
	s13 =	simm.s32 $0x0  }
0x4: {  	s4 =	sshll.u32 s0, $0x7;
	s5 =	sshll.u32 s0, $0x5;
	s1 =	sshll.u32 s1, $0x9  }
0x5: {  	s4 =	sand.u32 $0x180, s4;
	s5 =	sor.u32 s5, s1;
	s1 =	rddreg [dreg:$0x2]  }
0x6: {  	_ =	strace $0x80000047;
	s5 =	sand.u32 $0x380, s5;
	s6 =	ssub.s32 $0x200, s4  }
0x7: {  	s7 =	sand.u32 $0x180, s6;
	s8 =	ssub.s32 $0x4000, s5;
	s10 =	sshrl.u32 s6, $0x9  }
0x8: {  	p0 =	sne.s32 s7, $0x0;
	s7 =	simm.s32 $0x1;
	s9 =	sand.u32 $0x380, s8  }
0x9: {  	s7 =	simm.s32 @!p0 $0x0;
	p0 =	sne.s32 s9, $0x0;
	s9 =	simm.s32 $0x1  }
.Ltmp0:
0xa: {  	s8 =	sshrl.u32 s8, $0xA;
	s9 =	simm.s32 @!p0 $0x0;
	(pc) =	sbr.rel .LBB1_1-.Ltmp0, $4  }
0xb: {  	s6 =	simm.s32 $0x1;
	s7 =	sadd.s32 s7, s10;
	s8 =	sadd.s32 s9, s8  }
0xc: {  	s12 =	simm.s32 $0x0;
	[sflag:s6] =	ssyncpa.u1 $0x0;
	s7 =	smul.u32 s7, s8  }
0xd: {  	s11 =	smov.u32 s4;
	[sflag:s31] =	ssyncpa.u1 $0x0;
	p0 =	por $0x0, $0x0  }
0xe: {  	s10 =	smov.u32 s5;
	s9 =	simm.s32 $0x1000;
	s8 =	sadd.s32 $0x1, s7  }
.LBB1_4:
0xf: {  	v5 =	vld [tilespmem:s18+$0xFFFFFFD0];
	[tilespmem:s17+$0x2040 ss:$0x81] =	vst.msk $0xffff, v1  }
0x10: {  	v58 =	vld [tilespmem:s18+$0xFFFFFFE0];
	[tilespmem:s17+$0x2850 ss:$0x81] =	vst.msk $0xffff, v2  }
0x11: {  	s19 =	sshra.s32 s19, $0x2;
	v59 =	vld [tilespmem:s18+$0xFFFFFFF0];
	[tilespmem:s17+$0x3060 ss:$0x81] =	vst.msk $0xffff, v3  }
0x12: {  	v60 =	vld [tilespmem:s18+$0x0];
	[tilespmem:s17+$0x0 ss:$0x81] =	vst.msk $0xffff, v0;
	s16 =	sadd.s32 s19, s16  }
0x13: {  	v61 =	vld [tilespmem:s18+$0x10];
	[tilespmem:s16+$0x3870 ss:$0x81] =	vst.msk $0xffff, v4  }
0x14: {  	v62 =	vld [tilespmem:s18+$0x20];
	s26 =	sshll.u32 s14, $0x9;
	s27 =	sshll.u32 s13, $0x3;
	[tilespmem:s16+$0x810 ss:$0x81] =	vst.msk $0xffff, v5  }
0x15: {  	v63 =	vld [tilespmem:s18+$0xFFFFFFC0];
	s29 =	sshll.u32 s14, $0x7;
	s17 =	sand.u32 $0x7FF000, s26;
	s28 =	sand.u32 $0x7FFC00, s27;
	[tilespmem:s16+$0x1020 ss:$0x81] =	vst.msk $0xffff, v58  }
0x16: {  	s30 =	sand.u32 $0x78, s13;
	s14 =	sand.u32 $0x380, s29;
	s17 =	sadd.s32 s28, s17;
	[tilespmem:s16+$0x1830 ss:$0x81] =	vst.msk $0xffff, v59  }
0x17: {  	s14 =	sor.u32 s30, s14;
	s17 =	sand.u32 $0x7FFC00, s17;
	[tilespmem:s16+$0x2040 ss:$0x81] =	vst.msk $0xffff, v60  }
0x18: {  	s31 =	sand.u32 $0x7, s13;
	s14 =	sor.u32 s17, s14;
	[tilespmem:s16+$0x2850 ss:$0x81] =	vst.msk $0xffff, v61  }
0x19: {  	s13 =	sshll.u32 s31, $0x12;
	[tilespmem:s16+$0x3060 ss:$0x81] =	vst.msk $0xffff, v62;
	s14 =	sshrl.u32 s14, $0x3  }
0x1a: {  	s13 =	sor.u32 $0x400, s13;
	[tilespmem:s16+$0x0 ss:$0x81] =	vst.msk $0xffff, v63;
	s14 =	sadd.s32 s3, s14  }
0x1b: {  	[hbm4b:s14+s13] =	stream.strided.scatter [tilespmem:s15], [sflag:$0x2], $0x4000, s9, s13, $0x20;
	[tilespmem:$0x10100] =	vst v63  }
.LBB1_5:
0x1c: {  	s15 =	sadd.s32 $0x400, s10  }
0x1d: {  	s13 =	sadd.s32 $0x200, s11;
	s17 =	smov.u32 s11;
	p2 =	sgt.s32 s15, $0x3FFF  }
0x1e: {  	s17 =	smov.u32 @p2 s13  }
0x1f: {  	s15 =	smov.u32 @p2 s5;
	p2 =	sgt.s32 s17, $0x1FF  }
0x20: {  	s17 =	smov.u32 @p2 s4;
	p2 =	sne.s32 s12, s8  }
.Ltmp1:
0x21: {  	p1 =	slt.u32 s12, $0x2;
	(pc) =	sbr.rel @!p2 .LBB1_6-.Ltmp1, $4  }
0x22: {  	s16 =	simm.s32 @!p1 $0x2  }
0x23: {  	s14 =	smov.u32 s10;
	p0 =	por !p0, !p0;
	_ =	swait.ge @!p1 [sflag:s16], $0x4000  }
0x24: {  	s13 =	smov.u32 s11;
	[sflag:s16] =	ssyncset.done @!p1 $0x0;
	s10 =	smov.u32 s15  }
0x25: {  	s12 =	sadd.s32 $0x1, s12;
	[sflag:s16] =	ssyncadd.s32 @!p1 $0xFFFFC000;
	s11 =	smov.u32 s17  }
.LBB1_1:
0x26: {  	p1 =	sge.u32 s12, s7;
	s31 =	sadd.s32 $0xFFFFFFFF, s12  }
0x27: {  	s15 =	sand.u32 @!p1 $0x78, s10;
	s16 =	sshll.u32 @!p1 s11, $0xE;
	s17 =	sshll.u32 @!p1 s11, $0x7  }
0x28: {  	s18 =	sshll.u32 @!p1 s10, $0x3;
	s16 =	sand.u32 @!p1 $0x7E0000, s16;
	s17 =	sand.u32 @!p1 $0x380, s17  }
0x29: {  	s16 =	sadd.s32 @!p1 s16, s18;
	s18 =	sand.u32 @!p1 $0x3C00, s18;
	s15 =	sor.u32 @!p1 s17, s15  }
0x2a: {  	s17 =	sxor.u32 @!p1 $0xFFFFFFFF, s12;
	s16 =	sand.u32 @!p1 $0x7FC000, s16;
	s15 =	sor.u32 @!p1 s18, s15  }
0x2b: {  	s17 =	sshll.u32 @!p1 s17, $0xE;
	s15 =	sor.u32 @!p1 s16, s15;
	s16 =	sand.u32 @!p1 $0x7, s10  }
0x2c: {  	s18 =	simm.s32 @!p1 $0x20000;
	s15 =	sshrl.u32 @!p1 s15, $0x3;
	s16 =	sshll.u32 @!p1 s16, $0x12  }
0x2d: {  	s17 =	sand.u32 @!p1 $0x4000, s17;
	s15 =	sadd.s32 @!p1 s2, s15;
	s16 =	sor.u32 @!p1 $0x400, s16  }
0x2e: {  	[tilespmem:s17], [sflag:$0x1] =	stream.strided.gather @!p1 [hbm4b:s15+s16], $0x4000, s18, s16, $0x38;
	[tilespmem:$0x10100] =	vst v63  }
0x2f: {  	p1 =	sge.u32 s31, s7  }
.Ltmp2:
0x30: {  	_ = 	snop;
	(pc) =	sbr.rel @p1 .LBB1_5-.Ltmp2, $1  }
0x31: {  	_ =	sdelay $0x3  }
0x32: {  	s15 =	simm.s32 $0x1  }
0x33: {  	_ =	swait.ge [sflag:s6], $0x4000;
	s15 =	simm.s32 @!p0 $0x0  }
0x34: {  	[sflag:s6] =	ssyncset.done $0x0;
	s16 =	sshll.u32 s15, $0xE  }
0x35: {  	[sflag:s6] =	ssyncadd.s32 $0xFFFFC000;
	s18 =	sor.u32 $0x40, s16  }
0x36: {  	s15 =	smul.u32 $0x10200, s15;
	v0 =	vld [tilespmem:s18+$0x30]  }
0x37: {  	v3 =	vld [tilespmem:s18+$0xFFFFFFD0]  }
0x38: {  	s15 =	sshrl.u32 s15, $0x2;
	v4 =	vld [tilespmem:s18+$0xFFFFFFE0]  }
0x39: {  	v5 =	vld [tilespmem:s18+$0xFFFFFFF0];
	s16 =	sor.u32 $0x8000, s15  }
0x3a: {  	s31 =	sand.u32 $0x1, s12;
	v1 =	vld [tilespmem:s18+$0x0];
	s17 =	sadd.s32 $0x0, s16  }
0x3b: {  	v2 =	vld [tilespmem:s18+$0x10];
	s15 =	smul.u32 $0x10200, s31;
	[tilespmem:s17+$0x3870 ss:$0x81] =	vst.msk $0xffff, v0  }
0x3c: {  	[tilespmem:s17+$0x810 ss:$0x81] =	vst.msk $0xffff, v3;
	v3 =	vld [tilespmem:s18+$0x20]  }
0x3d: {  	s15 =	sshrl.u32 s15, $0x2;
	v0 =	vld [tilespmem:s18+$0xFFFFFFC0];
	[tilespmem:s17+$0x1020 ss:$0x81] =	vst.msk $0xffff, v4;
	s18 =	sadd.s32 $0x80, s18  }
0x3e: {  	s19 =	simm.s32 $0x4;
	s20 =	simm.s32 $0x8;
	s15 =	sor.u32 $0x8000, s15;
	[tilespmem:s17+$0x1830 ss:$0x81] =	vst.msk $0xffff, v5;
	v4 =	vld [tilespmem:s18+$0x30]  }
.LBB1_3:
0x3f: {  	p1 =	sne.s32 s20, $0x1FC;
	v5 =	vld [tilespmem:s18+$0xFFFFFFD0];
	[tilespmem:s17+$0x2040 ss:$0x81] =	vst.msk $0xffff, v1  }
0x40: {  	v6 =	vld [tilespmem:s18+$0xFFFFFFE0];
	[tilespmem:s17+$0x2850 ss:$0x81] =	vst.msk $0xffff, v2  }
0x41: {  	s21 =	sshra.s32 s19, $0x2;
	s19 =	smov.u32 s20;
	v7 =	vld [tilespmem:s18+$0xFFFFFFF0];
	[tilespmem:s17+$0x3060 ss:$0x81] =	vst.msk $0xffff, v3  }
.Ltmp3:
0x42: {  	v1 =	vld [tilespmem:s18+$0x0];
	[tilespmem:s17+$0x0 ss:$0x81] =	vst.msk $0xffff, v0;
	s17 =	sadd.s32 s21, s16;
	(pc) =	sbr.rel @p1 .LBB1_3-.Ltmp3, $4  }
0x43: {  	v2 =	vld [tilespmem:s18+$0x10];
	[tilespmem:s17+$0x3870 ss:$0x81] =	vst.msk $0xffff, v4  }
0x44: {  	[tilespmem:s17+$0x810 ss:$0x81] =	vst.msk $0xffff, v5;
	v3 =	vld [tilespmem:s18+$0x20]  }
0x45: {  	v0 =	vld [tilespmem:s18+$0xFFFFFFC0];
	[tilespmem:s17+$0x1020 ss:$0x81] =	vst.msk $0xffff, v6;
	s18 =	sadd.s32 $0x80, s18  }
0x46: {  	s20 =	sadd.s32 $0x4, s20;
	v4 =	vld [tilespmem:s18+$0x30];
	[tilespmem:s17+$0x1830 ss:$0x81] =	vst.msk $0xffff, v7  }
.Ltmp4:
0x47: {  	_ = 	snop;
	(pc) =	sbr.rel .LBB1_4-.Ltmp4, $1  }
0x48: {  	_ =	sdelay $0x3  }
.LBB1_6:
0x49: {  	_ =	sfence.sel $0x180000  }
0x4a: {  	s2 =	simm.s32 $0x1;
	[bflag:$0x0] =	sbarrier.arrive $0xFFFF  }
0x4b: {  	s31 =	simm.s32 $0x2;
	[sflag:s2] =	ssyncpa.u1 $0x1  }
0x4c: {  	[sflag:s31] =	ssyncpa.u1 $0x1  }
0x4d: {  	p0 =	sne.s32 s0, $0x0;
	_ =	strace $0x90000047  }
0x4e: {  	s0 =	sadd.s32 @!p0 $0x100000, s1;
	[bflag:$0x2] =	sbarrier.arrive $0xFFFF  }
0x4f: {  	[sflag:s0] =	ssyncadd.tile.s32 @!p0 $0x1;
	_ =	shalt  }
.Lfunc_end1:
_tile_overlayer_lowered:
.L_overlay_start_2:
0x50: {  	(tag) =	ssettag $0x2  }
0x51: {  	s0 =	rddreg [dreg:$0x0];
	s2 =	stileid.u32  }
0x52: {  	s1 =	rddreg [dreg:$0x1];
	p0 =	sne.s32 s2, $0x0  }
0x53: {  	s3 =	rddreg [dreg:$0x2];
	[bflag:$0x3] =	sbarrier.arrive $0xFFFF;
	s2 =	simm.s32 @!p0 $0x1C01  }
0x54: {  	[timem:s3], [sflag:s2] =	dma.local @!p0 [hbm:s0], s1  }
0x55: {  	s0 =	simm.s32 @!p0 $0x1  }
0x56: {  	_ =	swait.ge @!p0 [sflag:s0], s1  }
0x57: {  	s1 =	ssub.s32 @!p0 $0x0, s1;
	[sflag:s0] =	ssyncset.done @!p0 $0x0  }
0x58: {  	[sflag:s0] =	ssyncadd.s32 @!p0 s1  }
0x59: {  	[bflag:$0x3] =	sbarrier.arrive $0xFFFF  }
0x5a: {  	_ =	shalt  }

</sc_bundles>
